<compile_context>
chip_gen: v7x
topology: tpu7x:2x2x1
jax: 0.10.2.dev20260603
libtpu: 0.0.44.dev20260713+nightly
codegen_flags: <defaults>
</compile_context>

<pallas_src>
import functools

import jax
import jax.numpy as jnp
from jax import lax
from jax.experimental import pallas as pl
from jax.experimental.pallas import tpu as pltpu
from jax.experimental.pallas import tpu_sc as plsc

NC = 2
NS = 16
NW = NC * NS
WIN = 128


def _mesh():
  return plsc.VectorSubcoreMesh(
      core_axis_name="c", subcore_axis_name="s", num_cores=NC, num_subcores=NS
  )


K = 4


def _make_edge_pass(n_pad, nwin):
  rpt = n_pad // NS
  assert nwin % (2 * K) == 0

  @functools.partial(
      pl.kernel,
      out_type=jax.ShapeDtypeStruct((NC, n_pad, 16), jnp.float32),
      mesh=_mesh(),
      scratch_types=[
          pltpu.VMEM((nwin, WIN), jnp.int32),
          pltpu.VMEM((nwin, WIN), jnp.int32),
          pltpu.VMEM((2 * K, WIN, 16), jnp.float32),
          pltpu.VMEM_SHARED((n_pad, 16), jnp.float32),
          pltpu.SemaphoreType.DMA((2 * K,)),
          pltpu.SemaphoreType.DMA((2 * K,)),
      ],
      compiler_params=pltpu.CompilerParams(use_tc_tiling_on_sc=False),
  )
  def edge_pass(g_hbm, init_hbm, src_hbm, dst_hbm, out_hbm,
                srcv, dstv, rows, acc, gsem, ssem):
    c = lax.axis_index("c")
    s = lax.axis_index("s")
    wid = s * NC + c
    pltpu.sync_copy(init_hbm.at[pl.ds(s * rpt, rpt)], acc.at[pl.ds(s * rpt, rpt)])
    pltpu.sync_copy(src_hbm.at[wid], srcv)
    pltpu.sync_copy(dst_hbm.at[wid], dstv)
    plsc.subcore_barrier()

    def gather(w, b):
      pltpu.async_copy(g_hbm.at[srcv.at[w]], rows.at[b], gsem.at[b])

    def wait_gather(b):
      pltpu.make_async_copy(g_hbm.at[pl.ds(0, WIN)], rows.at[b], gsem.at[b]).wait()

    def scatter(w, b):
      pltpu.async_copy(rows.at[b], acc.at[dstv.at[w]], ssem.at[b], add=True)

    def wait_scatter(b):
      pltpu.make_async_copy(g_hbm.at[pl.ds(0, WIN)], rows.at[b], ssem.at[b]).wait()

    for j in range(2 * K):
      gather(j, j)

    def body(ch2, carry):
      even = ch2 * 2 * K
      odd = even + K
      nxt_even = odd + K
      nxt_odd = nxt_even + K
      for j in range(K):
        wait_gather(j)
        scatter(even + j, j)
      for j in range(K):
        wait_scatter(j)

        @pl.when(nxt_even + j < nwin)
        def _():
          gather(nxt_even + j, j)

      for j in range(K):
        wait_gather(K + j)
        scatter(odd + j, K + j)
      for j in range(K):
        wait_scatter(K + j)

        @pl.when(nxt_odd + j < nwin)
        def _():
          gather(nxt_odd + j, K + j)

      return carry

    lax.fori_loop(0, nwin // (2 * K), body, 0)
    plsc.subcore_barrier()
    pltpu.sync_copy(acc.at[pl.ds(s * rpt, rpt)],
                    out_hbm.at[c].at[pl.ds(s * rpt, rpt)])

  return edge_pass


def _make_deg_pass(n_pad, nwin):
  rpt = n_pad // NS

  @functools.partial(
      pl.kernel,
      out_type=jax.ShapeDtypeStruct((NC, n_pad, 16), jnp.float32),
      mesh=_mesh(),
      scratch_types=[
          pltpu.VMEM((nwin, WIN), jnp.int32),
          pltpu.VMEM((WIN, 16), jnp.float32),
          pltpu.VMEM_SHARED((n_pad, 16), jnp.float32),
          pltpu.SemaphoreType.DMA((2 * K,)),
      ],
      compiler_params=pltpu.CompilerParams(use_tc_tiling_on_sc=False),
  )
  def deg_pass(zeros_hbm, ones_hbm, dst_hbm, out_hbm, dstv, ones_v, acc, ssem):
    c = lax.axis_index("c")
    s = lax.axis_index("s")
    wid = s * NC + c
    pltpu.sync_copy(zeros_hbm.at[pl.ds(s * rpt, rpt)], acc.at[pl.ds(s * rpt, rpt)])
    pltpu.sync_copy(ones_hbm, ones_v)
    pltpu.sync_copy(dst_hbm.at[wid], dstv)
    plsc.subcore_barrier()

    def body(ch, carry):
      base = ch * 2 * K
      for j in range(2 * K):
        pltpu.async_copy(ones_v, acc.at[dstv.at[base + j]], ssem.at[j],
                         add=True)
      for j in range(2 * K):
        pltpu.make_async_copy(ones_hbm, ones_v, ssem.at[j]).wait()
      return carry

    lax.fori_loop(0, nwin // (2 * K), body, 0)
    plsc.subcore_barrier()
    pltpu.sync_copy(acc.at[pl.ds(s * rpt, rpt)],
                    out_hbm.at[c].at[pl.ds(s * rpt, rpt)])

  return deg_pass


def _tc_first(n, n_pad):

  def body(p_ref, x_ref, w1_ref, dinv_ref, g_ref):
    deg = p_ref[0] + p_ref[1] + 1.0
    dinv = lax.rsqrt(deg)
    dinv_ref[...] = dinv
    h = jnp.dot(x_ref[...], w1_ref[...], preferred_element_type=jnp.float32)
    g_ref[0:n, :] = h * dinv[0:n, :]
    g_ref[n:n_pad, :] = jnp.zeros((n_pad - n, 16), jnp.float32)

  return pl.pallas_call(
      body,
      out_shape=(
          jax.ShapeDtypeStruct((n_pad, 16), jnp.float32),
          jax.ShapeDtypeStruct((n_pad, 16), jnp.float32),
      ),
  )


def _tc_mid(n, n_pad):

  def body(p_ref, g_ref, dinv_ref, b_ref, w_ref, out_ref):
    t = p_ref[0] + p_ref[1] - g_ref[...]
    h = jnp.tanh(dinv_ref[...] * t + b_ref[...])
    g2 = jnp.dot(h, w_ref[...], preferred_element_type=jnp.float32)
    out_ref[0:n, :] = g2[0:n, :] * dinv_ref[0:n, :]
    out_ref[n:n_pad, :] = jnp.zeros((n_pad - n, 16), jnp.float32)

  return pl.pallas_call(
      body, out_shape=jax.ShapeDtypeStruct((n_pad, 16), jnp.float32)
  )


def _tc_final(n, n_pad, d_out):

  def body(p_ref, g_ref, dinv_ref, b3_ref, fcw_ref, fcb_ref, fc2w_ref,
           fc2b_ref, fc3w_ref, fc3b_ref, out_ref):
    t = p_ref[0] + p_ref[1] - g_ref[...]
    h = jnp.tanh(dinv_ref[...] * t + b3_ref[...])[0:n, :]
    c1 = jnp.maximum(
        jnp.dot(h, fcw_ref[...], preferred_element_type=jnp.float32)
        + fcb_ref[...], 0.0)
    c2 = jnp.maximum(
        jnp.dot(c1, fc2w_ref[...], preferred_element_type=jnp.float32)
        + fc2b_ref[...], 0.0)
    out_ref[...] = (
        jnp.dot(c2, fc3w_ref[...], preferred_element_type=jnp.float32)
        + fc3b_ref[...])

  return pl.pallas_call(
      body, out_shape=jax.ShapeDtypeStruct((n, d_out), jnp.float32)
  )


@jax.jit
def kernel(x, edge_index, W1, b1, W2, b2, W3, b3, fcW, fcb, fc2W, fc2b,
           fc3W, fc3b):
  n = x.shape[1]
  d_out = fc3W.shape[1]
  e = edge_index.shape[1]
  n_pad = -(-(n + 16) // 128) * 128
  epw = -(-e // (NW * WIN * 2 * K)) * WIN * 2 * K
  e_pad = NW * epw
  nwin = epw // WIN

  x2 = x[0]
  pad = e_pad - e
  i = jnp.arange(pad, dtype=jnp.int32)
  src_p = jnp.concatenate([edge_index[0], n + (i % 8)])
  dst_p = jnp.concatenate([edge_index[1], n + 8 + (i % 8)])
  src3 = src_p.reshape(NW, nwin, WIN)
  dst3 = dst_p.reshape(NW, nwin, WIN)

  zeros_np = jnp.zeros((n_pad, 16), jnp.float32)
  ones_w = jnp.ones((WIN, 16), jnp.float32)

  deg_p = _make_deg_pass(n_pad, nwin)(zeros_np, ones_w, dst3)
  dinv, g1 = _tc_first(n, n_pad)(deg_p, x2, W1)

  edge_pass = _make_edge_pass(n_pad, nwin)
  p1 = edge_pass(g1, g1, src3, dst3)
  g2 = _tc_mid(n, n_pad)(p1, g1, dinv, b1.reshape(1, -1), W2)
  p2 = edge_pass(g2, g2, src3, dst3)
  g3 = _tc_mid(n, n_pad)(p2, g2, dinv, b2.reshape(1, -1), W3)
  p3 = edge_pass(g3, g3, src3, dst3)
  out = _tc_final(n, n_pad, d_out)(
      p3, g3, dinv, b3.reshape(1, -1), fcW, fcb.reshape(1, -1),
      fc2W, fc2b.reshape(1, -1), fc3W, fc3b.reshape(1, -1))
  return out[None, :, :]

# --- scband reference (transcript-rebuilt; emitter-appended) ---
"""Pipeline reference for scband-gnn-8572754723292 (READ-ONLY COPY).

The authoritative reference and input builder live on the scoring server;
editing this copy changes nothing except your own understanding.
"""

import jax, jax.numpy as jnp
import numpy as np

N = 10000
E = 320000
D_IN = 128
D_OUT = 128


def gcn_conv(x, edge_index, W, b, num_nodes):
    # PyG GCNConv with normalize=True, add_self_loops=True, node_dim=1
    src = edge_index[0]
    dst = edge_index[1]
    loop = jnp.arange(num_nodes, dtype=src.dtype)
    src = jnp.concatenate([src, loop])
    dst = jnp.concatenate([dst, loop])
    deg = jnp.zeros((num_nodes,), jnp.float32).at[dst].add(1.0)
    dinv = jnp.where(deg > 0, 1.0 / jnp.sqrt(deg), 0.0)
    norm = dinv[src] * dinv[dst]
    h = x @ W  # [B, N, out]
    msg = h[:, src, :] * norm[None, :, None]
    out = jnp.zeros((x.shape[0], num_nodes, W.shape[1]), x.dtype).at[:, dst, :].add(msg)
    return out + b


def setup_inputs(seed: int = 0) -> dict:
    key = jax.random.key(seed)
    ks = jax.random.split(key, 16)
    x = jax.random.normal(ks[0], (1, N, D_IN), dtype=jnp.float32)
    edge_index = jax.random.randint(ks[1], (2, E), 0, N, dtype=jnp.int32)

    def lin(k, fin, fout):
        k1, k2 = jax.random.split(k)
        s = 1.0 / np.sqrt(fin)
        W = jax.random.uniform(k1, (fin, fout), jnp.float32, -s, s)
        b = jax.random.uniform(k2, (fout,), jnp.float32, -s, s)
        return W, b

    W1, b1 = lin(ks[2], D_IN, 16)
    W2, b2 = lin(ks[3], 16, 16)
    W3, b3 = lin(ks[4], 16, 16)
    fcW, fcb = lin(ks[5], 16, 32)
    fc2W, fc2b = lin(ks[6], 32, 64)
    fc3W, fc3b = lin(ks[7], 64, D_OUT)
    return {
        "x": x, "edge_index": edge_index,
        "W1": W1, "b1": b1, "W2": W2, "b2": b2, "W3": W3, "b3": b3,
        "fcW": fcW, "fcb": fcb, "fc2W": fc2W, "fc2b": fc2b,
        "fc3W": fc3W, "fc3b": fc3b,
    }


def reference(x, edge_index, W1, b1, W2, b2, W3, b3, fcW, fcb, fc2W, fc2b, fc3W, fc3b):
    h = jnp.tanh(gcn_conv(x, edge_index, W1, b1, N))
    h = jnp.tanh(gcn_conv(h, edge_index, W2, b2, N))
    h = jnp.tanh(gcn_conv(h, edge_index, W3, b3, N))
    c = jax.nn.relu(h @ fcW + fcb)
    c = jax.nn.relu(c @ fc2W + fc2b)
    c = c @ fc3W + fc3b
    return c

if __name__ == "__main__":
    import jax
    _d = setup_inputs()
    print(jax.jit(kernel)(*tuple(_d.values())))

</pallas_src>

<mosaic_0001>
#map = affine_map<(d0, d1) -> (0, 0)>
#map1 = affine_map<(d0, d1) -> (0, 0, 0)>
module attributes {stable_mosaic.version = 14 : i64} {
  func.func @edge_pass(%arg0: i32, %arg1: i32, %arg2: memref<10112x16xf32, #tpu.memory_space<hbm>>, %arg3: memref<10112x16xf32, #tpu.memory_space<hbm>>, %arg4: memref<32x80x128xi32, #tpu.memory_space<hbm>>, %arg5: memref<32x80x128xi32, #tpu.memory_space<hbm>>, %arg6: memref<2x10112x16xf32, #tpu.memory_space<hbm>>, %arg7: memref<80x128xi32, #tpu.memory_space<vmem>>, %arg8: memref<80x128xi32, #tpu.memory_space<vmem>>, %arg9: memref<8x128x16xf32, #tpu.memory_space<vmem>>, %arg10: memref<10112x16xf32, #tpu.memory_space<vmem_shared>>, %arg11: memref<8x!tpu.dma_semaphore, #tpu.memory_space<semaphore_mem>>, %arg12: memref<8x!tpu.dma_semaphore, #tpu.memory_space<semaphore_mem>>) attributes {dimension_semantics = [#tpu.dimension_semantics<core_parallel>, #tpu.dimension_semantics<subcore_parallel>], iteration_bounds = array<i64: 2, 16>, scalar_prefetch = 0 : i64, scratch_operands = 6 : i64, tpu.core_type = #tpu.core_type<sc_vector_subcore>, window_params = [{transform_indices = #map}, {transform_indices = #map}, {transform_indices = #map1}, {transform_indices = #map1}, {transform_indices = #map1}]} {
    %mul3A = arith.constant 2 : i32
    %mul3A_0 = arith.muli %arg1, %mul3A : i32
    %add3A = arith.addi %mul3A_0, %arg0 : i32
    %mul3A_1 = arith.constant 632 : i32
    %mul3A_2 = arith.muli %arg1, %mul3A_1 : i32
    %mul3A_3 = arith.constant 632 : i32
    %mul3A_4 = arith.muli %arg1, %mul3A_3 : i32
    "tpu.region"() ({
      %run_scoped3A = tpu.sem_alloc : memref<!tpu.dma_semaphore, #tpu.memory_space<semaphore_mem>>
      %dma_start3A_134 = arith.constant 0 : i32
      %dma_start3A_135 = tpu.memref_slice %arg10[%mul3A_4, %dma_start3A_134] : memref<10112x16xf32, #tpu.memory_space<vmem_shared>> -> memref<632x16xf32, #tpu.memory_space<vmem_shared>>
      %dma_start3A_136 = arith.constant 0 : i32
      %dma_start3A_137 = tpu.memref_slice %arg3[%mul3A_2, %dma_start3A_136] : memref<10112x16xf32, #tpu.memory_space<hbm>> -> memref<632x16xf32, #tpu.memory_space<hbm>>
      tpu.enqueue_dma source(%dma_start3A_137 : memref<632x16xf32, #tpu.memory_space<hbm>>) target(%dma_start3A_135 : memref<632x16xf32, #tpu.memory_space<vmem_shared>>) target_semaphore(%run_scoped3A : memref<!tpu.dma_semaphore, #tpu.memory_space<semaphore_mem>>)
      %dma_wait3A = arith.constant 0 : i32
      %dma_wait3A_138 = tpu.memref_slice %arg10[%mul3A_4, %dma_wait3A] : memref<10112x16xf32, #tpu.memory_space<vmem_shared>> -> memref<632x16xf32, #tpu.memory_space<vmem_shared>>
      %dma_wait3A_139 = arith.constant 0 : i32
      %dma_wait3A_140 = tpu.memref_slice %arg3[%mul3A_2, %dma_wait3A_139] : memref<10112x16xf32, #tpu.memory_space<hbm>> -> memref<632x16xf32, #tpu.memory_space<hbm>>
      tpu.wait_dma2 semaphore(%run_scoped3A : memref<!tpu.dma_semaphore, #tpu.memory_space<semaphore_mem>>) src(%dma_wait3A_140 : memref<632x16xf32, #tpu.memory_space<hbm>>) dst(%dma_wait3A_138 : memref<632x16xf32, #tpu.memory_space<vmem_shared>>)
      tpu.yield
    }) : () -> ()
    "tpu.region"() ({
      %run_scoped3A = tpu.sem_alloc : memref<!tpu.dma_semaphore, #tpu.memory_space<semaphore_mem>>
      %dma_start3A_134 = arith.constant 0 : i32
      %dma_start3A_135 = arith.constant 0 : i32
      %dma_start3A_136 = tpu.memref_slice %arg4[%add3A, %dma_start3A_134, %dma_start3A_135] : memref<32x80x128xi32, #tpu.memory_space<hbm>> -> memref<1x80x128xi32, #tpu.memory_space<hbm>>
      %dma_start3A_137 = tpu.memref_squeeze %dma_start3A_136 : memref<1x80x128xi32, #tpu.memory_space<hbm>> -> memref<80x128xi32, #tpu.memory_space<hbm>>
      %dma_start3A_138 = arith.constant 0 : i32
      %dma_start3A_139 = arith.constant 0 : i32
      %dma_start3A_140 = tpu.memref_slice %arg4[%add3A, %dma_start3A_138, %dma_start3A_139] : memref<32x80x128xi32, #tpu.memory_space<hbm>> -> memref<1x80x128xi32, #tpu.memory_space<hbm>>
      %dma_start3A_141 = tpu.memref_squeeze %dma_start3A_140 : memref<1x80x128xi32, #tpu.memory_space<hbm>> -> memref<80x128xi32, #tpu.memory_space<hbm>>
      tpu.enqueue_dma source(%dma_start3A_141 : memref<80x128xi32, #tpu.memory_space<hbm>>) target(%arg7 : memref<80x128xi32, #tpu.memory_space<vmem>>) target_semaphore(%run_scoped3A : memref<!tpu.dma_semaphore, #tpu.memory_space<semaphore_mem>>)
      %dma_wait3A = arith.constant 0 : i32
      %dma_wait3A_142 = arith.constant 0 : i32
      %dma_wait3A_143 = tpu.memref_slice %arg4[%add3A, %dma_wait3A, %dma_wait3A_142] : memref<32x80x128xi32, #tpu.memory_space<hbm>> -> memref<1x80x128xi32, #tpu.memory_space<hbm>>
      %dma_wait3A_144 = tpu.memref_squeeze %dma_wait3A_143 : memref<1x80x128xi32, #tpu.memory_space<hbm>> -> memref<80x128xi32, #tpu.memory_space<hbm>>
      %dma_wait3A_145 = arith.constant 0 : i32
      %dma_wait3A_146 = arith.constant 0 : i32
      %dma_wait3A_147 = tpu.memref_slice %arg4[%add3A, %dma_wait3A_145, %dma_wait3A_146] : memref<32x80x128xi32, #tpu.memory_space<hbm>> -> memref<1x80x128xi32, #tpu.memory_space<hbm>>
      %dma_wait3A_148 = tpu.memref_squeeze %dma_wait3A_147 : memref<1x80x128xi32, #tpu.memory_space<hbm>> -> memref<80x128xi32, #tpu.memory_space<hbm>>
      tpu.wait_dma2 semaphore(%run_scoped3A : memref<!tpu.dma_semaphore, #tpu.memory_space<semaphore_mem>>) src(%dma_wait3A_148 : memref<80x128xi32, #tpu.memory_space<hbm>>) dst(%arg7 : memref<80x128xi32, #tpu.memory_space<vmem>>)
      tpu.yield
    }) : () -> ()
    "tpu.region"() ({
      %run_scoped3A = tpu.sem_alloc : memref<!tpu.dma_semaphore, #tpu.memory_space<semaphore_mem>>
      %dma_start3A_134 = arith.constant 0 : i32
      %dma_start3A_135 = arith.constant 0 : i32
      %dma_start3A_136 = tpu.memref_slice %arg5[%add3A, %dma_start3A_134, %dma_start3A_135] : memref<32x80x128xi32, #tpu.memory_space<hbm>> -> memref<1x80x128xi32, #tpu.memory_space<hbm>>
      %dma_start3A_137 = tpu.memref_squeeze %dma_start3A_136 : memref<1x80x128xi32, #tpu.memory_space<hbm>> -> memref<80x128xi32, #tpu.memory_space<hbm>>
      %dma_start3A_138 = arith.constant 0 : i32
      %dma_start3A_139 = arith.constant 0 : i32
      %dma_start3A_140 = tpu.memref_slice %arg5[%add3A, %dma_start3A_138, %dma_start3A_139] : memref<32x80x128xi32, #tpu.memory_space<hbm>> -> memref<1x80x128xi32, #tpu.memory_space<hbm>>
      %dma_start3A_141 = tpu.memref_squeeze %dma_start3A_140 : memref<1x80x128xi32, #tpu.memory_space<hbm>> -> memref<80x128xi32, #tpu.memory_space<hbm>>
      tpu.enqueue_dma source(%dma_start3A_141 : memref<80x128xi32, #tpu.memory_space<hbm>>) target(%arg8 : memref<80x128xi32, #tpu.memory_space<vmem>>) target_semaphore(%run_scoped3A : memref<!tpu.dma_semaphore, #tpu.memory_space<semaphore_mem>>)
      %dma_wait3A = arith.constant 0 : i32
      %dma_wait3A_142 = arith.constant 0 : i32
      %dma_wait3A_143 = tpu.memref_slice %arg5[%add3A, %dma_wait3A, %dma_wait3A_142] : memref<32x80x128xi32, #tpu.memory_space<hbm>> -> memref<1x80x128xi32, #tpu.memory_space<hbm>>
      %dma_wait3A_144 = tpu.memref_squeeze %dma_wait3A_143 : memref<1x80x128xi32, #tpu.memory_space<hbm>> -> memref<80x128xi32, #tpu.memory_space<hbm>>
      %dma_wait3A_145 = arith.constant 0 : i32
      %dma_wait3A_146 = arith.constant 0 : i32
      %dma_wait3A_147 = tpu.memref_slice %arg5[%add3A, %dma_wait3A_145, %dma_wait3A_146] : memref<32x80x128xi32, #tpu.memory_space<hbm>> -> memref<1x80x128xi32, #tpu.memory_space<hbm>>
      %dma_wait3A_148 = tpu.memref_squeeze %dma_wait3A_147 : memref<1x80x128xi32, #tpu.memory_space<hbm>> -> memref<80x128xi32, #tpu.memory_space<hbm>>
      tpu.wait_dma2 semaphore(%run_scoped3A : memref<!tpu.dma_semaphore, #tpu.memory_space<semaphore_mem>>) src(%dma_wait3A_148 : memref<80x128xi32, #tpu.memory_space<hbm>>) dst(%arg8 : memref<80x128xi32, #tpu.memory_space<vmem>>)
      tpu.yield
    }) : () -> ()
    %barrier3A = arith.constant 0 : index
    tpu.barrier barrier_id(%barrier3A)
    %dma_start3A = arith.constant 0 : i32
    %dma_start3A_5 = arith.constant 0 : i32
    %dma_start3A_6 = arith.constant 0 : i32
    %dma_start3A_7 = arith.constant 0 : i32
    %dma_start3A_8 = arith.constant 0 : i32
    %dma_start3A_9 = tpu.memref_slice %arg9[%dma_start3A_5, %dma_start3A_7, %dma_start3A_8] : memref<8x128x16xf32, #tpu.memory_space<vmem>> -> memref<1x128x16xf32, #tpu.memory_space<vmem>>
    %dma_start3A_10 = tpu.memref_squeeze %dma_start3A_9 : memref<1x128x16xf32, #tpu.memory_space<vmem>> -> memref<128x16xf32, #tpu.memory_space<vmem>>
    %dma_start3A_11 = arith.constant 0 : i32
    %dma_start3A_12 = tpu.memref_slice %arg7[%dma_start3A, %dma_start3A_11] : memref<80x128xi32, #tpu.memory_space<vmem>> -> memref<1x128xi32, #tpu.memory_space<vmem>>
    %dma_start3A_13 = tpu.memref_squeeze %dma_start3A_12 : memref<1x128xi32, #tpu.memory_space<vmem>> -> memref<128xi32, #tpu.memory_space<vmem>>
    %dma_start3A_14 = arith.constant 0 : i32
    %dma_start3A_15 = arith.constant 0 : i32
    %dma_start3A_16 = tpu.memref_slice %arg2[%dma_start3A_14, %dma_start3A_15] : memref<10112x16xf32, #tpu.memory_space<hbm>> -> memref<10112x16xf32, #tpu.memory_space<hbm>>
    %dma_start3A_17 = tpu.memref_slice %arg11[%dma_start3A_6] : memref<8x!tpu.dma_semaphore, #tpu.memory_space<semaphore_mem>> -> memref<1x!tpu.dma_semaphore, #tpu.memory_space<semaphore_mem>>
    %dma_start3A_18 = tpu.memref_squeeze %dma_start3A_17 : memref<1x!tpu.dma_semaphore, #tpu.memory_space<semaphore_mem>> -> memref<!tpu.dma_semaphore, #tpu.memory_space<semaphore_mem>>
    tpu.enqueue_indirect_dma source(%dma_start3A_16 : memref<10112x16xf32, #tpu.memory_space<hbm>>) target(%dma_start3A_10 : memref<128x16xf32, #tpu.memory_space<vmem>>) offsets(%dma_start3A_13 : memref<128xi32, #tpu.memory_space<vmem>>) semaphore(%dma_start3A_18 : memref<!tpu.dma_semaphore, #tpu.memory_space<semaphore_mem>>)
    %dma_start3A_19 = arith.constant 1 : i32
    %dma_start3A_20 = arith.constant 1 : i32
    %dma_start3A_21 = arith.constant 1 : i32
    %dma_start3A_22 = arith.constant 0 : i32
    %dma_start3A_23 = arith.constant 0 : i32
    %dma_start3A_24 = tpu.memref_slice %arg9[%dma_start3A_20, %dma_start3A_22, %dma_start3A_23] : memref<8x128x16xf32, #tpu.memory_space<vmem>> -> memref<1x128x16xf32, #tpu.memory_space<vmem>>
    %dma_start3A_25 = tpu.memref_squeeze %dma_start3A_24 : memref<1x128x16xf32, #tpu.memory_space<vmem>> -> memref<128x16xf32, #tpu.memory_space<vmem>>
    %dma_start3A_26 = arith.constant 0 : i32
    %dma_start3A_27 = tpu.memref_slice %arg7[%dma_start3A_19, %dma_start3A_26] : memref<80x128xi32, #tpu.memory_space<vmem>> -> memref<1x128xi32, #tpu.memory_space<vmem>>
    %dma_start3A_28 = tpu.memref_squeeze %dma_start3A_27 : memref<1x128xi32, #tpu.memory_space<vmem>> -> memref<128xi32, #tpu.memory_space<vmem>>
    %dma_start3A_29 = arith.constant 0 : i32
    %dma_start3A_30 = arith.constant 0 : i32
    %dma_start3A_31 = tpu.memref_slice %arg2[%dma_start3A_29, %dma_start3A_30] : memref<10112x16xf32, #tpu.memory_space<hbm>> -> memref<10112x16xf32, #tpu.memory_space<hbm>>
    %dma_start3A_32 = tpu.memref_slice %arg11[%dma_start3A_21] : memref<8x!tpu.dma_semaphore, #tpu.memory_space<semaphore_mem>> -> memref<1x!tpu.dma_semaphore, #tpu.memory_space<semaphore_mem>>
    %dma_start3A_33 = tpu.memref_squeeze %dma_start3A_32 : memref<1x!tpu.dma_semaphore, #tpu.memory_space<semaphore_mem>> -> memref<!tpu.dma_semaphore, #tpu.memory_space<semaphore_mem>>
    tpu.enqueue_indirect_dma source(%dma_start3A_31 : memref<10112x16xf32, #tpu.memory_space<hbm>>) target(%dma_start3A_25 : memref<128x16xf32, #tpu.memory_space<vmem>>) offsets(%dma_start3A_28 : memref<128xi32, #tpu.memory_space<vmem>>) semaphore(%dma_start3A_33 : memref<!tpu.dma_semaphore, #tpu.memory_space<semaphore_mem>>)
    %dma_start3A_34 = arith.constant 2 : i32
    %dma_start3A_35 = arith.constant 2 : i32
    %dma_start3A_36 = arith.constant 2 : i32
    %dma_start3A_37 = arith.constant 0 : i32
    %dma_start3A_38 = arith.constant 0 : i32
    %dma_start3A_39 = tpu.memref_slice %arg9[%dma_start3A_35, %dma_start3A_37, %dma_start3A_38] : memref<8x128x16xf32, #tpu.memory_space<vmem>> -> memref<1x128x16xf32, #tpu.memory_space<vmem>>
    %dma_start3A_40 = tpu.memref_squeeze %dma_start3A_39 : memref<1x128x16xf32, #tpu.memory_space<vmem>> -> memref<128x16xf32, #tpu.memory_space<vmem>>
    %dma_start3A_41 = arith.constant 0 : i32
    %dma_start3A_42 = tpu.memref_slice %arg7[%dma_start3A_34, %dma_start3A_41] : memref<80x128xi32, #tpu.memory_space<vmem>> -> memref<1x128xi32, #tpu.memory_space<vmem>>
    %dma_start3A_43 = tpu.memref_squeeze %dma_start3A_42 : memref<1x128xi32, #tpu.memory_space<vmem>> -> memref<128xi32, #tpu.memory_space<vmem>>
    %dma_start3A_44 = arith.constant 0 : i32
    %dma_start3A_45 = arith.constant 0 : i32
    %dma_start3A_46 = tpu.memref_slice %arg2[%dma_start3A_44, %dma_start3A_45] : memref<10112x16xf32, #tpu.memory_space<hbm>> -> memref<10112x16xf32, #tpu.memory_space<hbm>>
    %dma_start3A_47 = tpu.memref_slice %arg11[%dma_start3A_36] : memref<8x!tpu.dma_semaphore, #tpu.memory_space<semaphore_mem>> -> memref<1x!tpu.dma_semaphore, #tpu.memory_space<semaphore_mem>>
    %dma_start3A_48 = tpu.memref_squeeze %dma_start3A_47 : memref<1x!tpu.dma_semaphore, #tpu.memory_space<semaphore_mem>> -> memref<!tpu.dma_semaphore, #tpu.memory_space<semaphore_mem>>
    tpu.enqueue_indirect_dma source(%dma_start3A_46 : memref<10112x16xf32, #tpu.memory_space<hbm>>) target(%dma_start3A_40 : memref<128x16xf32, #tpu.memory_space<vmem>>) offsets(%dma_start3A_43 : memref<128xi32, #tpu.memory_space<vmem>>) semaphore(%dma_start3A_48 : memref<!tpu.dma_semaphore, #tpu.memory_space<semaphore_mem>>)
    %dma_start3A_49 = arith.constant 3 : i32
    %dma_start3A_50 = arith.constant 3 : i32
    %dma_start3A_51 = arith.constant 3 : i32
    %dma_start3A_52 = arith.constant 0 : i32
    %dma_start3A_53 = arith.constant 0 : i32
    %dma_start3A_54 = tpu.memref_slice %arg9[%dma_start3A_50, %dma_start3A_52, %dma_start3A_53] : memref<8x128x16xf32, #tpu.memory_space<vmem>> -> memref<1x128x16xf32, #tpu.memory_space<vmem>>
    %dma_start3A_55 = tpu.memref_squeeze %dma_start3A_54 : memref<1x128x16xf32, #tpu.memory_space<vmem>> -> memref<128x16xf32, #tpu.memory_space<vmem>>
    %dma_start3A_56 = arith.constant 0 : i32
    %dma_start3A_57 = tpu.memref_slice %arg7[%dma_start3A_49, %dma_start3A_56] : memref<80x128xi32, #tpu.memory_space<vmem>> -> memref<1x128xi32, #tpu.memory_space<vmem>>
    %dma_start3A_58 = tpu.memref_squeeze %dma_start3A_57 : memref<1x128xi32, #tpu.memory_space<vmem>> -> memref<128xi32, #tpu.memory_space<vmem>>
    %dma_start3A_59 = arith.constant 0 : i32
    %dma_start3A_60 = arith.constant 0 : i32
    %dma_start3A_61 = tpu.memref_slice %arg2[%dma_start3A_59, %dma_start3A_60] : memref<10112x16xf32, #tpu.memory_space<hbm>> -> memref<10112x16xf32, #tpu.memory_space<hbm>>
    %dma_start3A_62 = tpu.memref_slice %arg11[%dma_start3A_51] : memref<8x!tpu.dma_semaphore, #tpu.memory_space<semaphore_mem>> -> memref<1x!tpu.dma_semaphore, #tpu.memory_space<semaphore_mem>>
    %dma_start3A_63 = tpu.memref_squeeze %dma_start3A_62 : memref<1x!tpu.dma_semaphore, #tpu.memory_space<semaphore_mem>> -> memref<!tpu.dma_semaphore, #tpu.memory_space<semaphore_mem>>
    tpu.enqueue_indirect_dma source(%dma_start3A_61 : memref<10112x16xf32, #tpu.memory_space<hbm>>) target(%dma_start3A_55 : memref<128x16xf32, #tpu.memory_space<vmem>>) offsets(%dma_start3A_58 : memref<128xi32, #tpu.memory_space<vmem>>) semaphore(%dma_start3A_63 : memref<!tpu.dma_semaphore, #tpu.memory_space<semaphore_mem>>)
    %dma_start3A_64 = arith.constant 4 : i32
    %dma_start3A_65 = arith.constant 4 : i32
    %dma_start3A_66 = arith.constant 4 : i32
    %dma_start3A_67 = arith.constant 0 : i32
    %dma_start3A_68 = arith.constant 0 : i32
    %dma_start3A_69 = tpu.memref_slice %arg9[%dma_start3A_65, %dma_start3A_67, %dma_start3A_68] : memref<8x128x16xf32, #tpu.memory_space<vmem>> -> memref<1x128x16xf32, #tpu.memory_space<vmem>>
    %dma_start3A_70 = tpu.memref_squeeze %dma_start3A_69 : memref<1x128x16xf32, #tpu.memory_space<vmem>> -> memref<128x16xf32, #tpu.memory_space<vmem>>
    %dma_start3A_71 = arith.constant 0 : i32
    %dma_start3A_72 = tpu.memref_slice %arg7[%dma_start3A_64, %dma_start3A_71] : memref<80x128xi32, #tpu.memory_space<vmem>> -> memref<1x128xi32, #tpu.memory_space<vmem>>
    %dma_start3A_73 = tpu.memref_squeeze %dma_start3A_72 : memref<1x128xi32, #tpu.memory_space<vmem>> -> memref<128xi32, #tpu.memory_space<vmem>>
    %dma_start3A_74 = arith.constant 0 : i32
    %dma_start3A_75 = arith.constant 0 : i32
    %dma_start3A_76 = tpu.memref_slice %arg2[%dma_start3A_74, %dma_start3A_75] : memref<10112x16xf32, #tpu.memory_space<hbm>> -> memref<10112x16xf32, #tpu.memory_space<hbm>>
    %dma_start3A_77 = tpu.memref_slice %arg11[%dma_start3A_66] : memref<8x!tpu.dma_semaphore, #tpu.memory_space<semaphore_mem>> -> memref<1x!tpu.dma_semaphore, #tpu.memory_space<semaphore_mem>>
    %dma_start3A_78 = tpu.memref_squeeze %dma_start3A_77 : memref<1x!tpu.dma_semaphore, #tpu.memory_space<semaphore_mem>> -> memref<!tpu.dma_semaphore, #tpu.memory_space<semaphore_mem>>
    tpu.enqueue_indirect_dma source(%dma_start3A_76 : memref<10112x16xf32, #tpu.memory_space<hbm>>) target(%dma_start3A_70 : memref<128x16xf32, #tpu.memory_space<vmem>>) offsets(%dma_start3A_73 : memref<128xi32, #tpu.memory_space<vmem>>) semaphore(%dma_start3A_78 : memref<!tpu.dma_semaphore, #tpu.memory_space<semaphore_mem>>)
    %dma_start3A_79 = arith.constant 5 : i32
    %dma_start3A_80 = arith.constant 5 : i32
    %dma_start3A_81 = arith.constant 5 : i32
    %dma_start3A_82 = arith.constant 0 : i32
    %dma_start3A_83 = arith.constant 0 : i32
    %dma_start3A_84 = tpu.memref_slice %arg9[%dma_start3A_80, %dma_start3A_82, %dma_start3A_83] : memref<8x128x16xf32, #tpu.memory_space<vmem>> -> memref<1x128x16xf32, #tpu.memory_space<vmem>>
    %dma_start3A_85 = tpu.memref_squeeze %dma_start3A_84 : memref<1x128x16xf32, #tpu.memory_space<vmem>> -> memref<128x16xf32, #tpu.memory_space<vmem>>
    %dma_start3A_86 = arith.constant 0 : i32
    %dma_start3A_87 = tpu.memref_slice %arg7[%dma_start3A_79, %dma_start3A_86] : memref<80x128xi32, #tpu.memory_space<vmem>> -> memref<1x128xi32, #tpu.memory_space<vmem>>
    %dma_start3A_88 = tpu.memref_squeeze %dma_start3A_87 : memref<1x128xi32, #tpu.memory_space<vmem>> -> memref<128xi32, #tpu.memory_space<vmem>>
    %dma_start3A_89 = arith.constant 0 : i32
    %dma_start3A_90 = arith.constant 0 : i32
    %dma_start3A_91 = tpu.memref_slice %arg2[%dma_start3A_89, %dma_start3A_90] : memref<10112x16xf32, #tpu.memory_space<hbm>> -> memref<10112x16xf32, #tpu.memory_space<hbm>>
    %dma_start3A_92 = tpu.memref_slice %arg11[%dma_start3A_81] : memref<8x!tpu.dma_semaphore, #tpu.memory_space<semaphore_mem>> -> memref<1x!tpu.dma_semaphore, #tpu.memory_space<semaphore_mem>>
    %dma_start3A_93 = tpu.memref_squeeze %dma_start3A_92 : memref<1x!tpu.dma_semaphore, #tpu.memory_space<semaphore_mem>> -> memref<!tpu.dma_semaphore, #tpu.memory_space<semaphore_mem>>
    tpu.enqueue_indirect_dma source(%dma_start3A_91 : memref<10112x16xf32, #tpu.memory_space<hbm>>) target(%dma_start3A_85 : memref<128x16xf32, #tpu.memory_space<vmem>>) offsets(%dma_start3A_88 : memref<128xi32, #tpu.memory_space<vmem>>) semaphore(%dma_start3A_93 : memref<!tpu.dma_semaphore, #tpu.memory_space<semaphore_mem>>)
    %dma_start3A_94 = arith.constant 6 : i32
    %dma_start3A_95 = arith.constant 6 : i32
    %dma_start3A_96 = arith.constant 6 : i32
    %dma_start3A_97 = arith.constant 0 : i32
    %dma_start3A_98 = arith.constant 0 : i32
    %dma_start3A_99 = tpu.memref_slice %arg9[%dma_start3A_95, %dma_start3A_97, %dma_start3A_98] : memref<8x128x16xf32, #tpu.memory_space<vmem>> -> memref<1x128x16xf32, #tpu.memory_space<vmem>>
    %dma_start3A_100 = tpu.memref_squeeze %dma_start3A_99 : memref<1x128x16xf32, #tpu.memory_space<vmem>> -> memref<128x16xf32, #tpu.memory_space<vmem>>
    %dma_start3A_101 = arith.constant 0 : i32
    %dma_start3A_102 = tpu.memref_slice %arg7[%dma_start3A_94, %dma_start3A_101] : memref<80x128xi32, #tpu.memory_space<vmem>> -> memref<1x128xi32, #tpu.memory_space<vmem>>
    %dma_start3A_103 = tpu.memref_squeeze %dma_start3A_102 : memref<1x128xi32, #tpu.memory_space<vmem>> -> memref<128xi32, #tpu.memory_space<vmem>>
    %dma_start3A_104 = arith.constant 0 : i32
    %dma_start3A_105 = arith.constant 0 : i32
    %dma_start3A_106 = tpu.memref_slice %arg2[%dma_start3A_104, %dma_start3A_105] : memref<10112x16xf32, #tpu.memory_space<hbm>> -> memref<10112x16xf32, #tpu.memory_space<hbm>>
    %dma_start3A_107 = tpu.memref_slice %arg11[%dma_start3A_96] : memref<8x!tpu.dma_semaphore, #tpu.memory_space<semaphore_mem>> -> memref<1x!tpu.dma_semaphore, #tpu.memory_space<semaphore_mem>>
    %dma_start3A_108 = tpu.memref_squeeze %dma_start3A_107 : memref<1x!tpu.dma_semaphore, #tpu.memory_space<semaphore_mem>> -> memref<!tpu.dma_semaphore, #tpu.memory_space<semaphore_mem>>
    tpu.enqueue_indirect_dma source(%dma_start3A_106 : memref<10112x16xf32, #tpu.memory_space<hbm>>) target(%dma_start3A_100 : memref<128x16xf32, #tpu.memory_space<vmem>>) offsets(%dma_start3A_103 : memref<128xi32, #tpu.memory_space<vmem>>) semaphore(%dma_start3A_108 : memref<!tpu.dma_semaphore, #tpu.memory_space<semaphore_mem>>)
    %dma_start3A_109 = arith.constant 7 : i32
    %dma_start3A_110 = arith.constant 7 : i32
    %dma_start3A_111 = arith.constant 7 : i32
    %dma_start3A_112 = arith.constant 0 : i32
    %dma_start3A_113 = arith.constant 0 : i32
    %dma_start3A_114 = tpu.memref_slice %arg9[%dma_start3A_110, %dma_start3A_112, %dma_start3A_113] : memref<8x128x16xf32, #tpu.memory_space<vmem>> -> memref<1x128x16xf32, #tpu.memory_space<vmem>>
    %dma_start3A_115 = tpu.memref_squeeze %dma_start3A_114 : memref<1x128x16xf32, #tpu.memory_space<vmem>> -> memref<128x16xf32, #tpu.memory_space<vmem>>
    %dma_start3A_116 = arith.constant 0 : i32
    %dma_start3A_117 = tpu.memref_slice %arg7[%dma_start3A_109, %dma_start3A_116] : memref<80x128xi32, #tpu.memory_space<vmem>> -> memref<1x128xi32, #tpu.memory_space<vmem>>
    %dma_start3A_118 = tpu.memref_squeeze %dma_start3A_117 : memref<1x128xi32, #tpu.memory_space<vmem>> -> memref<128xi32, #tpu.memory_space<vmem>>
    %dma_start3A_119 = arith.constant 0 : i32
    %dma_start3A_120 = arith.constant 0 : i32
    %dma_start3A_121 = tpu.memref_slice %arg2[%dma_start3A_119, %dma_start3A_120] : memref<10112x16xf32, #tpu.memory_space<hbm>> -> memref<10112x16xf32, #tpu.memory_space<hbm>>
    %dma_start3A_122 = tpu.memref_slice %arg11[%dma_start3A_111] : memref<8x!tpu.dma_semaphore, #tpu.memory_space<semaphore_mem>> -> memref<1x!tpu.dma_semaphore, #tpu.memory_space<semaphore_mem>>
    %dma_start3A_123 = tpu.memref_squeeze %dma_start3A_122 : memref<1x!tpu.dma_semaphore, #tpu.memory_space<semaphore_mem>> -> memref<!tpu.dma_semaphore, #tpu.memory_space<semaphore_mem>>
    tpu.enqueue_indirect_dma source(%dma_start3A_121 : memref<10112x16xf32, #tpu.memory_space<hbm>>) target(%dma_start3A_115 : memref<128x16xf32, #tpu.memory_space<vmem>>) offsets(%dma_start3A_118 : memref<128xi32, #tpu.memory_space<vmem>>) semaphore(%dma_start3A_123 : memref<!tpu.dma_semaphore, #tpu.memory_space<semaphore_mem>>)
    %scan3A = arith.constant 0 : i32
    %scan3A_124 = arith.constant 0 : i32
    %scan3A_125 = arith.constant 10 : i32
    %scan3A_126 = arith.addi %scan3A_124, %scan3A_125 : i32
    %scan3A_127 = arith.constant 1 : i32
    scf.for %scan3A_134 = %scan3A_124 to %scan3A_126 step %scan3A_127  : i32 {
      %mul3A_135 = arith.constant 2 : i32
      %mul3A_136 = arith.muli %scan3A_134, %mul3A_135 : i32
      %mul3A_137 = arith.constant 4 : i32
      %mul3A_138 = arith.muli %mul3A_136, %mul3A_137 : i32
      %add3A_139 = arith.constant 4 : i32
      %add3A_140 = arith.addi %mul3A_138, %add3A_139 : i32
      %add3A_141 = arith.constant 4 : i32
      %add3A_142 = arith.addi %add3A_140, %add3A_141 : i32
      %add3A_143 = arith.constant 4 : i32
      %add3A_144 = arith.addi %add3A_142, %add3A_143 : i32
      %dma_wait3A = arith.constant 0 : i32
      %dma_wait3A_145 = arith.constant 0 : i32
      %dma_wait3A_146 = arith.constant 0 : i32
      %dma_wait3A_147 = arith.constant 0 : i32
      %dma_wait3A_148 = tpu.memref_slice %arg9[%dma_wait3A, %dma_wait3A_146, %dma_wait3A_147] : memref<8x128x16xf32, #tpu.memory_space<vmem>> -> memref<1x128x16xf32, #tpu.memory_space<vmem>>
      %dma_wait3A_149 = tpu.memref_squeeze %dma_wait3A_148 : memref<1x128x16xf32, #tpu.memory_space<vmem>> -> memref<128x16xf32, #tpu.memory_space<vmem>>
      %dma_wait3A_150 = arith.constant 0 : i32
      %dma_wait3A_151 = arith.constant 0 : i32
      %dma_wait3A_152 = tpu.memref_slice %arg2[%dma_wait3A_150, %dma_wait3A_151] : memref<10112x16xf32, #tpu.memory_space<hbm>> -> memref<128x16xf32, #tpu.memory_space<hbm>>
      %dma_wait3A_153 = tpu.memref_slice %arg11[%dma_wait3A_145] : memref<8x!tpu.dma_semaphore, #tpu.memory_space<semaphore_mem>> -> memref<1x!tpu.dma_semaphore, #tpu.memory_space<semaphore_mem>>
      %dma_wait3A_154 = tpu.memref_squeeze %dma_wait3A_153 : memref<1x!tpu.dma_semaphore, #tpu.memory_space<semaphore_mem>> -> memref<!tpu.dma_semaphore, #tpu.memory_space<semaphore_mem>>
      %dma_wait3A_155 = arith.constant 0 : i32
      %dma_wait3A_156 = arith.constant 0 : i32
      %dma_wait3A_157 = tpu.memref_slice %arg9[%dma_wait3A, %dma_wait3A_155, %dma_wait3A_156] : memref<8x128x16xf32, #tpu.memory_space<vmem>> -> memref<1x128x16xf32, #tpu.memory_space<vmem>>
      %dma_wait3A_158 = tpu.memref_squeeze %dma_wait3A_157 : memref<1x128x16xf32, #tpu.memory_space<vmem>> -> memref<128x16xf32, #tpu.memory_space<vmem>>
      %dma_wait3A_159 = arith.constant 0 : i32
      %dma_wait3A_160 = arith.constant 0 : i32
      %dma_wait3A_161 = tpu.memref_slice %arg2[%dma_wait3A_159, %dma_wait3A_160] : memref<10112x16xf32, #tpu.memory_space<hbm>> -> memref<128x16xf32, #tpu.memory_space<hbm>>
      tpu.wait_dma2 semaphore(%dma_wait3A_154 : memref<!tpu.dma_semaphore, #tpu.memory_space<semaphore_mem>>) src(%dma_wait3A_161 : memref<128x16xf32, #tpu.memory_space<hbm>>) dst(%dma_wait3A_158 : memref<128x16xf32, #tpu.memory_space<vmem>>)
      %add3A_162 = arith.constant 0 : i32
      %add3A_163 = arith.addi %mul3A_138, %add3A_162 : i32
      %dma_start3A_164 = arith.constant 0 : i32
      %dma_start3A_165 = arith.constant 0 : i32
      %dma_start3A_166 = arith.constant 0 : i32
      %dma_start3A_167 = arith.constant 0 : i32
      %dma_start3A_168 = tpu.memref_slice %arg9[%dma_start3A_164, %dma_start3A_166, %dma_start3A_167] : memref<8x128x16xf32, #tpu.memory_space<vmem>> -> memref<1x128x16xf32, #tpu.memory_space<vmem>>
      %dma_start3A_169 = tpu.memref_squeeze %dma_start3A_168 : memref<1x128x16xf32, #tpu.memory_space<vmem>> -> memref<128x16xf32, #tpu.memory_space<vmem>>
      %dma_start3A_170 = arith.constant 0 : i32
      %dma_start3A_171 = tpu.memref_slice %arg8[%add3A_163, %dma_start3A_170] : memref<80x128xi32, #tpu.memory_space<vmem>> -> memref<1x128xi32, #tpu.memory_space<vmem>>
      %dma_start3A_172 = tpu.memref_squeeze %dma_start3A_171 : memref<1x128xi32, #tpu.memory_space<vmem>> -> memref<128xi32, #tpu.memory_space<vmem>>
      %dma_start3A_173 = arith.constant 0 : i32
      %dma_start3A_174 = arith.constant 0 : i32
      %dma_start3A_175 = tpu.memref_slice %arg10[%dma_start3A_173, %dma_start3A_174] : memref<10112x16xf32, #tpu.memory_space<vmem_shared>> -> memref<10112x16xf32, #tpu.memory_space<vmem_shared>>
      %dma_start3A_176 = tpu.memref_slice %arg12[%dma_start3A_165] : memref<8x!tpu.dma_semaphore, #tpu.memory_space<semaphore_mem>> -> memref<1x!tpu.dma_semaphore, #tpu.memory_space<semaphore_mem>>
      %dma_start3A_177 = tpu.memref_squeeze %dma_start3A_176 : memref<1x!tpu.dma_semaphore, #tpu.memory_space<semaphore_mem>> -> memref<!tpu.dma_semaphore, #tpu.memory_space<semaphore_mem>>
      tpu.enqueue_indirect_dma source(%dma_start3A_169 : memref<128x16xf32, #tpu.memory_space<vmem>>) target(%dma_start3A_175 : memref<10112x16xf32, #tpu.memory_space<vmem_shared>>) offsets(%dma_start3A_172 : memref<128xi32, #tpu.memory_space<vmem>>) semaphore(%dma_start3A_177 : memref<!tpu.dma_semaphore, #tpu.memory_space<semaphore_mem>>) {add = true}
      %dma_wait3A_178 = arith.constant 1 : i32
      %dma_wait3A_179 = arith.constant 1 : i32
      %dma_wait3A_180 = arith.constant 0 : i32
      %dma_wait3A_181 = arith.constant 0 : i32
      %dma_wait3A_182 = tpu.memref_slice %arg9[%dma_wait3A_178, %dma_wait3A_180, %dma_wait3A_181] : memref<8x128x16xf32, #tpu.memory_space<vmem>> -> memref<1x128x16xf32, #tpu.memory_space<vmem>>
      %dma_wait3A_183 = tpu.memref_squeeze %dma_wait3A_182 : memref<1x128x16xf32, #tpu.memory_space<vmem>> -> memref<128x16xf32, #tpu.memory_space<vmem>>
      %dma_wait3A_184 = arith.constant 0 : i32
      %dma_wait3A_185 = arith.constant 0 : i32
      %dma_wait3A_186 = tpu.memref_slice %arg2[%dma_wait3A_184, %dma_wait3A_185] : memref<10112x16xf32, #tpu.memory_space<hbm>> -> memref<128x16xf32, #tpu.memory_space<hbm>>
      %dma_wait3A_187 = tpu.memref_slice %arg11[%dma_wait3A_179] : memref<8x!tpu.dma_semaphore, #tpu.memory_space<semaphore_mem>> -> memref<1x!tpu.dma_semaphore, #tpu.memory_space<semaphore_mem>>
      %dma_wait3A_188 = tpu.memref_squeeze %dma_wait3A_187 : memref<1x!tpu.dma_semaphore, #tpu.memory_space<semaphore_mem>> -> memref<!tpu.dma_semaphore, #tpu.memory_space<semaphore_mem>>
      %dma_wait3A_189 = arith.constant 0 : i32
      %dma_wait3A_190 = arith.constant 0 : i32
      %dma_wait3A_191 = tpu.memref_slice %arg9[%dma_wait3A_178, %dma_wait3A_189, %dma_wait3A_190] : memref<8x128x16xf32, #tpu.memory_space<vmem>> -> memref<1x128x16xf32, #tpu.memory_space<vmem>>
      %dma_wait3A_192 = tpu.memref_squeeze %dma_wait3A_191 : memref<1x128x16xf32, #tpu.memory_space<vmem>> -> memref<128x16xf32, #tpu.memory_space<vmem>>
      %dma_wait3A_193 = arith.constant 0 : i32
      %dma_wait3A_194 = arith.constant 0 : i32
      %dma_wait3A_195 = tpu.memref_slice %arg2[%dma_wait3A_193, %dma_wait3A_194] : memref<10112x16xf32, #tpu.memory_space<hbm>> -> memref<128x16xf32, #tpu.memory_space<hbm>>
      tpu.wait_dma2 semaphore(%dma_wait3A_188 : memref<!tpu.dma_semaphore, #tpu.memory_space<semaphore_mem>>) src(%dma_wait3A_195 : memref<128x16xf32, #tpu.memory_space<hbm>>) dst(%dma_wait3A_192 : memref<128x16xf32, #tpu.memory_space<vmem>>)
      %add3A_196 = arith.constant 1 : i32
      %add3A_197 = arith.addi %mul3A_138, %add3A_196 : i32
      %dma_start3A_198 = arith.constant 1 : i32
      %dma_start3A_199 = arith.constant 1 : i32
      %dma_start3A_200 = arith.constant 0 : i32
      %dma_start3A_201 = arith.constant 0 : i32
      %dma_start3A_202 = tpu.memref_slice %arg9[%dma_start3A_198, %dma_start3A_200, %dma_start3A_201] : memref<8x128x16xf32, #tpu.memory_space<vmem>> -> memref<1x128x16xf32, #tpu.memory_space<vmem>>
      %dma_start3A_203 = tpu.memref_squeeze %dma_start3A_202 : memref<1x128x16xf32, #tpu.memory_space<vmem>> -> memref<128x16xf32, #tpu.memory_space<vmem>>
      %dma_start3A_204 = arith.constant 0 : i32
      %dma_start3A_205 = tpu.memref_slice %arg8[%add3A_197, %dma_start3A_204] : memref<80x128xi32, #tpu.memory_space<vmem>> -> memref<1x128xi32, #tpu.memory_space<vmem>>
      %dma_start3A_206 = tpu.memref_squeeze %dma_start3A_205 : memref<1x128xi32, #tpu.memory_space<vmem>> -> memref<128xi32, #tpu.memory_space<vmem>>
      %dma_start3A_207 = arith.constant 0 : i32
      %dma_start3A_208 = arith.constant 0 : i32
      %dma_start3A_209 = tpu.memref_slice %arg10[%dma_start3A_207, %dma_start3A_208] : memref<10112x16xf32, #tpu.memory_space<vmem_shared>> -> memref<10112x16xf32, #tpu.memory_space<vmem_shared>>
      %dma_start3A_210 = tpu.memref_slice %arg12[%dma_start3A_199] : memref<8x!tpu.dma_semaphore, #tpu.memory_space<semaphore_mem>> -> memref<1x!tpu.dma_semaphore, #tpu.memory_space<semaphore_mem>>
      %dma_start3A_211 = tpu.memref_squeeze %dma_start3A_210 : memref<1x!tpu.dma_semaphore, #tpu.memory_space<semaphore_mem>> -> memref<!tpu.dma_semaphore, #tpu.memory_space<semaphore_mem>>
      tpu.enqueue_indirect_dma source(%dma_start3A_203 : memref<128x16xf32, #tpu.memory_space<vmem>>) target(%dma_start3A_209 : memref<10112x16xf32, #tpu.memory_space<vmem_shared>>) offsets(%dma_start3A_206 : memref<128xi32, #tpu.memory_space<vmem>>) semaphore(%dma_start3A_211 : memref<!tpu.dma_semaphore, #tpu.memory_space<semaphore_mem>>) {add = true}
      %dma_wait3A_212 = arith.constant 2 : i32
      %dma_wait3A_213 = arith.constant 2 : i32
      %dma_wait3A_214 = arith.constant 0 : i32
      %dma_wait3A_215 = arith.constant 0 : i32
      %dma_wait3A_216 = tpu.memref_slice %arg9[%dma_wait3A_212, %dma_wait3A_214, %dma_wait3A_215] : memref<8x128x16xf32, #tpu.memory_space<vmem>> -> memref<1x128x16xf32, #tpu.memory_space<vmem>>
      %dma_wait3A_217 = tpu.memref_squeeze %dma_wait3A_216 : memref<1x128x16xf32, #tpu.memory_space<vmem>> -> memref<128x16xf32, #tpu.memory_space<vmem>>
      %dma_wait3A_218 = arith.constant 0 : i32
      %dma_wait3A_219 = arith.constant 0 : i32
      %dma_wait3A_220 = tpu.memref_slice %arg2[%dma_wait3A_218, %dma_wait3A_219] : memref<10112x16xf32, #tpu.memory_space<hbm>> -> memref<128x16xf32, #tpu.memory_space<hbm>>
      %dma_wait3A_221 = tpu.memref_slice %arg11[%dma_wait3A_213] : memref<8x!tpu.dma_semaphore, #tpu.memory_space<semaphore_mem>> -> memref<1x!tpu.dma_semaphore, #tpu.memory_space<semaphore_mem>>
      %dma_wait3A_222 = tpu.memref_squeeze %dma_wait3A_221 : memref<1x!tpu.dma_semaphore, #tpu.memory_space<semaphore_mem>> -> memref<!tpu.dma_semaphore, #tpu.memory_space<semaphore_mem>>
      %dma_wait3A_223 = arith.constant 0 : i32
      %dma_wait3A_224 = arith.constant 0 : i32
      %dma_wait3A_225 = tpu.memref_slice %arg9[%dma_wait3A_212, %dma_wait3A_223, %dma_wait3A_224] : memref<8x128x16xf32, #tpu.memory_space<vmem>> -> memref<1x128x16xf32, #tpu.memory_space<vmem>>
      %dma_wait3A_226 = tpu.memref_squeeze %dma_wait3A_225 : memref<1x128x16xf32, #tpu.memory_space<vmem>> -> memref<128x16xf32, #tpu.memory_space<vmem>>
      %dma_wait3A_227 = arith.constant 0 : i32
      %dma_wait3A_228 = arith.constant 0 : i32
      %dma_wait3A_229 = tpu.memref_slice %arg2[%dma_wait3A_227, %dma_wait3A_228] : memref<10112x16xf32, #tpu.memory_space<hbm>> -> memref<128x16xf32, #tpu.memory_space<hbm>>
      tpu.wait_dma2 semaphore(%dma_wait3A_222 : memref<!tpu.dma_semaphore, #tpu.memory_space<semaphore_mem>>) src(%dma_wait3A_229 : memref<128x16xf32, #tpu.memory_space<hbm>>) dst(%dma_wait3A_226 : memref<128x16xf32, #tpu.memory_space<vmem>>)
      %add3A_230 = arith.constant 2 : i32
      %add3A_231 = arith.addi %mul3A_138, %add3A_230 : i32
      %dma_start3A_232 = arith.constant 2 : i32
      %dma_start3A_233 = arith.constant 2 : i32
      %dma_start3A_234 = arith.constant 0 : i32
      %dma_start3A_235 = arith.constant 0 : i32
      %dma_start3A_236 = tpu.memref_slice %arg9[%dma_start3A_232, %dma_start3A_234, %dma_start3A_235] : memref<8x128x16xf32, #tpu.memory_space<vmem>> -> memref<1x128x16xf32, #tpu.memory_space<vmem>>
      %dma_start3A_237 = tpu.memref_squeeze %dma_start3A_236 : memref<1x128x16xf32, #tpu.memory_space<vmem>> -> memref<128x16xf32, #tpu.memory_space<vmem>>
      %dma_start3A_238 = arith.constant 0 : i32
      %dma_start3A_239 = tpu.memref_slice %arg8[%add3A_231, %dma_start3A_238] : memref<80x128xi32, #tpu.memory_space<vmem>> -> memref<1x128xi32, #tpu.memory_space<vmem>>
      %dma_start3A_240 = tpu.memref_squeeze %dma_start3A_239 : memref<1x128xi32, #tpu.memory_space<vmem>> -> memref<128xi32, #tpu.memory_space<vmem>>
      %dma_start3A_241 = arith.constant 0 : i32
      %dma_start3A_242 = arith.constant 0 : i32
      %dma_start3A_243 = tpu.memref_slice %arg10[%dma_start3A_241, %dma_start3A_242] : memref<10112x16xf32, #tpu.memory_space<vmem_shared>> -> memref<10112x16xf32, #tpu.memory_space<vmem_shared>>
      %dma_start3A_244 = tpu.memref_slice %arg12[%dma_start3A_233] : memref<8x!tpu.dma_semaphore, #tpu.memory_space<semaphore_mem>> -> memref<1x!tpu.dma_semaphore, #tpu.memory_space<semaphore_mem>>
      %dma_start3A_245 = tpu.memref_squeeze %dma_start3A_244 : memref<1x!tpu.dma_semaphore, #tpu.memory_space<semaphore_mem>> -> memref<!tpu.dma_semaphore, #tpu.memory_space<semaphore_mem>>
      tpu.enqueue_indirect_dma source(%dma_start3A_237 : memref<128x16xf32, #tpu.memory_space<vmem>>) target(%dma_start3A_243 : memref<10112x16xf32, #tpu.memory_space<vmem_shared>>) offsets(%dma_start3A_240 : memref<128xi32, #tpu.memory_space<vmem>>) semaphore(%dma_start3A_245 : memref<!tpu.dma_semaphore, #tpu.memory_space<semaphore_mem>>) {add = true}
      %dma_wait3A_246 = arith.constant 3 : i32
      %dma_wait3A_247 = arith.constant 3 : i32
      %dma_wait3A_248 = arith.constant 0 : i32
      %dma_wait3A_249 = arith.constant 0 : i32
      %dma_wait3A_250 = tpu.memref_slice %arg9[%dma_wait3A_246, %dma_wait3A_248, %dma_wait3A_249] : memref<8x128x16xf32, #tpu.memory_space<vmem>> -> memref<1x128x16xf32, #tpu.memory_space<vmem>>
      %dma_wait3A_251 = tpu.memref_squeeze %dma_wait3A_250 : memref<1x128x16xf32, #tpu.memory_space<vmem>> -> memref<128x16xf32, #tpu.memory_space<vmem>>
      %dma_wait3A_252 = arith.constant 0 : i32
      %dma_wait3A_253 = arith.constant 0 : i32
      %dma_wait3A_254 = tpu.memref_slice %arg2[%dma_wait3A_252, %dma_wait3A_253] : memref<10112x16xf32, #tpu.memory_space<hbm>> -> memref<128x16xf32, #tpu.memory_space<hbm>>
      %dma_wait3A_255 = tpu.memref_slice %arg11[%dma_wait3A_247] : memref<8x!tpu.dma_semaphore, #tpu.memory_space<semaphore_mem>> -> memref<1x!tpu.dma_semaphore, #tpu.memory_space<semaphore_mem>>
      %dma_wait3A_256 = tpu.memref_squeeze %dma_wait3A_255 : memref<1x!tpu.dma_semaphore, #tpu.memory_space<semaphore_mem>> -> memref<!tpu.dma_semaphore, #tpu.memory_space<semaphore_mem>>
      %dma_wait3A_257 = arith.constant 0 : i32
      %dma_wait3A_258 = arith.constant 0 : i32
      %dma_wait3A_259 = tpu.memref_slice %arg9[%dma_wait3A_246, %dma_wait3A_257, %dma_wait3A_258] : memref<8x128x16xf32, #tpu.memory_space<vmem>> -> memref<1x128x16xf32, #tpu.memory_space<vmem>>
      %dma_wait3A_260 = tpu.memref_squeeze %dma_wait3A_259 : memref<1x128x16xf32, #tpu.memory_space<vmem>> -> memref<128x16xf32, #tpu.memory_space<vmem>>
      %dma_wait3A_261 = arith.constant 0 : i32
      %dma_wait3A_262 = arith.constant 0 : i32
      %dma_wait3A_263 = tpu.memref_slice %arg2[%dma_wait3A_261, %dma_wait3A_262] : memref<10112x16xf32, #tpu.memory_space<hbm>> -> memref<128x16xf32, #tpu.memory_space<hbm>>
      tpu.wait_dma2 semaphore(%dma_wait3A_256 : memref<!tpu.dma_semaphore, #tpu.memory_space<semaphore_mem>>) src(%dma_wait3A_263 : memref<128x16xf32, #tpu.memory_space<hbm>>) dst(%dma_wait3A_260 : memref<128x16xf32, #tpu.memory_space<vmem>>)
      %add3A_264 = arith.constant 3 : i32
      %add3A_265 = arith.addi %mul3A_138, %add3A_264 : i32
      %dma_start3A_266 = arith.constant 3 : i32
      %dma_start3A_267 = arith.constant 3 : i32
      %dma_start3A_268 = arith.constant 0 : i32
      %dma_start3A_269 = arith.constant 0 : i32
      %dma_start3A_270 = tpu.memref_slice %arg9[%dma_start3A_266, %dma_start3A_268, %dma_start3A_269] : memref<8x128x16xf32, #tpu.memory_space<vmem>> -> memref<1x128x16xf32, #tpu.memory_space<vmem>>
      %dma_start3A_271 = tpu.memref_squeeze %dma_start3A_270 : memref<1x128x16xf32, #tpu.memory_space<vmem>> -> memref<128x16xf32, #tpu.memory_space<vmem>>
      %dma_start3A_272 = arith.constant 0 : i32
      %dma_start3A_273 = tpu.memref_slice %arg8[%add3A_265, %dma_start3A_272] : memref<80x128xi32, #tpu.memory_space<vmem>> -> memref<1x128xi32, #tpu.memory_space<vmem>>
      %dma_start3A_274 = tpu.memref_squeeze %dma_start3A_273 : memref<1x128xi32, #tpu.memory_space<vmem>> -> memref<128xi32, #tpu.memory_space<vmem>>
      %dma_start3A_275 = arith.constant 0 : i32
      %dma_start3A_276 = arith.constant 0 : i32
      %dma_start3A_277 = tpu.memref_slice %arg10[%dma_start3A_275, %dma_start3A_276] : memref<10112x16xf32, #tpu.memory_space<vmem_shared>> -> memref<10112x16xf32, #tpu.memory_space<vmem_shared>>
      %dma_start3A_278 = tpu.memref_slice %arg12[%dma_start3A_267] : memref<8x!tpu.dma_semaphore, #tpu.memory_space<semaphore_mem>> -> memref<1x!tpu.dma_semaphore, #tpu.memory_space<semaphore_mem>>
      %dma_start3A_279 = tpu.memref_squeeze %dma_start3A_278 : memref<1x!tpu.dma_semaphore, #tpu.memory_space<semaphore_mem>> -> memref<!tpu.dma_semaphore, #tpu.memory_space<semaphore_mem>>
      tpu.enqueue_indirect_dma source(%dma_start3A_271 : memref<128x16xf32, #tpu.memory_space<vmem>>) target(%dma_start3A_277 : memref<10112x16xf32, #tpu.memory_space<vmem_shared>>) offsets(%dma_start3A_274 : memref<128xi32, #tpu.memory_space<vmem>>) semaphore(%dma_start3A_279 : memref<!tpu.dma_semaphore, #tpu.memory_space<semaphore_mem>>) {add = true}
      %dma_wait3A_280 = arith.constant 0 : i32
      %dma_wait3A_281 = arith.constant 0 : i32
      %dma_wait3A_282 = arith.constant 0 : i32
      %dma_wait3A_283 = arith.constant 0 : i32
      %dma_wait3A_284 = tpu.memref_slice %arg9[%dma_wait3A_280, %dma_wait3A_282, %dma_wait3A_283] : memref<8x128x16xf32, #tpu.memory_space<vmem>> -> memref<1x128x16xf32, #tpu.memory_space<vmem>>
      %dma_wait3A_285 = tpu.memref_squeeze %dma_wait3A_284 : memref<1x128x16xf32, #tpu.memory_space<vmem>> -> memref<128x16xf32, #tpu.memory_space<vmem>>
      %dma_wait3A_286 = arith.constant 0 : i32
      %dma_wait3A_287 = arith.constant 0 : i32
      %dma_wait3A_288 = tpu.memref_slice %arg2[%dma_wait3A_286, %dma_wait3A_287] : memref<10112x16xf32, #tpu.memory_space<hbm>> -> memref<128x16xf32, #tpu.memory_space<hbm>>
      %dma_wait3A_289 = tpu.memref_slice %arg12[%dma_wait3A_281] : memref<8x!tpu.dma_semaphore, #tpu.memory_space<semaphore_mem>> -> memref<1x!tpu.dma_semaphore, #tpu.memory_space<semaphore_mem>>
      %dma_wait3A_290 = tpu.memref_squeeze %dma_wait3A_289 : memref<1x!tpu.dma_semaphore, #tpu.memory_space<semaphore_mem>> -> memref<!tpu.dma_semaphore, #tpu.memory_space<semaphore_mem>>
      %dma_wait3A_291 = arith.constant 0 : i32
      %dma_wait3A_292 = arith.constant 0 : i32
      %dma_wait3A_293 = tpu.memref_slice %arg9[%dma_wait3A_280, %dma_wait3A_291, %dma_wait3A_292] : memref<8x128x16xf32, #tpu.memory_space<vmem>> -> memref<1x128x16xf32, #tpu.memory_space<vmem>>
      %dma_wait3A_294 = tpu.memref_squeeze %dma_wait3A_293 : memref<1x128x16xf32, #tpu.memory_space<vmem>> -> memref<128x16xf32, #tpu.memory_space<vmem>>
      %dma_wait3A_295 = arith.constant 0 : i32
      %dma_wait3A_296 = arith.constant 0 : i32
      %dma_wait3A_297 = tpu.memref_slice %arg2[%dma_wait3A_295, %dma_wait3A_296] : memref<10112x16xf32, #tpu.memory_space<hbm>> -> memref<128x16xf32, #tpu.memory_space<hbm>>
      tpu.wait_dma2 semaphore(%dma_wait3A_290 : memref<!tpu.dma_semaphore, #tpu.memory_space<semaphore_mem>>) src(%dma_wait3A_297 : memref<128x16xf32, #tpu.memory_space<hbm>>) dst(%dma_wait3A_294 : memref<128x16xf32, #tpu.memory_space<vmem>>)
      %add3A_298 = arith.constant 0 : i32
      %add3A_299 = arith.addi %add3A_142, %add3A_298 : i32
      %lt3A = arith.constant 80 : i32
      %lt3A_300 = arith.cmpi slt, %add3A_299, %lt3A : i32
      %convert_element_type3A = arith.extui %lt3A_300 : i1 to i32
      %cond3A = arith.constant 0 : i32
      %cond3A_301 = arith.cmpi ne, %convert_element_type3A, %cond3A : i32
      scf.if %cond3A_301 {
        %add3A_613 = arith.constant 0 : i32
        %add3A_614 = arith.addi %add3A_142, %add3A_613 : i32
        %dma_start3A_615 = arith.constant 0 : i32
        %dma_start3A_616 = arith.constant 0 : i32
        %dma_start3A_617 = arith.constant 0 : i32
        %dma_start3A_618 = arith.constant 0 : i32
        %dma_start3A_619 = tpu.memref_slice %arg9[%dma_start3A_615, %dma_start3A_617, %dma_start3A_618] : memref<8x128x16xf32, #tpu.memory_space<vmem>> -> memref<1x128x16xf32, #tpu.memory_space<vmem>>
        %dma_start3A_620 = tpu.memref_squeeze %dma_start3A_619 : memref<1x128x16xf32, #tpu.memory_space<vmem>> -> memref<128x16xf32, #tpu.memory_space<vmem>>
        %dma_start3A_621 = arith.constant 0 : i32
        %dma_start3A_622 = tpu.memref_slice %arg7[%add3A_614, %dma_start3A_621] : memref<80x128xi32, #tpu.memory_space<vmem>> -> memref<1x128xi32, #tpu.memory_space<vmem>>
        %dma_start3A_623 = tpu.memref_squeeze %dma_start3A_622 : memref<1x128xi32, #tpu.memory_space<vmem>> -> memref<128xi32, #tpu.memory_space<vmem>>
        %dma_start3A_624 = arith.constant 0 : i32
        %dma_start3A_625 = arith.constant 0 : i32
        %dma_start3A_626 = tpu.memref_slice %arg2[%dma_start3A_624, %dma_start3A_625] : memref<10112x16xf32, #tpu.memory_space<hbm>> -> memref<10112x16xf32, #tpu.memory_space<hbm>>
        %dma_start3A_627 = tpu.memref_slice %arg11[%dma_start3A_616] : memref<8x!tpu.dma_semaphore, #tpu.memory_space<semaphore_mem>> -> memref<1x!tpu.dma_semaphore, #tpu.memory_space<semaphore_mem>>
        %dma_start3A_628 = tpu.memref_squeeze %dma_start3A_627 : memref<1x!tpu.dma_semaphore, #tpu.memory_space<semaphore_mem>> -> memref<!tpu.dma_semaphore, #tpu.memory_space<semaphore_mem>>
        tpu.enqueue_indirect_dma source(%dma_start3A_626 : memref<10112x16xf32, #tpu.memory_space<hbm>>) target(%dma_start3A_620 : memref<128x16xf32, #tpu.memory_space<vmem>>) offsets(%dma_start3A_623 : memref<128xi32, #tpu.memory_space<vmem>>) semaphore(%dma_start3A_628 : memref<!tpu.dma_semaphore, #tpu.memory_space<semaphore_mem>>)
      } else {
      }
      %dma_wait3A_302 = arith.constant 1 : i32
      %dma_wait3A_303 = arith.constant 1 : i32
      %dma_wait3A_304 = arith.constant 0 : i32
      %dma_wait3A_305 = arith.constant 0 : i32
      %dma_wait3A_306 = tpu.memref_slice %arg9[%dma_wait3A_302, %dma_wait3A_304, %dma_wait3A_305] : memref<8x128x16xf32, #tpu.memory_space<vmem>> -> memref<1x128x16xf32, #tpu.memory_space<vmem>>
      %dma_wait3A_307 = tpu.memref_squeeze %dma_wait3A_306 : memref<1x128x16xf32, #tpu.memory_space<vmem>> -> memref<128x16xf32, #tpu.memory_space<vmem>>
      %dma_wait3A_308 = arith.constant 0 : i32
      %dma_wait3A_309 = arith.constant 0 : i32
      %dma_wait3A_310 = tpu.memref_slice %arg2[%dma_wait3A_308, %dma_wait3A_309] : memref<10112x16xf32, #tpu.memory_space<hbm>> -> memref<128x16xf32, #tpu.memory_space<hbm>>
      %dma_wait3A_311 = tpu.memref_slice %arg12[%dma_wait3A_303] : memref<8x!tpu.dma_semaphore, #tpu.memory_space<semaphore_mem>> -> memref<1x!tpu.dma_semaphore, #tpu.memory_space<semaphore_mem>>
      %dma_wait3A_312 = tpu.memref_squeeze %dma_wait3A_311 : memref<1x!tpu.dma_semaphore, #tpu.memory_space<semaphore_mem>> -> memref<!tpu.dma_semaphore, #tpu.memory_space<semaphore_mem>>
      %dma_wait3A_313 = arith.constant 0 : i32
      %dma_wait3A_314 = arith.constant 0 : i32
      %dma_wait3A_315 = tpu.memref_slice %arg9[%dma_wait3A_302, %dma_wait3A_313, %dma_wait3A_314] : memref<8x128x16xf32, #tpu.memory_space<vmem>> -> memref<1x128x16xf32, #tpu.memory_space<vmem>>
      %dma_wait3A_316 = tpu.memref_squeeze %dma_wait3A_315 : memref<1x128x16xf32, #tpu.memory_space<vmem>> -> memref<128x16xf32, #tpu.memory_space<vmem>>
      %dma_wait3A_317 = arith.constant 0 : i32
      %dma_wait3A_318 = arith.constant 0 : i32
      %dma_wait3A_319 = tpu.memref_slice %arg2[%dma_wait3A_317, %dma_wait3A_318] : memref<10112x16xf32, #tpu.memory_space<hbm>> -> memref<128x16xf32, #tpu.memory_space<hbm>>
      tpu.wait_dma2 semaphore(%dma_wait3A_312 : memref<!tpu.dma_semaphore, #tpu.memory_space<semaphore_mem>>) src(%dma_wait3A_319 : memref<128x16xf32, #tpu.memory_space<hbm>>) dst(%dma_wait3A_316 : memref<128x16xf32, #tpu.memory_space<vmem>>)
      %add3A_320 = arith.constant 1 : i32
      %add3A_321 = arith.addi %add3A_142, %add3A_320 : i32
      %lt3A_322 = arith.constant 80 : i32
      %lt3A_323 = arith.cmpi slt, %add3A_321, %lt3A_322 : i32
      %convert_element_type3A_324 = arith.extui %lt3A_323 : i1 to i32
      %cond3A_325 = arith.constant 0 : i32
      %cond3A_326 = arith.cmpi ne, %convert_element_type3A_324, %cond3A_325 : i32
      scf.if %cond3A_326 {
        %add3A_613 = arith.constant 1 : i32
        %add3A_614 = arith.addi %add3A_142, %add3A_613 : i32
        %dma_start3A_615 = arith.constant 1 : i32
        %dma_start3A_616 = arith.constant 1 : i32
        %dma_start3A_617 = arith.constant 0 : i32
        %dma_start3A_618 = arith.constant 0 : i32
        %dma_start3A_619 = tpu.memref_slice %arg9[%dma_start3A_615, %dma_start3A_617, %dma_start3A_618] : memref<8x128x16xf32, #tpu.memory_space<vmem>> -> memref<1x128x16xf32, #tpu.memory_space<vmem>>
        %dma_start3A_620 = tpu.memref_squeeze %dma_start3A_619 : memref<1x128x16xf32, #tpu.memory_space<vmem>> -> memref<128x16xf32, #tpu.memory_space<vmem>>
        %dma_start3A_621 = arith.constant 0 : i32
        %dma_start3A_622 = tpu.memref_slice %arg7[%add3A_614, %dma_start3A_621] : memref<80x128xi32, #tpu.memory_space<vmem>> -> memref<1x128xi32, #tpu.memory_space<vmem>>
        %dma_start3A_623 = tpu.memref_squeeze %dma_start3A_622 : memref<1x128xi32, #tpu.memory_space<vmem>> -> memref<128xi32, #tpu.memory_space<vmem>>
        %dma_start3A_624 = arith.constant 0 : i32
        %dma_start3A_625 = arith.constant 0 : i32
        %dma_start3A_626 = tpu.memref_slice %arg2[%dma_start3A_624, %dma_start3A_625] : memref<10112x16xf32, #tpu.memory_space<hbm>> -> memref<10112x16xf32, #tpu.memory_space<hbm>>
        %dma_start3A_627 = tpu.memref_slice %arg11[%dma_start3A_616] : memref<8x!tpu.dma_semaphore, #tpu.memory_space<semaphore_mem>> -> memref<1x!tpu.dma_semaphore, #tpu.memory_space<semaphore_mem>>
        %dma_start3A_628 = tpu.memref_squeeze %dma_start3A_627 : memref<1x!tpu.dma_semaphore, #tpu.memory_space<semaphore_mem>> -> memref<!tpu.dma_semaphore, #tpu.memory_space<semaphore_mem>>
        tpu.enqueue_indirect_dma source(%dma_start3A_626 : memref<10112x16xf32, #tpu.memory_space<hbm>>) target(%dma_start3A_620 : memref<128x16xf32, #tpu.memory_space<vmem>>) offsets(%dma_start3A_623 : memref<128xi32, #tpu.memory_space<vmem>>) semaphore(%dma_start3A_628 : memref<!tpu.dma_semaphore, #tpu.memory_space<semaphore_mem>>)
      } else {
      }
      %dma_wait3A_327 = arith.constant 2 : i32
      %dma_wait3A_328 = arith.constant 2 : i32
      %dma_wait3A_329 = arith.constant 0 : i32
      %dma_wait3A_330 = arith.constant 0 : i32
      %dma_wait3A_331 = tpu.memref_slice %arg9[%dma_wait3A_327, %dma_wait3A_329, %dma_wait3A_330] : memref<8x128x16xf32, #tpu.memory_space<vmem>> -> memref<1x128x16xf32, #tpu.memory_space<vmem>>
      %dma_wait3A_332 = tpu.memref_squeeze %dma_wait3A_331 : memref<1x128x16xf32, #tpu.memory_space<vmem>> -> memref<128x16xf32, #tpu.memory_space<vmem>>
      %dma_wait3A_333 = arith.constant 0 : i32
      %dma_wait3A_334 = arith.constant 0 : i32
      %dma_wait3A_335 = tpu.memref_slice %arg2[%dma_wait3A_333, %dma_wait3A_334] : memref<10112x16xf32, #tpu.memory_space<hbm>> -> memref<128x16xf32, #tpu.memory_space<hbm>>
      %dma_wait3A_336 = tpu.memref_slice %arg12[%dma_wait3A_328] : memref<8x!tpu.dma_semaphore, #tpu.memory_space<semaphore_mem>> -> memref<1x!tpu.dma_semaphore, #tpu.memory_space<semaphore_mem>>
      %dma_wait3A_337 = tpu.memref_squeeze %dma_wait3A_336 : memref<1x!tpu.dma_semaphore, #tpu.memory_space<semaphore_mem>> -> memref<!tpu.dma_semaphore, #tpu.memory_space<semaphore_mem>>
      %dma_wait3A_338 = arith.constant 0 : i32
      %dma_wait3A_339 = arith.constant 0 : i32
      %dma_wait3A_340 = tpu.memref_slice %arg9[%dma_wait3A_327, %dma_wait3A_338, %dma_wait3A_339] : memref<8x128x16xf32, #tpu.memory_space<vmem>> -> memref<1x128x16xf32, #tpu.memory_space<vmem>>
      %dma_wait3A_341 = tpu.memref_squeeze %dma_wait3A_340 : memref<1x128x16xf32, #tpu.memory_space<vmem>> -> memref<128x16xf32, #tpu.memory_space<vmem>>
      %dma_wait3A_342 = arith.constant 0 : i32
      %dma_wait3A_343 = arith.constant 0 : i32
      %dma_wait3A_344 = tpu.memref_slice %arg2[%dma_wait3A_342, %dma_wait3A_343] : memref<10112x16xf32, #tpu.memory_space<hbm>> -> memref<128x16xf32, #tpu.memory_space<hbm>>
      tpu.wait_dma2 semaphore(%dma_wait3A_337 : memref<!tpu.dma_semaphore, #tpu.memory_space<semaphore_mem>>) src(%dma_wait3A_344 : memref<128x16xf32, #tpu.memory_space<hbm>>) dst(%dma_wait3A_341 : memref<128x16xf32, #tpu.memory_space<vmem>>)
      %add3A_345 = arith.constant 2 : i32
      %add3A_346 = arith.addi %add3A_142, %add3A_345 : i32
      %lt3A_347 = arith.constant 80 : i32
      %lt3A_348 = arith.cmpi slt, %add3A_346, %lt3A_347 : i32
      %convert_element_type3A_349 = arith.extui %lt3A_348 : i1 to i32
      %cond3A_350 = arith.constant 0 : i32
      %cond3A_351 = arith.cmpi ne, %convert_element_type3A_349, %cond3A_350 : i32
      scf.if %cond3A_351 {
        %add3A_613 = arith.constant 2 : i32
        %add3A_614 = arith.addi %add3A_142, %add3A_613 : i32
        %dma_start3A_615 = arith.constant 2 : i32
        %dma_start3A_616 = arith.constant 2 : i32
        %dma_start3A_617 = arith.constant 0 : i32
        %dma_start3A_618 = arith.constant 0 : i32
        %dma_start3A_619 = tpu.memref_slice %arg9[%dma_start3A_615, %dma_start3A_617, %dma_start3A_618] : memref<8x128x16xf32, #tpu.memory_space<vmem>> -> memref<1x128x16xf32, #tpu.memory_space<vmem>>
        %dma_start3A_620 = tpu.memref_squeeze %dma_start3A_619 : memref<1x128x16xf32, #tpu.memory_space<vmem>> -> memref<128x16xf32, #tpu.memory_space<vmem>>
        %dma_start3A_621 = arith.constant 0 : i32
        %dma_start3A_622 = tpu.memref_slice %arg7[%add3A_614, %dma_start3A_621] : memref<80x128xi32, #tpu.memory_space<vmem>> -> memref<1x128xi32, #tpu.memory_space<vmem>>
        %dma_start3A_623 = tpu.memref_squeeze %dma_start3A_622 : memref<1x128xi32, #tpu.memory_space<vmem>> -> memref<128xi32, #tpu.memory_space<vmem>>
        %dma_start3A_624 = arith.constant 0 : i32
        %dma_start3A_625 = arith.constant 0 : i32
        %dma_start3A_626 = tpu.memref_slice %arg2[%dma_start3A_624, %dma_start3A_625] : memref<10112x16xf32, #tpu.memory_space<hbm>> -> memref<10112x16xf32, #tpu.memory_space<hbm>>
        %dma_start3A_627 = tpu.memref_slice %arg11[%dma_start3A_616] : memref<8x!tpu.dma_semaphore, #tpu.memory_space<semaphore_mem>> -> memref<1x!tpu.dma_semaphore, #tpu.memory_space<semaphore_mem>>
        %dma_start3A_628 = tpu.memref_squeeze %dma_start3A_627 : memref<1x!tpu.dma_semaphore, #tpu.memory_space<semaphore_mem>> -> memref<!tpu.dma_semaphore, #tpu.memory_space<semaphore_mem>>
        tpu.enqueue_indirect_dma source(%dma_start3A_626 : memref<10112x16xf32, #tpu.memory_space<hbm>>) target(%dma_start3A_620 : memref<128x16xf32, #tpu.memory_space<vmem>>) offsets(%dma_start3A_623 : memref<128xi32, #tpu.memory_space<vmem>>) semaphore(%dma_start3A_628 : memref<!tpu.dma_semaphore, #tpu.memory_space<semaphore_mem>>)
      } else {
      }
      %dma_wait3A_352 = arith.constant 3 : i32
      %dma_wait3A_353 = arith.constant 3 : i32
      %dma_wait3A_354 = arith.constant 0 : i32
      %dma_wait3A_355 = arith.constant 0 : i32
      %dma_wait3A_356 = tpu.memref_slice %arg9[%dma_wait3A_352, %dma_wait3A_354, %dma_wait3A_355] : memref<8x128x16xf32, #tpu.memory_space<vmem>> -> memref<1x128x16xf32, #tpu.memory_space<vmem>>
      %dma_wait3A_357 = tpu.memref_squeeze %dma_wait3A_356 : memref<1x128x16xf32, #tpu.memory_space<vmem>> -> memref<128x16xf32, #tpu.memory_space<vmem>>
      %dma_wait3A_358 = arith.constant 0 : i32
      %dma_wait3A_359 = arith.constant 0 : i32
      %dma_wait3A_360 = tpu.memref_slice %arg2[%dma_wait3A_358, %dma_wait3A_359] : memref<10112x16xf32, #tpu.memory_space<hbm>> -> memref<128x16xf32, #tpu.memory_space<hbm>>
      %dma_wait3A_361 = tpu.memref_slice %arg12[%dma_wait3A_353] : memref<8x!tpu.dma_semaphore, #tpu.memory_space<semaphore_mem>> -> memref<1x!tpu.dma_semaphore, #tpu.memory_space<semaphore_mem>>
      %dma_wait3A_362 = tpu.memref_squeeze %dma_wait3A_361 : memref<1x!tpu.dma_semaphore, #tpu.memory_space<semaphore_mem>> -> memref<!tpu.dma_semaphore, #tpu.memory_space<semaphore_mem>>
      %dma_wait3A_363 = arith.constant 0 : i32
      %dma_wait3A_364 = arith.constant 0 : i32
      %dma_wait3A_365 = tpu.memref_slice %arg9[%dma_wait3A_352, %dma_wait3A_363, %dma_wait3A_364] : memref<8x128x16xf32, #tpu.memory_space<vmem>> -> memref<1x128x16xf32, #tpu.memory_space<vmem>>
      %dma_wait3A_366 = tpu.memref_squeeze %dma_wait3A_365 : memref<1x128x16xf32, #tpu.memory_space<vmem>> -> memref<128x16xf32, #tpu.memory_space<vmem>>
      %dma_wait3A_367 = arith.constant 0 : i32
      %dma_wait3A_368 = arith.constant 0 : i32
      %dma_wait3A_369 = tpu.memref_slice %arg2[%dma_wait3A_367, %dma_wait3A_368] : memref<10112x16xf32, #tpu.memory_space<hbm>> -> memref<128x16xf32, #tpu.memory_space<hbm>>
      tpu.wait_dma2 semaphore(%dma_wait3A_362 : memref<!tpu.dma_semaphore, #tpu.memory_space<semaphore_mem>>) src(%dma_wait3A_369 : memref<128x16xf32, #tpu.memory_space<hbm>>) dst(%dma_wait3A_366 : memref<128x16xf32, #tpu.memory_space<vmem>>)
      %add3A_370 = arith.constant 3 : i32
      %add3A_371 = arith.addi %add3A_142, %add3A_370 : i32
      %lt3A_372 = arith.constant 80 : i32
      %lt3A_373 = arith.cmpi slt, %add3A_371, %lt3A_372 : i32
      %convert_element_type3A_374 = arith.extui %lt3A_373 : i1 to i32
      %cond3A_375 = arith.constant 0 : i32
      %cond3A_376 = arith.cmpi ne, %convert_element_type3A_374, %cond3A_375 : i32
      scf.if %cond3A_376 {
        %add3A_613 = arith.constant 3 : i32
        %add3A_614 = arith.addi %add3A_142, %add3A_613 : i32
        %dma_start3A_615 = arith.constant 3 : i32
        %dma_start3A_616 = arith.constant 3 : i32
        %dma_start3A_617 = arith.constant 0 : i32
        %dma_start3A_618 = arith.constant 0 : i32
        %dma_start3A_619 = tpu.memref_slice %arg9[%dma_start3A_615, %dma_start3A_617, %dma_start3A_618] : memref<8x128x16xf32, #tpu.memory_space<vmem>> -> memref<1x128x16xf32, #tpu.memory_space<vmem>>
        %dma_start3A_620 = tpu.memref_squeeze %dma_start3A_619 : memref<1x128x16xf32, #tpu.memory_space<vmem>> -> memref<128x16xf32, #tpu.memory_space<vmem>>
        %dma_start3A_621 = arith.constant 0 : i32
        %dma_start3A_622 = tpu.memref_slice %arg7[%add3A_614, %dma_start3A_621] : memref<80x128xi32, #tpu.memory_space<vmem>> -> memref<1x128xi32, #tpu.memory_space<vmem>>
        %dma_start3A_623 = tpu.memref_squeeze %dma_start3A_622 : memref<1x128xi32, #tpu.memory_space<vmem>> -> memref<128xi32, #tpu.memory_space<vmem>>
        %dma_start3A_624 = arith.constant 0 : i32
        %dma_start3A_625 = arith.constant 0 : i32
        %dma_start3A_626 = tpu.memref_slice %arg2[%dma_start3A_624, %dma_start3A_625] : memref<10112x16xf32, #tpu.memory_space<hbm>> -> memref<10112x16xf32, #tpu.memory_space<hbm>>
        %dma_start3A_627 = tpu.memref_slice %arg11[%dma_start3A_616] : memref<8x!tpu.dma_semaphore, #tpu.memory_space<semaphore_mem>> -> memref<1x!tpu.dma_semaphore, #tpu.memory_space<semaphore_mem>>
        %dma_start3A_628 = tpu.memref_squeeze %dma_start3A_627 : memref<1x!tpu.dma_semaphore, #tpu.memory_space<semaphore_mem>> -> memref<!tpu.dma_semaphore, #tpu.memory_space<semaphore_mem>>
        tpu.enqueue_indirect_dma source(%dma_start3A_626 : memref<10112x16xf32, #tpu.memory_space<hbm>>) target(%dma_start3A_620 : memref<128x16xf32, #tpu.memory_space<vmem>>) offsets(%dma_start3A_623 : memref<128xi32, #tpu.memory_space<vmem>>) semaphore(%dma_start3A_628 : memref<!tpu.dma_semaphore, #tpu.memory_space<semaphore_mem>>)
      } else {
      }
      %dma_wait3A_377 = arith.constant 4 : i32
      %dma_wait3A_378 = arith.constant 4 : i32
      %dma_wait3A_379 = arith.constant 0 : i32
      %dma_wait3A_380 = arith.constant 0 : i32
      %dma_wait3A_381 = tpu.memref_slice %arg9[%dma_wait3A_377, %dma_wait3A_379, %dma_wait3A_380] : memref<8x128x16xf32, #tpu.memory_space<vmem>> -> memref<1x128x16xf32, #tpu.memory_space<vmem>>
      %dma_wait3A_382 = tpu.memref_squeeze %dma_wait3A_381 : memref<1x128x16xf32, #tpu.memory_space<vmem>> -> memref<128x16xf32, #tpu.memory_space<vmem>>
      %dma_wait3A_383 = arith.constant 0 : i32
      %dma_wait3A_384 = arith.constant 0 : i32
      %dma_wait3A_385 = tpu.memref_slice %arg2[%dma_wait3A_383, %dma_wait3A_384] : memref<10112x16xf32, #tpu.memory_space<hbm>> -> memref<128x16xf32, #tpu.memory_space<hbm>>
      %dma_wait3A_386 = tpu.memref_slice %arg11[%dma_wait3A_378] : memref<8x!tpu.dma_semaphore, #tpu.memory_space<semaphore_mem>> -> memref<1x!tpu.dma_semaphore, #tpu.memory_space<semaphore_mem>>
      %dma_wait3A_387 = tpu.memref_squeeze %dma_wait3A_386 : memref<1x!tpu.dma_semaphore, #tpu.memory_space<semaphore_mem>> -> memref<!tpu.dma_semaphore, #tpu.memory_space<semaphore_mem>>
      %dma_wait3A_388 = arith.constant 0 : i32
      %dma_wait3A_389 = arith.constant 0 : i32
      %dma_wait3A_390 = tpu.memref_slice %arg9[%dma_wait3A_377, %dma_wait3A_388, %dma_wait3A_389] : memref<8x128x16xf32, #tpu.memory_space<vmem>> -> memref<1x128x16xf32, #tpu.memory_space<vmem>>
      %dma_wait3A_391 = tpu.memref_squeeze %dma_wait3A_390 : memref<1x128x16xf32, #tpu.memory_space<vmem>> -> memref<128x16xf32, #tpu.memory_space<vmem>>
      %dma_wait3A_392 = arith.constant 0 : i32
      %dma_wait3A_393 = arith.constant 0 : i32
      %dma_wait3A_394 = tpu.memref_slice %arg2[%dma_wait3A_392, %dma_wait3A_393] : memref<10112x16xf32, #tpu.memory_space<hbm>> -> memref<128x16xf32, #tpu.memory_space<hbm>>
      tpu.wait_dma2 semaphore(%dma_wait3A_387 : memref<!tpu.dma_semaphore, #tpu.memory_space<semaphore_mem>>) src(%dma_wait3A_394 : memref<128x16xf32, #tpu.memory_space<hbm>>) dst(%dma_wait3A_391 : memref<128x16xf32, #tpu.memory_space<vmem>>)
      %add3A_395 = arith.constant 0 : i32
      %add3A_396 = arith.addi %add3A_140, %add3A_395 : i32
      %dma_start3A_397 = arith.constant 4 : i32
      %dma_start3A_398 = arith.constant 4 : i32
      %dma_start3A_399 = arith.constant 0 : i32
      %dma_start3A_400 = arith.constant 0 : i32
      %dma_start3A_401 = tpu.memref_slice %arg9[%dma_start3A_397, %dma_start3A_399, %dma_start3A_400] : memref<8x128x16xf32, #tpu.memory_space<vmem>> -> memref<1x128x16xf32, #tpu.memory_space<vmem>>
      %dma_start3A_402 = tpu.memref_squeeze %dma_start3A_401 : memref<1x128x16xf32, #tpu.memory_space<vmem>> -> memref<128x16xf32, #tpu.memory_space<vmem>>
      %dma_start3A_403 = arith.constant 0 : i32
      %dma_start3A_404 = tpu.memref_slice %arg8[%add3A_396, %dma_start3A_403] : memref<80x128xi32, #tpu.memory_space<vmem>> -> memref<1x128xi32, #tpu.memory_space<vmem>>
      %dma_start3A_405 = tpu.memref_squeeze %dma_start3A_404 : memref<1x128xi32, #tpu.memory_space<vmem>> -> memref<128xi32, #tpu.memory_space<vmem>>
      %dma_start3A_406 = arith.constant 0 : i32
      %dma_start3A_407 = arith.constant 0 : i32
      %dma_start3A_408 = tpu.memref_slice %arg10[%dma_start3A_406, %dma_start3A_407] : memref<10112x16xf32, #tpu.memory_space<vmem_shared>> -> memref<10112x16xf32, #tpu.memory_space<vmem_shared>>
      %dma_start3A_409 = tpu.memref_slice %arg12[%dma_start3A_398] : memref<8x!tpu.dma_semaphore, #tpu.memory_space<semaphore_mem>> -> memref<1x!tpu.dma_semaphore, #tpu.memory_space<semaphore_mem>>
      %dma_start3A_410 = tpu.memref_squeeze %dma_start3A_409 : memref<1x!tpu.dma_semaphore, #tpu.memory_space<semaphore_mem>> -> memref<!tpu.dma_semaphore, #tpu.memory_space<semaphore_mem>>
      tpu.enqueue_indirect_dma source(%dma_start3A_402 : memref<128x16xf32, #tpu.memory_space<vmem>>) target(%dma_start3A_408 : memref<10112x16xf32, #tpu.memory_space<vmem_shared>>) offsets(%dma_start3A_405 : memref<128xi32, #tpu.memory_space<vmem>>) semaphore(%dma_start3A_410 : memref<!tpu.dma_semaphore, #tpu.memory_space<semaphore_mem>>) {add = true}
      %dma_wait3A_411 = arith.constant 5 : i32
      %dma_wait3A_412 = arith.constant 5 : i32
      %dma_wait3A_413 = arith.constant 0 : i32
      %dma_wait3A_414 = arith.constant 0 : i32
      %dma_wait3A_415 = tpu.memref_slice %arg9[%dma_wait3A_411, %dma_wait3A_413, %dma_wait3A_414] : memref<8x128x16xf32, #tpu.memory_space<vmem>> -> memref<1x128x16xf32, #tpu.memory_space<vmem>>
      %dma_wait3A_416 = tpu.memref_squeeze %dma_wait3A_415 : memref<1x128x16xf32, #tpu.memory_space<vmem>> -> memref<128x16xf32, #tpu.memory_space<vmem>>
      %dma_wait3A_417 = arith.constant 0 : i32
      %dma_wait3A_418 = arith.constant 0 : i32
      %dma_wait3A_419 = tpu.memref_slice %arg2[%dma_wait3A_417, %dma_wait3A_418] : memref<10112x16xf32, #tpu.memory_space<hbm>> -> memref<128x16xf32, #tpu.memory_space<hbm>>
      %dma_wait3A_420 = tpu.memref_slice %arg11[%dma_wait3A_412] : memref<8x!tpu.dma_semaphore, #tpu.memory_space<semaphore_mem>> -> memref<1x!tpu.dma_semaphore, #tpu.memory_space<semaphore_mem>>
      %dma_wait3A_421 = tpu.memref_squeeze %dma_wait3A_420 : memref<1x!tpu.dma_semaphore, #tpu.memory_space<semaphore_mem>> -> memref<!tpu.dma_semaphore, #tpu.memory_space<semaphore_mem>>
      %dma_wait3A_422 = arith.constant 0 : i32
      %dma_wait3A_423 = arith.constant 0 : i32
      %dma_wait3A_424 = tpu.memref_slice %arg9[%dma_wait3A_411, %dma_wait3A_422, %dma_wait3A_423] : memref<8x128x16xf32, #tpu.memory_space<vmem>> -> memref<1x128x16xf32, #tpu.memory_space<vmem>>
      %dma_wait3A_425 = tpu.memref_squeeze %dma_wait3A_424 : memref<1x128x16xf32, #tpu.memory_space<vmem>> -> memref<128x16xf32, #tpu.memory_space<vmem>>
      %dma_wait3A_426 = arith.constant 0 : i32
      %dma_wait3A_427 = arith.constant 0 : i32
      %dma_wait3A_428 = tpu.memref_slice %arg2[%dma_wait3A_426, %dma_wait3A_427] : memref<10112x16xf32, #tpu.memory_space<hbm>> -> memref<128x16xf32, #tpu.memory_space<hbm>>
      tpu.wait_dma2 semaphore(%dma_wait3A_421 : memref<!tpu.dma_semaphore, #tpu.memory_space<semaphore_mem>>) src(%dma_wait3A_428 : memref<128x16xf32, #tpu.memory_space<hbm>>) dst(%dma_wait3A_425 : memref<128x16xf32, #tpu.memory_space<vmem>>)
      %add3A_429 = arith.constant 1 : i32
      %add3A_430 = arith.addi %add3A_140, %add3A_429 : i32
      %dma_start3A_431 = arith.constant 5 : i32
      %dma_start3A_432 = arith.constant 5 : i32
      %dma_start3A_433 = arith.constant 0 : i32
      %dma_start3A_434 = arith.constant 0 : i32
      %dma_start3A_435 = tpu.memref_slice %arg9[%dma_start3A_431, %dma_start3A_433, %dma_start3A_434] : memref<8x128x16xf32, #tpu.memory_space<vmem>> -> memref<1x128x16xf32, #tpu.memory_space<vmem>>
      %dma_start3A_436 = tpu.memref_squeeze %dma_start3A_435 : memref<1x128x16xf32, #tpu.memory_space<vmem>> -> memref<128x16xf32, #tpu.memory_space<vmem>>
      %dma_start3A_437 = arith.constant 0 : i32
      %dma_start3A_438 = tpu.memref_slice %arg8[%add3A_430, %dma_start3A_437] : memref<80x128xi32, #tpu.memory_space<vmem>> -> memref<1x128xi32, #tpu.memory_space<vmem>>
      %dma_start3A_439 = tpu.memref_squeeze %dma_start3A_438 : memref<1x128xi32, #tpu.memory_space<vmem>> -> memref<128xi32, #tpu.memory_space<vmem>>
      %dma_start3A_440 = arith.constant 0 : i32
      %dma_start3A_441 = arith.constant 0 : i32
      %dma_start3A_442 = tpu.memref_slice %arg10[%dma_start3A_440, %dma_start3A_441] : memref<10112x16xf32, #tpu.memory_space<vmem_shared>> -> memref<10112x16xf32, #tpu.memory_space<vmem_shared>>
      %dma_start3A_443 = tpu.memref_slice %arg12[%dma_start3A_432] : memref<8x!tpu.dma_semaphore, #tpu.memory_space<semaphore_mem>> -> memref<1x!tpu.dma_semaphore, #tpu.memory_space<semaphore_mem>>
      %dma_start3A_444 = tpu.memref_squeeze %dma_start3A_443 : memref<1x!tpu.dma_semaphore, #tpu.memory_space<semaphore_mem>> -> memref<!tpu.dma_semaphore, #tpu.memory_space<semaphore_mem>>
      tpu.enqueue_indirect_dma source(%dma_start3A_436 : memref<128x16xf32, #tpu.memory_space<vmem>>) target(%dma_start3A_442 : memref<10112x16xf32, #tpu.memory_space<vmem_shared>>) offsets(%dma_start3A_439 : memref<128xi32, #tpu.memory_space<vmem>>) semaphore(%dma_start3A_444 : memref<!tpu.dma_semaphore, #tpu.memory_space<semaphore_mem>>) {add = true}
      %dma_wait3A_445 = arith.constant 6 : i32
      %dma_wait3A_446 = arith.constant 6 : i32
      %dma_wait3A_447 = arith.constant 0 : i32
      %dma_wait3A_448 = arith.constant 0 : i32
      %dma_wait3A_449 = tpu.memref_slice %arg9[%dma_wait3A_445, %dma_wait3A_447, %dma_wait3A_448] : memref<8x128x16xf32, #tpu.memory_space<vmem>> -> memref<1x128x16xf32, #tpu.memory_space<vmem>>
      %dma_wait3A_450 = tpu.memref_squeeze %dma_wait3A_449 : memref<1x128x16xf32, #tpu.memory_space<vmem>> -> memref<128x16xf32, #tpu.memory_space<vmem>>
      %dma_wait3A_451 = arith.constant 0 : i32
      %dma_wait3A_452 = arith.constant 0 : i32
      %dma_wait3A_453 = tpu.memref_slice %arg2[%dma_wait3A_451, %dma_wait3A_452] : memref<10112x16xf32, #tpu.memory_space<hbm>> -> memref<128x16xf32, #tpu.memory_space<hbm>>
      %dma_wait3A_454 = tpu.memref_slice %arg11[%dma_wait3A_446] : memref<8x!tpu.dma_semaphore, #tpu.memory_space<semaphore_mem>> -> memref<1x!tpu.dma_semaphore, #tpu.memory_space<semaphore_mem>>
      %dma_wait3A_455 = tpu.memref_squeeze %dma_wait3A_454 : memref<1x!tpu.dma_semaphore, #tpu.memory_space<semaphore_mem>> -> memref<!tpu.dma_semaphore, #tpu.memory_space<semaphore_mem>>
      %dma_wait3A_456 = arith.constant 0 : i32
      %dma_wait3A_457 = arith.constant 0 : i32
      %dma_wait3A_458 = tpu.memref_slice %arg9[%dma_wait3A_445, %dma_wait3A_456, %dma_wait3A_457] : memref<8x128x16xf32, #tpu.memory_space<vmem>> -> memref<1x128x16xf32, #tpu.memory_space<vmem>>
      %dma_wait3A_459 = tpu.memref_squeeze %dma_wait3A_458 : memref<1x128x16xf32, #tpu.memory_space<vmem>> -> memref<128x16xf32, #tpu.memory_space<vmem>>
      %dma_wait3A_460 = arith.constant 0 : i32
      %dma_wait3A_461 = arith.constant 0 : i32
      %dma_wait3A_462 = tpu.memref_slice %arg2[%dma_wait3A_460, %dma_wait3A_461] : memref<10112x16xf32, #tpu.memory_space<hbm>> -> memref<128x16xf32, #tpu.memory_space<hbm>>
      tpu.wait_dma2 semaphore(%dma_wait3A_455 : memref<!tpu.dma_semaphore, #tpu.memory_space<semaphore_mem>>) src(%dma_wait3A_462 : memref<128x16xf32, #tpu.memory_space<hbm>>) dst(%dma_wait3A_459 : memref<128x16xf32, #tpu.memory_space<vmem>>)
      %add3A_463 = arith.constant 2 : i32
      %add3A_464 = arith.addi %add3A_140, %add3A_463 : i32
      %dma_start3A_465 = arith.constant 6 : i32
      %dma_start3A_466 = arith.constant 6 : i32
      %dma_start3A_467 = arith.constant 0 : i32
      %dma_start3A_468 = arith.constant 0 : i32
      %dma_start3A_469 = tpu.memref_slice %arg9[%dma_start3A_465, %dma_start3A_467, %dma_start3A_468] : memref<8x128x16xf32, #tpu.memory_space<vmem>> -> memref<1x128x16xf32, #tpu.memory_space<vmem>>
      %dma_start3A_470 = tpu.memref_squeeze %dma_start3A_469 : memref<1x128x16xf32, #tpu.memory_space<vmem>> -> memref<128x16xf32, #tpu.memory_space<vmem>>
      %dma_start3A_471 = arith.constant 0 : i32
      %dma_start3A_472 = tpu.memref_slice %arg8[%add3A_464, %dma_start3A_471] : memref<80x128xi32, #tpu.memory_space<vmem>> -> memref<1x128xi32, #tpu.memory_space<vmem>>
      %dma_start3A_473 = tpu.memref_squeeze %dma_start3A_472 : memref<1x128xi32, #tpu.memory_space<vmem>> -> memref<128xi32, #tpu.memory_space<vmem>>
      %dma_start3A_474 = arith.constant 0 : i32
      %dma_start3A_475 = arith.constant 0 : i32
      %dma_start3A_476 = tpu.memref_slice %arg10[%dma_start3A_474, %dma_start3A_475] : memref<10112x16xf32, #tpu.memory_space<vmem_shared>> -> memref<10112x16xf32, #tpu.memory_space<vmem_shared>>
      %dma_start3A_477 = tpu.memref_slice %arg12[%dma_start3A_466] : memref<8x!tpu.dma_semaphore, #tpu.memory_space<semaphore_mem>> -> memref<1x!tpu.dma_semaphore, #tpu.memory_space<semaphore_mem>>
      %dma_start3A_478 = tpu.memref_squeeze %dma_start3A_477 : memref<1x!tpu.dma_semaphore, #tpu.memory_space<semaphore_mem>> -> memref<!tpu.dma_semaphore, #tpu.memory_space<semaphore_mem>>
      tpu.enqueue_indirect_dma source(%dma_start3A_470 : memref<128x16xf32, #tpu.memory_space<vmem>>) target(%dma_start3A_476 : memref<10112x16xf32, #tpu.memory_space<vmem_shared>>) offsets(%dma_start3A_473 : memref<128xi32, #tpu.memory_space<vmem>>) semaphore(%dma_start3A_478 : memref<!tpu.dma_semaphore, #tpu.memory_space<semaphore_mem>>) {add = true}
      %dma_wait3A_479 = arith.constant 7 : i32
      %dma_wait3A_480 = arith.constant 7 : i32
      %dma_wait3A_481 = arith.constant 0 : i32
      %dma_wait3A_482 = arith.constant 0 : i32
      %dma_wait3A_483 = tpu.memref_slice %arg9[%dma_wait3A_479, %dma_wait3A_481, %dma_wait3A_482] : memref<8x128x16xf32, #tpu.memory_space<vmem>> -> memref<1x128x16xf32, #tpu.memory_space<vmem>>
      %dma_wait3A_484 = tpu.memref_squeeze %dma_wait3A_483 : memref<1x128x16xf32, #tpu.memory_space<vmem>> -> memref<128x16xf32, #tpu.memory_space<vmem>>
      %dma_wait3A_485 = arith.constant 0 : i32
      %dma_wait3A_486 = arith.constant 0 : i32
      %dma_wait3A_487 = tpu.memref_slice %arg2[%dma_wait3A_485, %dma_wait3A_486] : memref<10112x16xf32, #tpu.memory_space<hbm>> -> memref<128x16xf32, #tpu.memory_space<hbm>>
      %dma_wait3A_488 = tpu.memref_slice %arg11[%dma_wait3A_480] : memref<8x!tpu.dma_semaphore, #tpu.memory_space<semaphore_mem>> -> memref<1x!tpu.dma_semaphore, #tpu.memory_space<semaphore_mem>>
      %dma_wait3A_489 = tpu.memref_squeeze %dma_wait3A_488 : memref<1x!tpu.dma_semaphore, #tpu.memory_space<semaphore_mem>> -> memref<!tpu.dma_semaphore, #tpu.memory_space<semaphore_mem>>
      %dma_wait3A_490 = arith.constant 0 : i32
      %dma_wait3A_491 = arith.constant 0 : i32
      %dma_wait3A_492 = tpu.memref_slice %arg9[%dma_wait3A_479, %dma_wait3A_490, %dma_wait3A_491] : memref<8x128x16xf32, #tpu.memory_space<vmem>> -> memref<1x128x16xf32, #tpu.memory_space<vmem>>
      %dma_wait3A_493 = tpu.memref_squeeze %dma_wait3A_492 : memref<1x128x16xf32, #tpu.memory_space<vmem>> -> memref<128x16xf32, #tpu.memory_space<vmem>>
      %dma_wait3A_494 = arith.constant 0 : i32
      %dma_wait3A_495 = arith.constant 0 : i32
      %dma_wait3A_496 = tpu.memref_slice %arg2[%dma_wait3A_494, %dma_wait3A_495] : memref<10112x16xf32, #tpu.memory_space<hbm>> -> memref<128x16xf32, #tpu.memory_space<hbm>>
      tpu.wait_dma2 semaphore(%dma_wait3A_489 : memref<!tpu.dma_semaphore, #tpu.memory_space<semaphore_mem>>) src(%dma_wait3A_496 : memref<128x16xf32, #tpu.memory_space<hbm>>) dst(%dma_wait3A_493 : memref<128x16xf32, #tpu.memory_space<vmem>>)
      %add3A_497 = arith.constant 3 : i32
      %add3A_498 = arith.addi %add3A_140, %add3A_497 : i32
      %dma_start3A_499 = arith.constant 7 : i32
      %dma_start3A_500 = arith.constant 7 : i32
      %dma_start3A_501 = arith.constant 0 : i32
      %dma_start3A_502 = arith.constant 0 : i32
      %dma_start3A_503 = tpu.memref_slice %arg9[%dma_start3A_499, %dma_start3A_501, %dma_start3A_502] : memref<8x128x16xf32, #tpu.memory_space<vmem>> -> memref<1x128x16xf32, #tpu.memory_space<vmem>>
      %dma_start3A_504 = tpu.memref_squeeze %dma_start3A_503 : memref<1x128x16xf32, #tpu.memory_space<vmem>> -> memref<128x16xf32, #tpu.memory_space<vmem>>
      %dma_start3A_505 = arith.constant 0 : i32
      %dma_start3A_506 = tpu.memref_slice %arg8[%add3A_498, %dma_start3A_505] : memref<80x128xi32, #tpu.memory_space<vmem>> -> memref<1x128xi32, #tpu.memory_space<vmem>>
      %dma_start3A_507 = tpu.memref_squeeze %dma_start3A_506 : memref<1x128xi32, #tpu.memory_space<vmem>> -> memref<128xi32, #tpu.memory_space<vmem>>
      %dma_start3A_508 = arith.constant 0 : i32
      %dma_start3A_509 = arith.constant 0 : i32
      %dma_start3A_510 = tpu.memref_slice %arg10[%dma_start3A_508, %dma_start3A_509] : memref<10112x16xf32, #tpu.memory_space<vmem_shared>> -> memref<10112x16xf32, #tpu.memory_space<vmem_shared>>
      %dma_start3A_511 = tpu.memref_slice %arg12[%dma_start3A_500] : memref<8x!tpu.dma_semaphore, #tpu.memory_space<semaphore_mem>> -> memref<1x!tpu.dma_semaphore, #tpu.memory_space<semaphore_mem>>
      %dma_start3A_512 = tpu.memref_squeeze %dma_start3A_511 : memref<1x!tpu.dma_semaphore, #tpu.memory_space<semaphore_mem>> -> memref<!tpu.dma_semaphore, #tpu.memory_space<semaphore_mem>>
      tpu.enqueue_indirect_dma source(%dma_start3A_504 : memref<128x16xf32, #tpu.memory_space<vmem>>) target(%dma_start3A_510 : memref<10112x16xf32, #tpu.memory_space<vmem_shared>>) offsets(%dma_start3A_507 : memref<128xi32, #tpu.memory_space<vmem>>) semaphore(%dma_start3A_512 : memref<!tpu.dma_semaphore, #tpu.memory_space<semaphore_mem>>) {add = true}
      %dma_wait3A_513 = arith.constant 4 : i32
      %dma_wait3A_514 = arith.constant 4 : i32
      %dma_wait3A_515 = arith.constant 0 : i32
      %dma_wait3A_516 = arith.constant 0 : i32
      %dma_wait3A_517 = tpu.memref_slice %arg9[%dma_wait3A_513, %dma_wait3A_515, %dma_wait3A_516] : memref<8x128x16xf32, #tpu.memory_space<vmem>> -> memref<1x128x16xf32, #tpu.memory_space<vmem>>
      %dma_wait3A_518 = tpu.memref_squeeze %dma_wait3A_517 : memref<1x128x16xf32, #tpu.memory_space<vmem>> -> memref<128x16xf32, #tpu.memory_space<vmem>>
      %dma_wait3A_519 = arith.constant 0 : i32
      %dma_wait3A_520 = arith.constant 0 : i32
      %dma_wait3A_521 = tpu.memref_slice %arg2[%dma_wait3A_519, %dma_wait3A_520] : memref<10112x16xf32, #tpu.memory_space<hbm>> -> memref<128x16xf32, #tpu.memory_space<hbm>>
      %dma_wait3A_522 = tpu.memref_slice %arg12[%dma_wait3A_514] : memref<8x!tpu.dma_semaphore, #tpu.memory_space<semaphore_mem>> -> memref<1x!tpu.dma_semaphore, #tpu.memory_space<semaphore_mem>>
      %dma_wait3A_523 = tpu.memref_squeeze %dma_wait3A_522 : memref<1x!tpu.dma_semaphore, #tpu.memory_space<semaphore_mem>> -> memref<!tpu.dma_semaphore, #tpu.memory_space<semaphore_mem>>
      %dma_wait3A_524 = arith.constant 0 : i32
      %dma_wait3A_525 = arith.constant 0 : i32
      %dma_wait3A_526 = tpu.memref_slice %arg9[%dma_wait3A_513, %dma_wait3A_524, %dma_wait3A_525] : memref<8x128x16xf32, #tpu.memory_space<vmem>> -> memref<1x128x16xf32, #tpu.memory_space<vmem>>
      %dma_wait3A_527 = tpu.memref_squeeze %dma_wait3A_526 : memref<1x128x16xf32, #tpu.memory_space<vmem>> -> memref<128x16xf32, #tpu.memory_space<vmem>>
      %dma_wait3A_528 = arith.constant 0 : i32
      %dma_wait3A_529 = arith.constant 0 : i32
      %dma_wait3A_530 = tpu.memref_slice %arg2[%dma_wait3A_528, %dma_wait3A_529] : memref<10112x16xf32, #tpu.memory_space<hbm>> -> memref<128x16xf32, #tpu.memory_space<hbm>>
      tpu.wait_dma2 semaphore(%dma_wait3A_523 : memref<!tpu.dma_semaphore, #tpu.memory_space<semaphore_mem>>) src(%dma_wait3A_530 : memref<128x16xf32, #tpu.memory_space<hbm>>) dst(%dma_wait3A_527 : memref<128x16xf32, #tpu.memory_space<vmem>>)
      %add3A_531 = arith.constant 0 : i32
      %add3A_532 = arith.addi %add3A_144, %add3A_531 : i32
      %lt3A_533 = arith.constant 80 : i32
      %lt3A_534 = arith.cmpi slt, %add3A_532, %lt3A_533 : i32
      %convert_element_type3A_535 = arith.extui %lt3A_534 : i1 to i32
      %cond3A_536 = arith.constant 0 : i32
      %cond3A_537 = arith.cmpi ne, %convert_element_type3A_535, %cond3A_536 : i32
      scf.if %cond3A_537 {
        %add3A_613 = arith.constant 0 : i32
        %add3A_614 = arith.addi %add3A_144, %add3A_613 : i32
        %dma_start3A_615 = arith.constant 4 : i32
        %dma_start3A_616 = arith.constant 4 : i32
        %dma_start3A_617 = arith.constant 0 : i32
        %dma_start3A_618 = arith.constant 0 : i32
        %dma_start3A_619 = tpu.memref_slice %arg9[%dma_start3A_615, %dma_start3A_617, %dma_start3A_618] : memref<8x128x16xf32, #tpu.memory_space<vmem>> -> memref<1x128x16xf32, #tpu.memory_space<vmem>>
        %dma_start3A_620 = tpu.memref_squeeze %dma_start3A_619 : memref<1x128x16xf32, #tpu.memory_space<vmem>> -> memref<128x16xf32, #tpu.memory_space<vmem>>
        %dma_start3A_621 = arith.constant 0 : i32
        %dma_start3A_622 = tpu.memref_slice %arg7[%add3A_614, %dma_start3A_621] : memref<80x128xi32, #tpu.memory_space<vmem>> -> memref<1x128xi32, #tpu.memory_space<vmem>>
        %dma_start3A_623 = tpu.memref_squeeze %dma_start3A_622 : memref<1x128xi32, #tpu.memory_space<vmem>> -> memref<128xi32, #tpu.memory_space<vmem>>
        %dma_start3A_624 = arith.constant 0 : i32
        %dma_start3A_625 = arith.constant 0 : i32
        %dma_start3A_626 = tpu.memref_slice %arg2[%dma_start3A_624, %dma_start3A_625] : memref<10112x16xf32, #tpu.memory_space<hbm>> -> memref<10112x16xf32, #tpu.memory_space<hbm>>
        %dma_start3A_627 = tpu.memref_slice %arg11[%dma_start3A_616] : memref<8x!tpu.dma_semaphore, #tpu.memory_space<semaphore_mem>> -> memref<1x!tpu.dma_semaphore, #tpu.memory_space<semaphore_mem>>
        %dma_start3A_628 = tpu.memref_squeeze %dma_start3A_627 : memref<1x!tpu.dma_semaphore, #tpu.memory_space<semaphore_mem>> -> memref<!tpu.dma_semaphore, #tpu.memory_space<semaphore_mem>>
        tpu.enqueue_indirect_dma source(%dma_start3A_626 : memref<10112x16xf32, #tpu.memory_space<hbm>>) target(%dma_start3A_620 : memref<128x16xf32, #tpu.memory_space<vmem>>) offsets(%dma_start3A_623 : memref<128xi32, #tpu.memory_space<vmem>>) semaphore(%dma_start3A_628 : memref<!tpu.dma_semaphore, #tpu.memory_space<semaphore_mem>>)
      } else {
      }
      %dma_wait3A_538 = arith.constant 5 : i32
      %dma_wait3A_539 = arith.constant 5 : i32
      %dma_wait3A_540 = arith.constant 0 : i32
      %dma_wait3A_541 = arith.constant 0 : i32
      %dma_wait3A_542 = tpu.memref_slice %arg9[%dma_wait3A_538, %dma_wait3A_540, %dma_wait3A_541] : memref<8x128x16xf32, #tpu.memory_space<vmem>> -> memref<1x128x16xf32, #tpu.memory_space<vmem>>
      %dma_wait3A_543 = tpu.memref_squeeze %dma_wait3A_542 : memref<1x128x16xf32, #tpu.memory_space<vmem>> -> memref<128x16xf32, #tpu.memory_space<vmem>>
      %dma_wait3A_544 = arith.constant 0 : i32
      %dma_wait3A_545 = arith.constant 0 : i32
      %dma_wait3A_546 = tpu.memref_slice %arg2[%dma_wait3A_544, %dma_wait3A_545] : memref<10112x16xf32, #tpu.memory_space<hbm>> -> memref<128x16xf32, #tpu.memory_space<hbm>>
      %dma_wait3A_547 = tpu.memref_slice %arg12[%dma_wait3A_539] : memref<8x!tpu.dma_semaphore, #tpu.memory_space<semaphore_mem>> -> memref<1x!tpu.dma_semaphore, #tpu.memory_space<semaphore_mem>>
      %dma_wait3A_548 = tpu.memref_squeeze %dma_wait3A_547 : memref<1x!tpu.dma_semaphore, #tpu.memory_space<semaphore_mem>> -> memref<!tpu.dma_semaphore, #tpu.memory_space<semaphore_mem>>
      %dma_wait3A_549 = arith.constant 0 : i32
      %dma_wait3A_550 = arith.constant 0 : i32
      %dma_wait3A_551 = tpu.memref_slice %arg9[%dma_wait3A_538, %dma_wait3A_549, %dma_wait3A_550] : memref<8x128x16xf32, #tpu.memory_space<vmem>> -> memref<1x128x16xf32, #tpu.memory_space<vmem>>
      %dma_wait3A_552 = tpu.memref_squeeze %dma_wait3A_551 : memref<1x128x16xf32, #tpu.memory_space<vmem>> -> memref<128x16xf32, #tpu.memory_space<vmem>>
      %dma_wait3A_553 = arith.constant 0 : i32
      %dma_wait3A_554 = arith.constant 0 : i32
      %dma_wait3A_555 = tpu.memref_slice %arg2[%dma_wait3A_553, %dma_wait3A_554] : memref<10112x16xf32, #tpu.memory_space<hbm>> -> memref<128x16xf32, #tpu.memory_space<hbm>>
      tpu.wait_dma2 semaphore(%dma_wait3A_548 : memref<!tpu.dma_semaphore, #tpu.memory_space<semaphore_mem>>) src(%dma_wait3A_555 : memref<128x16xf32, #tpu.memory_space<hbm>>) dst(%dma_wait3A_552 : memref<128x16xf32, #tpu.memory_space<vmem>>)
      %add3A_556 = arith.constant 1 : i32
      %add3A_557 = arith.addi %add3A_144, %add3A_556 : i32
      %lt3A_558 = arith.constant 80 : i32
      %lt3A_559 = arith.cmpi slt, %add3A_557, %lt3A_558 : i32
      %convert_element_type3A_560 = arith.extui %lt3A_559 : i1 to i32
      %cond3A_561 = arith.constant 0 : i32
      %cond3A_562 = arith.cmpi ne, %convert_element_type3A_560, %cond3A_561 : i32
      scf.if %cond3A_562 {
        %add3A_613 = arith.constant 1 : i32
        %add3A_614 = arith.addi %add3A_144, %add3A_613 : i32
        %dma_start3A_615 = arith.constant 5 : i32
        %dma_start3A_616 = arith.constant 5 : i32
        %dma_start3A_617 = arith.constant 0 : i32
        %dma_start3A_618 = arith.constant 0 : i32
        %dma_start3A_619 = tpu.memref_slice %arg9[%dma_start3A_615, %dma_start3A_617, %dma_start3A_618] : memref<8x128x16xf32, #tpu.memory_space<vmem>> -> memref<1x128x16xf32, #tpu.memory_space<vmem>>
        %dma_start3A_620 = tpu.memref_squeeze %dma_start3A_619 : memref<1x128x16xf32, #tpu.memory_space<vmem>> -> memref<128x16xf32, #tpu.memory_space<vmem>>
        %dma_start3A_621 = arith.constant 0 : i32
        %dma_start3A_622 = tpu.memref_slice %arg7[%add3A_614, %dma_start3A_621] : memref<80x128xi32, #tpu.memory_space<vmem>> -> memref<1x128xi32, #tpu.memory_space<vmem>>
        %dma_start3A_623 = tpu.memref_squeeze %dma_start3A_622 : memref<1x128xi32, #tpu.memory_space<vmem>> -> memref<128xi32, #tpu.memory_space<vmem>>
        %dma_start3A_624 = arith.constant 0 : i32
        %dma_start3A_625 = arith.constant 0 : i32
        %dma_start3A_626 = tpu.memref_slice %arg2[%dma_start3A_624, %dma_start3A_625] : memref<10112x16xf32, #tpu.memory_space<hbm>> -> memref<10112x16xf32, #tpu.memory_space<hbm>>
        %dma_start3A_627 = tpu.memref_slice %arg11[%dma_start3A_616] : memref<8x!tpu.dma_semaphore, #tpu.memory_space<semaphore_mem>> -> memref<1x!tpu.dma_semaphore, #tpu.memory_space<semaphore_mem>>
        %dma_start3A_628 = tpu.memref_squeeze %dma_start3A_627 : memref<1x!tpu.dma_semaphore, #tpu.memory_space<semaphore_mem>> -> memref<!tpu.dma_semaphore, #tpu.memory_space<semaphore_mem>>
        tpu.enqueue_indirect_dma source(%dma_start3A_626 : memref<10112x16xf32, #tpu.memory_space<hbm>>) target(%dma_start3A_620 : memref<128x16xf32, #tpu.memory_space<vmem>>) offsets(%dma_start3A_623 : memref<128xi32, #tpu.memory_space<vmem>>) semaphore(%dma_start3A_628 : memref<!tpu.dma_semaphore, #tpu.memory_space<semaphore_mem>>)
      } else {
      }
      %dma_wait3A_563 = arith.constant 6 : i32
      %dma_wait3A_564 = arith.constant 6 : i32
      %dma_wait3A_565 = arith.constant 0 : i32
      %dma_wait3A_566 = arith.constant 0 : i32
      %dma_wait3A_567 = tpu.memref_slice %arg9[%dma_wait3A_563, %dma_wait3A_565, %dma_wait3A_566] : memref<8x128x16xf32, #tpu.memory_space<vmem>> -> memref<1x128x16xf32, #tpu.memory_space<vmem>>
      %dma_wait3A_568 = tpu.memref_squeeze %dma_wait3A_567 : memref<1x128x16xf32, #tpu.memory_space<vmem>> -> memref<128x16xf32, #tpu.memory_space<vmem>>
      %dma_wait3A_569 = arith.constant 0 : i32
      %dma_wait3A_570 = arith.constant 0 : i32
      %dma_wait3A_571 = tpu.memref_slice %arg2[%dma_wait3A_569, %dma_wait3A_570] : memref<10112x16xf32, #tpu.memory_space<hbm>> -> memref<128x16xf32, #tpu.memory_space<hbm>>
      %dma_wait3A_572 = tpu.memref_slice %arg12[%dma_wait3A_564] : memref<8x!tpu.dma_semaphore, #tpu.memory_space<semaphore_mem>> -> memref<1x!tpu.dma_semaphore, #tpu.memory_space<semaphore_mem>>
      %dma_wait3A_573 = tpu.memref_squeeze %dma_wait3A_572 : memref<1x!tpu.dma_semaphore, #tpu.memory_space<semaphore_mem>> -> memref<!tpu.dma_semaphore, #tpu.memory_space<semaphore_mem>>
      %dma_wait3A_574 = arith.constant 0 : i32
      %dma_wait3A_575 = arith.constant 0 : i32
      %dma_wait3A_576 = tpu.memref_slice %arg9[%dma_wait3A_563, %dma_wait3A_574, %dma_wait3A_575] : memref<8x128x16xf32, #tpu.memory_space<vmem>> -> memref<1x128x16xf32, #tpu.memory_space<vmem>>
      %dma_wait3A_577 = tpu.memref_squeeze %dma_wait3A_576 : memref<1x128x16xf32, #tpu.memory_space<vmem>> -> memref<128x16xf32, #tpu.memory_space<vmem>>
      %dma_wait3A_578 = arith.constant 0 : i32
      %dma_wait3A_579 = arith.constant 0 : i32
      %dma_wait3A_580 = tpu.memref_slice %arg2[%dma_wait3A_578, %dma_wait3A_579] : memref<10112x16xf32, #tpu.memory_space<hbm>> -> memref<128x16xf32, #tpu.memory_space<hbm>>
      tpu.wait_dma2 semaphore(%dma_wait3A_573 : memref<!tpu.dma_semaphore, #tpu.memory_space<semaphore_mem>>) src(%dma_wait3A_580 : memref<128x16xf32, #tpu.memory_space<hbm>>) dst(%dma_wait3A_577 : memref<128x16xf32, #tpu.memory_space<vmem>>)
      %add3A_581 = arith.constant 2 : i32
      %add3A_582 = arith.addi %add3A_144, %add3A_581 : i32
      %lt3A_583 = arith.constant 80 : i32
      %lt3A_584 = arith.cmpi slt, %add3A_582, %lt3A_583 : i32
      %convert_element_type3A_585 = arith.extui %lt3A_584 : i1 to i32
      %cond3A_586 = arith.constant 0 : i32
      %cond3A_587 = arith.cmpi ne, %convert_element_type3A_585, %cond3A_586 : i32
      scf.if %cond3A_587 {
        %add3A_613 = arith.constant 2 : i32
        %add3A_614 = arith.addi %add3A_144, %add3A_613 : i32
        %dma_start3A_615 = arith.constant 6 : i32
        %dma_start3A_616 = arith.constant 6 : i32
        %dma_start3A_617 = arith.constant 0 : i32
        %dma_start3A_618 = arith.constant 0 : i32
        %dma_start3A_619 = tpu.memref_slice %arg9[%dma_start3A_615, %dma_start3A_617, %dma_start3A_618] : memref<8x128x16xf32, #tpu.memory_space<vmem>> -> memref<1x128x16xf32, #tpu.memory_space<vmem>>
        %dma_start3A_620 = tpu.memref_squeeze %dma_start3A_619 : memref<1x128x16xf32, #tpu.memory_space<vmem>> -> memref<128x16xf32, #tpu.memory_space<vmem>>
        %dma_start3A_621 = arith.constant 0 : i32
        %dma_start3A_622 = tpu.memref_slice %arg7[%add3A_614, %dma_start3A_621] : memref<80x128xi32, #tpu.memory_space<vmem>> -> memref<1x128xi32, #tpu.memory_space<vmem>>
        %dma_start3A_623 = tpu.memref_squeeze %dma_start3A_622 : memref<1x128xi32, #tpu.memory_space<vmem>> -> memref<128xi32, #tpu.memory_space<vmem>>
        %dma_start3A_624 = arith.constant 0 : i32
        %dma_start3A_625 = arith.constant 0 : i32
        %dma_start3A_626 = tpu.memref_slice %arg2[%dma_start3A_624, %dma_start3A_625] : memref<10112x16xf32, #tpu.memory_space<hbm>> -> memref<10112x16xf32, #tpu.memory_space<hbm>>
        %dma_start3A_627 = tpu.memref_slice %arg11[%dma_start3A_616] : memref<8x!tpu.dma_semaphore, #tpu.memory_space<semaphore_mem>> -> memref<1x!tpu.dma_semaphore, #tpu.memory_space<semaphore_mem>>
        %dma_start3A_628 = tpu.memref_squeeze %dma_start3A_627 : memref<1x!tpu.dma_semaphore, #tpu.memory_space<semaphore_mem>> -> memref<!tpu.dma_semaphore, #tpu.memory_space<semaphore_mem>>
        tpu.enqueue_indirect_dma source(%dma_start3A_626 : memref<10112x16xf32, #tpu.memory_space<hbm>>) target(%dma_start3A_620 : memref<128x16xf32, #tpu.memory_space<vmem>>) offsets(%dma_start3A_623 : memref<128xi32, #tpu.memory_space<vmem>>) semaphore(%dma_start3A_628 : memref<!tpu.dma_semaphore, #tpu.memory_space<semaphore_mem>>)
      } else {
      }
      %dma_wait3A_588 = arith.constant 7 : i32
      %dma_wait3A_589 = arith.constant 7 : i32
      %dma_wait3A_590 = arith.constant 0 : i32
      %dma_wait3A_591 = arith.constant 0 : i32
      %dma_wait3A_592 = tpu.memref_slice %arg9[%dma_wait3A_588, %dma_wait3A_590, %dma_wait3A_591] : memref<8x128x16xf32, #tpu.memory_space<vmem>> -> memref<1x128x16xf32, #tpu.memory_space<vmem>>
      %dma_wait3A_593 = tpu.memref_squeeze %dma_wait3A_592 : memref<1x128x16xf32, #tpu.memory_space<vmem>> -> memref<128x16xf32, #tpu.memory_space<vmem>>
      %dma_wait3A_594 = arith.constant 0 : i32
      %dma_wait3A_595 = arith.constant 0 : i32
      %dma_wait3A_596 = tpu.memref_slice %arg2[%dma_wait3A_594, %dma_wait3A_595] : memref<10112x16xf32, #tpu.memory_space<hbm>> -> memref<128x16xf32, #tpu.memory_space<hbm>>
      %dma_wait3A_597 = tpu.memref_slice %arg12[%dma_wait3A_589] : memref<8x!tpu.dma_semaphore, #tpu.memory_space<semaphore_mem>> -> memref<1x!tpu.dma_semaphore, #tpu.memory_space<semaphore_mem>>
      %dma_wait3A_598 = tpu.memref_squeeze %dma_wait3A_597 : memref<1x!tpu.dma_semaphore, #tpu.memory_space<semaphore_mem>> -> memref<!tpu.dma_semaphore, #tpu.memory_space<semaphore_mem>>
      %dma_wait3A_599 = arith.constant 0 : i32
      %dma_wait3A_600 = arith.constant 0 : i32
      %dma_wait3A_601 = tpu.memref_slice %arg9[%dma_wait3A_588, %dma_wait3A_599, %dma_wait3A_600] : memref<8x128x16xf32, #tpu.memory_space<vmem>> -> memref<1x128x16xf32, #tpu.memory_space<vmem>>
      %dma_wait3A_602 = tpu.memref_squeeze %dma_wait3A_601 : memref<1x128x16xf32, #tpu.memory_space<vmem>> -> memref<128x16xf32, #tpu.memory_space<vmem>>
      %dma_wait3A_603 = arith.constant 0 : i32
      %dma_wait3A_604 = arith.constant 0 : i32
      %dma_wait3A_605 = tpu.memref_slice %arg2[%dma_wait3A_603, %dma_wait3A_604] : memref<10112x16xf32, #tpu.memory_space<hbm>> -> memref<128x16xf32, #tpu.memory_space<hbm>>
      tpu.wait_dma2 semaphore(%dma_wait3A_598 : memref<!tpu.dma_semaphore, #tpu.memory_space<semaphore_mem>>) src(%dma_wait3A_605 : memref<128x16xf32, #tpu.memory_space<hbm>>) dst(%dma_wait3A_602 : memref<128x16xf32, #tpu.memory_space<vmem>>)
      %add3A_606 = arith.constant 3 : i32
      %add3A_607 = arith.addi %add3A_144, %add3A_606 : i32
      %lt3A_608 = arith.constant 80 : i32
      %lt3A_609 = arith.cmpi slt, %add3A_607, %lt3A_608 : i32
      %convert_element_type3A_610 = arith.extui %lt3A_609 : i1 to i32
      %cond3A_611 = arith.constant 0 : i32
      %cond3A_612 = arith.cmpi ne, %convert_element_type3A_610, %cond3A_611 : i32
      scf.if %cond3A_612 {
        %add3A_613 = arith.constant 3 : i32
        %add3A_614 = arith.addi %add3A_144, %add3A_613 : i32
        %dma_start3A_615 = arith.constant 7 : i32
        %dma_start3A_616 = arith.constant 7 : i32
        %dma_start3A_617 = arith.constant 0 : i32
        %dma_start3A_618 = arith.constant 0 : i32
        %dma_start3A_619 = tpu.memref_slice %arg9[%dma_start3A_615, %dma_start3A_617, %dma_start3A_618] : memref<8x128x16xf32, #tpu.memory_space<vmem>> -> memref<1x128x16xf32, #tpu.memory_space<vmem>>
        %dma_start3A_620 = tpu.memref_squeeze %dma_start3A_619 : memref<1x128x16xf32, #tpu.memory_space<vmem>> -> memref<128x16xf32, #tpu.memory_space<vmem>>
        %dma_start3A_621 = arith.constant 0 : i32
        %dma_start3A_622 = tpu.memref_slice %arg7[%add3A_614, %dma_start3A_621] : memref<80x128xi32, #tpu.memory_space<vmem>> -> memref<1x128xi32, #tpu.memory_space<vmem>>
        %dma_start3A_623 = tpu.memref_squeeze %dma_start3A_622 : memref<1x128xi32, #tpu.memory_space<vmem>> -> memref<128xi32, #tpu.memory_space<vmem>>
        %dma_start3A_624 = arith.constant 0 : i32
        %dma_start3A_625 = arith.constant 0 : i32
        %dma_start3A_626 = tpu.memref_slice %arg2[%dma_start3A_624, %dma_start3A_625] : memref<10112x16xf32, #tpu.memory_space<hbm>> -> memref<10112x16xf32, #tpu.memory_space<hbm>>
        %dma_start3A_627 = tpu.memref_slice %arg11[%dma_start3A_616] : memref<8x!tpu.dma_semaphore, #tpu.memory_space<semaphore_mem>> -> memref<1x!tpu.dma_semaphore, #tpu.memory_space<semaphore_mem>>
        %dma_start3A_628 = tpu.memref_squeeze %dma_start3A_627 : memref<1x!tpu.dma_semaphore, #tpu.memory_space<semaphore_mem>> -> memref<!tpu.dma_semaphore, #tpu.memory_space<semaphore_mem>>
        tpu.enqueue_indirect_dma source(%dma_start3A_626 : memref<10112x16xf32, #tpu.memory_space<hbm>>) target(%dma_start3A_620 : memref<128x16xf32, #tpu.memory_space<vmem>>) offsets(%dma_start3A_623 : memref<128xi32, #tpu.memory_space<vmem>>) semaphore(%dma_start3A_628 : memref<!tpu.dma_semaphore, #tpu.memory_space<semaphore_mem>>)
      } else {
      }
    }
    %scan3A_128 = arith.constant 10 : i32
    %barrier3A_129 = arith.constant 0 : index
    tpu.barrier barrier_id(%barrier3A_129)
    %mul3A_130 = arith.constant 632 : i32
    %mul3A_131 = arith.muli %arg1, %mul3A_130 : i32
    %mul3A_132 = arith.constant 632 : i32
    %mul3A_133 = arith.muli %arg1, %mul3A_132 : i32
    "tpu.region"() ({
      %run_scoped3A = tpu.sem_alloc : memref<!tpu.dma_semaphore, #tpu.memory_space<semaphore_mem>>
      %dma_start3A_134 = arith.constant 0 : i32
      %dma_start3A_135 = arith.constant 0 : i32
      %dma_start3A_136 = tpu.memref_slice %arg6[%arg0, %dma_start3A_134, %dma_start3A_135] : memref<2x10112x16xf32, #tpu.memory_space<hbm>> -> memref<1x10112x16xf32, #tpu.memory_space<hbm>>
      %dma_start3A_137 = tpu.memref_squeeze %dma_start3A_136 : memref<1x10112x16xf32, #tpu.memory_space<hbm>> -> memref<10112x16xf32, #tpu.memory_space<hbm>>
      %dma_start3A_138 = arith.constant 0 : i32
      %dma_start3A_139 = tpu.memref_slice %dma_start3A_137[%mul3A_133, %dma_start3A_138] : memref<10112x16xf32, #tpu.memory_space<hbm>> -> memref<632x16xf32, #tpu.memory_space<hbm>>
      %dma_start3A_140 = arith.constant 0 : i32
      %dma_start3A_141 = tpu.memref_slice %arg10[%mul3A_131, %dma_start3A_140] : memref<10112x16xf32, #tpu.memory_space<vmem_shared>> -> memref<632x16xf32, #tpu.memory_space<vmem_shared>>
      tpu.enqueue_dma source(%dma_start3A_141 : memref<632x16xf32, #tpu.memory_space<vmem_shared>>) target(%dma_start3A_139 : memref<632x16xf32, #tpu.memory_space<hbm>>) target_semaphore(%run_scoped3A : memref<!tpu.dma_semaphore, #tpu.memory_space<semaphore_mem>>)
      %dma_wait3A = arith.constant 0 : i32
      %dma_wait3A_142 = arith.constant 0 : i32
      %dma_wait3A_143 = tpu.memref_slice %arg6[%arg0, %dma_wait3A, %dma_wait3A_142] : memref<2x10112x16xf32, #tpu.memory_space<hbm>> -> memref<1x10112x16xf32, #tpu.memory_space<hbm>>
      %dma_wait3A_144 = tpu.memref_squeeze %dma_wait3A_143 : memref<1x10112x16xf32, #tpu.memory_space<hbm>> -> memref<10112x16xf32, #tpu.memory_space<hbm>>
      %dma_wait3A_145 = arith.constant 0 : i32
      %dma_wait3A_146 = tpu.memref_slice %dma_wait3A_144[%mul3A_133, %dma_wait3A_145] : memref<10112x16xf32, #tpu.memory_space<hbm>> -> memref<632x16xf32, #tpu.memory_space<hbm>>
      %dma_wait3A_147 = arith.constant 0 : i32
      %dma_wait3A_148 = tpu.memref_slice %arg10[%mul3A_131, %dma_wait3A_147] : memref<10112x16xf32, #tpu.memory_space<vmem_shared>> -> memref<632x16xf32, #tpu.memory_space<vmem_shared>>
      tpu.wait_dma2 semaphore(%run_scoped3A : memref<!tpu.dma_semaphore, #tpu.memory_space<semaphore_mem>>) src(%dma_wait3A_148 : memref<632x16xf32, #tpu.memory_space<vmem_shared>>) dst(%dma_wait3A_146 : memref<632x16xf32, #tpu.memory_space<hbm>>)
      tpu.yield
    }) : () -> ()
    return
  }
}

#map = affine_map<(d0, d1) -> (0, 0)>
#map1 = affine_map<(d0, d1) -> (0, 0, 0)>
module attributes {stable_mosaic.version = 14 : i64} {
  func.func @edge_pass(%arg0: i32, %arg1: i32, %arg2: memref<10112x16xf32, #tpu.memory_space<hbm>>, %arg3: memref<10112x16xf32, #tpu.memory_space<hbm>>, %arg4: memref<32x80x128xi32, #tpu.memory_space<hbm>>, %arg5: memref<32x80x128xi32, #tpu.memory_space<hbm>>, %arg6: memref<2x10112x16xf32, #tpu.memory_space<hbm>>, %arg7: memref<80x128xi32, #tpu.memory_space<vmem>>, %arg8: memref<80x128xi32, #tpu.memory_space<vmem>>, %arg9: memref<8x128x16xf32, #tpu.memory_space<vmem>>, %arg10: memref<10112x16xf32, #tpu.memory_space<vmem_shared>>, %arg11: memref<8x!tpu.dma_semaphore, #tpu.memory_space<semaphore_mem>>, %arg12: memref<8x!tpu.dma_semaphore, #tpu.memory_space<semaphore_mem>>) attributes {dimension_semantics = [#tpu.dimension_semantics<core_parallel>, #tpu.dimension_semantics<subcore_parallel>], iteration_bounds = array<i64: 2, 16>, scalar_prefetch = 0 : i64, scratch_operands = 6 : i64, tpu.core_type = #tpu.core_type<sc_vector_subcore>, window_params = [{transform_indices = #map}, {transform_indices = #map}, {transform_indices = #map1}, {transform_indices = #map1}, {transform_indices = #map1}]} {
    %mul3A = arith.constant 2 : i32
    %mul3A_0 = arith.muli %arg1, %mul3A : i32
    %add3A = arith.addi %mul3A_0, %arg0 : i32
    %mul3A_1 = arith.constant 632 : i32
    %mul3A_2 = arith.muli %arg1, %mul3A_1 : i32
    %mul3A_3 = arith.constant 632 : i32
    %mul3A_4 = arith.muli %arg1, %mul3A_3 : i32
    "tpu.region"() ({
      %run_scoped3A = tpu.sem_alloc : memref<!tpu.dma_semaphore, #tpu.memory_space<semaphore_mem>>
      %dma_start3A_134 = arith.constant 0 : i32
      %dma_start3A_135 = tpu.memref_slice %arg10[%mul3A_4, %dma_start3A_134] : memref<10112x16xf32, #tpu.memory_space<vmem_shared>> -> memref<632x16xf32, #tpu.memory_space<vmem_shared>>
      %dma_start3A_136 = arith.constant 0 : i32
      %dma_start3A_137 = tpu.memref_slice %arg3[%mul3A_2, %dma_start3A_136] : memref<10112x16xf32, #tpu.memory_space<hbm>> -> memref<632x16xf32, #tpu.memory_space<hbm>>
      tpu.enqueue_dma source(%dma_start3A_137 : memref<632x16xf32, #tpu.memory_space<hbm>>) target(%dma_start3A_135 : memref<632x16xf32, #tpu.memory_space<vmem_shared>>) target_semaphore(%run_scoped3A : memref<!tpu.dma_semaphore, #tpu.memory_space<semaphore_mem>>)
      %dma_wait3A = arith.constant 0 : i32
      %dma_wait3A_138 = tpu.memref_slice %arg10[%mul3A_4, %dma_wait3A] : memref<10112x16xf32, #tpu.memory_space<vmem_shared>> -> memref<632x16xf32, #tpu.memory_space<vmem_shared>>
      %dma_wait3A_139 = arith.constant 0 : i32
      %dma_wait3A_140 = tpu.memref_slice %arg3[%mul3A_2, %dma_wait3A_139] : memref<10112x16xf32, #tpu.memory_space<hbm>> -> memref<632x16xf32, #tpu.memory_space<hbm>>
      tpu.wait_dma2 semaphore(%run_scoped3A : memref<!tpu.dma_semaphore, #tpu.memory_space<semaphore_mem>>) src(%dma_wait3A_140 : memref<632x16xf32, #tpu.memory_space<hbm>>) dst(%dma_wait3A_138 : memref<632x16xf32, #tpu.memory_space<vmem_shared>>)
      tpu.yield
    }) : () -> ()
    "tpu.region"() ({
      %run_scoped3A = tpu.sem_alloc : memref<!tpu.dma_semaphore, #tpu.memory_space<semaphore_mem>>
      %dma_start3A_134 = arith.constant 0 : i32
      %dma_start3A_135 = arith.constant 0 : i32
      %dma_start3A_136 = tpu.memref_slice %arg4[%add3A, %dma_start3A_134, %dma_start3A_135] : memref<32x80x128xi32, #tpu.memory_space<hbm>> -> memref<1x80x128xi32, #tpu.memory_space<hbm>>
      %dma_start3A_137 = tpu.memref_squeeze %dma_start3A_136 : memref<1x80x128xi32, #tpu.memory_space<hbm>> -> memref<80x128xi32, #tpu.memory_space<hbm>>
      %dma_start3A_138 = arith.constant 0 : i32
      %dma_start3A_139 = arith.constant 0 : i32
      %dma_start3A_140 = tpu.memref_slice %arg4[%add3A, %dma_start3A_138, %dma_start3A_139] : memref<32x80x128xi32, #tpu.memory_space<hbm>> -> memref<1x80x128xi32, #tpu.memory_space<hbm>>
      %dma_start3A_141 = tpu.memref_squeeze %dma_start3A_140 : memref<1x80x128xi32, #tpu.memory_space<hbm>> -> memref<80x128xi32, #tpu.memory_space<hbm>>
      tpu.enqueue_dma source(%dma_start3A_141 : memref<80x128xi32, #tpu.memory_space<hbm>>) target(%arg7 : memref<80x128xi32, #tpu.memory_space<vmem>>) target_semaphore(%run_scoped3A : memref<!tpu.dma_semaphore, #tpu.memory_space<semaphore_mem>>)
      %dma_wait3A = arith.constant 0 : i32
      %dma_wait3A_142 = arith.constant 0 : i32
      %dma_wait3A_143 = tpu.memref_slice %arg4[%add3A, %dma_wait3A, %dma_wait3A_142] : memref<32x80x128xi32, #tpu.memory_space<hbm>> -> memref<1x80x128xi32, #tpu.memory_space<hbm>>
      %dma_wait3A_144 = tpu.memref_squeeze %dma_wait3A_143 : memref<1x80x128xi32, #tpu.memory_space<hbm>> -> memref<80x128xi32, #tpu.memory_space<hbm>>
      %dma_wait3A_145 = arith.constant 0 : i32
      %dma_wait3A_146 = arith.constant 0 : i32
      %dma_wait3A_147 = tpu.memref_slice %arg4[%add3A, %dma_wait3A_145, %dma_wait3A_146] : memref<32x80x128xi32, #tpu.memory_space<hbm>> -> memref<1x80x128xi32, #tpu.memory_space<hbm>>
      %dma_wait3A_148 = tpu.memref_squeeze %dma_wait3A_147 : memref<1x80x128xi32, #tpu.memory_space<hbm>> -> memref<80x128xi32, #tpu.memory_space<hbm>>
      tpu.wait_dma2 semaphore(%run_scoped3A : memref<!tpu.dma_semaphore, #tpu.memory_space<semaphore_mem>>) src(%dma_wait3A_148 : memref<80x128xi32, #tpu.memory_space<hbm>>) dst(%arg7 : memref<80x128xi32, #tpu.memory_space<vmem>>)
      tpu.yield
    }) : () -> ()
    "tpu.region"() ({
      %run_scoped3A = tpu.sem_alloc : memref<!tpu.dma_semaphore, #tpu.memory_space<semaphore_mem>>
      %dma_start3A_134 = arith.constant 0 : i32
      %dma_start3A_135 = arith.constant 0 : i32
      %dma_start3A_136 = tpu.memref_slice %arg5[%add3A, %dma_start3A_134, %dma_start3A_135] : memref<32x80x128xi32, #tpu.memory_space<hbm>> -> memref<1x80x128xi32, #tpu.memory_space<hbm>>
      %dma_start3A_137 = tpu.memref_squeeze %dma_start3A_136 : memref<1x80x128xi32, #tpu.memory_space<hbm>> -> memref<80x128xi32, #tpu.memory_space<hbm>>
      %dma_start3A_138 = arith.constant 0 : i32
      %dma_start3A_139 = arith.constant 0 : i32
      %dma_start3A_140 = tpu.memref_slice %arg5[%add3A, %dma_start3A_138, %dma_start3A_139] : memref<32x80x128xi32, #tpu.memory_space<hbm>> -> memref<1x80x128xi32, #tpu.memory_space<hbm>>
      %dma_start3A_141 = tpu.memref_squeeze %dma_start3A_140 : memref<1x80x128xi32, #tpu.memory_space<hbm>> -> memref<80x128xi32, #tpu.memory_space<hbm>>
      tpu.enqueue_dma source(%dma_start3A_141 : memref<80x128xi32, #tpu.memory_space<hbm>>) target(%arg8 : memref<80x128xi32, #tpu.memory_space<vmem>>) target_semaphore(%run_scoped3A : memref<!tpu.dma_semaphore, #tpu.memory_space<semaphore_mem>>)
      %dma_wait3A = arith.constant 0 : i32
      %dma_wait3A_142 = arith.constant 0 : i32
      %dma_wait3A_143 = tpu.memref_slice %arg5[%add3A, %dma_wait3A, %dma_wait3A_142] : memref<32x80x128xi32, #tpu.memory_space<hbm>> -> memref<1x80x128xi32, #tpu.memory_space<hbm>>
      %dma_wait3A_144 = tpu.memref_squeeze %dma_wait3A_143 : memref<1x80x128xi32, #tpu.memory_space<hbm>> -> memref<80x128xi32, #tpu.memory_space<hbm>>
      %dma_wait3A_145 = arith.constant 0 : i32
      %dma_wait3A_146 = arith.constant 0 : i32
      %dma_wait3A_147 = tpu.memref_slice %arg5[%add3A, %dma_wait3A_145, %dma_wait3A_146] : memref<32x80x128xi32, #tpu.memory_space<hbm>> -> memref<1x80x128xi32, #tpu.memory_space<hbm>>
      %dma_wait3A_148 = tpu.memref_squeeze %dma_wait3A_147 : memref<1x80x128xi32, #tpu.memory_space<hbm>> -> memref<80x128xi32, #tpu.memory_space<hbm>>
      tpu.wait_dma2 semaphore(%run_scoped3A : memref<!tpu.dma_semaphore, #tpu.memory_space<semaphore_mem>>) src(%dma_wait3A_148 : memref<80x128xi32, #tpu.memory_space<hbm>>) dst(%arg8 : memref<80x128xi32, #tpu.memory_space<vmem>>)
      tpu.yield
    }) : () -> ()
    %barrier3A = arith.constant 0 : index
    tpu.barrier barrier_id(%barrier3A)
    %dma_start3A = arith.constant 0 : i32
    %dma_start3A_5 = arith.constant 0 : i32
    %dma_start3A_6 = arith.constant 0 : i32
    %dma_start3A_7 = arith.constant 0 : i32
    %dma_start3A_8 = arith.constant 0 : i32
    %dma_start3A_9 = tpu.memref_slice %arg9[%dma_start3A_5, %dma_start3A_7, %dma_start3A_8] : memref<8x128x16xf32, #tpu.memory_space<vmem>> -> memref<1x128x16xf32, #tpu.memory_space<vmem>>
    %dma_start3A_10 = tpu.memref_squeeze %dma_start3A_9 : memref<1x128x16xf32, #tpu.memory_space<vmem>> -> memref<128x16xf32, #tpu.memory_space<vmem>>
    %dma_start3A_11 = arith.constant 0 : i32
    %dma_start3A_12 = tpu.memref_slice %arg7[%dma_start3A, %dma_start3A_11] : memref<80x128xi32, #tpu.memory_space<vmem>> -> memref<1x128xi32, #tpu.memory_space<vmem>>
    %dma_start3A_13 = tpu.memref_squeeze %dma_start3A_12 : memref<1x128xi32, #tpu.memory_space<vmem>> -> memref<128xi32, #tpu.memory_space<vmem>>
    %dma_start3A_14 = arith.constant 0 : i32
    %dma_start3A_15 = arith.constant 0 : i32
    %dma_start3A_16 = tpu.memref_slice %arg2[%dma_start3A_14, %dma_start3A_15] : memref<10112x16xf32, #tpu.memory_space<hbm>> -> memref<10112x16xf32, #tpu.memory_space<hbm>>
    %dma_start3A_17 = tpu.memref_slice %arg11[%dma_start3A_6] : memref<8x!tpu.dma_semaphore, #tpu.memory_space<semaphore_mem>> -> memref<1x!tpu.dma_semaphore, #tpu.memory_space<semaphore_mem>>
    %dma_start3A_18 = tpu.memref_squeeze %dma_start3A_17 : memref<1x!tpu.dma_semaphore, #tpu.memory_space<semaphore_mem>> -> memref<!tpu.dma_semaphore, #tpu.memory_space<semaphore_mem>>
    tpu.enqueue_indirect_dma source(%dma_start3A_16 : memref<10112x16xf32, #tpu.memory_space<hbm>>) target(%dma_start3A_10 : memref<128x16xf32, #tpu.memory_space<vmem>>) offsets(%dma_start3A_13 : memref<128xi32, #tpu.memory_space<vmem>>) semaphore(%dma_start3A_18 : memref<!tpu.dma_semaphore, #tpu.memory_space<semaphore_mem>>)
    %dma_start3A_19 = arith.constant 1 : i32
    %dma_start3A_20 = arith.constant 1 : i32
    %dma_start3A_21 = arith.constant 1 : i32
    %dma_start3A_22 = arith.constant 0 : i32
    %dma_start3A_23 = arith.constant 0 : i32
    %dma_start3A_24 = tpu.memref_slice %arg9[%dma_start3A_20, %dma_start3A_22, %dma_start3A_23] : memref<8x128x16xf32, #tpu.memory_space<vmem>> -> memref<1x128x16xf32, #tpu.memory_space<vmem>>
    %dma_start3A_25 = tpu.memref_squeeze %dma_start3A_24 : memref<1x128x16xf32, #tpu.memory_space<vmem>> -> memref<128x16xf32, #tpu.memory_space<vmem>>
    %dma_start3A_26 = arith.constant 0 : i32
    %dma_start3A_27 = tpu.memref_slice %arg7[%dma_start3A_19, %dma_start3A_26] : memref<80x128xi32, #tpu.memory_space<vmem>> -> memref<1x128xi32, #tpu.memory_space<vmem>>
    %dma_start3A_28 = tpu.memref_squeeze %dma_start3A_27 : memref<1x128xi32, #tpu.memory_space<vmem>> -> memref<128xi32, #tpu.memory_space<vmem>>
    %dma_start3A_29 = arith.constant 0 : i32
    %dma_start3A_30 = arith.constant 0 : i32
    %dma_start3A_31 = tpu.memref_slice %arg2[%dma_start3A_29, %dma_start3A_30] : memref<10112x16xf32, #tpu.memory_space<hbm>> -> memref<10112x16xf32, #tpu.memory_space<hbm>>
    %dma_start3A_32 = tpu.memref_slice %arg11[%dma_start3A_21] : memref<8x!tpu.dma_semaphore, #tpu.memory_space<semaphore_mem>> -> memref<1x!tpu.dma_semaphore, #tpu.memory_space<semaphore_mem>>
    %dma_start3A_33 = tpu.memref_squeeze %dma_start3A_32 : memref<1x!tpu.dma_semaphore, #tpu.memory_space<semaphore_mem>> -> memref<!tpu.dma_semaphore, #tpu.memory_space<semaphore_mem>>
    tpu.enqueue_indirect_dma source(%dma_start3A_31 : memref<10112x16xf32, #tpu.memory_space<hbm>>) target(%dma_start3A_25 : memref<128x16xf32, #tpu.memory_space<vmem>>) offsets(%dma_start3A_28 : memref<128xi32, #tpu.memory_space<vmem>>) semaphore(%dma_start3A_33 : memref<!tpu.dma_semaphore, #tpu.memory_space<semaphore_mem>>)
    %dma_start3A_34 = arith.constant 2 : i32
    %dma_start3A_35 = arith.constant 2 : i32
    %dma_start3A_36 = arith.constant 2 : i32
    %dma_start3A_37 = arith.constant 0 : i32
    %dma_start3A_38 = arith.constant 0 : i32
    %dma_start3A_39 = tpu.memref_slice %arg9[%dma_start3A_35, %dma_start3A_37, %dma_start3A_38] : memref<8x128x16xf32, #tpu.memory_space<vmem>> -> memref<1x128x16xf32, #tpu.memory_space<vmem>>
    %dma_start3A_40 = tpu.memref_squeeze %dma_start3A_39 : memref<1x128x16xf32, #tpu.memory_space<vmem>> -> memref<128x16xf32, #tpu.memory_space<vmem>>
    %dma_start3A_41 = arith.constant 0 : i32
    %dma_start3A_42 = tpu.memref_slice %arg7[%dma_start3A_34, %dma_start3A_41] : memref<80x128xi32, #tpu.memory_space<vmem>> -> memref<1x128xi32, #tpu.memory_space<vmem>>
    %dma_start3A_43 = tpu.memref_squeeze %dma_start3A_42 : memref<1x128xi32, #tpu.memory_space<vmem>> -> memref<128xi32, #tpu.memory_space<vmem>>
    %dma_start3A_44 = arith.constant 0 : i32
    %dma_start3A_45 = arith.constant 0 : i32
    %dma_start3A_46 = tpu.memref_slice %arg2[%dma_start3A_44, %dma_start3A_45] : memref<10112x16xf32, #tpu.memory_space<hbm>> -> memref<10112x16xf32, #tpu.memory_space<hbm>>
    %dma_start3A_47 = tpu.memref_slice %arg11[%dma_start3A_36] : memref<8x!tpu.dma_semaphore, #tpu.memory_space<semaphore_mem>> -> memref<1x!tpu.dma_semaphore, #tpu.memory_space<semaphore_mem>>
    %dma_start3A_48 = tpu.memref_squeeze %dma_start3A_47 : memref<1x!tpu.dma_semaphore, #tpu.memory_space<semaphore_mem>> -> memref<!tpu.dma_semaphore, #tpu.memory_space<semaphore_mem>>
    tpu.enqueue_indirect_dma source(%dma_start3A_46 : memref<10112x16xf32, #tpu.memory_space<hbm>>) target(%dma_start3A_40 : memref<128x16xf32, #tpu.memory_space<vmem>>) offsets(%dma_start3A_43 : memref<128xi32, #tpu.memory_space<vmem>>) semaphore(%dma_start3A_48 : memref<!tpu.dma_semaphore, #tpu.memory_space<semaphore_mem>>)
    %dma_start3A_49 = arith.constant 3 : i32
    %dma_start3A_50 = arith.constant 3 : i32
    %dma_start3A_51 = arith.constant 3 : i32
    %dma_start3A_52 = arith.constant 0 : i32
    %dma_start3A_53 = arith.constant 0 : i32
    %dma_start3A_54 = tpu.memref_slice %arg9[%dma_start3A_50, %dma_start3A_52, %dma_start3A_53] : memref<8x128x16xf32, #tpu.memory_space<vmem>> -> memref<1x128x16xf32, #tpu.memory_space<vmem>>
    %dma_start3A_55 = tpu.memref_squeeze %dma_start3A_54 : memref<1x128x16xf32, #tpu.memory_space<vmem>> -> memref<128x16xf32, #tpu.memory_space<vmem>>
    %dma_start3A_56 = arith.constant 0 : i32
    %dma_start3A_57 = tpu.memref_slice %arg7[%dma_start3A_49, %dma_start3A_56] : memref<80x128xi32, #tpu.memory_space<vmem>> -> memref<1x128xi32, #tpu.memory_space<vmem>>
    %dma_start3A_58 = tpu.memref_squeeze %dma_start3A_57 : memref<1x128xi32, #tpu.memory_space<vmem>> -> memref<128xi32, #tpu.memory_space<vmem>>
    %dma_start3A_59 = arith.constant 0 : i32
    %dma_start3A_60 = arith.constant 0 : i32
    %dma_start3A_61 = tpu.memref_slice %arg2[%dma_start3A_59, %dma_start3A_60] : memref<10112x16xf32, #tpu.memory_space<hbm>> -> memref<10112x16xf32, #tpu.memory_space<hbm>>
    %dma_start3A_62 = tpu.memref_slice %arg11[%dma_start3A_51] : memref<8x!tpu.dma_semaphore, #tpu.memory_space<semaphore_mem>> -> memref<1x!tpu.dma_semaphore, #tpu.memory_space<semaphore_mem>>
    %dma_start3A_63 = tpu.memref_squeeze %dma_start3A_62 : memref<1x!tpu.dma_semaphore, #tpu.memory_space<semaphore_mem>> -> memref<!tpu.dma_semaphore, #tpu.memory_space<semaphore_mem>>
    tpu.enqueue_indirect_dma source(%dma_start3A_61 : memref<10112x16xf32, #tpu.memory_space<hbm>>) target(%dma_start3A_55 : memref<128x16xf32, #tpu.memory_space<vmem>>) offsets(%dma_start3A_58 : memref<128xi32, #tpu.memory_space<vmem>>) semaphore(%dma_start3A_63 : memref<!tpu.dma_semaphore, #tpu.memory_space<semaphore_mem>>)
    %dma_start3A_64 = arith.constant 4 : i32
    %dma_start3A_65 = arith.constant 4 : i32
    %dma_start3A_66 = arith.constant 4 : i32
    %dma_start3A_67 = arith.constant 0 : i32
    %dma_start3A_68 = arith.constant 0 : i32
    %dma_start3A_69 = tpu.memref_slice %arg9[%dma_start3A_65, %dma_start3A_67, %dma_start3A_68] : memref<8x128x16xf32, #tpu.memory_space<vmem>> -> memref<1x128x16xf32, #tpu.memory_space<vmem>>
    %dma_start3A_70 = tpu.memref_squeeze %dma_start3A_69 : memref<1x128x16xf32, #tpu.memory_space<vmem>> -> memref<128x16xf32, #tpu.memory_space<vmem>>
    %dma_start3A_71 = arith.constant 0 : i32
    %dma_start3A_72 = tpu.memref_slice %arg7[%dma_start3A_64, %dma_start3A_71] : memref<80x128xi32, #tpu.memory_space<vmem>> -> memref<1x128xi32, #tpu.memory_space<vmem>>
    %dma_start3A_73 = tpu.memref_squeeze %dma_start3A_72 : memref<1x128xi32, #tpu.memory_space<vmem>> -> memref<128xi32, #tpu.memory_space<vmem>>
    %dma_start3A_74 = arith.constant 0 : i32
    %dma_start3A_75 = arith.constant 0 : i32
    %dma_start3A_76 = tpu.memref_slice %arg2[%dma_start3A_74, %dma_start3A_75] : memref<10112x16xf32, #tpu.memory_space<hbm>> -> memref<10112x16xf32, #tpu.memory_space<hbm>>
    %dma_start3A_77 = tpu.memref_slice %arg11[%dma_start3A_66] : memref<8x!tpu.dma_semaphore, #tpu.memory_space<semaphore_mem>> -> memref<1x!tpu.dma_semaphore, #tpu.memory_space<semaphore_mem>>
    %dma_start3A_78 = tpu.memref_squeeze %dma_start3A_77 : memref<1x!tpu.dma_semaphore, #tpu.memory_space<semaphore_mem>> -> memref<!tpu.dma_semaphore, #tpu.memory_space<semaphore_mem>>
    tpu.enqueue_indirect_dma source(%dma_start3A_76 : memref<10112x16xf32, #tpu.memory_space<hbm>>) target(%dma_start3A_70 : memref<128x16xf32, #tpu.memory_space<vmem>>) offsets(%dma_start3A_73 : memref<128xi32, #tpu.memory_space<vmem>>) semaphore(%dma_start3A_78 : memref<!tpu.dma_semaphore, #tpu.memory_space<semaphore_mem>>)
    %dma_start3A_79 = arith.constant 5 : i32
    %dma_start3A_80 = arith.constant 5 : i32
    %dma_start3A_81 = arith.constant 5 : i32
    %dma_start3A_82 = arith.constant 0 : i32
    %dma_start3A_83 = arith.constant 0 : i32
    %dma_start3A_84 = tpu.memref_slice %arg9[%dma_start3A_80, %dma_start3A_82, %dma_start3A_83] : memref<8x128x16xf32, #tpu.memory_space<vmem>> -> memref<1x128x16xf32, #tpu.memory_space<vmem>>
    %dma_start3A_85 = tpu.memref_squeeze %dma_start3A_84 : memref<1x128x16xf32, #tpu.memory_space<vmem>> -> memref<128x16xf32, #tpu.memory_space<vmem>>
    %dma_start3A_86 = arith.constant 0 : i32
    %dma_start3A_87 = tpu.memref_slice %arg7[%dma_start3A_79, %dma_start3A_86] : memref<80x128xi32, #tpu.memory_space<vmem>> -> memref<1x128xi32, #tpu.memory_space<vmem>>
    %dma_start3A_88 = tpu.memref_squeeze %dma_start3A_87 : memref<1x128xi32, #tpu.memory_space<vmem>> -> memref<128xi32, #tpu.memory_space<vmem>>
    %dma_start3A_89 = arith.constant 0 : i32
    %dma_start3A_90 = arith.constant 0 : i32
    %dma_start3A_91 = tpu.memref_slice %arg2[%dma_start3A_89, %dma_start3A_90] : memref<10112x16xf32, #tpu.memory_space<hbm>> -> memref<10112x16xf32, #tpu.memory_space<hbm>>
    %dma_start3A_92 = tpu.memref_slice %arg11[%dma_start3A_81] : memref<8x!tpu.dma_semaphore, #tpu.memory_space<semaphore_mem>> -> memref<1x!tpu.dma_semaphore, #tpu.memory_space<semaphore_mem>>
    %dma_start3A_93 = tpu.memref_squeeze %dma_start3A_92 : memref<1x!tpu.dma_semaphore, #tpu.memory_space<semaphore_mem>> -> memref<!tpu.dma_semaphore, #tpu.memory_space<semaphore_mem>>
    tpu.enqueue_indirect_dma source(%dma_start3A_91 : memref<10112x16xf32, #tpu.memory_space<hbm>>) target(%dma_start3A_85 : memref<128x16xf32, #tpu.memory_space<vmem>>) offsets(%dma_start3A_88 : memref<128xi32, #tpu.memory_space<vmem>>) semaphore(%dma_start3A_93 : memref<!tpu.dma_semaphore, #tpu.memory_space<semaphore_mem>>)
    %dma_start3A_94 = arith.constant 6 : i32
    %dma_start3A_95 = arith.constant 6 : i32
    %dma_start3A_96 = arith.constant 6 : i32
    %dma_start3A_97 = arith.constant 0 : i32
    %dma_start3A_98 = arith.constant 0 : i32
    %dma_start3A_99 = tpu.memref_slice %arg9[%dma_start3A_95, %dma_start3A_97, %dma_start3A_98] : memref<8x128x16xf32, #tpu.memory_space<vmem>> -> memref<1x128x16xf32, #tpu.memory_space<vmem>>
    %dma_start3A_100 = tpu.memref_squeeze %dma_start3A_99 : memref<1x128x16xf32, #tpu.memory_space<vmem>> -> memref<128x16xf32, #tpu.memory_space<vmem>>
    %dma_start3A_101 = arith.constant 0 : i32
    %dma_start3A_102 = tpu.memref_slice %arg7[%dma_start3A_94, %dma_start3A_101] : memref<80x128xi32, #tpu.memory_space<vmem>> -> memref<1x128xi32, #tpu.memory_space<vmem>>
    %dma_start3A_103 = tpu.memref_squeeze %dma_start3A_102 : memref<1x128xi32, #tpu.memory_space<vmem>> -> memref<128xi32, #tpu.memory_space<vmem>>
    %dma_start3A_104 = arith.constant 0 : i32
    %dma_start3A_105 = arith.constant 0 : i32
    %dma_start3A_106 = tpu.memref_slice %arg2[%dma_start3A_104, %dma_start3A_105] : memref<10112x16xf32, #tpu.memory_space<hbm>> -> memref<10112x16xf32, #tpu.memory_space<hbm>>
    %dma_start3A_107 = tpu.memref_slice %arg11[%dma_start3A_96] : memref<8x!tpu.dma_semaphore, #tpu.memory_space<semaphore_mem>> -> memref<1x!tpu.dma_semaphore, #tpu.memory_space<semaphore_mem>>
    %dma_start3A_108 = tpu.memref_squeeze %dma_start3A_107 : memref<1x!tpu.dma_semaphore, #tpu.memory_space<semaphore_mem>> -> memref<!tpu.dma_semaphore, #tpu.memory_space<semaphore_mem>>
    tpu.enqueue_indirect_dma source(%dma_start3A_106 : memref<10112x16xf32, #tpu.memory_space<hbm>>) target(%dma_start3A_100 : memref<128x16xf32, #tpu.memory_space<vmem>>) offsets(%dma_start3A_103 : memref<128xi32, #tpu.memory_space<vmem>>) semaphore(%dma_start3A_108 : memref<!tpu.dma_semaphore, #tpu.memory_space<semaphore_mem>>)
    %dma_start3A_109 = arith.constant 7 : i32
    %dma_start3A_110 = arith.constant 7 : i32
    %dma_start3A_111 = arith.constant 7 : i32
    %dma_start3A_112 = arith.constant 0 : i32
    %dma_start3A_113 = arith.constant 0 : i32
    %dma_start3A_114 = tpu.memref_slice %arg9[%dma_start3A_110, %dma_start3A_112, %dma_start3A_113] : memref<8x128x16xf32, #tpu.memory_space<vmem>> -> memref<1x128x16xf32, #tpu.memory_space<vmem>>
    %dma_start3A_115 = tpu.memref_squeeze %dma_start3A_114 : memref<1x128x16xf32, #tpu.memory_space<vmem>> -> memref<128x16xf32, #tpu.memory_space<vmem>>
    %dma_start3A_116 = arith.constant 0 : i32
    %dma_start3A_117 = tpu.memref_slice %arg7[%dma_start3A_109, %dma_start3A_116] : memref<80x128xi32, #tpu.memory_space<vmem>> -> memref<1x128xi32, #tpu.memory_space<vmem>>
    %dma_start3A_118 = tpu.memref_squeeze %dma_start3A_117 : memref<1x128xi32, #tpu.memory_space<vmem>> -> memref<128xi32, #tpu.memory_space<vmem>>
    %dma_start3A_119 = arith.constant 0 : i32
    %dma_start3A_120 = arith.constant 0 : i32
    %dma_start3A_121 = tpu.memref_slice %arg2[%dma_start3A_119, %dma_start3A_120] : memref<10112x16xf32, #tpu.memory_space<hbm>> -> memref<10112x16xf32, #tpu.memory_space<hbm>>
    %dma_start3A_122 = tpu.memref_slice %arg11[%dma_start3A_111] : memref<8x!tpu.dma_semaphore, #tpu.memory_space<semaphore_mem>> -> memref<1x!tpu.dma_semaphore, #tpu.memory_space<semaphore_mem>>
    %dma_start3A_123 = tpu.memref_squeeze %dma_start3A_122 : memref<1x!tpu.dma_semaphore, #tpu.memory_space<semaphore_mem>> -> memref<!tpu.dma_semaphore, #tpu.memory_space<semaphore_mem>>
    tpu.enqueue_indirect_dma source(%dma_start3A_121 : memref<10112x16xf32, #tpu.memory_space<hbm>>) target(%dma_start3A_115 : memref<128x16xf32, #tpu.memory_space<vmem>>) offsets(%dma_start3A_118 : memref<128xi32, #tpu.memory_space<vmem>>) semaphore(%dma_start3A_123 : memref<!tpu.dma_semaphore, #tpu.memory_space<semaphore_mem>>)
    %scan3A = arith.constant 0 : i32
    %scan3A_124 = arith.constant 0 : i32
    %scan3A_125 = arith.constant 10 : i32
    %scan3A_126 = arith.addi %scan3A_124, %scan3A_125 : i32
    %scan3A_127 = arith.constant 1 : i32
    scf.for %scan3A_134 = %scan3A_124 to %scan3A_126 step %scan3A_127  : i32 {
      %mul3A_135 = arith.constant 2 : i32
      %mul3A_136 = arith.muli %scan3A_134, %mul3A_135 : i32
      %mul3A_137 = arith.constant 4 : i32
      %mul3A_138 = arith.muli %mul3A_136, %mul3A_137 : i32
      %add3A_139 = arith.constant 4 : i32
      %add3A_140 = arith.addi %mul3A_138, %add3A_139 : i32
      %add3A_141 = arith.constant 4 : i32
      %add3A_142 = arith.addi %add3A_140, %add3A_141 : i32
      %add3A_143 = arith.constant 4 : i32
      %add3A_144 = arith.addi %add3A_142, %add3A_143 : i32
      %dma_wait3A = arith.constant 0 : i32
      %dma_wait3A_145 = arith.constant 0 : i32
      %dma_wait3A_146 = arith.constant 0 : i32
      %dma_wait3A_147 = arith.constant 0 : i32
      %dma_wait3A_148 = tpu.memref_slice %arg9[%dma_wait3A, %dma_wait3A_146, %dma_wait3A_147] : memref<8x128x16xf32, #tpu.memory_space<vmem>> -> memref<1x128x16xf32, #tpu.memory_space<vmem>>
      %dma_wait3A_149 = tpu.memref_squeeze %dma_wait3A_148 : memref<1x128x16xf32, #tpu.memory_space<vmem>> -> memref<128x16xf32, #tpu.memory_space<vmem>>
      %dma_wait3A_150 = arith.constant 0 : i32
      %dma_wait3A_151 = arith.constant 0 : i32
      %dma_wait3A_152 = tpu.memref_slice %arg2[%dma_wait3A_150, %dma_wait3A_151] : memref<10112x16xf32, #tpu.memory_space<hbm>> -> memref<128x16xf32, #tpu.memory_space<hbm>>
      %dma_wait3A_153 = tpu.memref_slice %arg11[%dma_wait3A_145] : memref<8x!tpu.dma_semaphore, #tpu.memory_space<semaphore_mem>> -> memref<1x!tpu.dma_semaphore, #tpu.memory_space<semaphore_mem>>
      %dma_wait3A_154 = tpu.memref_squeeze %dma_wait3A_153 : memref<1x!tpu.dma_semaphore, #tpu.memory_space<semaphore_mem>> -> memref<!tpu.dma_semaphore, #tpu.memory_space<semaphore_mem>>
      %dma_wait3A_155 = arith.constant 0 : i32
      %dma_wait3A_156 = arith.constant 0 : i32
      %dma_wait3A_157 = tpu.memref_slice %arg9[%dma_wait3A, %dma_wait3A_155, %dma_wait3A_156] : memref<8x128x16xf32, #tpu.memory_space<vmem>> -> memref<1x128x16xf32, #tpu.memory_space<vmem>>
      %dma_wait3A_158 = tpu.memref_squeeze %dma_wait3A_157 : memref<1x128x16xf32, #tpu.memory_space<vmem>> -> memref<128x16xf32, #tpu.memory_space<vmem>>
      %dma_wait3A_159 = arith.constant 0 : i32
      %dma_wait3A_160 = arith.constant 0 : i32
      %dma_wait3A_161 = tpu.memref_slice %arg2[%dma_wait3A_159, %dma_wait3A_160] : memref<10112x16xf32, #tpu.memory_space<hbm>> -> memref<128x16xf32, #tpu.memory_space<hbm>>
      tpu.wait_dma2 semaphore(%dma_wait3A_154 : memref<!tpu.dma_semaphore, #tpu.memory_space<semaphore_mem>>) src(%dma_wait3A_161 : memref<128x16xf32, #tpu.memory_space<hbm>>) dst(%dma_wait3A_158 : memref<128x16xf32, #tpu.memory_space<vmem>>)
      %add3A_162 = arith.constant 0 : i32
      %add3A_163 = arith.addi %mul3A_138, %add3A_162 : i32
      %dma_start3A_164 = arith.constant 0 : i32
      %dma_start3A_165 = arith.constant 0 : i32
      %dma_start3A_166 = arith.constant 0 : i32
      %dma_start3A_167 = arith.constant 0 : i32
      %dma_start3A_168 = tpu.memref_slice %arg9[%dma_start3A_164, %dma_start3A_166, %dma_start3A_167] : memref<8x128x16xf32, #tpu.memory_space<vmem>> -> memref<1x128x16xf32, #tpu.memory_space<vmem>>
      %dma_start3A_169 = tpu.memref_squeeze %dma_start3A_168 : memref<1x128x16xf32, #tpu.memory_space<vmem>> -> memref<128x16xf32, #tpu.memory_space<vmem>>
      %dma_start3A_170 = arith.constant 0 : i32
      %dma_start3A_171 = tpu.memref_slice %arg8[%add3A_163, %dma_start3A_170] : memref<80x128xi32, #tpu.memory_space<vmem>> -> memref<1x128xi32, #tpu.memory_space<vmem>>
      %dma_start3A_172 = tpu.memref_squeeze %dma_start3A_171 : memref<1x128xi32, #tpu.memory_space<vmem>> -> memref<128xi32, #tpu.memory_space<vmem>>
      %dma_start3A_173 = arith.constant 0 : i32
      %dma_start3A_174 = arith.constant 0 : i32
      %dma_start3A_175 = tpu.memref_slice %arg10[%dma_start3A_173, %dma_start3A_174] : memref<10112x16xf32, #tpu.memory_space<vmem_shared>> -> memref<10112x16xf32, #tpu.memory_space<vmem_shared>>
      %dma_start3A_176 = tpu.memref_slice %arg12[%dma_start3A_165] : memref<8x!tpu.dma_semaphore, #tpu.memory_space<semaphore_mem>> -> memref<1x!tpu.dma_semaphore, #tpu.memory_space<semaphore_mem>>
      %dma_start3A_177 = tpu.memref_squeeze %dma_start3A_176 : memref<1x!tpu.dma_semaphore, #tpu.memory_space<semaphore_mem>> -> memref<!tpu.dma_semaphore, #tpu.memory_space<semaphore_mem>>
      tpu.enqueue_indirect_dma source(%dma_start3A_169 : memref<128x16xf32, #tpu.memory_space<vmem>>) target(%dma_start3A_175 : memref<10112x16xf32, #tpu.memory_space<vmem_shared>>) offsets(%dma_start3A_172 : memref<128xi32, #tpu.memory_space<vmem>>) semaphore(%dma_start3A_177 : memref<!tpu.dma_semaphore, #tpu.memory_space<semaphore_mem>>) {add = true}
      %dma_wait3A_178 = arith.constant 1 : i32
      %dma_wait3A_179 = arith.constant 1 : i32
      %dma_wait3A_180 = arith.constant 0 : i32
      %dma_wait3A_181 = arith.constant 0 : i32
      %dma_wait3A_182 = tpu.memref_slice %arg9[%dma_wait3A_178, %dma_wait3A_180, %dma_wait3A_181] : memref<8x128x16xf32, #tpu.memory_space<vmem>> -> memref<1x128x16xf32, #tpu.memory_space<vmem>>
      %dma_wait3A_183 = tpu.memref_squeeze %dma_wait3A_182 : memref<1x128x16xf32, #tpu.memory_space<vmem>> -> memref<128x16xf32, #tpu.memory_space<vmem>>
      %dma_wait3A_184 = arith.constant 0 : i32
      %dma_wait3A_185 = arith.constant 0 : i32
      %dma_wait3A_186 = tpu.memref_slice %arg2[%dma_wait3A_184, %dma_wait3A_185] : memref<10112x16xf32, #tpu.memory_space<hbm>> -> memref<128x16xf32, #tpu.memory_space<hbm>>
      %dma_wait3A_187 = tpu.memref_slice %arg11[%dma_wait3A_179] : memref<8x!tpu.dma_semaphore, #tpu.memory_space<semaphore_mem>> -> memref<1x!tpu.dma_semaphore, #tpu.memory_space<semaphore_mem>>
      %dma_wait3A_188 = tpu.memref_squeeze %dma_wait3A_187 : memref<1x!tpu.dma_semaphore, #tpu.memory_space<semaphore_mem>> -> memref<!tpu.dma_semaphore, #tpu.memory_space<semaphore_mem>>
      %dma_wait3A_189 = arith.constant 0 : i32
      %dma_wait3A_190 = arith.constant 0 : i32
      %dma_wait3A_191 = tpu.memref_slice %arg9[%dma_wait3A_178, %dma_wait3A_189, %dma_wait3A_190] : memref<8x128x16xf32, #tpu.memory_space<vmem>> -> memref<1x128x16xf32, #tpu.memory_space<vmem>>
      %dma_wait3A_192 = tpu.memref_squeeze %dma_wait3A_191 : memref<1x128x16xf32, #tpu.memory_space<vmem>> -> memref<128x16xf32, #tpu.memory_space<vmem>>
      %dma_wait3A_193 = arith.constant 0 : i32
      %dma_wait3A_194 = arith.constant 0 : i32
      %dma_wait3A_195 = tpu.memref_slice %arg2[%dma_wait3A_193, %dma_wait3A_194] : memref<10112x16xf32, #tpu.memory_space<hbm>> -> memref<128x16xf32, #tpu.memory_space<hbm>>
      tpu.wait_dma2 semaphore(%dma_wait3A_188 : memref<!tpu.dma_semaphore, #tpu.memory_space<semaphore_mem>>) src(%dma_wait3A_195 : memref<128x16xf32, #tpu.memory_space<hbm>>) dst(%dma_wait3A_192 : memref<128x16xf32, #tpu.memory_space<vmem>>)
      %add3A_196 = arith.constant 1 : i32
      %add3A_197 = arith.addi %mul3A_138, %add3A_196 : i32
      %dma_start3A_198 = arith.constant 1 : i32
      %dma_start3A_199 = arith.constant 1 : i32
      %dma_start3A_200 = arith.constant 0 : i32
      %dma_start3A_201 = arith.constant 0 : i32
      %dma_start3A_202 = tpu.memref_slice %arg9[%dma_start3A_198, %dma_start3A_200, %dma_start3A_201] : memref<8x128x16xf32, #tpu.memory_space<vmem>> -> memref<1x128x16xf32, #tpu.memory_space<vmem>>
      %dma_start3A_203 = tpu.memref_squeeze %dma_start3A_202 : memref<1x128x16xf32, #tpu.memory_space<vmem>> -> memref<128x16xf32, #tpu.memory_space<vmem>>
      %dma_start3A_204 = arith.constant 0 : i32
      %dma_start3A_205 = tpu.memref_slice %arg8[%add3A_197, %dma_start3A_204] : memref<80x128xi32, #tpu.memory_space<vmem>> -> memref<1x128xi32, #tpu.memory_space<vmem>>
      %dma_start3A_206 = tpu.memref_squeeze %dma_start3A_205 : memref<1x128xi32, #tpu.memory_space<vmem>> -> memref<128xi32, #tpu.memory_space<vmem>>
      %dma_start3A_207 = arith.constant 0 : i32
      %dma_start3A_208 = arith.constant 0 : i32
      %dma_start3A_209 = tpu.memref_slice %arg10[%dma_start3A_207, %dma_start3A_208] : memref<10112x16xf32, #tpu.memory_space<vmem_shared>> -> memref<10112x16xf32, #tpu.memory_space<vmem_shared>>
      %dma_start3A_210 = tpu.memref_slice %arg12[%dma_start3A_199] : memref<8x!tpu.dma_semaphore, #tpu.memory_space<semaphore_mem>> -> memref<1x!tpu.dma_semaphore, #tpu.memory_space<semaphore_mem>>
      %dma_start3A_211 = tpu.memref_squeeze %dma_start3A_210 : memref<1x!tpu.dma_semaphore, #tpu.memory_space<semaphore_mem>> -> memref<!tpu.dma_semaphore, #tpu.memory_space<semaphore_mem>>
      tpu.enqueue_indirect_dma source(%dma_start3A_203 : memref<128x16xf32, #tpu.memory_space<vmem>>) target(%dma_start3A_209 : memref<10112x16xf32, #tpu.memory_space<vmem_shared>>) offsets(%dma_start3A_206 : memref<128xi32, #tpu.memory_space<vmem>>) semaphore(%dma_start3A_211 : memref<!tpu.dma_semaphore, #tpu.memory_space<semaphore_mem>>) {add = true}
      %dma_wait3A_212 = arith.constant 2 : i32
      %dma_wait3A_213 = arith.constant 2 : i32
      %dma_wait3A_214 = arith.constant 0 : i32
      %dma_wait3A_215 = arith.constant 0 : i32
      %dma_wait3A_216 = tpu.memref_slice %arg9[%dma_wait3A_212, %dma_wait3A_214, %dma_wait3A_215] : memref<8x128x16xf32, #tpu.memory_space<vmem>> -> memref<1x128x16xf32, #tpu.memory_space<vmem>>
      %dma_wait3A_217 = tpu.memref_squeeze %dma_wait3A_216 : memref<1x128x16xf32, #tpu.memory_space<vmem>> -> memref<128x16xf32, #tpu.memory_space<vmem>>
      %dma_wait3A_218 = arith.constant 0 : i32
      %dma_wait3A_219 = arith.constant 0 : i32
      %dma_wait3A_220 = tpu.memref_slice %arg2[%dma_wait3A_218, %dma_wait3A_219] : memref<10112x16xf32, #tpu.memory_space<hbm>> -> memref<128x16xf32, #tpu.memory_space<hbm>>
      %dma_wait3A_221 = tpu.memref_slice %arg11[%dma_wait3A_213] : memref<8x!tpu.dma_semaphore, #tpu.memory_space<semaphore_mem>> -> memref<1x!tpu.dma_semaphore, #tpu.memory_space<semaphore_mem>>
      %dma_wait3A_222 = tpu.memref_squeeze %dma_wait3A_221 : memref<1x!tpu.dma_semaphore, #tpu.memory_space<semaphore_mem>> -> memref<!tpu.dma_semaphore, #tpu.memory_space<semaphore_mem>>
      %dma_wait3A_223 = arith.constant 0 : i32
      %dma_wait3A_224 = arith.constant 0 : i32
      %dma_wait3A_225 = tpu.memref_slice %arg9[%dma_wait3A_212, %dma_wait3A_223, %dma_wait3A_224] : memref<8x128x16xf32, #tpu.memory_space<vmem>> -> memref<1x128x16xf32, #tpu.memory_space<vmem>>
      %dma_wait3A_226 = tpu.memref_squeeze %dma_wait3A_225 : memref<1x128x16xf32, #tpu.memory_space<vmem>> -> memref<128x16xf32, #tpu.memory_space<vmem>>
      %dma_wait3A_227 = arith.constant 0 : i32
      %dma_wait3A_228 = arith.constant 0 : i32
      %dma_wait3A_229 = tpu.memref_slice %arg2[%dma_wait3A_227, %dma_wait3A_228] : memref<10112x16xf32, #tpu.memory_space<hbm>> -> memref<128x16xf32, #tpu.memory_space<hbm>>
      tpu.wait_dma2 semaphore(%dma_wait3A_222 : memref<!tpu.dma_semaphore, #tpu.memory_space<semaphore_mem>>) src(%dma_wait3A_229 : memref<128x16xf32, #tpu.memory_space<hbm>>) dst(%dma_wait3A_226 : memref<128x16xf32, #tpu.memory_space<vmem>>)
      %add3A_230 = arith.constant 2 : i32
      %add3A_231 = arith.addi %mul3A_138, %add3A_230 : i32
      %dma_start3A_232 = arith.constant 2 : i32
      %dma_start3A_233 = arith.constant 2 : i32
      %dma_start3A_234 = arith.constant 0 : i32
      %dma_start3A_235 = arith.constant 0 : i32
      %dma_start3A_236 = tpu.memref_slice %arg9[%dma_start3A_232, %dma_start3A_234, %dma_start3A_235] : memref<8x128x16xf32, #tpu.memory_space<vmem>> -> memref<1x128x16xf32, #tpu.memory_space<vmem>>
      %dma_start3A_237 = tpu.memref_squeeze %dma_start3A_236 : memref<1x128x16xf32, #tpu.memory_space<vmem>> -> memref<128x16xf32, #tpu.memory_space<vmem>>
      %dma_start3A_238 = arith.constant 0 : i32
      %dma_start3A_239 = tpu.memref_slice %arg8[%add3A_231, %dma_start3A_238] : memref<80x128xi32, #tpu.memory_space<vmem>> -> memref<1x128xi32, #tpu.memory_space<vmem>>
      %dma_start3A_240 = tpu.memref_squeeze %dma_start3A_239 : memref<1x128xi32, #tpu.memory_space<vmem>> -> memref<128xi32, #tpu.memory_space<vmem>>
      %dma_start3A_241 = arith.constant 0 : i32
      %dma_start3A_242 = arith.constant 0 : i32
      %dma_start3A_243 = tpu.memref_slice %arg10[%dma_start3A_241, %dma_start3A_242] : memref<10112x16xf32, #tpu.memory_space<vmem_shared>> -> memref<10112x16xf32, #tpu.memory_space<vmem_shared>>
      %dma_start3A_244 = tpu.memref_slice %arg12[%dma_start3A_233] : memref<8x!tpu.dma_semaphore, #tpu.memory_space<semaphore_mem>> -> memref<1x!tpu.dma_semaphore, #tpu.memory_space<semaphore_mem>>
      %dma_start3A_245 = tpu.memref_squeeze %dma_start3A_244 : memref<1x!tpu.dma_semaphore, #tpu.memory_space<semaphore_mem>> -> memref<!tpu.dma_semaphore, #tpu.memory_space<semaphore_mem>>
      tpu.enqueue_indirect_dma source(%dma_start3A_237 : memref<128x16xf32, #tpu.memory_space<vmem>>) target(%dma_start3A_243 : memref<10112x16xf32, #tpu.memory_space<vmem_shared>>) offsets(%dma_start3A_240 : memref<128xi32, #tpu.memory_space<vmem>>) semaphore(%dma_start3A_245 : memref<!tpu.dma_semaphore, #tpu.memory_space<semaphore_mem>>) {add = true}
      %dma_wait3A_246 = arith.constant 3 : i32
      %dma_wait3A_247 = arith.constant 3 : i32
      %dma_wait3A_248 = arith.constant 0 : i32
      %dma_wait3A_249 = arith.constant 0 : i32
      %dma_wait3A_250 = tpu.memref_slice %arg9[%dma_wait3A_246, %dma_wait3A_248, %dma_wait3A_249] : memref<8x128x16xf32, #tpu.memory_space<vmem>> -> memref<1x128x16xf32, #tpu.memory_space<vmem>>
      %dma_wait3A_251 = tpu.memref_squeeze %dma_wait3A_250 : memref<1x128x16xf32, #tpu.memory_space<vmem>> -> memref<128x16xf32, #tpu.memory_space<vmem>>
      %dma_wait3A_252 = arith.constant 0 : i32
      %dma_wait3A_253 = arith.constant 0 : i32
      %dma_wait3A_254 = tpu.memref_slice %arg2[%dma_wait3A_252, %dma_wait3A_253] : memref<10112x16xf32, #tpu.memory_space<hbm>> -> memref<128x16xf32, #tpu.memory_space<hbm>>
      %dma_wait3A_255 = tpu.memref_slice %arg11[%dma_wait3A_247] : memref<8x!tpu.dma_semaphore, #tpu.memory_space<semaphore_mem>> -> memref<1x!tpu.dma_semaphore, #tpu.memory_space<semaphore_mem>>
      %dma_wait3A_256 = tpu.memref_squeeze %dma_wait3A_255 : memref<1x!tpu.dma_semaphore, #tpu.memory_space<semaphore_mem>> -> memref<!tpu.dma_semaphore, #tpu.memory_space<semaphore_mem>>
      %dma_wait3A_257 = arith.constant 0 : i32
      %dma_wait3A_258 = arith.constant 0 : i32
      %dma_wait3A_259 = tpu.memref_slice %arg9[%dma_wait3A_246, %dma_wait3A_257, %dma_wait3A_258] : memref<8x128x16xf32, #tpu.memory_space<vmem>> -> memref<1x128x16xf32, #tpu.memory_space<vmem>>
      %dma_wait3A_260 = tpu.memref_squeeze %dma_wait3A_259 : memref<1x128x16xf32, #tpu.memory_space<vmem>> -> memref<128x16xf32, #tpu.memory_space<vmem>>
      %dma_wait3A_261 = arith.constant 0 : i32
      %dma_wait3A_262 = arith.constant 0 : i32
      %dma_wait3A_263 = tpu.memref_slice %arg2[%dma_wait3A_261, %dma_wait3A_262] : memref<10112x16xf32, #tpu.memory_space<hbm>> -> memref<128x16xf32, #tpu.memory_space<hbm>>
      tpu.wait_dma2 semaphore(%dma_wait3A_256 : memref<!tpu.dma_semaphore, #tpu.memory_space<semaphore_mem>>) src(%dma_wait3A_263 : memref<128x16xf32, #tpu.memory_space<hbm>>) dst(%dma_wait3A_260 : memref<128x16xf32, #tpu.memory_space<vmem>>)
      %add3A_264 = arith.constant 3 : i32
      %add3A_265 = arith.addi %mul3A_138, %add3A_264 : i32
      %dma_start3A_266 = arith.constant 3 : i32
      %dma_start3A_267 = arith.constant 3 : i32
      %dma_start3A_268 = arith.constant 0 : i32
      %dma_start3A_269 = arith.constant 0 : i32
      %dma_start3A_270 = tpu.memref_slice %arg9[%dma_start3A_266, %dma_start3A_268, %dma_start3A_269] : memref<8x128x16xf32, #tpu.memory_space<vmem>> -> memref<1x128x16xf32, #tpu.memory_space<vmem>>
      %dma_start3A_271 = tpu.memref_squeeze %dma_start3A_270 : memref<1x128x16xf32, #tpu.memory_space<vmem>> -> memref<128x16xf32, #tpu.memory_space<vmem>>
      %dma_start3A_272 = arith.constant 0 : i32
      %dma_start3A_273 = tpu.memref_slice %arg8[%add3A_265, %dma_start3A_272] : memref<80x128xi32, #tpu.memory_space<vmem>> -> memref<1x128xi32, #tpu.memory_space<vmem>>
      %dma_start3A_274 = tpu.memref_squeeze %dma_start3A_273 : memref<1x128xi32, #tpu.memory_space<vmem>> -> memref<128xi32, #tpu.memory_space<vmem>>
      %dma_start3A_275 = arith.constant 0 : i32
      %dma_start3A_276 = arith.constant 0 : i32
      %dma_start3A_277 = tpu.memref_slice %arg10[%dma_start3A_275, %dma_start3A_276] : memref<10112x16xf32, #tpu.memory_space<vmem_shared>> -> memref<10112x16xf32, #tpu.memory_space<vmem_shared>>
      %dma_start3A_278 = tpu.memref_slice %arg12[%dma_start3A_267] : memref<8x!tpu.dma_semaphore, #tpu.memory_space<semaphore_mem>> -> memref<1x!tpu.dma_semaphore, #tpu.memory_space<semaphore_mem>>
      %dma_start3A_279 = tpu.memref_squeeze %dma_start3A_278 : memref<1x!tpu.dma_semaphore, #tpu.memory_space<semaphore_mem>> -> memref<!tpu.dma_semaphore, #tpu.memory_space<semaphore_mem>>
      tpu.enqueue_indirect_dma source(%dma_start3A_271 : memref<128x16xf32, #tpu.memory_space<vmem>>) target(%dma_start3A_277 : memref<10112x16xf32, #tpu.memory_space<vmem_shared>>) offsets(%dma_start3A_274 : memref<128xi32, #tpu.memory_space<vmem>>) semaphore(%dma_start3A_279 : memref<!tpu.dma_semaphore, #tpu.memory_space<semaphore_mem>>) {add = true}
      %dma_wait3A_280 = arith.constant 0 : i32
      %dma_wait3A_281 = arith.constant 0 : i32
      %dma_wait3A_282 = arith.constant 0 : i32
      %dma_wait3A_283 = arith.constant 0 : i32
      %dma_wait3A_284 = tpu.memref_slice %arg9[%dma_wait3A_280, %dma_wait3A_282, %dma_wait3A_283] : memref<8x128x16xf32, #tpu.memory_space<vmem>> -> memref<1x128x16xf32, #tpu.memory_space<vmem>>
      %dma_wait3A_285 = tpu.memref_squeeze %dma_wait3A_284 : memref<1x128x16xf32, #tpu.memory_space<vmem>> -> memref<128x16xf32, #tpu.memory_space<vmem>>
      %dma_wait3A_286 = arith.constant 0 : i32
      %dma_wait3A_287 = arith.constant 0 : i32
      %dma_wait3A_288 = tpu.memref_slice %arg2[%dma_wait3A_286, %dma_wait3A_287] : memref<10112x16xf32, #tpu.memory_space<hbm>> -> memref<128x16xf32, #tpu.memory_space<hbm>>
      %dma_wait3A_289 = tpu.memref_slice %arg12[%dma_wait3A_281] : memref<8x!tpu.dma_semaphore, #tpu.memory_space<semaphore_mem>> -> memref<1x!tpu.dma_semaphore, #tpu.memory_space<semaphore_mem>>
      %dma_wait3A_290 = tpu.memref_squeeze %dma_wait3A_289 : memref<1x!tpu.dma_semaphore, #tpu.memory_space<semaphore_mem>> -> memref<!tpu.dma_semaphore, #tpu.memory_space<semaphore_mem>>
      %dma_wait3A_291 = arith.constant 0 : i32
      %dma_wait3A_292 = arith.constant 0 : i32
      %dma_wait3A_293 = tpu.memref_slice %arg9[%dma_wait3A_280, %dma_wait3A_291, %dma_wait3A_292] : memref<8x128x16xf32, #tpu.memory_space<vmem>> -> memref<1x128x16xf32, #tpu.memory_space<vmem>>
      %dma_wait3A_294 = tpu.memref_squeeze %dma_wait3A_293 : memref<1x128x16xf32, #tpu.memory_space<vmem>> -> memref<128x16xf32, #tpu.memory_space<vmem>>
      %dma_wait3A_295 = arith.constant 0 : i32
      %dma_wait3A_296 = arith.constant 0 : i32
      %dma_wait3A_297 = tpu.memref_slice %arg2[%dma_wait3A_295, %dma_wait3A_296] : memref<10112x16xf32, #tpu.memory_space<hbm>> -> memref<128x16xf32, #tpu.memory_space<hbm>>
      tpu.wait_dma2 semaphore(%dma_wait3A_290 : memref<!tpu.dma_semaphore, #tpu.memory_space<semaphore_mem>>) src(%dma_wait3A_297 : memref<128x16xf32, #tpu.memory_space<hbm>>) dst(%dma_wait3A_294 : memref<128x16xf32, #tpu.memory_space<vmem>>)
      %add3A_298 = arith.constant 0 : i32
      %add3A_299 = arith.addi %add3A_142, %add3A_298 : i32
      %lt3A = arith.constant 80 : i32
      %lt3A_300 = arith.cmpi slt, %add3A_299, %lt3A : i32
      %convert_element_type3A = arith.extui %lt3A_300 : i1 to i32
      %cond3A = arith.constant 0 : i32
      %cond3A_301 = arith.cmpi ne, %convert_element_type3A, %cond3A : i32
      scf.if %cond3A_301 {
        %add3A_613 = arith.constant 0 : i32
        %add3A_614 = arith.addi %add3A_142, %add3A_613 : i32
        %dma_start3A_615 = arith.constant 0 : i32
        %dma_start3A_616 = arith.constant 0 : i32
        %dma_start3A_617 = arith.constant 0 : i32
        %dma_start3A_618 = arith.constant 0 : i32
        %dma_start3A_619 = tpu.memref_slice %arg9[%dma_start3A_615, %dma_start3A_617, %dma_start3A_618] : memref<8x128x16xf32, #tpu.memory_space<vmem>> -> memref<1x128x16xf32, #tpu.memory_space<vmem>>
        %dma_start3A_620 = tpu.memref_squeeze %dma_start3A_619 : memref<1x128x16xf32, #tpu.memory_space<vmem>> -> memref<128x16xf32, #tpu.memory_space<vmem>>
        %dma_start3A_621 = arith.constant 0 : i32
        %dma_start3A_622 = tpu.memref_slice %arg7[%add3A_614, %dma_start3A_621] : memref<80x128xi32, #tpu.memory_space<vmem>> -> memref<1x128xi32, #tpu.memory_space<vmem>>
        %dma_start3A_623 = tpu.memref_squeeze %dma_start3A_622 : memref<1x128xi32, #tpu.memory_space<vmem>> -> memref<128xi32, #tpu.memory_space<vmem>>
        %dma_start3A_624 = arith.constant 0 : i32
        %dma_start3A_625 = arith.constant 0 : i32
        %dma_start3A_626 = tpu.memref_slice %arg2[%dma_start3A_624, %dma_start3A_625] : memref<10112x16xf32, #tpu.memory_space<hbm>> -> memref<10112x16xf32, #tpu.memory_space<hbm>>
        %dma_start3A_627 = tpu.memref_slice %arg11[%dma_start3A_616] : memref<8x!tpu.dma_semaphore, #tpu.memory_space<semaphore_mem>> -> memref<1x!tpu.dma_semaphore, #tpu.memory_space<semaphore_mem>>
        %dma_start3A_628 = tpu.memref_squeeze %dma_start3A_627 : memref<1x!tpu.dma_semaphore, #tpu.memory_space<semaphore_mem>> -> memref<!tpu.dma_semaphore, #tpu.memory_space<semaphore_mem>>
        tpu.enqueue_indirect_dma source(%dma_start3A_626 : memref<10112x16xf32, #tpu.memory_space<hbm>>) target(%dma_start3A_620 : memref<128x16xf32, #tpu.memory_space<vmem>>) offsets(%dma_start3A_623 : memref<128xi32, #tpu.memory_space<vmem>>) semaphore(%dma_start3A_628 : memref<!tpu.dma_semaphore, #tpu.memory_space<semaphore_mem>>)
      } else {
      }
      %dma_wait3A_302 = arith.constant 1 : i32
      %dma_wait3A_303 = arith.constant 1 : i32
      %dma_wait3A_304 = arith.constant 0 : i32
      %dma_wait3A_305 = arith.constant 0 : i32
      %dma_wait3A_306 = tpu.memref_slice %arg9[%dma_wait3A_302, %dma_wait3A_304, %dma_wait3A_305] : memref<8x128x16xf32, #tpu.memory_space<vmem>> -> memref<1x128x16xf32, #tpu.memory_space<vmem>>
      %dma_wait3A_307 = tpu.memref_squeeze %dma_wait3A_306 : memref<1x128x16xf32, #tpu.memory_space<vmem>> -> memref<128x16xf32, #tpu.memory_space<vmem>>
      %dma_wait3A_308 = arith.constant 0 : i32
      %dma_wait3A_309 = arith.constant 0 : i32
      %dma_wait3A_310 = tpu.memref_slice %arg2[%dma_wait3A_308, %dma_wait3A_309] : memref<10112x16xf32, #tpu.memory_space<hbm>> -> memref<128x16xf32, #tpu.memory_space<hbm>>
      %dma_wait3A_311 = tpu.memref_slice %arg12[%dma_wait3A_303] : memref<8x!tpu.dma_semaphore, #tpu.memory_space<semaphore_mem>> -> memref<1x!tpu.dma_semaphore, #tpu.memory_space<semaphore_mem>>
      %dma_wait3A_312 = tpu.memref_squeeze %dma_wait3A_311 : memref<1x!tpu.dma_semaphore, #tpu.memory_space<semaphore_mem>> -> memref<!tpu.dma_semaphore, #tpu.memory_space<semaphore_mem>>
      %dma_wait3A_313 = arith.constant 0 : i32
      %dma_wait3A_314 = arith.constant 0 : i32
      %dma_wait3A_315 = tpu.memref_slice %arg9[%dma_wait3A_302, %dma_wait3A_313, %dma_wait3A_314] : memref<8x128x16xf32, #tpu.memory_space<vmem>> -> memref<1x128x16xf32, #tpu.memory_space<vmem>>
      %dma_wait3A_316 = tpu.memref_squeeze %dma_wait3A_315 : memref<1x128x16xf32, #tpu.memory_space<vmem>> -> memref<128x16xf32, #tpu.memory_space<vmem>>
      %dma_wait3A_317 = arith.constant 0 : i32
      %dma_wait3A_318 = arith.constant 0 : i32
      %dma_wait3A_319 = tpu.memref_slice %arg2[%dma_wait3A_317, %dma_wait3A_318] : memref<10112x16xf32, #tpu.memory_space<hbm>> -> memref<128x16xf32, #tpu.memory_space<hbm>>
      tpu.wait_dma2 semaphore(%dma_wait3A_312 : memref<!tpu.dma_semaphore, #tpu.memory_space<semaphore_mem>>) src(%dma_wait3A_319 : memref<128x16xf32, #tpu.memory_space<hbm>>) dst(%dma_wait3A_316 : memref<128x16xf32, #tpu.memory_space<vmem>>)
      %add3A_320 = arith.constant 1 : i32
      %add3A_321 = arith.addi %add3A_142, %add3A_320 : i32
      %lt3A_322 = arith.constant 80 : i32
      %lt3A_323 = arith.cmpi slt, %add3A_321, %lt3A_322 : i32
      %convert_element_type3A_324 = arith.extui %lt3A_323 : i1 to i32
      %cond3A_325 = arith.constant 0 : i32
      %cond3A_326 = arith.cmpi ne, %convert_element_type3A_324, %cond3A_325 : i32
      scf.if %cond3A_326 {
        %add3A_613 = arith.constant 1 : i32
        %add3A_614 = arith.addi %add3A_142, %add3A_613 : i32
        %dma_start3A_615 = arith.constant 1 : i32
        %dma_start3A_616 = arith.constant 1 : i32
        %dma_start3A_617 = arith.constant 0 : i32
        %dma_start3A_618 = arith.constant 0 : i32
        %dma_start3A_619 = tpu.memref_slice %arg9[%dma_start3A_615, %dma_start3A_617, %dma_start3A_618] : memref<8x128x16xf32, #tpu.memory_space<vmem>> -> memref<1x128x16xf32, #tpu.memory_space<vmem>>
        %dma_start3A_620 = tpu.memref_squeeze %dma_start3A_619 : memref<1x128x16xf32, #tpu.memory_space<vmem>> -> memref<128x16xf32, #tpu.memory_space<vmem>>
        %dma_start3A_621 = arith.constant 0 : i32
        %dma_start3A_622 = tpu.memref_slice %arg7[%add3A_614, %dma_start3A_621] : memref<80x128xi32, #tpu.memory_space<vmem>> -> memref<1x128xi32, #tpu.memory_space<vmem>>
        %dma_start3A_623 = tpu.memref_squeeze %dma_start3A_622 : memref<1x128xi32, #tpu.memory_space<vmem>> -> memref<128xi32, #tpu.memory_space<vmem>>
        %dma_start3A_624 = arith.constant 0 : i32
        %dma_start3A_625 = arith.constant 0 : i32
        %dma_start3A_626 = tpu.memref_slice %arg2[%dma_start3A_624, %dma_start3A_625] : memref<10112x16xf32, #tpu.memory_space<hbm>> -> memref<10112x16xf32, #tpu.memory_space<hbm>>
        %dma_start3A_627 = tpu.memref_slice %arg11[%dma_start3A_616] : memref<8x!tpu.dma_semaphore, #tpu.memory_space<semaphore_mem>> -> memref<1x!tpu.dma_semaphore, #tpu.memory_space<semaphore_mem>>
        %dma_start3A_628 = tpu.memref_squeeze %dma_start3A_627 : memref<1x!tpu.dma_semaphore, #tpu.memory_space<semaphore_mem>> -> memref<!tpu.dma_semaphore, #tpu.memory_space<semaphore_mem>>
        tpu.enqueue_indirect_dma source(%dma_start3A_626 : memref<10112x16xf32, #tpu.memory_space<hbm>>) target(%dma_start3A_620 : memref<128x16xf32, #tpu.memory_space<vmem>>) offsets(%dma_start3A_623 : memref<128xi32, #tpu.memory_space<vmem>>) semaphore(%dma_start3A_628 : memref<!tpu.dma_semaphore, #tpu.memory_space<semaphore_mem>>)
      } else {
      }
      %dma_wait3A_327 = arith.constant 2 : i32
      %dma_wait3A_328 = arith.constant 2 : i32
      %dma_wait3A_329 = arith.constant 0 : i32
      %dma_wait3A_330 = arith.constant 0 : i32
      %dma_wait3A_331 = tpu.memref_slice %arg9[%dma_wait3A_327, %dma_wait3A_329, %dma_wait3A_330] : memref<8x128x16xf32, #tpu.memory_space<vmem>> -> memref<1x128x16xf32, #tpu.memory_space<vmem>>
      %dma_wait3A_332 = tpu.memref_squeeze %dma_wait3A_331 : memref<1x128x16xf32, #tpu.memory_space<vmem>> -> memref<128x16xf32, #tpu.memory_space<vmem>>
      %dma_wait3A_333 = arith.constant 0 : i32
      %dma_wait3A_334 = arith.constant 0 : i32
      %dma_wait3A_335 = tpu.memref_slice %arg2[%dma_wait3A_333, %dma_wait3A_334] : memref<10112x16xf32, #tpu.memory_space<hbm>> -> memref<128x16xf32, #tpu.memory_space<hbm>>
      %dma_wait3A_336 = tpu.memref_slice %arg12[%dma_wait3A_328] : memref<8x!tpu.dma_semaphore, #tpu.memory_space<semaphore_mem>> -> memref<1x!tpu.dma_semaphore, #tpu.memory_space<semaphore_mem>>
      %dma_wait3A_337 = tpu.memref_squeeze %dma_wait3A_336 : memref<1x!tpu.dma_semaphore, #tpu.memory_space<semaphore_mem>> -> memref<!tpu.dma_semaphore, #tpu.memory_space<semaphore_mem>>
      %dma_wait3A_338 = arith.constant 0 : i32
      %dma_wait3A_339 = arith.constant 0 : i32
      %dma_wait3A_340 = tpu.memref_slice %arg9[%dma_wait3A_327, %dma_wait3A_338, %dma_wait3A_339] : memref<8x128x16xf32, #tpu.memory_space<vmem>> -> memref<1x128x16xf32, #tpu.memory_space<vmem>>
      %dma_wait3A_341 = tpu.memref_squeeze %dma_wait3A_340 : memref<1x128x16xf32, #tpu.memory_space<vmem>> -> memref<128x16xf32, #tpu.memory_space<vmem>>
      %dma_wait3A_342 = arith.constant 0 : i32
      %dma_wait3A_343 = arith.constant 0 : i32
      %dma_wait3A_344 = tpu.memref_slice %arg2[%dma_wait3A_342, %dma_wait3A_343] : memref<10112x16xf32, #tpu.memory_space<hbm>> -> memref<128x16xf32, #tpu.memory_space<hbm>>
      tpu.wait_dma2 semaphore(%dma_wait3A_337 : memref<!tpu.dma_semaphore, #tpu.memory_space<semaphore_mem>>) src(%dma_wait3A_344 : memref<128x16xf32, #tpu.memory_space<hbm>>) dst(%dma_wait3A_341 : memref<128x16xf32, #tpu.memory_space<vmem>>)
      %add3A_345 = arith.constant 2 : i32
      %add3A_346 = arith.addi %add3A_142, %add3A_345 : i32
      %lt3A_347 = arith.constant 80 : i32
      %lt3A_348 = arith.cmpi slt, %add3A_346, %lt3A_347 : i32
      %convert_element_type3A_349 = arith.extui %lt3A_348 : i1 to i32
      %cond3A_350 = arith.constant 0 : i32
      %cond3A_351 = arith.cmpi ne, %convert_element_type3A_349, %cond3A_350 : i32
      scf.if %cond3A_351 {
        %add3A_613 = arith.constant 2 : i32
        %add3A_614 = arith.addi %add3A_142, %add3A_613 : i32
        %dma_start3A_615 = arith.constant 2 : i32
        %dma_start3A_616 = arith.constant 2 : i32
        %dma_start3A_617 = arith.constant 0 : i32
        %dma_start3A_618 = arith.constant 0 : i32
        %dma_start3A_619 = tpu.memref_slice %arg9[%dma_start3A_615, %dma_start3A_617, %dma_start3A_618] : memref<8x128x16xf32, #tpu.memory_space<vmem>> -> memref<1x128x16xf32, #tpu.memory_space<vmem>>
        %dma_start3A_620 = tpu.memref_squeeze %dma_start3A_619 : memref<1x128x16xf32, #tpu.memory_space<vmem>> -> memref<128x16xf32, #tpu.memory_space<vmem>>
        %dma_start3A_621 = arith.constant 0 : i32
        %dma_start3A_622 = tpu.memref_slice %arg7[%add3A_614, %dma_start3A_621] : memref<80x128xi32, #tpu.memory_space<vmem>> -> memref<1x128xi32, #tpu.memory_space<vmem>>
        %dma_start3A_623 = tpu.memref_squeeze %dma_start3A_622 : memref<1x128xi32, #tpu.memory_space<vmem>> -> memref<128xi32, #tpu.memory_space<vmem>>
        %dma_start3A_624 = arith.constant 0 : i32
        %dma_start3A_625 = arith.constant 0 : i32
        %dma_start3A_626 = tpu.memref_slice %arg2[%dma_start3A_624, %dma_start3A_625] : memref<10112x16xf32, #tpu.memory_space<hbm>> -> memref<10112x16xf32, #tpu.memory_space<hbm>>
        %dma_start3A_627 = tpu.memref_slice %arg11[%dma_start3A_616] : memref<8x!tpu.dma_semaphore, #tpu.memory_space<semaphore_mem>> -> memref<1x!tpu.dma_semaphore, #tpu.memory_space<semaphore_mem>>
        %dma_start3A_628 = tpu.memref_squeeze %dma_start3A_627 : memref<1x!tpu.dma_semaphore, #tpu.memory_space<semaphore_mem>> -> memref<!tpu.dma_semaphore, #tpu.memory_space<semaphore_mem>>
        tpu.enqueue_indirect_dma source(%dma_start3A_626 : memref<10112x16xf32, #tpu.memory_space<hbm>>) target(%dma_start3A_620 : memref<128x16xf32, #tpu.memory_space<vmem>>) offsets(%dma_start3A_623 : memref<128xi32, #tpu.memory_space<vmem>>) semaphore(%dma_start3A_628 : memref<!tpu.dma_semaphore, #tpu.memory_space<semaphore_mem>>)
      } else {
      }
      %dma_wait3A_352 = arith.constant 3 : i32
      %dma_wait3A_353 = arith.constant 3 : i32
      %dma_wait3A_354 = arith.constant 0 : i32
      %dma_wait3A_355 = arith.constant 0 : i32
      %dma_wait3A_356 = tpu.memref_slice %arg9[%dma_wait3A_352, %dma_wait3A_354, %dma_wait3A_355] : memref<8x128x16xf32, #tpu.memory_space<vmem>> -> memref<1x128x16xf32, #tpu.memory_space<vmem>>
      %dma_wait3A_357 = tpu.memref_squeeze %dma_wait3A_356 : memref<1x128x16xf32, #tpu.memory_space<vmem>> -> memref<128x16xf32, #tpu.memory_space<vmem>>
      %dma_wait3A_358 = arith.constant 0 : i32
      %dma_wait3A_359 = arith.constant 0 : i32
      %dma_wait3A_360 = tpu.memref_slice %arg2[%dma_wait3A_358, %dma_wait3A_359] : memref<10112x16xf32, #tpu.memory_space<hbm>> -> memref<128x16xf32, #tpu.memory_space<hbm>>
      %dma_wait3A_361 = tpu.memref_slice %arg12[%dma_wait3A_353] : memref<8x!tpu.dma_semaphore, #tpu.memory_space<semaphore_mem>> -> memref<1x!tpu.dma_semaphore, #tpu.memory_space<semaphore_mem>>
      %dma_wait3A_362 = tpu.memref_squeeze %dma_wait3A_361 : memref<1x!tpu.dma_semaphore, #tpu.memory_space<semaphore_mem>> -> memref<!tpu.dma_semaphore, #tpu.memory_space<semaphore_mem>>
      %dma_wait3A_363 = arith.constant 0 : i32
      %dma_wait3A_364 = arith.constant 0 : i32
      %dma_wait3A_365 = tpu.memref_slice %arg9[%dma_wait3A_352, %dma_wait3A_363, %dma_wait3A_364] : memref<8x128x16xf32, #tpu.memory_space<vmem>> -> memref<1x128x16xf32, #tpu.memory_space<vmem>>
      %dma_wait3A_366 = tpu.memref_squeeze %dma_wait3A_365 : memref<1x128x16xf32, #tpu.memory_space<vmem>> -> memref<128x16xf32, #tpu.memory_space<vmem>>
      %dma_wait3A_367 = arith.constant 0 : i32
      %dma_wait3A_368 = arith.constant 0 : i32
      %dma_wait3A_369 = tpu.memref_slice %arg2[%dma_wait3A_367, %dma_wait3A_368] : memref<10112x16xf32, #tpu.memory_space<hbm>> -> memref<128x16xf32, #tpu.memory_space<hbm>>
      tpu.wait_dma2 semaphore(%dma_wait3A_362 : memref<!tpu.dma_semaphore, #tpu.memory_space<semaphore_mem>>) src(%dma_wait3A_369 : memref<128x16xf32, #tpu.memory_space<hbm>>) dst(%dma_wait3A_366 : memref<128x16xf32, #tpu.memory_space<vmem>>)
      %add3A_370 = arith.constant 3 : i32
      %add3A_371 = arith.addi %add3A_142, %add3A_370 : i32
      %lt3A_372 = arith.constant 80 : i32
      %lt3A_373 = arith.cmpi slt, %add3A_371, %lt3A_372 : i32
      %convert_element_type3A_374 = arith.extui %lt3A_373 : i1 to i32
      %cond3A_375 = arith.constant 0 : i32
      %cond3A_376 = arith.cmpi ne, %convert_element_type3A_374, %cond3A_375 : i32
      scf.if %cond3A_376 {
        %add3A_613 = arith.constant 3 : i32
        %add3A_614 = arith.addi %add3A_142, %add3A_613 : i32
        %dma_start3A_615 = arith.constant 3 : i32
        %dma_start3A_616 = arith.constant 3 : i32
        %dma_start3A_617 = arith.constant 0 : i32
        %dma_start3A_618 = arith.constant 0 : i32
        %dma_start3A_619 = tpu.memref_slice %arg9[%dma_start3A_615, %dma_start3A_617, %dma_start3A_618] : memref<8x128x16xf32, #tpu.memory_space<vmem>> -> memref<1x128x16xf32, #tpu.memory_space<vmem>>
        %dma_start3A_620 = tpu.memref_squeeze %dma_start3A_619 : memref<1x128x16xf32, #tpu.memory_space<vmem>> -> memref<128x16xf32, #tpu.memory_space<vmem>>
        %dma_start3A_621 = arith.constant 0 : i32
        %dma_start3A_622 = tpu.memref_slice %arg7[%add3A_614, %dma_start3A_621] : memref<80x128xi32, #tpu.memory_space<vmem>> -> memref<1x128xi32, #tpu.memory_space<vmem>>
        %dma_start3A_623 = tpu.memref_squeeze %dma_start3A_622 : memref<1x128xi32, #tpu.memory_space<vmem>> -> memref<128xi32, #tpu.memory_space<vmem>>
        %dma_start3A_624 = arith.constant 0 : i32
        %dma_start3A_625 = arith.constant 0 : i32
        %dma_start3A_626 = tpu.memref_slice %arg2[%dma_start3A_624, %dma_start3A_625] : memref<10112x16xf32, #tpu.memory_space<hbm>> -> memref<10112x16xf32, #tpu.memory_space<hbm>>
        %dma_start3A_627 = tpu.memref_slice %arg11[%dma_start3A_616] : memref<8x!tpu.dma_semaphore, #tpu.memory_space<semaphore_mem>> -> memref<1x!tpu.dma_semaphore, #tpu.memory_space<semaphore_mem>>
        %dma_start3A_628 = tpu.memref_squeeze %dma_start3A_627 : memref<1x!tpu.dma_semaphore, #tpu.memory_space<semaphore_mem>> -> memref<!tpu.dma_semaphore, #tpu.memory_space<semaphore_mem>>
        tpu.enqueue_indirect_dma source(%dma_start3A_626 : memref<10112x16xf32, #tpu.memory_space<hbm>>) target(%dma_start3A_620 : memref<128x16xf32, #tpu.memory_space<vmem>>) offsets(%dma_start3A_623 : memref<128xi32, #tpu.memory_space<vmem>>) semaphore(%dma_start3A_628 : memref<!tpu.dma_semaphore, #tpu.memory_space<semaphore_mem>>)
      } else {
      }
      %dma_wait3A_377 = arith.constant 4 : i32
      %dma_wait3A_378 = arith.constant 4 : i32
      %dma_wait3A_379 = arith.constant 0 : i32
      %dma_wait3A_380 = arith.constant 0 : i32
      %dma_wait3A_381 = tpu.memref_slice %arg9[%dma_wait3A_377, %dma_wait3A_379, %dma_wait3A_380] : memref<8x128x16xf32, #tpu.memory_space<vmem>> -> memref<1x128x16xf32, #tpu.memory_space<vmem>>
      %dma_wait3A_382 = tpu.memref_squeeze %dma_wait3A_381 : memref<1x128x16xf32, #tpu.memory_space<vmem>> -> memref<128x16xf32, #tpu.memory_space<vmem>>
      %dma_wait3A_383 = arith.constant 0 : i32
      %dma_wait3A_384 = arith.constant 0 : i32
      %dma_wait3A_385 = tpu.memref_slice %arg2[%dma_wait3A_383, %dma_wait3A_384] : memref<10112x16xf32, #tpu.memory_space<hbm>> -> memref<128x16xf32, #tpu.memory_space<hbm>>
      %dma_wait3A_386 = tpu.memref_slice %arg11[%dma_wait3A_378] : memref<8x!tpu.dma_semaphore, #tpu.memory_space<semaphore_mem>> -> memref<1x!tpu.dma_semaphore, #tpu.memory_space<semaphore_mem>>
      %dma_wait3A_387 = tpu.memref_squeeze %dma_wait3A_386 : memref<1x!tpu.dma_semaphore, #tpu.memory_space<semaphore_mem>> -> memref<!tpu.dma_semaphore, #tpu.memory_space<semaphore_mem>>
      %dma_wait3A_388 = arith.constant 0 : i32
      %dma_wait3A_389 = arith.constant 0 : i32
      %dma_wait3A_390 = tpu.memref_slice %arg9[%dma_wait3A_377, %dma_wait3A_388, %dma_wait3A_389] : memref<8x128x16xf32, #tpu.memory_space<vmem>> -> memref<1x128x16xf32, #tpu.memory_space<vmem>>
      %dma_wait3A_391 = tpu.memref_squeeze %dma_wait3A_390 : memref<1x128x16xf32, #tpu.memory_space<vmem>> -> memref<128x16xf32, #tpu.memory_space<vmem>>
      %dma_wait3A_392 = arith.constant 0 : i32
      %dma_wait3A_393 = arith.constant 0 : i32
      %dma_wait3A_394 = tpu.memref_slice %arg2[%dma_wait3A_392, %dma_wait3A_393] : memref<10112x16xf32, #tpu.memory_space<hbm>> -> memref<128x16xf32, #tpu.memory_space<hbm>>
      tpu.wait_dma2 semaphore(%dma_wait3A_387 : memref<!tpu.dma_semaphore, #tpu.memory_space<semaphore_mem>>) src(%dma_wait3A_394 : memref<128x16xf32, #tpu.memory_space<hbm>>) dst(%dma_wait3A_391 : memref<128x16xf32, #tpu.memory_space<vmem>>)
      %add3A_395 = arith.constant 0 : i32
      %add3A_396 = arith.addi %add3A_140, %add3A_395 : i32
      %dma_start3A_397 = arith.constant 4 : i32
      %dma_start3A_398 = arith.constant 4 : i32
      %dma_start3A_399 = arith.constant 0 : i32
      %dma_start3A_400 = arith.constant 0 : i32
      %dma_start3A_401 = tpu.memref_slice %arg9[%dma_start3A_397, %dma_start3A_399, %dma_start3A_400] : memref<8x128x16xf32, #tpu.memory_space<vmem>> -> memref<1x128x16xf32, #tpu.memory_space<vmem>>
      %dma_start3A_402 = tpu.memref_squeeze %dma_start3A_401 : memref<1x128x16xf32, #tpu.memory_space<vmem>> -> memref<128x16xf32, #tpu.memory_space<vmem>>
      %dma_start3A_403 = arith.constant 0 : i32
      %dma_start3A_404 = tpu.memref_slice %arg8[%add3A_396, %dma_start3A_403] : memref<80x128xi32, #tpu.memory_space<vmem>> -> memref<1x128xi32, #tpu.memory_space<vmem>>
      %dma_start3A_405 = tpu.memref_squeeze %dma_start3A_404 : memref<1x128xi32, #tpu.memory_space<vmem>> -> memref<128xi32, #tpu.memory_space<vmem>>
      %dma_start3A_406 = arith.constant 0 : i32
      %dma_start3A_407 = arith.constant 0 : i32
      %dma_start3A_408 = tpu.memref_slice %arg10[%dma_start3A_406, %dma_start3A_407] : memref<10112x16xf32, #tpu.memory_space<vmem_shared>> -> memref<10112x16xf32, #tpu.memory_space<vmem_shared>>
      %dma_start3A_409 = tpu.memref_slice %arg12[%dma_start3A_398] : memref<8x!tpu.dma_semaphore, #tpu.memory_space<semaphore_mem>> -> memref<1x!tpu.dma_semaphore, #tpu.memory_space<semaphore_mem>>
      %dma_start3A_410 = tpu.memref_squeeze %dma_start3A_409 : memref<1x!tpu.dma_semaphore, #tpu.memory_space<semaphore_mem>> -> memref<!tpu.dma_semaphore, #tpu.memory_space<semaphore_mem>>
      tpu.enqueue_indirect_dma source(%dma_start3A_402 : memref<128x16xf32, #tpu.memory_space<vmem>>) target(%dma_start3A_408 : memref<10112x16xf32, #tpu.memory_space<vmem_shared>>) offsets(%dma_start3A_405 : memref<128xi32, #tpu.memory_space<vmem>>) semaphore(%dma_start3A_410 : memref<!tpu.dma_semaphore, #tpu.memory_space<semaphore_mem>>) {add = true}
      %dma_wait3A_411 = arith.constant 5 : i32
      %dma_wait3A_412 = arith.constant 5 : i32
      %dma_wait3A_413 = arith.constant 0 : i32
      %dma_wait3A_414 = arith.constant 0 : i32
      %dma_wait3A_415 = tpu.memref_slice %arg9[%dma_wait3A_411, %dma_wait3A_413, %dma_wait3A_414] : memref<8x128x16xf32, #tpu.memory_space<vmem>> -> memref<1x128x16xf32, #tpu.memory_space<vmem>>
      %dma_wait3A_416 = tpu.memref_squeeze %dma_wait3A_415 : memref<1x128x16xf32, #tpu.memory_space<vmem>> -> memref<128x16xf32, #tpu.memory_space<vmem>>
      %dma_wait3A_417 = arith.constant 0 : i32
      %dma_wait3A_418 = arith.constant 0 : i32
      %dma_wait3A_419 = tpu.memref_slice %arg2[%dma_wait3A_417, %dma_wait3A_418] : memref<10112x16xf32, #tpu.memory_space<hbm>> -> memref<128x16xf32, #tpu.memory_space<hbm>>
      %dma_wait3A_420 = tpu.memref_slice %arg11[%dma_wait3A_412] : memref<8x!tpu.dma_semaphore, #tpu.memory_space<semaphore_mem>> -> memref<1x!tpu.dma_semaphore, #tpu.memory_space<semaphore_mem>>
      %dma_wait3A_421 = tpu.memref_squeeze %dma_wait3A_420 : memref<1x!tpu.dma_semaphore, #tpu.memory_space<semaphore_mem>> -> memref<!tpu.dma_semaphore, #tpu.memory_space<semaphore_mem>>
      %dma_wait3A_422 = arith.constant 0 : i32
      %dma_wait3A_423 = arith.constant 0 : i32
      %dma_wait3A_424 = tpu.memref_slice %arg9[%dma_wait3A_411, %dma_wait3A_422, %dma_wait3A_423] : memref<8x128x16xf32, #tpu.memory_space<vmem>> -> memref<1x128x16xf32, #tpu.memory_space<vmem>>
      %dma_wait3A_425 = tpu.memref_squeeze %dma_wait3A_424 : memref<1x128x16xf32, #tpu.memory_space<vmem>> -> memref<128x16xf32, #tpu.memory_space<vmem>>
      %dma_wait3A_426 = arith.constant 0 : i32
      %dma_wait3A_427 = arith.constant 0 : i32
      %dma_wait3A_428 = tpu.memref_slice %arg2[%dma_wait3A_426, %dma_wait3A_427] : memref<10112x16xf32, #tpu.memory_space<hbm>> -> memref<128x16xf32, #tpu.memory_space<hbm>>
      tpu.wait_dma2 semaphore(%dma_wait3A_421 : memref<!tpu.dma_semaphore, #tpu.memory_space<semaphore_mem>>) src(%dma_wait3A_428 : memref<128x16xf32, #tpu.memory_space<hbm>>) dst(%dma_wait3A_425 : memref<128x16xf32, #tpu.memory_space<vmem>>)
      %add3A_429 = arith.constant 1 : i32
      %add3A_430 = arith.addi %add3A_140, %add3A_429 : i32
      %dma_start3A_431 = arith.constant 5 : i32
      %dma_start3A_432 = arith.constant 5 : i32
      %dma_start3A_433 = arith.constant 0 : i32
      %dma_start3A_434 = arith.constant 0 : i32
      %dma_start3A_435 = tpu.memref_slice %arg9[%dma_start3A_431, %dma_start3A_433, %dma_start3A_434] : memref<8x128x16xf32, #tpu.memory_space<vmem>> -> memref<1x128x16xf32, #tpu.memory_space<vmem>>
      %dma_start3A_436 = tpu.memref_squeeze %dma_start3A_435 : memref<1x128x16xf32, #tpu.memory_space<vmem>> -> memref<128x16xf32, #tpu.memory_space<vmem>>
      %dma_start3A_437 = arith.constant 0 : i32
      %dma_start3A_438 = tpu.memref_slice %arg8[%add3A_430, %dma_start3A_437] : memref<80x128xi32, #tpu.memory_space<vmem>> -> memref<1x128xi32, #tpu.memory_space<vmem>>
      %dma_start3A_439 = tpu.memref_squeeze %dma_start3A_438 : memref<1x128xi32, #tpu.memory_space<vmem>> -> memref<128xi32, #tpu.memory_space<vmem>>
      %dma_start3A_440 = arith.constant 0 : i32
      %dma_start3A_441 = arith.constant 0 : i32
      %dma_start3A_442 = tpu.memref_slice %arg10[%dma_start3A_440, %dma_start3A_441] : memref<10112x16xf32, #tpu.memory_space<vmem_shared>> -> memref<10112x16xf32, #tpu.memory_space<vmem_shared>>
      %dma_start3A_443 = tpu.memref_slice %arg12[%dma_start3A_432] : memref<8x!tpu.dma_semaphore, #tpu.memory_space<semaphore_mem>> -> memref<1x!tpu.dma_semaphore, #tpu.memory_space<semaphore_mem>>
      %dma_start3A_444 = tpu.memref_squeeze %dma_start3A_443 : memref<1x!tpu.dma_semaphore, #tpu.memory_space<semaphore_mem>> -> memref<!tpu.dma_semaphore, #tpu.memory_space<semaphore_mem>>
      tpu.enqueue_indirect_dma source(%dma_start3A_436 : memref<128x16xf32, #tpu.memory_space<vmem>>) target(%dma_start3A_442 : memref<10112x16xf32, #tpu.memory_space<vmem_shared>>) offsets(%dma_start3A_439 : memref<128xi32, #tpu.memory_space<vmem>>) semaphore(%dma_start3A_444 : memref<!tpu.dma_semaphore, #tpu.memory_space<semaphore_mem>>) {add = true}
      %dma_wait3A_445 = arith.constant 6 : i32
      %dma_wait3A_446 = arith.constant 6 : i32
      %dma_wait3A_447 = arith.constant 0 : i32
      %dma_wait3A_448 = arith.constant 0 : i32
      %dma_wait3A_449 = tpu.memref_slice %arg9[%dma_wait3A_445, %dma_wait3A_447, %dma_wait3A_448] : memref<8x128x16xf32, #tpu.memory_space<vmem>> -> memref<1x128x16xf32, #tpu.memory_space<vmem>>
      %dma_wait3A_450 = tpu.memref_squeeze %dma_wait3A_449 : memref<1x128x16xf32, #tpu.memory_space<vmem>> -> memref<128x16xf32, #tpu.memory_space<vmem>>
      %dma_wait3A_451 = arith.constant 0 : i32
      %dma_wait3A_452 = arith.constant 0 : i32
      %dma_wait3A_453 = tpu.memref_slice %arg2[%dma_wait3A_451, %dma_wait3A_452] : memref<10112x16xf32, #tpu.memory_space<hbm>> -> memref<128x16xf32, #tpu.memory_space<hbm>>
      %dma_wait3A_454 = tpu.memref_slice %arg11[%dma_wait3A_446] : memref<8x!tpu.dma_semaphore, #tpu.memory_space<semaphore_mem>> -> memref<1x!tpu.dma_semaphore, #tpu.memory_space<semaphore_mem>>
      %dma_wait3A_455 = tpu.memref_squeeze %dma_wait3A_454 : memref<1x!tpu.dma_semaphore, #tpu.memory_space<semaphore_mem>> -> memref<!tpu.dma_semaphore, #tpu.memory_space<semaphore_mem>>
      %dma_wait3A_456 = arith.constant 0 : i32
      %dma_wait3A_457 = arith.constant 0 : i32
      %dma_wait3A_458 = tpu.memref_slice %arg9[%dma_wait3A_445, %dma_wait3A_456, %dma_wait3A_457] : memref<8x128x16xf32, #tpu.memory_space<vmem>> -> memref<1x128x16xf32, #tpu.memory_space<vmem>>
      %dma_wait3A_459 = tpu.memref_squeeze %dma_wait3A_458 : memref<1x128x16xf32, #tpu.memory_space<vmem>> -> memref<128x16xf32, #tpu.memory_space<vmem>>
      %dma_wait3A_460 = arith.constant 0 : i32
      %dma_wait3A_461 = arith.constant 0 : i32
      %dma_wait3A_462 = tpu.memref_slice %arg2[%dma_wait3A_460, %dma_wait3A_461] : memref<10112x16xf32, #tpu.memory_space<hbm>> -> memref<128x16xf32, #tpu.memory_space<hbm>>
      tpu.wait_dma2 semaphore(%dma_wait3A_455 : memref<!tpu.dma_semaphore, #tpu.memory_space<semaphore_mem>>) src(%dma_wait3A_462 : memref<128x16xf32, #tpu.memory_space<hbm>>) dst(%dma_wait3A_459 : memref<128x16xf32, #tpu.memory_space<vmem>>)
      %add3A_463 = arith.constant 2 : i32
      %add3A_464 = arith.addi %add3A_140, %add3A_463 : i32
      %dma_start3A_465 = arith.constant 6 : i32
      %dma_start3A_466 = arith.constant 6 : i32
      %dma_start3A_467 = arith.constant 0 : i32
      %dma_start3A_468 = arith.constant 0 : i32
      %dma_start3A_469 = tpu.memref_slice %arg9[%dma_start3A_465, %dma_start3A_467, %dma_start3A_468] : memref<8x128x16xf32, #tpu.memory_space<vmem>> -> memref<1x128x16xf32, #tpu.memory_space<vmem>>
      %dma_start3A_470 = tpu.memref_squeeze %dma_start3A_469 : memref<1x128x16xf32, #tpu.memory_space<vmem>> -> memref<128x16xf32, #tpu.memory_space<vmem>>
      %dma_start3A_471 = arith.constant 0 : i32
      %dma_start3A_472 = tpu.memref_slice %arg8[%add3A_464, %dma_start3A_471] : memref<80x128xi32, #tpu.memory_space<vmem>> -> memref<1x128xi32, #tpu.memory_space<vmem>>
      %dma_start3A_473 = tpu.memref_squeeze %dma_start3A_472 : memref<1x128xi32, #tpu.memory_space<vmem>> -> memref<128xi32, #tpu.memory_space<vmem>>
      %dma_start3A_474 = arith.constant 0 : i32
      %dma_start3A_475 = arith.constant 0 : i32
      %dma_start3A_476 = tpu.memref_slice %arg10[%dma_start3A_474, %dma_start3A_475] : memref<10112x16xf32, #tpu.memory_space<vmem_shared>> -> memref<10112x16xf32, #tpu.memory_space<vmem_shared>>
      %dma_start3A_477 = tpu.memref_slice %arg12[%dma_start3A_466] : memref<8x!tpu.dma_semaphore, #tpu.memory_space<semaphore_mem>> -> memref<1x!tpu.dma_semaphore, #tpu.memory_space<semaphore_mem>>
      %dma_start3A_478 = tpu.memref_squeeze %dma_start3A_477 : memref<1x!tpu.dma_semaphore, #tpu.memory_space<semaphore_mem>> -> memref<!tpu.dma_semaphore, #tpu.memory_space<semaphore_mem>>
      tpu.enqueue_indirect_dma source(%dma_start3A_470 : memref<128x16xf32, #tpu.memory_space<vmem>>) target(%dma_start3A_476 : memref<10112x16xf32, #tpu.memory_space<vmem_shared>>) offsets(%dma_start3A_473 : memref<128xi32, #tpu.memory_space<vmem>>) semaphore(%dma_start3A_478 : memref<!tpu.dma_semaphore, #tpu.memory_space<semaphore_mem>>) {add = true}
      %dma_wait3A_479 = arith.constant 7 : i32
      %dma_wait3A_480 = arith.constant 7 : i32
      %dma_wait3A_481 = arith.constant 0 : i32
      %dma_wait3A_482 = arith.constant 0 : i32
      %dma_wait3A_483 = tpu.memref_slice %arg9[%dma_wait3A_479, %dma_wait3A_481, %dma_wait3A_482] : memref<8x128x16xf32, #tpu.memory_space<vmem>> -> memref<1x128x16xf32, #tpu.memory_space<vmem>>
      %dma_wait3A_484 = tpu.memref_squeeze %dma_wait3A_483 : memref<1x128x16xf32, #tpu.memory_space<vmem>> -> memref<128x16xf32, #tpu.memory_space<vmem>>
      %dma_wait3A_485 = arith.constant 0 : i32
      %dma_wait3A_486 = arith.constant 0 : i32
      %dma_wait3A_487 = tpu.memref_slice %arg2[%dma_wait3A_485, %dma_wait3A_486] : memref<10112x16xf32, #tpu.memory_space<hbm>> -> memref<128x16xf32, #tpu.memory_space<hbm>>
      %dma_wait3A_488 = tpu.memref_slice %arg11[%dma_wait3A_480] : memref<8x!tpu.dma_semaphore, #tpu.memory_space<semaphore_mem>> -> memref<1x!tpu.dma_semaphore, #tpu.memory_space<semaphore_mem>>
      %dma_wait3A_489 = tpu.memref_squeeze %dma_wait3A_488 : memref<1x!tpu.dma_semaphore, #tpu.memory_space<semaphore_mem>> -> memref<!tpu.dma_semaphore, #tpu.memory_space<semaphore_mem>>
      %dma_wait3A_490 = arith.constant 0 : i32
      %dma_wait3A_491 = arith.constant 0 : i32
      %dma_wait3A_492 = tpu.memref_slice %arg9[%dma_wait3A_479, %dma_wait3A_490, %dma_wait3A_491] : memref<8x128x16xf32, #tpu.memory_space<vmem>> -> memref<1x128x16xf32, #tpu.memory_space<vmem>>
      %dma_wait3A_493 = tpu.memref_squeeze %dma_wait3A_492 : memref<1x128x16xf32, #tpu.memory_space<vmem>> -> memref<128x16xf32, #tpu.memory_space<vmem>>
      %dma_wait3A_494 = arith.constant 0 : i32
      %dma_wait3A_495 = arith.constant 0 : i32
      %dma_wait3A_496 = tpu.memref_slice %arg2[%dma_wait3A_494, %dma_wait3A_495] : memref<10112x16xf32, #tpu.memory_space<hbm>> -> memref<128x16xf32, #tpu.memory_space<hbm>>
      tpu.wait_dma2 semaphore(%dma_wait3A_489 : memref<!tpu.dma_semaphore, #tpu.memory_space<semaphore_mem>>) src(%dma_wait3A_496 : memref<128x16xf32, #tpu.memory_space<hbm>>) dst(%dma_wait3A_493 : memref<128x16xf32, #tpu.memory_space<vmem>>)
      %add3A_497 = arith.constant 3 : i32
      %add3A_498 = arith.addi %add3A_140, %add3A_497 : i32
      %dma_start3A_499 = arith.constant 7 : i32
      %dma_start3A_500 = arith.constant 7 : i32
      %dma_start3A_501 = arith.constant 0 : i32
      %dma_start3A_502 = arith.constant 0 : i32
      %dma_start3A_503 = tpu.memref_slice %arg9[%dma_start3A_499, %dma_start3A_501, %dma_start3A_502] : memref<8x128x16xf32, #tpu.memory_space<vmem>> -> memref<1x128x16xf32, #tpu.memory_space<vmem>>
      %dma_start3A_504 = tpu.memref_squeeze %dma_start3A_503 : memref<1x128x16xf32, #tpu.memory_space<vmem>> -> memref<128x16xf32, #tpu.memory_space<vmem>>
      %dma_start3A_505 = arith.constant 0 : i32
      %dma_start3A_506 = tpu.memref_slice %arg8[%add3A_498, %dma_start3A_505] : memref<80x128xi32, #tpu.memory_space<vmem>> -> memref<1x128xi32, #tpu.memory_space<vmem>>
      %dma_start3A_507 = tpu.memref_squeeze %dma_start3A_506 : memref<1x128xi32, #tpu.memory_space<vmem>> -> memref<128xi32, #tpu.memory_space<vmem>>
      %dma_start3A_508 = arith.constant 0 : i32
      %dma_start3A_509 = arith.constant 0 : i32
      %dma_start3A_510 = tpu.memref_slice %arg10[%dma_start3A_508, %dma_start3A_509] : memref<10112x16xf32, #tpu.memory_space<vmem_shared>> -> memref<10112x16xf32, #tpu.memory_space<vmem_shared>>
      %dma_start3A_511 = tpu.memref_slice %arg12[%dma_start3A_500] : memref<8x!tpu.dma_semaphore, #tpu.memory_space<semaphore_mem>> -> memref<1x!tpu.dma_semaphore, #tpu.memory_space<semaphore_mem>>
      %dma_start3A_512 = tpu.memref_squeeze %dma_start3A_511 : memref<1x!tpu.dma_semaphore, #tpu.memory_space<semaphore_mem>> -> memref<!tpu.dma_semaphore, #tpu.memory_space<semaphore_mem>>
      tpu.enqueue_indirect_dma source(%dma_start3A_504 : memref<128x16xf32, #tpu.memory_space<vmem>>) target(%dma_start3A_510 : memref<10112x16xf32, #tpu.memory_space<vmem_shared>>) offsets(%dma_start3A_507 : memref<128xi32, #tpu.memory_space<vmem>>) semaphore(%dma_start3A_512 : memref<!tpu.dma_semaphore, #tpu.memory_space<semaphore_mem>>) {add = true}
      %dma_wait3A_513 = arith.constant 4 : i32
      %dma_wait3A_514 = arith.constant 4 : i32
      %dma_wait3A_515 = arith.constant 0 : i32
      %dma_wait3A_516 = arith.constant 0 : i32
      %dma_wait3A_517 = tpu.memref_slice %arg9[%dma_wait3A_513, %dma_wait3A_515, %dma_wait3A_516] : memref<8x128x16xf32, #tpu.memory_space<vmem>> -> memref<1x128x16xf32, #tpu.memory_space<vmem>>
      %dma_wait3A_518 = tpu.memref_squeeze %dma_wait3A_517 : memref<1x128x16xf32, #tpu.memory_space<vmem>> -> memref<128x16xf32, #tpu.memory_space<vmem>>
      %dma_wait3A_519 = arith.constant 0 : i32
      %dma_wait3A_520 = arith.constant 0 : i32
      %dma_wait3A_521 = tpu.memref_slice %arg2[%dma_wait3A_519, %dma_wait3A_520] : memref<10112x16xf32, #tpu.memory_space<hbm>> -> memref<128x16xf32, #tpu.memory_space<hbm>>
      %dma_wait3A_522 = tpu.memref_slice %arg12[%dma_wait3A_514] : memref<8x!tpu.dma_semaphore, #tpu.memory_space<semaphore_mem>> -> memref<1x!tpu.dma_semaphore, #tpu.memory_space<semaphore_mem>>
      %dma_wait3A_523 = tpu.memref_squeeze %dma_wait3A_522 : memref<1x!tpu.dma_semaphore, #tpu.memory_space<semaphore_mem>> -> memref<!tpu.dma_semaphore, #tpu.memory_space<semaphore_mem>>
      %dma_wait3A_524 = arith.constant 0 : i32
      %dma_wait3A_525 = arith.constant 0 : i32
      %dma_wait3A_526 = tpu.memref_slice %arg9[%dma_wait3A_513, %dma_wait3A_524, %dma_wait3A_525] : memref<8x128x16xf32, #tpu.memory_space<vmem>> -> memref<1x128x16xf32, #tpu.memory_space<vmem>>
      %dma_wait3A_527 = tpu.memref_squeeze %dma_wait3A_526 : memref<1x128x16xf32, #tpu.memory_space<vmem>> -> memref<128x16xf32, #tpu.memory_space<vmem>>
      %dma_wait3A_528 = arith.constant 0 : i32
      %dma_wait3A_529 = arith.constant 0 : i32
      %dma_wait3A_530 = tpu.memref_slice %arg2[%dma_wait3A_528, %dma_wait3A_529] : memref<10112x16xf32, #tpu.memory_space<hbm>> -> memref<128x16xf32, #tpu.memory_space<hbm>>
      tpu.wait_dma2 semaphore(%dma_wait3A_523 : memref<!tpu.dma_semaphore, #tpu.memory_space<semaphore_mem>>) src(%dma_wait3A_530 : memref<128x16xf32, #tpu.memory_space<hbm>>) dst(%dma_wait3A_527 : memref<128x16xf32, #tpu.memory_space<vmem>>)
      %add3A_531 = arith.constant 0 : i32
      %add3A_532 = arith.addi %add3A_144, %add3A_531 : i32
      %lt3A_533 = arith.constant 80 : i32
      %lt3A_534 = arith.cmpi slt, %add3A_532, %lt3A_533 : i32
      %convert_element_type3A_535 = arith.extui %lt3A_534 : i1 to i32
      %cond3A_536 = arith.constant 0 : i32
      %cond3A_537 = arith.cmpi ne, %convert_element_type3A_535, %cond3A_536 : i32
      scf.if %cond3A_537 {
        %add3A_613 = arith.constant 0 : i32
        %add3A_614 = arith.addi %add3A_144, %add3A_613 : i32
        %dma_start3A_615 = arith.constant 4 : i32
        %dma_start3A_616 = arith.constant 4 : i32
        %dma_start3A_617 = arith.constant 0 : i32
        %dma_start3A_618 = arith.constant 0 : i32
        %dma_start3A_619 = tpu.memref_slice %arg9[%dma_start3A_615, %dma_start3A_617, %dma_start3A_618] : memref<8x128x16xf32, #tpu.memory_space<vmem>> -> memref<1x128x16xf32, #tpu.memory_space<vmem>>
        %dma_start3A_620 = tpu.memref_squeeze %dma_start3A_619 : memref<1x128x16xf32, #tpu.memory_space<vmem>> -> memref<128x16xf32, #tpu.memory_space<vmem>>
        %dma_start3A_621 = arith.constant 0 : i32
        %dma_start3A_622 = tpu.memref_slice %arg7[%add3A_614, %dma_start3A_621] : memref<80x128xi32, #tpu.memory_space<vmem>> -> memref<1x128xi32, #tpu.memory_space<vmem>>
        %dma_start3A_623 = tpu.memref_squeeze %dma_start3A_622 : memref<1x128xi32, #tpu.memory_space<vmem>> -> memref<128xi32, #tpu.memory_space<vmem>>
        %dma_start3A_624 = arith.constant 0 : i32
        %dma_start3A_625 = arith.constant 0 : i32
        %dma_start3A_626 = tpu.memref_slice %arg2[%dma_start3A_624, %dma_start3A_625] : memref<10112x16xf32, #tpu.memory_space<hbm>> -> memref<10112x16xf32, #tpu.memory_space<hbm>>
        %dma_start3A_627 = tpu.memref_slice %arg11[%dma_start3A_616] : memref<8x!tpu.dma_semaphore, #tpu.memory_space<semaphore_mem>> -> memref<1x!tpu.dma_semaphore, #tpu.memory_space<semaphore_mem>>
        %dma_start3A_628 = tpu.memref_squeeze %dma_start3A_627 : memref<1x!tpu.dma_semaphore, #tpu.memory_space<semaphore_mem>> -> memref<!tpu.dma_semaphore, #tpu.memory_space<semaphore_mem>>
        tpu.enqueue_indirect_dma source(%dma_start3A_626 : memref<10112x16xf32, #tpu.memory_space<hbm>>) target(%dma_start3A_620 : memref<128x16xf32, #tpu.memory_space<vmem>>) offsets(%dma_start3A_623 : memref<128xi32, #tpu.memory_space<vmem>>) semaphore(%dma_start3A_628 : memref<!tpu.dma_semaphore, #tpu.memory_space<semaphore_mem>>)
      } else {
      }
      %dma_wait3A_538 = arith.constant 5 : i32
      %dma_wait3A_539 = arith.constant 5 : i32
      %dma_wait3A_540 = arith.constant 0 : i32
      %dma_wait3A_541 = arith.constant 0 : i32
      %dma_wait3A_542 = tpu.memref_slice %arg9[%dma_wait3A_538, %dma_wait3A_540, %dma_wait3A_541] : memref<8x128x16xf32, #tpu.memory_space<vmem>> -> memref<1x128x16xf32, #tpu.memory_space<vmem>>
      %dma_wait3A_543 = tpu.memref_squeeze %dma_wait3A_542 : memref<1x128x16xf32, #tpu.memory_space<vmem>> -> memref<128x16xf32, #tpu.memory_space<vmem>>
      %dma_wait3A_544 = arith.constant 0 : i32
      %dma_wait3A_545 = arith.constant 0 : i32
      %dma_wait3A_546 = tpu.memref_slice %arg2[%dma_wait3A_544, %dma_wait3A_545] : memref<10112x16xf32, #tpu.memory_space<hbm>> -> memref<128x16xf32, #tpu.memory_space<hbm>>
      %dma_wait3A_547 = tpu.memref_slice %arg12[%dma_wait3A_539] : memref<8x!tpu.dma_semaphore, #tpu.memory_space<semaphore_mem>> -> memref<1x!tpu.dma_semaphore, #tpu.memory_space<semaphore_mem>>
      %dma_wait3A_548 = tpu.memref_squeeze %dma_wait3A_547 : memref<1x!tpu.dma_semaphore, #tpu.memory_space<semaphore_mem>> -> memref<!tpu.dma_semaphore, #tpu.memory_space<semaphore_mem>>
      %dma_wait3A_549 = arith.constant 0 : i32
      %dma_wait3A_550 = arith.constant 0 : i32
      %dma_wait3A_551 = tpu.memref_slice %arg9[%dma_wait3A_538, %dma_wait3A_549, %dma_wait3A_550] : memref<8x128x16xf32, #tpu.memory_space<vmem>> -> memref<1x128x16xf32, #tpu.memory_space<vmem>>
      %dma_wait3A_552 = tpu.memref_squeeze %dma_wait3A_551 : memref<1x128x16xf32, #tpu.memory_space<vmem>> -> memref<128x16xf32, #tpu.memory_space<vmem>>
      %dma_wait3A_553 = arith.constant 0 : i32
      %dma_wait3A_554 = arith.constant 0 : i32
      %dma_wait3A_555 = tpu.memref_slice %arg2[%dma_wait3A_553, %dma_wait3A_554] : memref<10112x16xf32, #tpu.memory_space<hbm>> -> memref<128x16xf32, #tpu.memory_space<hbm>>
      tpu.wait_dma2 semaphore(%dma_wait3A_548 : memref<!tpu.dma_semaphore, #tpu.memory_space<semaphore_mem>>) src(%dma_wait3A_555 : memref<128x16xf32, #tpu.memory_space<hbm>>) dst(%dma_wait3A_552 : memref<128x16xf32, #tpu.memory_space<vmem>>)
      %add3A_556 = arith.constant 1 : i32
      %add3A_557 = arith.addi %add3A_144, %add3A_556 : i32
      %lt3A_558 = arith.constant 80 : i32
      %lt3A_559 = arith.cmpi slt, %add3A_557, %lt3A_558 : i32
      %convert_element_type3A_560 = arith.extui %lt3A_559 : i1 to i32
      %cond3A_561 = arith.constant 0 : i32
      %cond3A_562 = arith.cmpi ne, %convert_element_type3A_560, %cond3A_561 : i32
      scf.if %cond3A_562 {
        %add3A_613 = arith.constant 1 : i32
        %add3A_614 = arith.addi %add3A_144, %add3A_613 : i32
        %dma_start3A_615 = arith.constant 5 : i32
        %dma_start3A_616 = arith.constant 5 : i32
        %dma_start3A_617 = arith.constant 0 : i32
        %dma_start3A_618 = arith.constant 0 : i32
        %dma_start3A_619 = tpu.memref_slice %arg9[%dma_start3A_615, %dma_start3A_617, %dma_start3A_618] : memref<8x128x16xf32, #tpu.memory_space<vmem>> -> memref<1x128x16xf32, #tpu.memory_space<vmem>>
        %dma_start3A_620 = tpu.memref_squeeze %dma_start3A_619 : memref<1x128x16xf32, #tpu.memory_space<vmem>> -> memref<128x16xf32, #tpu.memory_space<vmem>>
        %dma_start3A_621 = arith.constant 0 : i32
        %dma_start3A_622 = tpu.memref_slice %arg7[%add3A_614, %dma_start3A_621] : memref<80x128xi32, #tpu.memory_space<vmem>> -> memref<1x128xi32, #tpu.memory_space<vmem>>
        %dma_start3A_623 = tpu.memref_squeeze %dma_start3A_622 : memref<1x128xi32, #tpu.memory_space<vmem>> -> memref<128xi32, #tpu.memory_space<vmem>>
        %dma_start3A_624 = arith.constant 0 : i32
        %dma_start3A_625 = arith.constant 0 : i32
        %dma_start3A_626 = tpu.memref_slice %arg2[%dma_start3A_624, %dma_start3A_625] : memref<10112x16xf32, #tpu.memory_space<hbm>> -> memref<10112x16xf32, #tpu.memory_space<hbm>>
        %dma_start3A_627 = tpu.memref_slice %arg11[%dma_start3A_616] : memref<8x!tpu.dma_semaphore, #tpu.memory_space<semaphore_mem>> -> memref<1x!tpu.dma_semaphore, #tpu.memory_space<semaphore_mem>>
        %dma_start3A_628 = tpu.memref_squeeze %dma_start3A_627 : memref<1x!tpu.dma_semaphore, #tpu.memory_space<semaphore_mem>> -> memref<!tpu.dma_semaphore, #tpu.memory_space<semaphore_mem>>
        tpu.enqueue_indirect_dma source(%dma_start3A_626 : memref<10112x16xf32, #tpu.memory_space<hbm>>) target(%dma_start3A_620 : memref<128x16xf32, #tpu.memory_space<vmem>>) offsets(%dma_start3A_623 : memref<128xi32, #tpu.memory_space<vmem>>) semaphore(%dma_start3A_628 : memref<!tpu.dma_semaphore, #tpu.memory_space<semaphore_mem>>)
      } else {
      }
      %dma_wait3A_563 = arith.constant 6 : i32
      %dma_wait3A_564 = arith.constant 6 : i32
      %dma_wait3A_565 = arith.constant 0 : i32
      %dma_wait3A_566 = arith.constant 0 : i32
      %dma_wait3A_567 = tpu.memref_slice %arg9[%dma_wait3A_563, %dma_wait3A_565, %dma_wait3A_566] : memref<8x128x16xf32, #tpu.memory_space<vmem>> -> memref<1x128x16xf32, #tpu.memory_space<vmem>>
      %dma_wait3A_568 = tpu.memref_squeeze %dma_wait3A_567 : memref<1x128x16xf32, #tpu.memory_space<vmem>> -> memref<128x16xf32, #tpu.memory_space<vmem>>
      %dma_wait3A_569 = arith.constant 0 : i32
      %dma_wait3A_570 = arith.constant 0 : i32
      %dma_wait3A_571 = tpu.memref_slice %arg2[%dma_wait3A_569, %dma_wait3A_570] : memref<10112x16xf32, #tpu.memory_space<hbm>> -> memref<128x16xf32, #tpu.memory_space<hbm>>
      %dma_wait3A_572 = tpu.memref_slice %arg12[%dma_wait3A_564] : memref<8x!tpu.dma_semaphore, #tpu.memory_space<semaphore_mem>> -> memref<1x!tpu.dma_semaphore, #tpu.memory_space<semaphore_mem>>
      %dma_wait3A_573 = tpu.memref_squeeze %dma_wait3A_572 : memref<1x!tpu.dma_semaphore, #tpu.memory_space<semaphore_mem>> -> memref<!tpu.dma_semaphore, #tpu.memory_space<semaphore_mem>>
      %dma_wait3A_574 = arith.constant 0 : i32
      %dma_wait3A_575 = arith.constant 0 : i32
      %dma_wait3A_576 = tpu.memref_slice %arg9[%dma_wait3A_563, %dma_wait3A_574, %dma_wait3A_575] : memref<8x128x16xf32, #tpu.memory_space<vmem>> -> memref<1x128x16xf32, #tpu.memory_space<vmem>>
      %dma_wait3A_577 = tpu.memref_squeeze %dma_wait3A_576 : memref<1x128x16xf32, #tpu.memory_space<vmem>> -> memref<128x16xf32, #tpu.memory_space<vmem>>
      %dma_wait3A_578 = arith.constant 0 : i32
      %dma_wait3A_579 = arith.constant 0 : i32
      %dma_wait3A_580 = tpu.memref_slice %arg2[%dma_wait3A_578, %dma_wait3A_579] : memref<10112x16xf32, #tpu.memory_space<hbm>> -> memref<128x16xf32, #tpu.memory_space<hbm>>
      tpu.wait_dma2 semaphore(%dma_wait3A_573 : memref<!tpu.dma_semaphore, #tpu.memory_space<semaphore_mem>>) src(%dma_wait3A_580 : memref<128x16xf32, #tpu.memory_space<hbm>>) dst(%dma_wait3A_577 : memref<128x16xf32, #tpu.memory_space<vmem>>)
      %add3A_581 = arith.constant 2 : i32
      %add3A_582 = arith.addi %add3A_144, %add3A_581 : i32
      %lt3A_583 = arith.constant 80 : i32
      %lt3A_584 = arith.cmpi slt, %add3A_582, %lt3A_583 : i32
      %convert_element_type3A_585 = arith.extui %lt3A_584 : i1 to i32
      %cond3A_586 = arith.constant 0 : i32
      %cond3A_587 = arith.cmpi ne, %convert_element_type3A_585, %cond3A_586 : i32
      scf.if %cond3A_587 {
        %add3A_613 = arith.constant 2 : i32
        %add3A_614 = arith.addi %add3A_144, %add3A_613 : i32
        %dma_start3A_615 = arith.constant 6 : i32
        %dma_start3A_616 = arith.constant 6 : i32
        %dma_start3A_617 = arith.constant 0 : i32
        %dma_start3A_618 = arith.constant 0 : i32
        %dma_start3A_619 = tpu.memref_slice %arg9[%dma_start3A_615, %dma_start3A_617, %dma_start3A_618] : memref<8x128x16xf32, #tpu.memory_space<vmem>> -> memref<1x128x16xf32, #tpu.memory_space<vmem>>
        %dma_start3A_620 = tpu.memref_squeeze %dma_start3A_619 : memref<1x128x16xf32, #tpu.memory_space<vmem>> -> memref<128x16xf32, #tpu.memory_space<vmem>>
        %dma_start3A_621 = arith.constant 0 : i32
        %dma_start3A_622 = tpu.memref_slice %arg7[%add3A_614, %dma_start3A_621] : memref<80x128xi32, #tpu.memory_space<vmem>> -> memref<1x128xi32, #tpu.memory_space<vmem>>
        %dma_start3A_623 = tpu.memref_squeeze %dma_start3A_622 : memref<1x128xi32, #tpu.memory_space<vmem>> -> memref<128xi32, #tpu.memory_space<vmem>>
        %dma_start3A_624 = arith.constant 0 : i32
        %dma_start3A_625 = arith.constant 0 : i32
        %dma_start3A_626 = tpu.memref_slice %arg2[%dma_start3A_624, %dma_start3A_625] : memref<10112x16xf32, #tpu.memory_space<hbm>> -> memref<10112x16xf32, #tpu.memory_space<hbm>>
        %dma_start3A_627 = tpu.memref_slice %arg11[%dma_start3A_616] : memref<8x!tpu.dma_semaphore, #tpu.memory_space<semaphore_mem>> -> memref<1x!tpu.dma_semaphore, #tpu.memory_space<semaphore_mem>>
        %dma_start3A_628 = tpu.memref_squeeze %dma_start3A_627 : memref<1x!tpu.dma_semaphore, #tpu.memory_space<semaphore_mem>> -> memref<!tpu.dma_semaphore, #tpu.memory_space<semaphore_mem>>
        tpu.enqueue_indirect_dma source(%dma_start3A_626 : memref<10112x16xf32, #tpu.memory_space<hbm>>) target(%dma_start3A_620 : memref<128x16xf32, #tpu.memory_space<vmem>>) offsets(%dma_start3A_623 : memref<128xi32, #tpu.memory_space<vmem>>) semaphore(%dma_start3A_628 : memref<!tpu.dma_semaphore, #tpu.memory_space<semaphore_mem>>)
      } else {
      }
      %dma_wait3A_588 = arith.constant 7 : i32
      %dma_wait3A_589 = arith.constant 7 : i32
      %dma_wait3A_590 = arith.constant 0 : i32
      %dma_wait3A_591 = arith.constant 0 : i32
      %dma_wait3A_592 = tpu.memref_slice %arg9[%dma_wait3A_588, %dma_wait3A_590, %dma_wait3A_591] : memref<8x128x16xf32, #tpu.memory_space<vmem>> -> memref<1x128x16xf32, #tpu.memory_space<vmem>>
      %dma_wait3A_593 = tpu.memref_squeeze %dma_wait3A_592 : memref<1x128x16xf32, #tpu.memory_space<vmem>> -> memref<128x16xf32, #tpu.memory_space<vmem>>
      %dma_wait3A_594 = arith.constant 0 : i32
      %dma_wait3A_595 = arith.constant 0 : i32
      %dma_wait3A_596 = tpu.memref_slice %arg2[%dma_wait3A_594, %dma_wait3A_595] : memref<10112x16xf32, #tpu.memory_space<hbm>> -> memref<128x16xf32, #tpu.memory_space<hbm>>
      %dma_wait3A_597 = tpu.memref_slice %arg12[%dma_wait3A_589] : memref<8x!tpu.dma_semaphore, #tpu.memory_space<semaphore_mem>> -> memref<1x!tpu.dma_semaphore, #tpu.memory_space<semaphore_mem>>
      %dma_wait3A_598 = tpu.memref_squeeze %dma_wait3A_597 : memref<1x!tpu.dma_semaphore, #tpu.memory_space<semaphore_mem>> -> memref<!tpu.dma_semaphore, #tpu.memory_space<semaphore_mem>>
      %dma_wait3A_599 = arith.constant 0 : i32
      %dma_wait3A_600 = arith.constant 0 : i32
      %dma_wait3A_601 = tpu.memref_slice %arg9[%dma_wait3A_588, %dma_wait3A_599, %dma_wait3A_600] : memref<8x128x16xf32, #tpu.memory_space<vmem>> -> memref<1x128x16xf32, #tpu.memory_space<vmem>>
      %dma_wait3A_602 = tpu.memref_squeeze %dma_wait3A_601 : memref<1x128x16xf32, #tpu.memory_space<vmem>> -> memref<128x16xf32, #tpu.memory_space<vmem>>
      %dma_wait3A_603 = arith.constant 0 : i32
      %dma_wait3A_604 = arith.constant 0 : i32
      %dma_wait3A_605 = tpu.memref_slice %arg2[%dma_wait3A_603, %dma_wait3A_604] : memref<10112x16xf32, #tpu.memory_space<hbm>> -> memref<128x16xf32, #tpu.memory_space<hbm>>
      tpu.wait_dma2 semaphore(%dma_wait3A_598 : memref<!tpu.dma_semaphore, #tpu.memory_space<semaphore_mem>>) src(%dma_wait3A_605 : memref<128x16xf32, #tpu.memory_space<hbm>>) dst(%dma_wait3A_602 : memref<128x16xf32, #tpu.memory_space<vmem>>)
      %add3A_606 = arith.constant 3 : i32
      %add3A_607 = arith.addi %add3A_144, %add3A_606 : i32
      %lt3A_608 = arith.constant 80 : i32
      %lt3A_609 = arith.cmpi slt, %add3A_607, %lt3A_608 : i32
      %convert_element_type3A_610 = arith.extui %lt3A_609 : i1 to i32
      %cond3A_611 = arith.constant 0 : i32
      %cond3A_612 = arith.cmpi ne, %convert_element_type3A_610, %cond3A_611 : i32
      scf.if %cond3A_612 {
        %add3A_613 = arith.constant 3 : i32
        %add3A_614 = arith.addi %add3A_144, %add3A_613 : i32
        %dma_start3A_615 = arith.constant 7 : i32
        %dma_start3A_616 = arith.constant 7 : i32
        %dma_start3A_617 = arith.constant 0 : i32
        %dma_start3A_618 = arith.constant 0 : i32
        %dma_start3A_619 = tpu.memref_slice %arg9[%dma_start3A_615, %dma_start3A_617, %dma_start3A_618] : memref<8x128x16xf32, #tpu.memory_space<vmem>> -> memref<1x128x16xf32, #tpu.memory_space<vmem>>
        %dma_start3A_620 = tpu.memref_squeeze %dma_start3A_619 : memref<1x128x16xf32, #tpu.memory_space<vmem>> -> memref<128x16xf32, #tpu.memory_space<vmem>>
        %dma_start3A_621 = arith.constant 0 : i32
        %dma_start3A_622 = tpu.memref_slice %arg7[%add3A_614, %dma_start3A_621] : memref<80x128xi32, #tpu.memory_space<vmem>> -> memref<1x128xi32, #tpu.memory_space<vmem>>
        %dma_start3A_623 = tpu.memref_squeeze %dma_start3A_622 : memref<1x128xi32, #tpu.memory_space<vmem>> -> memref<128xi32, #tpu.memory_space<vmem>>
        %dma_start3A_624 = arith.constant 0 : i32
        %dma_start3A_625 = arith.constant 0 : i32
        %dma_start3A_626 = tpu.memref_slice %arg2[%dma_start3A_624, %dma_start3A_625] : memref<10112x16xf32, #tpu.memory_space<hbm>> -> memref<10112x16xf32, #tpu.memory_space<hbm>>
        %dma_start3A_627 = tpu.memref_slice %arg11[%dma_start3A_616] : memref<8x!tpu.dma_semaphore, #tpu.memory_space<semaphore_mem>> -> memref<1x!tpu.dma_semaphore, #tpu.memory_space<semaphore_mem>>
        %dma_start3A_628 = tpu.memref_squeeze %dma_start3A_627 : memref<1x!tpu.dma_semaphore, #tpu.memory_space<semaphore_mem>> -> memref<!tpu.dma_semaphore, #tpu.memory_space<semaphore_mem>>
        tpu.enqueue_indirect_dma source(%dma_start3A_626 : memref<10112x16xf32, #tpu.memory_space<hbm>>) target(%dma_start3A_620 : memref<128x16xf32, #tpu.memory_space<vmem>>) offsets(%dma_start3A_623 : memref<128xi32, #tpu.memory_space<vmem>>) semaphore(%dma_start3A_628 : memref<!tpu.dma_semaphore, #tpu.memory_space<semaphore_mem>>)
      } else {
      }
    }
    %scan3A_128 = arith.constant 10 : i32
    %barrier3A_129 = arith.constant 0 : index
    tpu.barrier barrier_id(%barrier3A_129)
    %mul3A_130 = arith.constant 632 : i32
    %mul3A_131 = arith.muli %arg1, %mul3A_130 : i32
    %mul3A_132 = arith.constant 632 : i32
    %mul3A_133 = arith.muli %arg1, %mul3A_132 : i32
    "tpu.region"() ({
      %run_scoped3A = tpu.sem_alloc : memref<!tpu.dma_semaphore, #tpu.memory_space<semaphore_mem>>
      %dma_start3A_134 = arith.constant 0 : i32
      %dma_start3A_135 = arith.constant 0 : i32
      %dma_start3A_136 = tpu.memref_slice %arg6[%arg0, %dma_start3A_134, %dma_start3A_135] : memref<2x10112x16xf32, #tpu.memory_space<hbm>> -> memref<1x10112x16xf32, #tpu.memory_space<hbm>>
      %dma_start3A_137 = tpu.memref_squeeze %dma_start3A_136 : memref<1x10112x16xf32, #tpu.memory_space<hbm>> -> memref<10112x16xf32, #tpu.memory_space<hbm>>
      %dma_start3A_138 = arith.constant 0 : i32
      %dma_start3A_139 = tpu.memref_slice %dma_start3A_137[%mul3A_133, %dma_start3A_138] : memref<10112x16xf32, #tpu.memory_space<hbm>> -> memref<632x16xf32, #tpu.memory_space<hbm>>
      %dma_start3A_140 = arith.constant 0 : i32
      %dma_start3A_141 = tpu.memref_slice %arg10[%mul3A_131, %dma_start3A_140] : memref<10112x16xf32, #tpu.memory_space<vmem_shared>> -> memref<632x16xf32, #tpu.memory_space<vmem_shared>>
      tpu.enqueue_dma source(%dma_start3A_141 : memref<632x16xf32, #tpu.memory_space<vmem_shared>>) target(%dma_start3A_139 : memref<632x16xf32, #tpu.memory_space<hbm>>) target_semaphore(%run_scoped3A : memref<!tpu.dma_semaphore, #tpu.memory_space<semaphore_mem>>)
      %dma_wait3A = arith.constant 0 : i32
      %dma_wait3A_142 = arith.constant 0 : i32
      %dma_wait3A_143 = tpu.memref_slice %arg6[%arg0, %dma_wait3A, %dma_wait3A_142] : memref<2x10112x16xf32, #tpu.memory_space<hbm>> -> memref<1x10112x16xf32, #tpu.memory_space<hbm>>
      %dma_wait3A_144 = tpu.memref_squeeze %dma_wait3A_143 : memref<1x10112x16xf32, #tpu.memory_space<hbm>> -> memref<10112x16xf32, #tpu.memory_space<hbm>>
      %dma_wait3A_145 = arith.constant 0 : i32
      %dma_wait3A_146 = tpu.memref_slice %dma_wait3A_144[%mul3A_133, %dma_wait3A_145] : memref<10112x16xf32, #tpu.memory_space<hbm>> -> memref<632x16xf32, #tpu.memory_space<hbm>>
      %dma_wait3A_147 = arith.constant 0 : i32
      %dma_wait3A_148 = tpu.memref_slice %arg10[%mul3A_131, %dma_wait3A_147] : memref<10112x16xf32, #tpu.memory_space<vmem_shared>> -> memref<632x16xf32, #tpu.memory_space<vmem_shared>>
      tpu.wait_dma2 semaphore(%run_scoped3A : memref<!tpu.dma_semaphore, #tpu.memory_space<semaphore_mem>>) src(%dma_wait3A_148 : memref<632x16xf32, #tpu.memory_space<vmem_shared>>) dst(%dma_wait3A_146 : memref<632x16xf32, #tpu.memory_space<hbm>>)
      tpu.yield
    }) : () -> ()
    return
  }
}

#map = affine_map<(d0, d1) -> (0, 0)>
#map1 = affine_map<(d0, d1) -> (0, 0, 0)>
module attributes {stable_mosaic.version = 14 : i64} {
  func.func @deg_pass(%arg0: i32, %arg1: i32, %arg2: memref<10112x16xf32, #tpu.memory_space<hbm>>, %arg3: memref<128x16xf32, #tpu.memory_space<hbm>>, %arg4: memref<32x80x128xi32, #tpu.memory_space<hbm>>, %arg5: memref<2x10112x16xf32, #tpu.memory_space<hbm>>, %arg6: memref<80x128xi32, #tpu.memory_space<vmem>>, %arg7: memref<128x16xf32, #tpu.memory_space<vmem>>, %arg8: memref<10112x16xf32, #tpu.memory_space<vmem_shared>>, %arg9: memref<8x!tpu.dma_semaphore, #tpu.memory_space<semaphore_mem>>) attributes {dimension_semantics = [#tpu.dimension_semantics<core_parallel>, #tpu.dimension_semantics<subcore_parallel>], iteration_bounds = array<i64: 2, 16>, scalar_prefetch = 0 : i64, scratch_operands = 4 : i64, tpu.core_type = #tpu.core_type<sc_vector_subcore>, window_params = [{transform_indices = #map}, {transform_indices = #map}, {transform_indices = #map1}, {transform_indices = #map1}]} {
    %mul3A = arith.constant 2 : i32
    %mul3A_0 = arith.muli %arg1, %mul3A : i32
    %add3A = arith.addi %mul3A_0, %arg0 : i32
    %mul3A_1 = arith.constant 632 : i32
    %mul3A_2 = arith.muli %arg1, %mul3A_1 : i32
    %mul3A_3 = arith.constant 632 : i32
    %mul3A_4 = arith.muli %arg1, %mul3A_3 : i32
    "tpu.region"() ({
      %run_scoped3A = tpu.sem_alloc : memref<!tpu.dma_semaphore, #tpu.memory_space<semaphore_mem>>
      %dma_start3A = arith.constant 0 : i32
      %dma_start3A_15 = tpu.memref_slice %arg8[%mul3A_4, %dma_start3A] : memref<10112x16xf32, #tpu.memory_space<vmem_shared>> -> memref<632x16xf32, #tpu.memory_space<vmem_shared>>
      %dma_start3A_16 = arith.constant 0 : i32
      %dma_start3A_17 = tpu.memref_slice %arg2[%mul3A_2, %dma_start3A_16] : memref<10112x16xf32, #tpu.memory_space<hbm>> -> memref<632x16xf32, #tpu.memory_space<hbm>>
      tpu.enqueue_dma source(%dma_start3A_17 : memref<632x16xf32, #tpu.memory_space<hbm>>) target(%dma_start3A_15 : memref<632x16xf32, #tpu.memory_space<vmem_shared>>) target_semaphore(%run_scoped3A : memref<!tpu.dma_semaphore, #tpu.memory_space<semaphore_mem>>)
      %dma_wait3A = arith.constant 0 : i32
      %dma_wait3A_18 = tpu.memref_slice %arg8[%mul3A_4, %dma_wait3A] : memref<10112x16xf32, #tpu.memory_space<vmem_shared>> -> memref<632x16xf32, #tpu.memory_space<vmem_shared>>
      %dma_wait3A_19 = arith.constant 0 : i32
      %dma_wait3A_20 = tpu.memref_slice %arg2[%mul3A_2, %dma_wait3A_19] : memref<10112x16xf32, #tpu.memory_space<hbm>> -> memref<632x16xf32, #tpu.memory_space<hbm>>
      tpu.wait_dma2 semaphore(%run_scoped3A : memref<!tpu.dma_semaphore, #tpu.memory_space<semaphore_mem>>) src(%dma_wait3A_20 : memref<632x16xf32, #tpu.memory_space<hbm>>) dst(%dma_wait3A_18 : memref<632x16xf32, #tpu.memory_space<vmem_shared>>)
      tpu.yield
    }) : () -> ()
    "tpu.region"() ({
      %run_scoped3A = tpu.sem_alloc : memref<!tpu.dma_semaphore, #tpu.memory_space<semaphore_mem>>
      tpu.enqueue_dma source(%arg3 : memref<128x16xf32, #tpu.memory_space<hbm>>) target(%arg7 : memref<128x16xf32, #tpu.memory_space<vmem>>) target_semaphore(%run_scoped3A : memref<!tpu.dma_semaphore, #tpu.memory_space<semaphore_mem>>)
      tpu.wait_dma2 semaphore(%run_scoped3A : memref<!tpu.dma_semaphore, #tpu.memory_space<semaphore_mem>>) src(%arg3 : memref<128x16xf32, #tpu.memory_space<hbm>>) dst(%arg7 : memref<128x16xf32, #tpu.memory_space<vmem>>)
      tpu.yield
    }) : () -> ()
    "tpu.region"() ({
      %run_scoped3A = tpu.sem_alloc : memref<!tpu.dma_semaphore, #tpu.memory_space<semaphore_mem>>
      %dma_start3A = arith.constant 0 : i32
      %dma_start3A_15 = arith.constant 0 : i32
      %dma_start3A_16 = tpu.memref_slice %arg4[%add3A, %dma_start3A, %dma_start3A_15] : memref<32x80x128xi32, #tpu.memory_space<hbm>> -> memref<1x80x128xi32, #tpu.memory_space<hbm>>
      %dma_start3A_17 = tpu.memref_squeeze %dma_start3A_16 : memref<1x80x128xi32, #tpu.memory_space<hbm>> -> memref<80x128xi32, #tpu.memory_space<hbm>>
      %dma_start3A_18 = arith.constant 0 : i32
      %dma_start3A_19 = arith.constant 0 : i32
      %dma_start3A_20 = tpu.memref_slice %arg4[%add3A, %dma_start3A_18, %dma_start3A_19] : memref<32x80x128xi32, #tpu.memory_space<hbm>> -> memref<1x80x128xi32, #tpu.memory_space<hbm>>
      %dma_start3A_21 = tpu.memref_squeeze %dma_start3A_20 : memref<1x80x128xi32, #tpu.memory_space<hbm>> -> memref<80x128xi32, #tpu.memory_space<hbm>>
      tpu.enqueue_dma source(%dma_start3A_21 : memref<80x128xi32, #tpu.memory_space<hbm>>) target(%arg6 : memref<80x128xi32, #tpu.memory_space<vmem>>) target_semaphore(%run_scoped3A : memref<!tpu.dma_semaphore, #tpu.memory_space<semaphore_mem>>)
      %dma_wait3A = arith.constant 0 : i32
      %dma_wait3A_22 = arith.constant 0 : i32
      %dma_wait3A_23 = tpu.memref_slice %arg4[%add3A, %dma_wait3A, %dma_wait3A_22] : memref<32x80x128xi32, #tpu.memory_space<hbm>> -> memref<1x80x128xi32, #tpu.memory_space<hbm>>
      %dma_wait3A_24 = tpu.memref_squeeze %dma_wait3A_23 : memref<1x80x128xi32, #tpu.memory_space<hbm>> -> memref<80x128xi32, #tpu.memory_space<hbm>>
      %dma_wait3A_25 = arith.constant 0 : i32
      %dma_wait3A_26 = arith.constant 0 : i32
      %dma_wait3A_27 = tpu.memref_slice %arg4[%add3A, %dma_wait3A_25, %dma_wait3A_26] : memref<32x80x128xi32, #tpu.memory_space<hbm>> -> memref<1x80x128xi32, #tpu.memory_space<hbm>>
      %dma_wait3A_28 = tpu.memref_squeeze %dma_wait3A_27 : memref<1x80x128xi32, #tpu.memory_space<hbm>> -> memref<80x128xi32, #tpu.memory_space<hbm>>
      tpu.wait_dma2 semaphore(%run_scoped3A : memref<!tpu.dma_semaphore, #tpu.memory_space<semaphore_mem>>) src(%dma_wait3A_28 : memref<80x128xi32, #tpu.memory_space<hbm>>) dst(%arg6 : memref<80x128xi32, #tpu.memory_space<vmem>>)
      tpu.yield
    }) : () -> ()
    %barrier3A = arith.constant 0 : index
    tpu.barrier barrier_id(%barrier3A)
    %scan3A = arith.constant 0 : i32
    %scan3A_5 = arith.constant 0 : i32
    %scan3A_6 = arith.constant 10 : i32
    %scan3A_7 = arith.addi %scan3A_5, %scan3A_6 : i32
    %scan3A_8 = arith.constant 1 : i32
    scf.for %scan3A_15 = %scan3A_5 to %scan3A_7 step %scan3A_8  : i32 {
      %mul3A_16 = arith.constant 2 : i32
      %mul3A_17 = arith.muli %scan3A_15, %mul3A_16 : i32
      %mul3A_18 = arith.constant 4 : i32
      %mul3A_19 = arith.muli %mul3A_17, %mul3A_18 : i32
      %add3A_20 = arith.constant 0 : i32
      %add3A_21 = arith.addi %mul3A_19, %add3A_20 : i32
      %dma_start3A = arith.constant 0 : i32
      %dma_start3A_22 = arith.constant 0 : i32
      %dma_start3A_23 = tpu.memref_slice %arg6[%add3A_21, %dma_start3A_22] : memref<80x128xi32, #tpu.memory_space<vmem>> -> memref<1x128xi32, #tpu.memory_space<vmem>>
      %dma_start3A_24 = tpu.memref_squeeze %dma_start3A_23 : memref<1x128xi32, #tpu.memory_space<vmem>> -> memref<128xi32, #tpu.memory_space<vmem>>
      %dma_start3A_25 = arith.constant 0 : i32
      %dma_start3A_26 = arith.constant 0 : i32
      %dma_start3A_27 = tpu.memref_slice %arg8[%dma_start3A_25, %dma_start3A_26] : memref<10112x16xf32, #tpu.memory_space<vmem_shared>> -> memref<10112x16xf32, #tpu.memory_space<vmem_shared>>
      %dma_start3A_28 = tpu.memref_slice %arg9[%dma_start3A] : memref<8x!tpu.dma_semaphore, #tpu.memory_space<semaphore_mem>> -> memref<1x!tpu.dma_semaphore, #tpu.memory_space<semaphore_mem>>
      %dma_start3A_29 = tpu.memref_squeeze %dma_start3A_28 : memref<1x!tpu.dma_semaphore, #tpu.memory_space<semaphore_mem>> -> memref<!tpu.dma_semaphore, #tpu.memory_space<semaphore_mem>>
      tpu.enqueue_indirect_dma source(%arg7 : memref<128x16xf32, #tpu.memory_space<vmem>>) target(%dma_start3A_27 : memref<10112x16xf32, #tpu.memory_space<vmem_shared>>) offsets(%dma_start3A_24 : memref<128xi32, #tpu.memory_space<vmem>>) semaphore(%dma_start3A_29 : memref<!tpu.dma_semaphore, #tpu.memory_space<semaphore_mem>>) {add = true}
      %add3A_30 = arith.constant 1 : i32
      %add3A_31 = arith.addi %mul3A_19, %add3A_30 : i32
      %dma_start3A_32 = arith.constant 1 : i32
      %dma_start3A_33 = arith.constant 0 : i32
      %dma_start3A_34 = tpu.memref_slice %arg6[%add3A_31, %dma_start3A_33] : memref<80x128xi32, #tpu.memory_space<vmem>> -> memref<1x128xi32, #tpu.memory_space<vmem>>
      %dma_start3A_35 = tpu.memref_squeeze %dma_start3A_34 : memref<1x128xi32, #tpu.memory_space<vmem>> -> memref<128xi32, #tpu.memory_space<vmem>>
      %dma_start3A_36 = arith.constant 0 : i32
      %dma_start3A_37 = arith.constant 0 : i32
      %dma_start3A_38 = tpu.memref_slice %arg8[%dma_start3A_36, %dma_start3A_37] : memref<10112x16xf32, #tpu.memory_space<vmem_shared>> -> memref<10112x16xf32, #tpu.memory_space<vmem_shared>>
      %dma_start3A_39 = tpu.memref_slice %arg9[%dma_start3A_32] : memref<8x!tpu.dma_semaphore, #tpu.memory_space<semaphore_mem>> -> memref<1x!tpu.dma_semaphore, #tpu.memory_space<semaphore_mem>>
      %dma_start3A_40 = tpu.memref_squeeze %dma_start3A_39 : memref<1x!tpu.dma_semaphore, #tpu.memory_space<semaphore_mem>> -> memref<!tpu.dma_semaphore, #tpu.memory_space<semaphore_mem>>
      tpu.enqueue_indirect_dma source(%arg7 : memref<128x16xf32, #tpu.memory_space<vmem>>) target(%dma_start3A_38 : memref<10112x16xf32, #tpu.memory_space<vmem_shared>>) offsets(%dma_start3A_35 : memref<128xi32, #tpu.memory_space<vmem>>) semaphore(%dma_start3A_40 : memref<!tpu.dma_semaphore, #tpu.memory_space<semaphore_mem>>) {add = true}
      %add3A_41 = arith.constant 2 : i32
      %add3A_42 = arith.addi %mul3A_19, %add3A_41 : i32
      %dma_start3A_43 = arith.constant 2 : i32
      %dma_start3A_44 = arith.constant 0 : i32
      %dma_start3A_45 = tpu.memref_slice %arg6[%add3A_42, %dma_start3A_44] : memref<80x128xi32, #tpu.memory_space<vmem>> -> memref<1x128xi32, #tpu.memory_space<vmem>>
      %dma_start3A_46 = tpu.memref_squeeze %dma_start3A_45 : memref<1x128xi32, #tpu.memory_space<vmem>> -> memref<128xi32, #tpu.memory_space<vmem>>
      %dma_start3A_47 = arith.constant 0 : i32
      %dma_start3A_48 = arith.constant 0 : i32
      %dma_start3A_49 = tpu.memref_slice %arg8[%dma_start3A_47, %dma_start3A_48] : memref<10112x16xf32, #tpu.memory_space<vmem_shared>> -> memref<10112x16xf32, #tpu.memory_space<vmem_shared>>
      %dma_start3A_50 = tpu.memref_slice %arg9[%dma_start3A_43] : memref<8x!tpu.dma_semaphore, #tpu.memory_space<semaphore_mem>> -> memref<1x!tpu.dma_semaphore, #tpu.memory_space<semaphore_mem>>
      %dma_start3A_51 = tpu.memref_squeeze %dma_start3A_50 : memref<1x!tpu.dma_semaphore, #tpu.memory_space<semaphore_mem>> -> memref<!tpu.dma_semaphore, #tpu.memory_space<semaphore_mem>>
      tpu.enqueue_indirect_dma source(%arg7 : memref<128x16xf32, #tpu.memory_space<vmem>>) target(%dma_start3A_49 : memref<10112x16xf32, #tpu.memory_space<vmem_shared>>) offsets(%dma_start3A_46 : memref<128xi32, #tpu.memory_space<vmem>>) semaphore(%dma_start3A_51 : memref<!tpu.dma_semaphore, #tpu.memory_space<semaphore_mem>>) {add = true}
      %add3A_52 = arith.constant 3 : i32
      %add3A_53 = arith.addi %mul3A_19, %add3A_52 : i32
      %dma_start3A_54 = arith.constant 3 : i32
      %dma_start3A_55 = arith.constant 0 : i32
      %dma_start3A_56 = tpu.memref_slice %arg6[%add3A_53, %dma_start3A_55] : memref<80x128xi32, #tpu.memory_space<vmem>> -> memref<1x128xi32, #tpu.memory_space<vmem>>
      %dma_start3A_57 = tpu.memref_squeeze %dma_start3A_56 : memref<1x128xi32, #tpu.memory_space<vmem>> -> memref<128xi32, #tpu.memory_space<vmem>>
      %dma_start3A_58 = arith.constant 0 : i32
      %dma_start3A_59 = arith.constant 0 : i32
      %dma_start3A_60 = tpu.memref_slice %arg8[%dma_start3A_58, %dma_start3A_59] : memref<10112x16xf32, #tpu.memory_space<vmem_shared>> -> memref<10112x16xf32, #tpu.memory_space<vmem_shared>>
      %dma_start3A_61 = tpu.memref_slice %arg9[%dma_start3A_54] : memref<8x!tpu.dma_semaphore, #tpu.memory_space<semaphore_mem>> -> memref<1x!tpu.dma_semaphore, #tpu.memory_space<semaphore_mem>>
      %dma_start3A_62 = tpu.memref_squeeze %dma_start3A_61 : memref<1x!tpu.dma_semaphore, #tpu.memory_space<semaphore_mem>> -> memref<!tpu.dma_semaphore, #tpu.memory_space<semaphore_mem>>
      tpu.enqueue_indirect_dma source(%arg7 : memref<128x16xf32, #tpu.memory_space<vmem>>) target(%dma_start3A_60 : memref<10112x16xf32, #tpu.memory_space<vmem_shared>>) offsets(%dma_start3A_57 : memref<128xi32, #tpu.memory_space<vmem>>) semaphore(%dma_start3A_62 : memref<!tpu.dma_semaphore, #tpu.memory_space<semaphore_mem>>) {add = true}
      %add3A_63 = arith.constant 4 : i32
      %add3A_64 = arith.addi %mul3A_19, %add3A_63 : i32
      %dma_start3A_65 = arith.constant 4 : i32
      %dma_start3A_66 = arith.constant 0 : i32
      %dma_start3A_67 = tpu.memref_slice %arg6[%add3A_64, %dma_start3A_66] : memref<80x128xi32, #tpu.memory_space<vmem>> -> memref<1x128xi32, #tpu.memory_space<vmem>>
      %dma_start3A_68 = tpu.memref_squeeze %dma_start3A_67 : memref<1x128xi32, #tpu.memory_space<vmem>> -> memref<128xi32, #tpu.memory_space<vmem>>
      %dma_start3A_69 = arith.constant 0 : i32
      %dma_start3A_70 = arith.constant 0 : i32
      %dma_start3A_71 = tpu.memref_slice %arg8[%dma_start3A_69, %dma_start3A_70] : memref<10112x16xf32, #tpu.memory_space<vmem_shared>> -> memref<10112x16xf32, #tpu.memory_space<vmem_shared>>
      %dma_start3A_72 = tpu.memref_slice %arg9[%dma_start3A_65] : memref<8x!tpu.dma_semaphore, #tpu.memory_space<semaphore_mem>> -> memref<1x!tpu.dma_semaphore, #tpu.memory_space<semaphore_mem>>
      %dma_start3A_73 = tpu.memref_squeeze %dma_start3A_72 : memref<1x!tpu.dma_semaphore, #tpu.memory_space<semaphore_mem>> -> memref<!tpu.dma_semaphore, #tpu.memory_space<semaphore_mem>>
      tpu.enqueue_indirect_dma source(%arg7 : memref<128x16xf32, #tpu.memory_space<vmem>>) target(%dma_start3A_71 : memref<10112x16xf32, #tpu.memory_space<vmem_shared>>) offsets(%dma_start3A_68 : memref<128xi32, #tpu.memory_space<vmem>>) semaphore(%dma_start3A_73 : memref<!tpu.dma_semaphore, #tpu.memory_space<semaphore_mem>>) {add = true}
      %add3A_74 = arith.constant 5 : i32
      %add3A_75 = arith.addi %mul3A_19, %add3A_74 : i32
      %dma_start3A_76 = arith.constant 5 : i32
      %dma_start3A_77 = arith.constant 0 : i32
      %dma_start3A_78 = tpu.memref_slice %arg6[%add3A_75, %dma_start3A_77] : memref<80x128xi32, #tpu.memory_space<vmem>> -> memref<1x128xi32, #tpu.memory_space<vmem>>
      %dma_start3A_79 = tpu.memref_squeeze %dma_start3A_78 : memref<1x128xi32, #tpu.memory_space<vmem>> -> memref<128xi32, #tpu.memory_space<vmem>>
      %dma_start3A_80 = arith.constant 0 : i32
      %dma_start3A_81 = arith.constant 0 : i32
      %dma_start3A_82 = tpu.memref_slice %arg8[%dma_start3A_80, %dma_start3A_81] : memref<10112x16xf32, #tpu.memory_space<vmem_shared>> -> memref<10112x16xf32, #tpu.memory_space<vmem_shared>>
      %dma_start3A_83 = tpu.memref_slice %arg9[%dma_start3A_76] : memref<8x!tpu.dma_semaphore, #tpu.memory_space<semaphore_mem>> -> memref<1x!tpu.dma_semaphore, #tpu.memory_space<semaphore_mem>>
      %dma_start3A_84 = tpu.memref_squeeze %dma_start3A_83 : memref<1x!tpu.dma_semaphore, #tpu.memory_space<semaphore_mem>> -> memref<!tpu.dma_semaphore, #tpu.memory_space<semaphore_mem>>
      tpu.enqueue_indirect_dma source(%arg7 : memref<128x16xf32, #tpu.memory_space<vmem>>) target(%dma_start3A_82 : memref<10112x16xf32, #tpu.memory_space<vmem_shared>>) offsets(%dma_start3A_79 : memref<128xi32, #tpu.memory_space<vmem>>) semaphore(%dma_start3A_84 : memref<!tpu.dma_semaphore, #tpu.memory_space<semaphore_mem>>) {add = true}
      %add3A_85 = arith.constant 6 : i32
      %add3A_86 = arith.addi %mul3A_19, %add3A_85 : i32
      %dma_start3A_87 = arith.constant 6 : i32
      %dma_start3A_88 = arith.constant 0 : i32
      %dma_start3A_89 = tpu.memref_slice %arg6[%add3A_86, %dma_start3A_88] : memref<80x128xi32, #tpu.memory_space<vmem>> -> memref<1x128xi32, #tpu.memory_space<vmem>>
      %dma_start3A_90 = tpu.memref_squeeze %dma_start3A_89 : memref<1x128xi32, #tpu.memory_space<vmem>> -> memref<128xi32, #tpu.memory_space<vmem>>
      %dma_start3A_91 = arith.constant 0 : i32
      %dma_start3A_92 = arith.constant 0 : i32
      %dma_start3A_93 = tpu.memref_slice %arg8[%dma_start3A_91, %dma_start3A_92] : memref<10112x16xf32, #tpu.memory_space<vmem_shared>> -> memref<10112x16xf32, #tpu.memory_space<vmem_shared>>
      %dma_start3A_94 = tpu.memref_slice %arg9[%dma_start3A_87] : memref<8x!tpu.dma_semaphore, #tpu.memory_space<semaphore_mem>> -> memref<1x!tpu.dma_semaphore, #tpu.memory_space<semaphore_mem>>
      %dma_start3A_95 = tpu.memref_squeeze %dma_start3A_94 : memref<1x!tpu.dma_semaphore, #tpu.memory_space<semaphore_mem>> -> memref<!tpu.dma_semaphore, #tpu.memory_space<semaphore_mem>>
      tpu.enqueue_indirect_dma source(%arg7 : memref<128x16xf32, #tpu.memory_space<vmem>>) target(%dma_start3A_93 : memref<10112x16xf32, #tpu.memory_space<vmem_shared>>) offsets(%dma_start3A_90 : memref<128xi32, #tpu.memory_space<vmem>>) semaphore(%dma_start3A_95 : memref<!tpu.dma_semaphore, #tpu.memory_space<semaphore_mem>>) {add = true}
      %add3A_96 = arith.constant 7 : i32
      %add3A_97 = arith.addi %mul3A_19, %add3A_96 : i32
      %dma_start3A_98 = arith.constant 7 : i32
      %dma_start3A_99 = arith.constant 0 : i32
      %dma_start3A_100 = tpu.memref_slice %arg6[%add3A_97, %dma_start3A_99] : memref<80x128xi32, #tpu.memory_space<vmem>> -> memref<1x128xi32, #tpu.memory_space<vmem>>
      %dma_start3A_101 = tpu.memref_squeeze %dma_start3A_100 : memref<1x128xi32, #tpu.memory_space<vmem>> -> memref<128xi32, #tpu.memory_space<vmem>>
      %dma_start3A_102 = arith.constant 0 : i32
      %dma_start3A_103 = arith.constant 0 : i32
      %dma_start3A_104 = tpu.memref_slice %arg8[%dma_start3A_102, %dma_start3A_103] : memref<10112x16xf32, #tpu.memory_space<vmem_shared>> -> memref<10112x16xf32, #tpu.memory_space<vmem_shared>>
      %dma_start3A_105 = tpu.memref_slice %arg9[%dma_start3A_98] : memref<8x!tpu.dma_semaphore, #tpu.memory_space<semaphore_mem>> -> memref<1x!tpu.dma_semaphore, #tpu.memory_space<semaphore_mem>>
      %dma_start3A_106 = tpu.memref_squeeze %dma_start3A_105 : memref<1x!tpu.dma_semaphore, #tpu.memory_space<semaphore_mem>> -> memref<!tpu.dma_semaphore, #tpu.memory_space<semaphore_mem>>
      tpu.enqueue_indirect_dma source(%arg7 : memref<128x16xf32, #tpu.memory_space<vmem>>) target(%dma_start3A_104 : memref<10112x16xf32, #tpu.memory_space<vmem_shared>>) offsets(%dma_start3A_101 : memref<128xi32, #tpu.memory_space<vmem>>) semaphore(%dma_start3A_106 : memref<!tpu.dma_semaphore, #tpu.memory_space<semaphore_mem>>) {add = true}
      %dma_wait3A = arith.constant 0 : i32
      %dma_wait3A_107 = tpu.memref_slice %arg9[%dma_wait3A] : memref<8x!tpu.dma_semaphore, #tpu.memory_space<semaphore_mem>> -> memref<1x!tpu.dma_semaphore, #tpu.memory_space<semaphore_mem>>
      %dma_wait3A_108 = tpu.memref_squeeze %dma_wait3A_107 : memref<1x!tpu.dma_semaphore, #tpu.memory_space<semaphore_mem>> -> memref<!tpu.dma_semaphore, #tpu.memory_space<semaphore_mem>>
      tpu.wait_dma2 semaphore(%dma_wait3A_108 : memref<!tpu.dma_semaphore, #tpu.memory_space<semaphore_mem>>) src(%arg3 : memref<128x16xf32, #tpu.memory_space<hbm>>) dst(%arg7 : memref<128x16xf32, #tpu.memory_space<vmem>>)
      %dma_wait3A_109 = arith.constant 1 : i32
      %dma_wait3A_110 = tpu.memref_slice %arg9[%dma_wait3A_109] : memref<8x!tpu.dma_semaphore, #tpu.memory_space<semaphore_mem>> -> memref<1x!tpu.dma_semaphore, #tpu.memory_space<semaphore_mem>>
      %dma_wait3A_111 = tpu.memref_squeeze %dma_wait3A_110 : memref<1x!tpu.dma_semaphore, #tpu.memory_space<semaphore_mem>> -> memref<!tpu.dma_semaphore, #tpu.memory_space<semaphore_mem>>
      tpu.wait_dma2 semaphore(%dma_wait3A_111 : memref<!tpu.dma_semaphore, #tpu.memory_space<semaphore_mem>>) src(%arg3 : memref<128x16xf32, #tpu.memory_space<hbm>>) dst(%arg7 : memref<128x16xf32, #tpu.memory_space<vmem>>)
      %dma_wait3A_112 = arith.constant 2 : i32
      %dma_wait3A_113 = tpu.memref_slice %arg9[%dma_wait3A_112] : memref<8x!tpu.dma_semaphore, #tpu.memory_space<semaphore_mem>> -> memref<1x!tpu.dma_semaphore, #tpu.memory_space<semaphore_mem>>
      %dma_wait3A_114 = tpu.memref_squeeze %dma_wait3A_113 : memref<1x!tpu.dma_semaphore, #tpu.memory_space<semaphore_mem>> -> memref<!tpu.dma_semaphore, #tpu.memory_space<semaphore_mem>>
      tpu.wait_dma2 semaphore(%dma_wait3A_114 : memref<!tpu.dma_semaphore, #tpu.memory_space<semaphore_mem>>) src(%arg3 : memref<128x16xf32, #tpu.memory_space<hbm>>) dst(%arg7 : memref<128x16xf32, #tpu.memory_space<vmem>>)
      %dma_wait3A_115 = arith.constant 3 : i32
      %dma_wait3A_116 = tpu.memref_slice %arg9[%dma_wait3A_115] : memref<8x!tpu.dma_semaphore, #tpu.memory_space<semaphore_mem>> -> memref<1x!tpu.dma_semaphore, #tpu.memory_space<semaphore_mem>>
      %dma_wait3A_117 = tpu.memref_squeeze %dma_wait3A_116 : memref<1x!tpu.dma_semaphore, #tpu.memory_space<semaphore_mem>> -> memref<!tpu.dma_semaphore, #tpu.memory_space<semaphore_mem>>
      tpu.wait_dma2 semaphore(%dma_wait3A_117 : memref<!tpu.dma_semaphore, #tpu.memory_space<semaphore_mem>>) src(%arg3 : memref<128x16xf32, #tpu.memory_space<hbm>>) dst(%arg7 : memref<128x16xf32, #tpu.memory_space<vmem>>)
      %dma_wait3A_118 = arith.constant 4 : i32
      %dma_wait3A_119 = tpu.memref_slice %arg9[%dma_wait3A_118] : memref<8x!tpu.dma_semaphore, #tpu.memory_space<semaphore_mem>> -> memref<1x!tpu.dma_semaphore, #tpu.memory_space<semaphore_mem>>
      %dma_wait3A_120 = tpu.memref_squeeze %dma_wait3A_119 : memref<1x!tpu.dma_semaphore, #tpu.memory_space<semaphore_mem>> -> memref<!tpu.dma_semaphore, #tpu.memory_space<semaphore_mem>>
      tpu.wait_dma2 semaphore(%dma_wait3A_120 : memref<!tpu.dma_semaphore, #tpu.memory_space<semaphore_mem>>) src(%arg3 : memref<128x16xf32, #tpu.memory_space<hbm>>) dst(%arg7 : memref<128x16xf32, #tpu.memory_space<vmem>>)
      %dma_wait3A_121 = arith.constant 5 : i32
      %dma_wait3A_122 = tpu.memref_slice %arg9[%dma_wait3A_121] : memref<8x!tpu.dma_semaphore, #tpu.memory_space<semaphore_mem>> -> memref<1x!tpu.dma_semaphore, #tpu.memory_space<semaphore_mem>>
      %dma_wait3A_123 = tpu.memref_squeeze %dma_wait3A_122 : memref<1x!tpu.dma_semaphore, #tpu.memory_space<semaphore_mem>> -> memref<!tpu.dma_semaphore, #tpu.memory_space<semaphore_mem>>
      tpu.wait_dma2 semaphore(%dma_wait3A_123 : memref<!tpu.dma_semaphore, #tpu.memory_space<semaphore_mem>>) src(%arg3 : memref<128x16xf32, #tpu.memory_space<hbm>>) dst(%arg7 : memref<128x16xf32, #tpu.memory_space<vmem>>)
      %dma_wait3A_124 = arith.constant 6 : i32
      %dma_wait3A_125 = tpu.memref_slice %arg9[%dma_wait3A_124] : memref<8x!tpu.dma_semaphore, #tpu.memory_space<semaphore_mem>> -> memref<1x!tpu.dma_semaphore, #tpu.memory_space<semaphore_mem>>
      %dma_wait3A_126 = tpu.memref_squeeze %dma_wait3A_125 : memref<1x!tpu.dma_semaphore, #tpu.memory_space<semaphore_mem>> -> memref<!tpu.dma_semaphore, #tpu.memory_space<semaphore_mem>>
      tpu.wait_dma2 semaphore(%dma_wait3A_126 : memref<!tpu.dma_semaphore, #tpu.memory_space<semaphore_mem>>) src(%arg3 : memref<128x16xf32, #tpu.memory_space<hbm>>) dst(%arg7 : memref<128x16xf32, #tpu.memory_space<vmem>>)
      %dma_wait3A_127 = arith.constant 7 : i32
      %dma_wait3A_128 = tpu.memref_slice %arg9[%dma_wait3A_127] : memref<8x!tpu.dma_semaphore, #tpu.memory_space<semaphore_mem>> -> memref<1x!tpu.dma_semaphore, #tpu.memory_space<semaphore_mem>>
      %dma_wait3A_129 = tpu.memref_squeeze %dma_wait3A_128 : memref<1x!tpu.dma_semaphore, #tpu.memory_space<semaphore_mem>> -> memref<!tpu.dma_semaphore, #tpu.memory_space<semaphore_mem>>
      tpu.wait_dma2 semaphore(%dma_wait3A_129 : memref<!tpu.dma_semaphore, #tpu.memory_space<semaphore_mem>>) src(%arg3 : memref<128x16xf32, #tpu.memory_space<hbm>>) dst(%arg7 : memref<128x16xf32, #tpu.memory_space<vmem>>)
    }
    %scan3A_9 = arith.constant 10 : i32
    %barrier3A_10 = arith.constant 0 : index
    tpu.barrier barrier_id(%barrier3A_10)
    %mul3A_11 = arith.constant 632 : i32
    %mul3A_12 = arith.muli %arg1, %mul3A_11 : i32
    %mul3A_13 = arith.constant 632 : i32
    %mul3A_14 = arith.muli %arg1, %mul3A_13 : i32
    "tpu.region"() ({
      %run_scoped3A = tpu.sem_alloc : memref<!tpu.dma_semaphore, #tpu.memory_space<semaphore_mem>>
      %dma_start3A = arith.constant 0 : i32
      %dma_start3A_15 = arith.constant 0 : i32
      %dma_start3A_16 = tpu.memref_slice %arg5[%arg0, %dma_start3A, %dma_start3A_15] : memref<2x10112x16xf32, #tpu.memory_space<hbm>> -> memref<1x10112x16xf32, #tpu.memory_space<hbm>>
      %dma_start3A_17 = tpu.memref_squeeze %dma_start3A_16 : memref<1x10112x16xf32, #tpu.memory_space<hbm>> -> memref<10112x16xf32, #tpu.memory_space<hbm>>
      %dma_start3A_18 = arith.constant 0 : i32
      %dma_start3A_19 = tpu.memref_slice %dma_start3A_17[%mul3A_14, %dma_start3A_18] : memref<10112x16xf32, #tpu.memory_space<hbm>> -> memref<632x16xf32, #tpu.memory_space<hbm>>
      %dma_start3A_20 = arith.constant 0 : i32
      %dma_start3A_21 = tpu.memref_slice %arg8[%mul3A_12, %dma_start3A_20] : memref<10112x16xf32, #tpu.memory_space<vmem_shared>> -> memref<632x16xf32, #tpu.memory_space<vmem_shared>>
      tpu.enqueue_dma source(%dma_start3A_21 : memref<632x16xf32, #tpu.memory_space<vmem_shared>>) target(%dma_start3A_19 : memref<632x16xf32, #tpu.memory_space<hbm>>) target_semaphore(%run_scoped3A : memref<!tpu.dma_semaphore, #tpu.memory_space<semaphore_mem>>)
      %dma_wait3A = arith.constant 0 : i32
      %dma_wait3A_22 = arith.constant 0 : i32
      %dma_wait3A_23 = tpu.memref_slice %arg5[%arg0, %dma_wait3A, %dma_wait3A_22] : memref<2x10112x16xf32, #tpu.memory_space<hbm>> -> memref<1x10112x16xf32, #tpu.memory_space<hbm>>
      %dma_wait3A_24 = tpu.memref_squeeze %dma_wait3A_23 : memref<1x10112x16xf32, #tpu.memory_space<hbm>> -> memref<10112x16xf32, #tpu.memory_space<hbm>>
      %dma_wait3A_25 = arith.constant 0 : i32
      %dma_wait3A_26 = tpu.memref_slice %dma_wait3A_24[%mul3A_14, %dma_wait3A_25] : memref<10112x16xf32, #tpu.memory_space<hbm>> -> memref<632x16xf32, #tpu.memory_space<hbm>>
      %dma_wait3A_27 = arith.constant 0 : i32
      %dma_wait3A_28 = tpu.memref_slice %arg8[%mul3A_12, %dma_wait3A_27] : memref<10112x16xf32, #tpu.memory_space<vmem_shared>> -> memref<632x16xf32, #tpu.memory_space<vmem_shared>>
      tpu.wait_dma2 semaphore(%run_scoped3A : memref<!tpu.dma_semaphore, #tpu.memory_space<semaphore_mem>>) src(%dma_wait3A_28 : memref<632x16xf32, #tpu.memory_space<vmem_shared>>) dst(%dma_wait3A_26 : memref<632x16xf32, #tpu.memory_space<hbm>>)
      tpu.yield
    }) : () -> ()
    return
  }
}

#map = affine_map<(d0, d1) -> (0, 0)>
#map1 = affine_map<(d0, d1) -> (0, 0, 0)>
module attributes {stable_mosaic.version = 14 : i64} {
  func.func @edge_pass(%arg0: i32, %arg1: i32, %arg2: memref<10112x16xf32, #tpu.memory_space<hbm>>, %arg3: memref<10112x16xf32, #tpu.memory_space<hbm>>, %arg4: memref<32x80x128xi32, #tpu.memory_space<hbm>>, %arg5: memref<32x80x128xi32, #tpu.memory_space<hbm>>, %arg6: memref<2x10112x16xf32, #tpu.memory_space<hbm>>, %arg7: memref<80x128xi32, #tpu.memory_space<vmem>>, %arg8: memref<80x128xi32, #tpu.memory_space<vmem>>, %arg9: memref<8x128x16xf32, #tpu.memory_space<vmem>>, %arg10: memref<10112x16xf32, #tpu.memory_space<vmem_shared>>, %arg11: memref<8x!tpu.dma_semaphore, #tpu.memory_space<semaphore_mem>>, %arg12: memref<8x!tpu.dma_semaphore, #tpu.memory_space<semaphore_mem>>) attributes {dimension_semantics = [#tpu.dimension_semantics<core_parallel>, #tpu.dimension_semantics<subcore_parallel>], iteration_bounds = array<i64: 2, 16>, scalar_prefetch = 0 : i64, scratch_operands = 6 : i64, tpu.core_type = #tpu.core_type<sc_vector_subcore>, window_params = [{transform_indices = #map}, {transform_indices = #map}, {transform_indices = #map1}, {transform_indices = #map1}, {transform_indices = #map1}]} {
    %mul3A = arith.constant 2 : i32
    %mul3A_0 = arith.muli %arg1, %mul3A : i32
    %add3A = arith.addi %mul3A_0, %arg0 : i32
    %mul3A_1 = arith.constant 632 : i32
    %mul3A_2 = arith.muli %arg1, %mul3A_1 : i32
    %mul3A_3 = arith.constant 632 : i32
    %mul3A_4 = arith.muli %arg1, %mul3A_3 : i32
    "tpu.region"() ({
      %run_scoped3A = tpu.sem_alloc : memref<!tpu.dma_semaphore, #tpu.memory_space<semaphore_mem>>
      %dma_start3A_134 = arith.constant 0 : i32
      %dma_start3A_135 = tpu.memref_slice %arg10[%mul3A_4, %dma_start3A_134] : memref<10112x16xf32, #tpu.memory_space<vmem_shared>> -> memref<632x16xf32, #tpu.memory_space<vmem_shared>>
      %dma_start3A_136 = arith.constant 0 : i32
      %dma_start3A_137 = tpu.memref_slice %arg3[%mul3A_2, %dma_start3A_136] : memref<10112x16xf32, #tpu.memory_space<hbm>> -> memref<632x16xf32, #tpu.memory_space<hbm>>
      tpu.enqueue_dma source(%dma_start3A_137 : memref<632x16xf32, #tpu.memory_space<hbm>>) target(%dma_start3A_135 : memref<632x16xf32, #tpu.memory_space<vmem_shared>>) target_semaphore(%run_scoped3A : memref<!tpu.dma_semaphore, #tpu.memory_space<semaphore_mem>>)
      %dma_wait3A = arith.constant 0 : i32
      %dma_wait3A_138 = tpu.memref_slice %arg10[%mul3A_4, %dma_wait3A] : memref<10112x16xf32, #tpu.memory_space<vmem_shared>> -> memref<632x16xf32, #tpu.memory_space<vmem_shared>>
      %dma_wait3A_139 = arith.constant 0 : i32
      %dma_wait3A_140 = tpu.memref_slice %arg3[%mul3A_2, %dma_wait3A_139] : memref<10112x16xf32, #tpu.memory_space<hbm>> -> memref<632x16xf32, #tpu.memory_space<hbm>>
      tpu.wait_dma2 semaphore(%run_scoped3A : memref<!tpu.dma_semaphore, #tpu.memory_space<semaphore_mem>>) src(%dma_wait3A_140 : memref<632x16xf32, #tpu.memory_space<hbm>>) dst(%dma_wait3A_138 : memref<632x16xf32, #tpu.memory_space<vmem_shared>>)
      tpu.yield
    }) : () -> ()
    "tpu.region"() ({
      %run_scoped3A = tpu.sem_alloc : memref<!tpu.dma_semaphore, #tpu.memory_space<semaphore_mem>>
      %dma_start3A_134 = arith.constant 0 : i32
      %dma_start3A_135 = arith.constant 0 : i32
      %dma_start3A_136 = tpu.memref_slice %arg4[%add3A, %dma_start3A_134, %dma_start3A_135] : memref<32x80x128xi32, #tpu.memory_space<hbm>> -> memref<1x80x128xi32, #tpu.memory_space<hbm>>
      %dma_start3A_137 = tpu.memref_squeeze %dma_start3A_136 : memref<1x80x128xi32, #tpu.memory_space<hbm>> -> memref<80x128xi32, #tpu.memory_space<hbm>>
      %dma_start3A_138 = arith.constant 0 : i32
      %dma_start3A_139 = arith.constant 0 : i32
      %dma_start3A_140 = tpu.memref_slice %arg4[%add3A, %dma_start3A_138, %dma_start3A_139] : memref<32x80x128xi32, #tpu.memory_space<hbm>> -> memref<1x80x128xi32, #tpu.memory_space<hbm>>
      %dma_start3A_141 = tpu.memref_squeeze %dma_start3A_140 : memref<1x80x128xi32, #tpu.memory_space<hbm>> -> memref<80x128xi32, #tpu.memory_space<hbm>>
      tpu.enqueue_dma source(%dma_start3A_141 : memref<80x128xi32, #tpu.memory_space<hbm>>) target(%arg7 : memref<80x128xi32, #tpu.memory_space<vmem>>) target_semaphore(%run_scoped3A : memref<!tpu.dma_semaphore, #tpu.memory_space<semaphore_mem>>)
      %dma_wait3A = arith.constant 0 : i32
      %dma_wait3A_142 = arith.constant 0 : i32
      %dma_wait3A_143 = tpu.memref_slice %arg4[%add3A, %dma_wait3A, %dma_wait3A_142] : memref<32x80x128xi32, #tpu.memory_space<hbm>> -> memref<1x80x128xi32, #tpu.memory_space<hbm>>
      %dma_wait3A_144 = tpu.memref_squeeze %dma_wait3A_143 : memref<1x80x128xi32, #tpu.memory_space<hbm>> -> memref<80x128xi32, #tpu.memory_space<hbm>>
      %dma_wait3A_145 = arith.constant 0 : i32
      %dma_wait3A_146 = arith.constant 0 : i32
      %dma_wait3A_147 = tpu.memref_slice %arg4[%add3A, %dma_wait3A_145, %dma_wait3A_146] : memref<32x80x128xi32, #tpu.memory_space<hbm>> -> memref<1x80x128xi32, #tpu.memory_space<hbm>>
      %dma_wait3A_148 = tpu.memref_squeeze %dma_wait3A_147 : memref<1x80x128xi32, #tpu.memory_space<hbm>> -> memref<80x128xi32, #tpu.memory_space<hbm>>
      tpu.wait_dma2 semaphore(%run_scoped3A : memref<!tpu.dma_semaphore, #tpu.memory_space<semaphore_mem>>) src(%dma_wait3A_148 : memref<80x128xi32, #tpu.memory_space<hbm>>) dst(%arg7 : memref<80x128xi32, #tpu.memory_space<vmem>>)
      tpu.yield
    }) : () -> ()
    "tpu.region"() ({
      %run_scoped3A = tpu.sem_alloc : memref<!tpu.dma_semaphore, #tpu.memory_space<semaphore_mem>>
      %dma_start3A_134 = arith.constant 0 : i32
      %dma_start3A_135 = arith.constant 0 : i32
      %dma_start3A_136 = tpu.memref_slice %arg5[%add3A, %dma_start3A_134, %dma_start3A_135] : memref<32x80x128xi32, #tpu.memory_space<hbm>> -> memref<1x80x128xi32, #tpu.memory_space<hbm>>
      %dma_start3A_137 = tpu.memref_squeeze %dma_start3A_136 : memref<1x80x128xi32, #tpu.memory_space<hbm>> -> memref<80x128xi32, #tpu.memory_space<hbm>>
      %dma_start3A_138 = arith.constant 0 : i32
      %dma_start3A_139 = arith.constant 0 : i32
      %dma_start3A_140 = tpu.memref_slice %arg5[%add3A, %dma_start3A_138, %dma_start3A_139] : memref<32x80x128xi32, #tpu.memory_space<hbm>> -> memref<1x80x128xi32, #tpu.memory_space<hbm>>
      %dma_start3A_141 = tpu.memref_squeeze %dma_start3A_140 : memref<1x80x128xi32, #tpu.memory_space<hbm>> -> memref<80x128xi32, #tpu.memory_space<hbm>>
      tpu.enqueue_dma source(%dma_start3A_141 : memref<80x128xi32, #tpu.memory_space<hbm>>) target(%arg8 : memref<80x128xi32, #tpu.memory_space<vmem>>) target_semaphore(%run_scoped3A : memref<!tpu.dma_semaphore, #tpu.memory_space<semaphore_mem>>)
      %dma_wait3A = arith.constant 0 : i32
      %dma_wait3A_142 = arith.constant 0 : i32
      %dma_wait3A_143 = tpu.memref_slice %arg5[%add3A, %dma_wait3A, %dma_wait3A_142] : memref<32x80x128xi32, #tpu.memory_space<hbm>> -> memref<1x80x128xi32, #tpu.memory_space<hbm>>
      %dma_wait3A_144 = tpu.memref_squeeze %dma_wait3A_143 : memref<1x80x128xi32, #tpu.memory_space<hbm>> -> memref<80x128xi32, #tpu.memory_space<hbm>>
      %dma_wait3A_145 = arith.constant 0 : i32
      %dma_wait3A_146 = arith.constant 0 : i32
      %dma_wait3A_147 = tpu.memref_slice %arg5[%add3A, %dma_wait3A_145, %dma_wait3A_146] : memref<32x80x128xi32, #tpu.memory_space<hbm>> -> memref<1x80x128xi32, #tpu.memory_space<hbm>>
      %dma_wait3A_148 = tpu.memref_squeeze %dma_wait3A_147 : memref<1x80x128xi32, #tpu.memory_space<hbm>> -> memref<80x128xi32, #tpu.memory_space<hbm>>
      tpu.wait_dma2 semaphore(%run_scoped3A : memref<!tpu.dma_semaphore, #tpu.memory_space<semaphore_mem>>) src(%dma_wait3A_148 : memref<80x128xi32, #tpu.memory_space<hbm>>) dst(%arg8 : memref<80x128xi32, #tpu.memory_space<vmem>>)
      tpu.yield
    }) : () -> ()
    %barrier3A = arith.constant 0 : index
    tpu.barrier barrier_id(%barrier3A)
    %dma_start3A = arith.constant 0 : i32
    %dma_start3A_5 = arith.constant 0 : i32
    %dma_start3A_6 = arith.constant 0 : i32
    %dma_start3A_7 = arith.constant 0 : i32
    %dma_start3A_8 = arith.constant 0 : i32
    %dma_start3A_9 = tpu.memref_slice %arg9[%dma_start3A_5, %dma_start3A_7, %dma_start3A_8] : memref<8x128x16xf32, #tpu.memory_space<vmem>> -> memref<1x128x16xf32, #tpu.memory_space<vmem>>
    %dma_start3A_10 = tpu.memref_squeeze %dma_start3A_9 : memref<1x128x16xf32, #tpu.memory_space<vmem>> -> memref<128x16xf32, #tpu.memory_space<vmem>>
    %dma_start3A_11 = arith.constant 0 : i32
    %dma_start3A_12 = tpu.memref_slice %arg7[%dma_start3A, %dma_start3A_11] : memref<80x128xi32, #tpu.memory_space<vmem>> -> memref<1x128xi32, #tpu.memory_space<vmem>>
    %dma_start3A_13 = tpu.memref_squeeze %dma_start3A_12 : memref<1x128xi32, #tpu.memory_space<vmem>> -> memref<128xi32, #tpu.memory_space<vmem>>
    %dma_start3A_14 = arith.constant 0 : i32
    %dma_start3A_15 = arith.constant 0 : i32
    %dma_start3A_16 = tpu.memref_slice %arg2[%dma_start3A_14, %dma_start3A_15] : memref<10112x16xf32, #tpu.memory_space<hbm>> -> memref<10112x16xf32, #tpu.memory_space<hbm>>
    %dma_start3A_17 = tpu.memref_slice %arg11[%dma_start3A_6] : memref<8x!tpu.dma_semaphore, #tpu.memory_space<semaphore_mem>> -> memref<1x!tpu.dma_semaphore, #tpu.memory_space<semaphore_mem>>
    %dma_start3A_18 = tpu.memref_squeeze %dma_start3A_17 : memref<1x!tpu.dma_semaphore, #tpu.memory_space<semaphore_mem>> -> memref<!tpu.dma_semaphore, #tpu.memory_space<semaphore_mem>>
    tpu.enqueue_indirect_dma source(%dma_start3A_16 : memref<10112x16xf32, #tpu.memory_space<hbm>>) target(%dma_start3A_10 : memref<128x16xf32, #tpu.memory_space<vmem>>) offsets(%dma_start3A_13 : memref<128xi32, #tpu.memory_space<vmem>>) semaphore(%dma_start3A_18 : memref<!tpu.dma_semaphore, #tpu.memory_space<semaphore_mem>>)
    %dma_start3A_19 = arith.constant 1 : i32
    %dma_start3A_20 = arith.constant 1 : i32
    %dma_start3A_21 = arith.constant 1 : i32
    %dma_start3A_22 = arith.constant 0 : i32
    %dma_start3A_23 = arith.constant 0 : i32
    %dma_start3A_24 = tpu.memref_slice %arg9[%dma_start3A_20, %dma_start3A_22, %dma_start3A_23] : memref<8x128x16xf32, #tpu.memory_space<vmem>> -> memref<1x128x16xf32, #tpu.memory_space<vmem>>
    %dma_start3A_25 = tpu.memref_squeeze %dma_start3A_24 : memref<1x128x16xf32, #tpu.memory_space<vmem>> -> memref<128x16xf32, #tpu.memory_space<vmem>>
    %dma_start3A_26 = arith.constant 0 : i32
    %dma_start3A_27 = tpu.memref_slice %arg7[%dma_start3A_19, %dma_start3A_26] : memref<80x128xi32, #tpu.memory_space<vmem>> -> memref<1x128xi32, #tpu.memory_space<vmem>>
    %dma_start3A_28 = tpu.memref_squeeze %dma_start3A_27 : memref<1x128xi32, #tpu.memory_space<vmem>> -> memref<128xi32, #tpu.memory_space<vmem>>
    %dma_start3A_29 = arith.constant 0 : i32
    %dma_start3A_30 = arith.constant 0 : i32
    %dma_start3A_31 = tpu.memref_slice %arg2[%dma_start3A_29, %dma_start3A_30] : memref<10112x16xf32, #tpu.memory_space<hbm>> -> memref<10112x16xf32, #tpu.memory_space<hbm>>
    %dma_start3A_32 = tpu.memref_slice %arg11[%dma_start3A_21] : memref<8x!tpu.dma_semaphore, #tpu.memory_space<semaphore_mem>> -> memref<1x!tpu.dma_semaphore, #tpu.memory_space<semaphore_mem>>
    %dma_start3A_33 = tpu.memref_squeeze %dma_start3A_32 : memref<1x!tpu.dma_semaphore, #tpu.memory_space<semaphore_mem>> -> memref<!tpu.dma_semaphore, #tpu.memory_space<semaphore_mem>>
    tpu.enqueue_indirect_dma source(%dma_start3A_31 : memref<10112x16xf32, #tpu.memory_space<hbm>>) target(%dma_start3A_25 : memref<128x16xf32, #tpu.memory_space<vmem>>) offsets(%dma_start3A_28 : memref<128xi32, #tpu.memory_space<vmem>>) semaphore(%dma_start3A_33 : memref<!tpu.dma_semaphore, #tpu.memory_space<semaphore_mem>>)
    %dma_start3A_34 = arith.constant 2 : i32
    %dma_start3A_35 = arith.constant 2 : i32
    %dma_start3A_36 = arith.constant 2 : i32
    %dma_start3A_37 = arith.constant 0 : i32
    %dma_start3A_38 = arith.constant 0 : i32
    %dma_start3A_39 = tpu.memref_slice %arg9[%dma_start3A_35, %dma_start3A_37, %dma_start3A_38] : memref<8x128x16xf32, #tpu.memory_space<vmem>> -> memref<1x128x16xf32, #tpu.memory_space<vmem>>
    %dma_start3A_40 = tpu.memref_squeeze %dma_start3A_39 : memref<1x128x16xf32, #tpu.memory_space<vmem>> -> memref<128x16xf32, #tpu.memory_space<vmem>>
    %dma_start3A_41 = arith.constant 0 : i32
    %dma_start3A_42 = tpu.memref_slice %arg7[%dma_start3A_34, %dma_start3A_41] : memref<80x128xi32, #tpu.memory_space<vmem>> -> memref<1x128xi32, #tpu.memory_space<vmem>>
    %dma_start3A_43 = tpu.memref_squeeze %dma_start3A_42 : memref<1x128xi32, #tpu.memory_space<vmem>> -> memref<128xi32, #tpu.memory_space<vmem>>
    %dma_start3A_44 = arith.constant 0 : i32
    %dma_start3A_45 = arith.constant 0 : i32
    %dma_start3A_46 = tpu.memref_slice %arg2[%dma_start3A_44, %dma_start3A_45] : memref<10112x16xf32, #tpu.memory_space<hbm>> -> memref<10112x16xf32, #tpu.memory_space<hbm>>
    %dma_start3A_47 = tpu.memref_slice %arg11[%dma_start3A_36] : memref<8x!tpu.dma_semaphore, #tpu.memory_space<semaphore_mem>> -> memref<1x!tpu.dma_semaphore, #tpu.memory_space<semaphore_mem>>
    %dma_start3A_48 = tpu.memref_squeeze %dma_start3A_47 : memref<1x!tpu.dma_semaphore, #tpu.memory_space<semaphore_mem>> -> memref<!tpu.dma_semaphore, #tpu.memory_space<semaphore_mem>>
    tpu.enqueue_indirect_dma source(%dma_start3A_46 : memref<10112x16xf32, #tpu.memory_space<hbm>>) target(%dma_start3A_40 : memref<128x16xf32, #tpu.memory_space<vmem>>) offsets(%dma_start3A_43 : memref<128xi32, #tpu.memory_space<vmem>>) semaphore(%dma_start3A_48 : memref<!tpu.dma_semaphore, #tpu.memory_space<semaphore_mem>>)
    %dma_start3A_49 = arith.constant 3 : i32
    %dma_start3A_50 = arith.constant 3 : i32
    %dma_start3A_51 = arith.constant 3 : i32
    %dma_start3A_52 = arith.constant 0 : i32
    %dma_start3A_53 = arith.constant 0 : i32
    %dma_start3A_54 = tpu.memref_slice %arg9[%dma_start3A_50, %dma_start3A_52, %dma_start3A_53] : memref<8x128x16xf32, #tpu.memory_space<vmem>> -> memref<1x128x16xf32, #tpu.memory_space<vmem>>
    %dma_start3A_55 = tpu.memref_squeeze %dma_start3A_54 : memref<1x128x16xf32, #tpu.memory_space<vmem>> -> memref<128x16xf32, #tpu.memory_space<vmem>>
    %dma_start3A_56 = arith.constant 0 : i32
    %dma_start3A_57 = tpu.memref_slice %arg7[%dma_start3A_49, %dma_start3A_56] : memref<80x128xi32, #tpu.memory_space<vmem>> -> memref<1x128xi32, #tpu.memory_space<vmem>>
    %dma_start3A_58 = tpu.memref_squeeze %dma_start3A_57 : memref<1x128xi32, #tpu.memory_space<vmem>> -> memref<128xi32, #tpu.memory_space<vmem>>
    %dma_start3A_59 = arith.constant 0 : i32
    %dma_start3A_60 = arith.constant 0 : i32
    %dma_start3A_61 = tpu.memref_slice %arg2[%dma_start3A_59, %dma_start3A_60] : memref<10112x16xf32, #tpu.memory_space<hbm>> -> memref<10112x16xf32, #tpu.memory_space<hbm>>
    %dma_start3A_62 = tpu.memref_slice %arg11[%dma_start3A_51] : memref<8x!tpu.dma_semaphore, #tpu.memory_space<semaphore_mem>> -> memref<1x!tpu.dma_semaphore, #tpu.memory_space<semaphore_mem>>
    %dma_start3A_63 = tpu.memref_squeeze %dma_start3A_62 : memref<1x!tpu.dma_semaphore, #tpu.memory_space<semaphore_mem>> -> memref<!tpu.dma_semaphore, #tpu.memory_space<semaphore_mem>>
    tpu.enqueue_indirect_dma source(%dma_start3A_61 : memref<10112x16xf32, #tpu.memory_space<hbm>>) target(%dma_start3A_55 : memref<128x16xf32, #tpu.memory_space<vmem>>) offsets(%dma_start3A_58 : memref<128xi32, #tpu.memory_space<vmem>>) semaphore(%dma_start3A_63 : memref<!tpu.dma_semaphore, #tpu.memory_space<semaphore_mem>>)
    %dma_start3A_64 = arith.constant 4 : i32
    %dma_start3A_65 = arith.constant 4 : i32
    %dma_start3A_66 = arith.constant 4 : i32
    %dma_start3A_67 = arith.constant 0 : i32
    %dma_start3A_68 = arith.constant 0 : i32
    %dma_start3A_69 = tpu.memref_slice %arg9[%dma_start3A_65, %dma_start3A_67, %dma_start3A_68] : memref<8x128x16xf32, #tpu.memory_space<vmem>> -> memref<1x128x16xf32, #tpu.memory_space<vmem>>
    %dma_start3A_70 = tpu.memref_squeeze %dma_start3A_69 : memref<1x128x16xf32, #tpu.memory_space<vmem>> -> memref<128x16xf32, #tpu.memory_space<vmem>>
    %dma_start3A_71 = arith.constant 0 : i32
    %dma_start3A_72 = tpu.memref_slice %arg7[%dma_start3A_64, %dma_start3A_71] : memref<80x128xi32, #tpu.memory_space<vmem>> -> memref<1x128xi32, #tpu.memory_space<vmem>>
    %dma_start3A_73 = tpu.memref_squeeze %dma_start3A_72 : memref<1x128xi32, #tpu.memory_space<vmem>> -> memref<128xi32, #tpu.memory_space<vmem>>
    %dma_start3A_74 = arith.constant 0 : i32
    %dma_start3A_75 = arith.constant 0 : i32
    %dma_start3A_76 = tpu.memref_slice %arg2[%dma_start3A_74, %dma_start3A_75] : memref<10112x16xf32, #tpu.memory_space<hbm>> -> memref<10112x16xf32, #tpu.memory_space<hbm>>
    %dma_start3A_77 = tpu.memref_slice %arg11[%dma_start3A_66] : memref<8x!tpu.dma_semaphore, #tpu.memory_space<semaphore_mem>> -> memref<1x!tpu.dma_semaphore, #tpu.memory_space<semaphore_mem>>
    %dma_start3A_78 = tpu.memref_squeeze %dma_start3A_77 : memref<1x!tpu.dma_semaphore, #tpu.memory_space<semaphore_mem>> -> memref<!tpu.dma_semaphore, #tpu.memory_space<semaphore_mem>>
    tpu.enqueue_indirect_dma source(%dma_start3A_76 : memref<10112x16xf32, #tpu.memory_space<hbm>>) target(%dma_start3A_70 : memref<128x16xf32, #tpu.memory_space<vmem>>) offsets(%dma_start3A_73 : memref<128xi32, #tpu.memory_space<vmem>>) semaphore(%dma_start3A_78 : memref<!tpu.dma_semaphore, #tpu.memory_space<semaphore_mem>>)
    %dma_start3A_79 = arith.constant 5 : i32
    %dma_start3A_80 = arith.constant 5 : i32
    %dma_start3A_81 = arith.constant 5 : i32
    %dma_start3A_82 = arith.constant 0 : i32
    %dma_start3A_83 = arith.constant 0 : i32
    %dma_start3A_84 = tpu.memref_slice %arg9[%dma_start3A_80, %dma_start3A_82, %dma_start3A_83] : memref<8x128x16xf32, #tpu.memory_space<vmem>> -> memref<1x128x16xf32, #tpu.memory_space<vmem>>
    %dma_start3A_85 = tpu.memref_squeeze %dma_start3A_84 : memref<1x128x16xf32, #tpu.memory_space<vmem>> -> memref<128x16xf32, #tpu.memory_space<vmem>>
    %dma_start3A_86 = arith.constant 0 : i32
    %dma_start3A_87 = tpu.memref_slice %arg7[%dma_start3A_79, %dma_start3A_86] : memref<80x128xi32, #tpu.memory_space<vmem>> -> memref<1x128xi32, #tpu.memory_space<vmem>>
    %dma_start3A_88 = tpu.memref_squeeze %dma_start3A_87 : memref<1x128xi32, #tpu.memory_space<vmem>> -> memref<128xi32, #tpu.memory_space<vmem>>
    %dma_start3A_89 = arith.constant 0 : i32
    %dma_start3A_90 = arith.constant 0 : i32
    %dma_start3A_91 = tpu.memref_slice %arg2[%dma_start3A_89, %dma_start3A_90] : memref<10112x16xf32, #tpu.memory_space<hbm>> -> memref<10112x16xf32, #tpu.memory_space<hbm>>
    %dma_start3A_92 = tpu.memref_slice %arg11[%dma_start3A_81] : memref<8x!tpu.dma_semaphore, #tpu.memory_space<semaphore_mem>> -> memref<1x!tpu.dma_semaphore, #tpu.memory_space<semaphore_mem>>
    %dma_start3A_93 = tpu.memref_squeeze %dma_start3A_92 : memref<1x!tpu.dma_semaphore, #tpu.memory_space<semaphore_mem>> -> memref<!tpu.dma_semaphore, #tpu.memory_space<semaphore_mem>>
    tpu.enqueue_indirect_dma source(%dma_start3A_91 : memref<10112x16xf32, #tpu.memory_space<hbm>>) target(%dma_start3A_85 : memref<128x16xf32, #tpu.memory_space<vmem>>) offsets(%dma_start3A_88 : memref<128xi32, #tpu.memory_space<vmem>>) semaphore(%dma_start3A_93 : memref<!tpu.dma_semaphore, #tpu.memory_space<semaphore_mem>>)
    %dma_start3A_94 = arith.constant 6 : i32
    %dma_start3A_95 = arith.constant 6 : i32
    %dma_start3A_96 = arith.constant 6 : i32
    %dma_start3A_97 = arith.constant 0 : i32
    %dma_start3A_98 = arith.constant 0 : i32
    %dma_start3A_99 = tpu.memref_slice %arg9[%dma_start3A_95, %dma_start3A_97, %dma_start3A_98] : memref<8x128x16xf32, #tpu.memory_space<vmem>> -> memref<1x128x16xf32, #tpu.memory_space<vmem>>
    %dma_start3A_100 = tpu.memref_squeeze %dma_start3A_99 : memref<1x128x16xf32, #tpu.memory_space<vmem>> -> memref<128x16xf32, #tpu.memory_space<vmem>>
    %dma_start3A_101 = arith.constant 0 : i32
    %dma_start3A_102 = tpu.memref_slice %arg7[%dma_start3A_94, %dma_start3A_101] : memref<80x128xi32, #tpu.memory_space<vmem>> -> memref<1x128xi32, #tpu.memory_space<vmem>>
    %dma_start3A_103 = tpu.memref_squeeze %dma_start3A_102 : memref<1x128xi32, #tpu.memory_space<vmem>> -> memref<128xi32, #tpu.memory_space<vmem>>
    %dma_start3A_104 = arith.constant 0 : i32
    %dma_start3A_105 = arith.constant 0 : i32
    %dma_start3A_106 = tpu.memref_slice %arg2[%dma_start3A_104, %dma_start3A_105] : memref<10112x16xf32, #tpu.memory_space<hbm>> -> memref<10112x16xf32, #tpu.memory_space<hbm>>
    %dma_start3A_107 = tpu.memref_slice %arg11[%dma_start3A_96] : memref<8x!tpu.dma_semaphore, #tpu.memory_space<semaphore_mem>> -> memref<1x!tpu.dma_semaphore, #tpu.memory_space<semaphore_mem>>
    %dma_start3A_108 = tpu.memref_squeeze %dma_start3A_107 : memref<1x!tpu.dma_semaphore, #tpu.memory_space<semaphore_mem>> -> memref<!tpu.dma_semaphore, #tpu.memory_space<semaphore_mem>>
    tpu.enqueue_indirect_dma source(%dma_start3A_106 : memref<10112x16xf32, #tpu.memory_space<hbm>>) target(%dma_start3A_100 : memref<128x16xf32, #tpu.memory_space<vmem>>) offsets(%dma_start3A_103 : memref<128xi32, #tpu.memory_space<vmem>>) semaphore(%dma_start3A_108 : memref<!tpu.dma_semaphore, #tpu.memory_space<semaphore_mem>>)
    %dma_start3A_109 = arith.constant 7 : i32
    %dma_start3A_110 = arith.constant 7 : i32
    %dma_start3A_111 = arith.constant 7 : i32
    %dma_start3A_112 = arith.constant 0 : i32
    %dma_start3A_113 = arith.constant 0 : i32
    %dma_start3A_114 = tpu.memref_slice %arg9[%dma_start3A_110, %dma_start3A_112, %dma_start3A_113] : memref<8x128x16xf32, #tpu.memory_space<vmem>> -> memref<1x128x16xf32, #tpu.memory_space<vmem>>
    %dma_start3A_115 = tpu.memref_squeeze %dma_start3A_114 : memref<1x128x16xf32, #tpu.memory_space<vmem>> -> memref<128x16xf32, #tpu.memory_space<vmem>>
    %dma_start3A_116 = arith.constant 0 : i32
    %dma_start3A_117 = tpu.memref_slice %arg7[%dma_start3A_109, %dma_start3A_116] : memref<80x128xi32, #tpu.memory_space<vmem>> -> memref<1x128xi32, #tpu.memory_space<vmem>>
    %dma_start3A_118 = tpu.memref_squeeze %dma_start3A_117 : memref<1x128xi32, #tpu.memory_space<vmem>> -> memref<128xi32, #tpu.memory_space<vmem>>
    %dma_start3A_119 = arith.constant 0 : i32
    %dma_start3A_120 = arith.constant 0 : i32
    %dma_start3A_121 = tpu.memref_slice %arg2[%dma_start3A_119, %dma_start3A_120] : memref<10112x16xf32, #tpu.memory_space<hbm>> -> memref<10112x16xf32, #tpu.memory_space<hbm>>
    %dma_start3A_122 = tpu.memref_slice %arg11[%dma_start3A_111] : memref<8x!tpu.dma_semaphore, #tpu.memory_space<semaphore_mem>> -> memref<1x!tpu.dma_semaphore, #tpu.memory_space<semaphore_mem>>
    %dma_start3A_123 = tpu.memref_squeeze %dma_start3A_122 : memref<1x!tpu.dma_semaphore, #tpu.memory_space<semaphore_mem>> -> memref<!tpu.dma_semaphore, #tpu.memory_space<semaphore_mem>>
    tpu.enqueue_indirect_dma source(%dma_start3A_121 : memref<10112x16xf32, #tpu.memory_space<hbm>>) target(%dma_start3A_115 : memref<128x16xf32, #tpu.memory_space<vmem>>) offsets(%dma_start3A_118 : memref<128xi32, #tpu.memory_space<vmem>>) semaphore(%dma_start3A_123 : memref<!tpu.dma_semaphore, #tpu.memory_space<semaphore_mem>>)
    %scan3A = arith.constant 0 : i32
    %scan3A_124 = arith.constant 0 : i32
    %scan3A_125 = arith.constant 10 : i32
    %scan3A_126 = arith.addi %scan3A_124, %scan3A_125 : i32
    %scan3A_127 = arith.constant 1 : i32
    scf.for %scan3A_134 = %scan3A_124 to %scan3A_126 step %scan3A_127  : i32 {
      %mul3A_135 = arith.constant 2 : i32
      %mul3A_136 = arith.muli %scan3A_134, %mul3A_135 : i32
      %mul3A_137 = arith.constant 4 : i32
      %mul3A_138 = arith.muli %mul3A_136, %mul3A_137 : i32
      %add3A_139 = arith.constant 4 : i32
      %add3A_140 = arith.addi %mul3A_138, %add3A_139 : i32
      %add3A_141 = arith.constant 4 : i32
      %add3A_142 = arith.addi %add3A_140, %add3A_141 : i32
      %add3A_143 = arith.constant 4 : i32
      %add3A_144 = arith.addi %add3A_142, %add3A_143 : i32
      %dma_wait3A = arith.constant 0 : i32
      %dma_wait3A_145 = arith.constant 0 : i32
      %dma_wait3A_146 = arith.constant 0 : i32
      %dma_wait3A_147 = arith.constant 0 : i32
      %dma_wait3A_148 = tpu.memref_slice %arg9[%dma_wait3A, %dma_wait3A_146, %dma_wait3A_147] : memref<8x128x16xf32, #tpu.memory_space<vmem>> -> memref<1x128x16xf32, #tpu.memory_space<vmem>>
      %dma_wait3A_149 = tpu.memref_squeeze %dma_wait3A_148 : memref<1x128x16xf32, #tpu.memory_space<vmem>> -> memref<128x16xf32, #tpu.memory_space<vmem>>
      %dma_wait3A_150 = arith.constant 0 : i32
      %dma_wait3A_151 = arith.constant 0 : i32
      %dma_wait3A_152 = tpu.memref_slice %arg2[%dma_wait3A_150, %dma_wait3A_151] : memref<10112x16xf32, #tpu.memory_space<hbm>> -> memref<128x16xf32, #tpu.memory_space<hbm>>
      %dma_wait3A_153 = tpu.memref_slice %arg11[%dma_wait3A_145] : memref<8x!tpu.dma_semaphore, #tpu.memory_space<semaphore_mem>> -> memref<1x!tpu.dma_semaphore, #tpu.memory_space<semaphore_mem>>
      %dma_wait3A_154 = tpu.memref_squeeze %dma_wait3A_153 : memref<1x!tpu.dma_semaphore, #tpu.memory_space<semaphore_mem>> -> memref<!tpu.dma_semaphore, #tpu.memory_space<semaphore_mem>>
      %dma_wait3A_155 = arith.constant 0 : i32
      %dma_wait3A_156 = arith.constant 0 : i32
      %dma_wait3A_157 = tpu.memref_slice %arg9[%dma_wait3A, %dma_wait3A_155, %dma_wait3A_156] : memref<8x128x16xf32, #tpu.memory_space<vmem>> -> memref<1x128x16xf32, #tpu.memory_space<vmem>>
      %dma_wait3A_158 = tpu.memref_squeeze %dma_wait3A_157 : memref<1x128x16xf32, #tpu.memory_space<vmem>> -> memref<128x16xf32, #tpu.memory_space<vmem>>
      %dma_wait3A_159 = arith.constant 0 : i32
      %dma_wait3A_160 = arith.constant 0 : i32
      %dma_wait3A_161 = tpu.memref_slice %arg2[%dma_wait3A_159, %dma_wait3A_160] : memref<10112x16xf32, #tpu.memory_space<hbm>> -> memref<128x16xf32, #tpu.memory_space<hbm>>
      tpu.wait_dma2 semaphore(%dma_wait3A_154 : memref<!tpu.dma_semaphore, #tpu.memory_space<semaphore_mem>>) src(%dma_wait3A_161 : memref<128x16xf32, #tpu.memory_space<hbm>>) dst(%dma_wait3A_158 : memref<128x16xf32, #tpu.memory_space<vmem>>)
      %add3A_162 = arith.constant 0 : i32
      %add3A_163 = arith.addi %mul3A_138, %add3A_162 : i32
      %dma_start3A_164 = arith.constant 0 : i32
      %dma_start3A_165 = arith.constant 0 : i32
      %dma_start3A_166 = arith.constant 0 : i32
      %dma_start3A_167 = arith.constant 0 : i32
      %dma_start3A_168 = tpu.memref_slice %arg9[%dma_start3A_164, %dma_start3A_166, %dma_start3A_167] : memref<8x128x16xf32, #tpu.memory_space<vmem>> -> memref<1x128x16xf32, #tpu.memory_space<vmem>>
      %dma_start3A_169 = tpu.memref_squeeze %dma_start3A_168 : memref<1x128x16xf32, #tpu.memory_space<vmem>> -> memref<128x16xf32, #tpu.memory_space<vmem>>
      %dma_start3A_170 = arith.constant 0 : i32
      %dma_start3A_171 = tpu.memref_slice %arg8[%add3A_163, %dma_start3A_170] : memref<80x128xi32, #tpu.memory_space<vmem>> -> memref<1x128xi32, #tpu.memory_space<vmem>>
      %dma_start3A_172 = tpu.memref_squeeze %dma_start3A_171 : memref<1x128xi32, #tpu.memory_space<vmem>> -> memref<128xi32, #tpu.memory_space<vmem>>
      %dma_start3A_173 = arith.constant 0 : i32
      %dma_start3A_174 = arith.constant 0 : i32
      %dma_start3A_175 = tpu.memref_slice %arg10[%dma_start3A_173, %dma_start3A_174] : memref<10112x16xf32, #tpu.memory_space<vmem_shared>> -> memref<10112x16xf32, #tpu.memory_space<vmem_shared>>
      %dma_start3A_176 = tpu.memref_slice %arg12[%dma_start3A_165] : memref<8x!tpu.dma_semaphore, #tpu.memory_space<semaphore_mem>> -> memref<1x!tpu.dma_semaphore, #tpu.memory_space<semaphore_mem>>
      %dma_start3A_177 = tpu.memref_squeeze %dma_start3A_176 : memref<1x!tpu.dma_semaphore, #tpu.memory_space<semaphore_mem>> -> memref<!tpu.dma_semaphore, #tpu.memory_space<semaphore_mem>>
      tpu.enqueue_indirect_dma source(%dma_start3A_169 : memref<128x16xf32, #tpu.memory_space<vmem>>) target(%dma_start3A_175 : memref<10112x16xf32, #tpu.memory_space<vmem_shared>>) offsets(%dma_start3A_172 : memref<128xi32, #tpu.memory_space<vmem>>) semaphore(%dma_start3A_177 : memref<!tpu.dma_semaphore, #tpu.memory_space<semaphore_mem>>) {add = true}
      %dma_wait3A_178 = arith.constant 1 : i32
      %dma_wait3A_179 = arith.constant 1 : i32
      %dma_wait3A_180 = arith.constant 0 : i32
      %dma_wait3A_181 = arith.constant 0 : i32
      %dma_wait3A_182 = tpu.memref_slice %arg9[%dma_wait3A_178, %dma_wait3A_180, %dma_wait3A_181] : memref<8x128x16xf32, #tpu.memory_space<vmem>> -> memref<1x128x16xf32, #tpu.memory_space<vmem>>
      %dma_wait3A_183 = tpu.memref_squeeze %dma_wait3A_182 : memref<1x128x16xf32, #tpu.memory_space<vmem>> -> memref<128x16xf32, #tpu.memory_space<vmem>>
      %dma_wait3A_184 = arith.constant 0 : i32
      %dma_wait3A_185 = arith.constant 0 : i32
      %dma_wait3A_186 = tpu.memref_slice %arg2[%dma_wait3A_184, %dma_wait3A_185] : memref<10112x16xf32, #tpu.memory_space<hbm>> -> memref<128x16xf32, #tpu.memory_space<hbm>>
      %dma_wait3A_187 = tpu.memref_slice %arg11[%dma_wait3A_179] : memref<8x!tpu.dma_semaphore, #tpu.memory_space<semaphore_mem>> -> memref<1x!tpu.dma_semaphore, #tpu.memory_space<semaphore_mem>>
      %dma_wait3A_188 = tpu.memref_squeeze %dma_wait3A_187 : memref<1x!tpu.dma_semaphore, #tpu.memory_space<semaphore_mem>> -> memref<!tpu.dma_semaphore, #tpu.memory_space<semaphore_mem>>
      %dma_wait3A_189 = arith.constant 0 : i32
      %dma_wait3A_190 = arith.constant 0 : i32
      %dma_wait3A_191 = tpu.memref_slice %arg9[%dma_wait3A_178, %dma_wait3A_189, %dma_wait3A_190] : memref<8x128x16xf32, #tpu.memory_space<vmem>> -> memref<1x128x16xf32, #tpu.memory_space<vmem>>
      %dma_wait3A_192 = tpu.memref_squeeze %dma_wait3A_191 : memref<1x128x16xf32, #tpu.memory_space<vmem>> -> memref<128x16xf32, #tpu.memory_space<vmem>>
      %dma_wait3A_193 = arith.constant 0 : i32
      %dma_wait3A_194 = arith.constant 0 : i32
      %dma_wait3A_195 = tpu.memref_slice %arg2[%dma_wait3A_193, %dma_wait3A_194] : memref<10112x16xf32, #tpu.memory_space<hbm>> -> memref<128x16xf32, #tpu.memory_space<hbm>>
      tpu.wait_dma2 semaphore(%dma_wait3A_188 : memref<!tpu.dma_semaphore, #tpu.memory_space<semaphore_mem>>) src(%dma_wait3A_195 : memref<128x16xf32, #tpu.memory_space<hbm>>) dst(%dma_wait3A_192 : memref<128x16xf32, #tpu.memory_space<vmem>>)
      %add3A_196 = arith.constant 1 : i32
      %add3A_197 = arith.addi %mul3A_138, %add3A_196 : i32
      %dma_start3A_198 = arith.constant 1 : i32
      %dma_start3A_199 = arith.constant 1 : i32
      %dma_start3A_200 = arith.constant 0 : i32
      %dma_start3A_201 = arith.constant 0 : i32
      %dma_start3A_202 = tpu.memref_slice %arg9[%dma_start3A_198, %dma_start3A_200, %dma_start3A_201] : memref<8x128x16xf32, #tpu.memory_space<vmem>> -> memref<1x128x16xf32, #tpu.memory_space<vmem>>
      %dma_start3A_203 = tpu.memref_squeeze %dma_start3A_202 : memref<1x128x16xf32, #tpu.memory_space<vmem>> -> memref<128x16xf32, #tpu.memory_space<vmem>>
      %dma_start3A_204 = arith.constant 0 : i32
      %dma_start3A_205 = tpu.memref_slice %arg8[%add3A_197, %dma_start3A_204] : memref<80x128xi32, #tpu.memory_space<vmem>> -> memref<1x128xi32, #tpu.memory_space<vmem>>
      %dma_start3A_206 = tpu.memref_squeeze %dma_start3A_205 : memref<1x128xi32, #tpu.memory_space<vmem>> -> memref<128xi32, #tpu.memory_space<vmem>>
      %dma_start3A_207 = arith.constant 0 : i32
      %dma_start3A_208 = arith.constant 0 : i32
      %dma_start3A_209 = tpu.memref_slice %arg10[%dma_start3A_207, %dma_start3A_208] : memref<10112x16xf32, #tpu.memory_space<vmem_shared>> -> memref<10112x16xf32, #tpu.memory_space<vmem_shared>>
      %dma_start3A_210 = tpu.memref_slice %arg12[%dma_start3A_199] : memref<8x!tpu.dma_semaphore, #tpu.memory_space<semaphore_mem>> -> memref<1x!tpu.dma_semaphore, #tpu.memory_space<semaphore_mem>>
      %dma_start3A_211 = tpu.memref_squeeze %dma_start3A_210 : memref<1x!tpu.dma_semaphore, #tpu.memory_space<semaphore_mem>> -> memref<!tpu.dma_semaphore, #tpu.memory_space<semaphore_mem>>
      tpu.enqueue_indirect_dma source(%dma_start3A_203 : memref<128x16xf32, #tpu.memory_space<vmem>>) target(%dma_start3A_209 : memref<10112x16xf32, #tpu.memory_space<vmem_shared>>) offsets(%dma_start3A_206 : memref<128xi32, #tpu.memory_space<vmem>>) semaphore(%dma_start3A_211 : memref<!tpu.dma_semaphore, #tpu.memory_space<semaphore_mem>>) {add = true}
      %dma_wait3A_212 = arith.constant 2 : i32
      %dma_wait3A_213 = arith.constant 2 : i32
      %dma_wait3A_214 = arith.constant 0 : i32
      %dma_wait3A_215 = arith.constant 0 : i32
      %dma_wait3A_216 = tpu.memref_slice %arg9[%dma_wait3A_212, %dma_wait3A_214, %dma_wait3A_215] : memref<8x128x16xf32, #tpu.memory_space<vmem>> -> memref<1x128x16xf32, #tpu.memory_space<vmem>>
      %dma_wait3A_217 = tpu.memref_squeeze %dma_wait3A_216 : memref<1x128x16xf32, #tpu.memory_space<vmem>> -> memref<128x16xf32, #tpu.memory_space<vmem>>
      %dma_wait3A_218 = arith.constant 0 : i32
      %dma_wait3A_219 = arith.constant 0 : i32
      %dma_wait3A_220 = tpu.memref_slice %arg2[%dma_wait3A_218, %dma_wait3A_219] : memref<10112x16xf32, #tpu.memory_space<hbm>> -> memref<128x16xf32, #tpu.memory_space<hbm>>
      %dma_wait3A_221 = tpu.memref_slice %arg11[%dma_wait3A_213] : memref<8x!tpu.dma_semaphore, #tpu.memory_space<semaphore_mem>> -> memref<1x!tpu.dma_semaphore, #tpu.memory_space<semaphore_mem>>
      %dma_wait3A_222 = tpu.memref_squeeze %dma_wait3A_221 : memref<1x!tpu.dma_semaphore, #tpu.memory_space<semaphore_mem>> -> memref<!tpu.dma_semaphore, #tpu.memory_space<semaphore_mem>>
      %dma_wait3A_223 = arith.constant 0 : i32
      %dma_wait3A_224 = arith.constant 0 : i32
      %dma_wait3A_225 = tpu.memref_slice %arg9[%dma_wait3A_212, %dma_wait3A_223, %dma_wait3A_224] : memref<8x128x16xf32, #tpu.memory_space<vmem>> -> memref<1x128x16xf32, #tpu.memory_space<vmem>>
      %dma_wait3A_226 = tpu.memref_squeeze %dma_wait3A_225 : memref<1x128x16xf32, #tpu.memory_space<vmem>> -> memref<128x16xf32, #tpu.memory_space<vmem>>
      %dma_wait3A_227 = arith.constant 0 : i32
      %dma_wait3A_228 = arith.constant 0 : i32
      %dma_wait3A_229 = tpu.memref_slice %arg2[%dma_wait3A_227, %dma_wait3A_228] : memref<10112x16xf32, #tpu.memory_space<hbm>> -> memref<128x16xf32, #tpu.memory_space<hbm>>
      tpu.wait_dma2 semaphore(%dma_wait3A_222 : memref<!tpu.dma_semaphore, #tpu.memory_space<semaphore_mem>>) src(%dma_wait3A_229 : memref<128x16xf32, #tpu.memory_space<hbm>>) dst(%dma_wait3A_226 : memref<128x16xf32, #tpu.memory_space<vmem>>)
      %add3A_230 = arith.constant 2 : i32
      %add3A_231 = arith.addi %mul3A_138, %add3A_230 : i32
      %dma_start3A_232 = arith.constant 2 : i32
      %dma_start3A_233 = arith.constant 2 : i32
      %dma_start3A_234 = arith.constant 0 : i32
      %dma_start3A_235 = arith.constant 0 : i32
      %dma_start3A_236 = tpu.memref_slice %arg9[%dma_start3A_232, %dma_start3A_234, %dma_start3A_235] : memref<8x128x16xf32, #tpu.memory_space<vmem>> -> memref<1x128x16xf32, #tpu.memory_space<vmem>>
      %dma_start3A_237 = tpu.memref_squeeze %dma_start3A_236 : memref<1x128x16xf32, #tpu.memory_space<vmem>> -> memref<128x16xf32, #tpu.memory_space<vmem>>
      %dma_start3A_238 = arith.constant 0 : i32
      %dma_start3A_239 = tpu.memref_slice %arg8[%add3A_231, %dma_start3A_238] : memref<80x128xi32, #tpu.memory_space<vmem>> -> memref<1x128xi32, #tpu.memory_space<vmem>>
      %dma_start3A_240 = tpu.memref_squeeze %dma_start3A_239 : memref<1x128xi32, #tpu.memory_space<vmem>> -> memref<128xi32, #tpu.memory_space<vmem>>
      %dma_start3A_241 = arith.constant 0 : i32
      %dma_start3A_242 = arith.constant 0 : i32
      %dma_start3A_243 = tpu.memref_slice %arg10[%dma_start3A_241, %dma_start3A_242] : memref<10112x16xf32, #tpu.memory_space<vmem_shared>> -> memref<10112x16xf32, #tpu.memory_space<vmem_shared>>
      %dma_start3A_244 = tpu.memref_slice %arg12[%dma_start3A_233] : memref<8x!tpu.dma_semaphore, #tpu.memory_space<semaphore_mem>> -> memref<1x!tpu.dma_semaphore, #tpu.memory_space<semaphore_mem>>
      %dma_start3A_245 = tpu.memref_squeeze %dma_start3A_244 : memref<1x!tpu.dma_semaphore, #tpu.memory_space<semaphore_mem>> -> memref<!tpu.dma_semaphore, #tpu.memory_space<semaphore_mem>>
      tpu.enqueue_indirect_dma source(%dma_start3A_237 : memref<128x16xf32, #tpu.memory_space<vmem>>) target(%dma_start3A_243 : memref<10112x16xf32, #tpu.memory_space<vmem_shared>>) offsets(%dma_start3A_240 : memref<128xi32, #tpu.memory_space<vmem>>) semaphore(%dma_start3A_245 : memref<!tpu.dma_semaphore, #tpu.memory_space<semaphore_mem>>) {add = true}
      %dma_wait3A_246 = arith.constant 3 : i32
      %dma_wait3A_247 = arith.constant 3 : i32
      %dma_wait3A_248 = arith.constant 0 : i32
      %dma_wait3A_249 = arith.constant 0 : i32
      %dma_wait3A_250 = tpu.memref_slice %arg9[%dma_wait3A_246, %dma_wait3A_248, %dma_wait3A_249] : memref<8x128x16xf32, #tpu.memory_space<vmem>> -> memref<1x128x16xf32, #tpu.memory_space<vmem>>
      %dma_wait3A_251 = tpu.memref_squeeze %dma_wait3A_250 : memref<1x128x16xf32, #tpu.memory_space<vmem>> -> memref<128x16xf32, #tpu.memory_space<vmem>>
      %dma_wait3A_252 = arith.constant 0 : i32
      %dma_wait3A_253 = arith.constant 0 : i32
      %dma_wait3A_254 = tpu.memref_slice %arg2[%dma_wait3A_252, %dma_wait3A_253] : memref<10112x16xf32, #tpu.memory_space<hbm>> -> memref<128x16xf32, #tpu.memory_space<hbm>>
      %dma_wait3A_255 = tpu.memref_slice %arg11[%dma_wait3A_247] : memref<8x!tpu.dma_semaphore, #tpu.memory_space<semaphore_mem>> -> memref<1x!tpu.dma_semaphore, #tpu.memory_space<semaphore_mem>>
      %dma_wait3A_256 = tpu.memref_squeeze %dma_wait3A_255 : memref<1x!tpu.dma_semaphore, #tpu.memory_space<semaphore_mem>> -> memref<!tpu.dma_semaphore, #tpu.memory_space<semaphore_mem>>
      %dma_wait3A_257 = arith.constant 0 : i32
      %dma_wait3A_258 = arith.constant 0 : i32
      %dma_wait3A_259 = tpu.memref_slice %arg9[%dma_wait3A_246, %dma_wait3A_257, %dma_wait3A_258] : memref<8x128x16xf32, #tpu.memory_space<vmem>> -> memref<1x128x16xf32, #tpu.memory_space<vmem>>
      %dma_wait3A_260 = tpu.memref_squeeze %dma_wait3A_259 : memref<1x128x16xf32, #tpu.memory_space<vmem>> -> memref<128x16xf32, #tpu.memory_space<vmem>>
      %dma_wait3A_261 = arith.constant 0 : i32
      %dma_wait3A_262 = arith.constant 0 : i32
      %dma_wait3A_263 = tpu.memref_slice %arg2[%dma_wait3A_261, %dma_wait3A_262] : memref<10112x16xf32, #tpu.memory_space<hbm>> -> memref<128x16xf32, #tpu.memory_space<hbm>>
      tpu.wait_dma2 semaphore(%dma_wait3A_256 : memref<!tpu.dma_semaphore, #tpu.memory_space<semaphore_mem>>) src(%dma_wait3A_263 : memref<128x16xf32, #tpu.memory_space<hbm>>) dst(%dma_wait3A_260 : memref<128x16xf32, #tpu.memory_space<vmem>>)
      %add3A_264 = arith.constant 3 : i32
      %add3A_265 = arith.addi %mul3A_138, %add3A_264 : i32
      %dma_start3A_266 = arith.constant 3 : i32
      %dma_start3A_267 = arith.constant 3 : i32
      %dma_start3A_268 = arith.constant 0 : i32
      %dma_start3A_269 = arith.constant 0 : i32
      %dma_start3A_270 = tpu.memref_slice %arg9[%dma_start3A_266, %dma_start3A_268, %dma_start3A_269] : memref<8x128x16xf32, #tpu.memory_space<vmem>> -> memref<1x128x16xf32, #tpu.memory_space<vmem>>
      %dma_start3A_271 = tpu.memref_squeeze %dma_start3A_270 : memref<1x128x16xf32, #tpu.memory_space<vmem>> -> memref<128x16xf32, #tpu.memory_space<vmem>>
      %dma_start3A_272 = arith.constant 0 : i32
      %dma_start3A_273 = tpu.memref_slice %arg8[%add3A_265, %dma_start3A_272] : memref<80x128xi32, #tpu.memory_space<vmem>> -> memref<1x128xi32, #tpu.memory_space<vmem>>
      %dma_start3A_274 = tpu.memref_squeeze %dma_start3A_273 : memref<1x128xi32, #tpu.memory_space<vmem>> -> memref<128xi32, #tpu.memory_space<vmem>>
      %dma_start3A_275 = arith.constant 0 : i32
      %dma_start3A_276 = arith.constant 0 : i32
      %dma_start3A_277 = tpu.memref_slice %arg10[%dma_start3A_275, %dma_start3A_276] : memref<10112x16xf32, #tpu.memory_space<vmem_shared>> -> memref<10112x16xf32, #tpu.memory_space<vmem_shared>>
      %dma_start3A_278 = tpu.memref_slice %arg12[%dma_start3A_267] : memref<8x!tpu.dma_semaphore, #tpu.memory_space<semaphore_mem>> -> memref<1x!tpu.dma_semaphore, #tpu.memory_space<semaphore_mem>>
      %dma_start3A_279 = tpu.memref_squeeze %dma_start3A_278 : memref<1x!tpu.dma_semaphore, #tpu.memory_space<semaphore_mem>> -> memref<!tpu.dma_semaphore, #tpu.memory_space<semaphore_mem>>
      tpu.enqueue_indirect_dma source(%dma_start3A_271 : memref<128x16xf32, #tpu.memory_space<vmem>>) target(%dma_start3A_277 : memref<10112x16xf32, #tpu.memory_space<vmem_shared>>) offsets(%dma_start3A_274 : memref<128xi32, #tpu.memory_space<vmem>>) semaphore(%dma_start3A_279 : memref<!tpu.dma_semaphore, #tpu.memory_space<semaphore_mem>>) {add = true}
      %dma_wait3A_280 = arith.constant 0 : i32
      %dma_wait3A_281 = arith.constant 0 : i32
      %dma_wait3A_282 = arith.constant 0 : i32
      %dma_wait3A_283 = arith.constant 0 : i32
      %dma_wait3A_284 = tpu.memref_slice %arg9[%dma_wait3A_280, %dma_wait3A_282, %dma_wait3A_283] : memref<8x128x16xf32, #tpu.memory_space<vmem>> -> memref<1x128x16xf32, #tpu.memory_space<vmem>>
      %dma_wait3A_285 = tpu.memref_squeeze %dma_wait3A_284 : memref<1x128x16xf32, #tpu.memory_space<vmem>> -> memref<128x16xf32, #tpu.memory_space<vmem>>
      %dma_wait3A_286 = arith.constant 0 : i32
      %dma_wait3A_287 = arith.constant 0 : i32
      %dma_wait3A_288 = tpu.memref_slice %arg2[%dma_wait3A_286, %dma_wait3A_287] : memref<10112x16xf32, #tpu.memory_space<hbm>> -> memref<128x16xf32, #tpu.memory_space<hbm>>
      %dma_wait3A_289 = tpu.memref_slice %arg12[%dma_wait3A_281] : memref<8x!tpu.dma_semaphore, #tpu.memory_space<semaphore_mem>> -> memref<1x!tpu.dma_semaphore, #tpu.memory_space<semaphore_mem>>
      %dma_wait3A_290 = tpu.memref_squeeze %dma_wait3A_289 : memref<1x!tpu.dma_semaphore, #tpu.memory_space<semaphore_mem>> -> memref<!tpu.dma_semaphore, #tpu.memory_space<semaphore_mem>>
      %dma_wait3A_291 = arith.constant 0 : i32
      %dma_wait3A_292 = arith.constant 0 : i32
      %dma_wait3A_293 = tpu.memref_slice %arg9[%dma_wait3A_280, %dma_wait3A_291, %dma_wait3A_292] : memref<8x128x16xf32, #tpu.memory_space<vmem>> -> memref<1x128x16xf32, #tpu.memory_space<vmem>>
      %dma_wait3A_294 = tpu.memref_squeeze %dma_wait3A_293 : memref<1x128x16xf32, #tpu.memory_space<vmem>> -> memref<128x16xf32, #tpu.memory_space<vmem>>
      %dma_wait3A_295 = arith.constant 0 : i32
      %dma_wait3A_296 = arith.constant 0 : i32
      %dma_wait3A_297 = tpu.memref_slice %arg2[%dma_wait3A_295, %dma_wait3A_296] : memref<10112x16xf32, #tpu.memory_space<hbm>> -> memref<128x16xf32, #tpu.memory_space<hbm>>
      tpu.wait_dma2 semaphore(%dma_wait3A_290 : memref<!tpu.dma_semaphore, #tpu.memory_space<semaphore_mem>>) src(%dma_wait3A_297 : memref<128x16xf32, #tpu.memory_space<hbm>>) dst(%dma_wait3A_294 : memref<128x16xf32, #tpu.memory_space<vmem>>)
      %add3A_298 = arith.constant 0 : i32
      %add3A_299 = arith.addi %add3A_142, %add3A_298 : i32
      %lt3A = arith.constant 80 : i32
      %lt3A_300 = arith.cmpi slt, %add3A_299, %lt3A : i32
      %convert_element_type3A = arith.extui %lt3A_300 : i1 to i32
      %cond3A = arith.constant 0 : i32
      %cond3A_301 = arith.cmpi ne, %convert_element_type3A, %cond3A : i32
      scf.if %cond3A_301 {
        %add3A_613 = arith.constant 0 : i32
        %add3A_614 = arith.addi %add3A_142, %add3A_613 : i32
        %dma_start3A_615 = arith.constant 0 : i32
        %dma_start3A_616 = arith.constant 0 : i32
        %dma_start3A_617 = arith.constant 0 : i32
        %dma_start3A_618 = arith.constant 0 : i32
        %dma_start3A_619 = tpu.memref_slice %arg9[%dma_start3A_615, %dma_start3A_617, %dma_start3A_618] : memref<8x128x16xf32, #tpu.memory_space<vmem>> -> memref<1x128x16xf32, #tpu.memory_space<vmem>>
        %dma_start3A_620 = tpu.memref_squeeze %dma_start3A_619 : memref<1x128x16xf32, #tpu.memory_space<vmem>> -> memref<128x16xf32, #tpu.memory_space<vmem>>
        %dma_start3A_621 = arith.constant 0 : i32
        %dma_start3A_622 = tpu.memref_slice %arg7[%add3A_614, %dma_start3A_621] : memref<80x128xi32, #tpu.memory_space<vmem>> -> memref<1x128xi32, #tpu.memory_space<vmem>>
        %dma_start3A_623 = tpu.memref_squeeze %dma_start3A_622 : memref<1x128xi32, #tpu.memory_space<vmem>> -> memref<128xi32, #tpu.memory_space<vmem>>
        %dma_start3A_624 = arith.constant 0 : i32
        %dma_start3A_625 = arith.constant 0 : i32
        %dma_start3A_626 = tpu.memref_slice %arg2[%dma_start3A_624, %dma_start3A_625] : memref<10112x16xf32, #tpu.memory_space<hbm>> -> memref<10112x16xf32, #tpu.memory_space<hbm>>
        %dma_start3A_627 = tpu.memref_slice %arg11[%dma_start3A_616] : memref<8x!tpu.dma_semaphore, #tpu.memory_space<semaphore_mem>> -> memref<1x!tpu.dma_semaphore, #tpu.memory_space<semaphore_mem>>
        %dma_start3A_628 = tpu.memref_squeeze %dma_start3A_627 : memref<1x!tpu.dma_semaphore, #tpu.memory_space<semaphore_mem>> -> memref<!tpu.dma_semaphore, #tpu.memory_space<semaphore_mem>>
        tpu.enqueue_indirect_dma source(%dma_start3A_626 : memref<10112x16xf32, #tpu.memory_space<hbm>>) target(%dma_start3A_620 : memref<128x16xf32, #tpu.memory_space<vmem>>) offsets(%dma_start3A_623 : memref<128xi32, #tpu.memory_space<vmem>>) semaphore(%dma_start3A_628 : memref<!tpu.dma_semaphore, #tpu.memory_space<semaphore_mem>>)
      } else {
      }
      %dma_wait3A_302 = arith.constant 1 : i32
      %dma_wait3A_303 = arith.constant 1 : i32
      %dma_wait3A_304 = arith.constant 0 : i32
      %dma_wait3A_305 = arith.constant 0 : i32
      %dma_wait3A_306 = tpu.memref_slice %arg9[%dma_wait3A_302, %dma_wait3A_304, %dma_wait3A_305] : memref<8x128x16xf32, #tpu.memory_space<vmem>> -> memref<1x128x16xf32, #tpu.memory_space<vmem>>
      %dma_wait3A_307 = tpu.memref_squeeze %dma_wait3A_306 : memref<1x128x16xf32, #tpu.memory_space<vmem>> -> memref<128x16xf32, #tpu.memory_space<vmem>>
      %dma_wait3A_308 = arith.constant 0 : i32
      %dma_wait3A_309 = arith.constant 0 : i32
      %dma_wait3A_310 = tpu.memref_slice %arg2[%dma_wait3A_308, %dma_wait3A_309] : memref<10112x16xf32, #tpu.memory_space<hbm>> -> memref<128x16xf32, #tpu.memory_space<hbm>>
      %dma_wait3A_311 = tpu.memref_slice %arg12[%dma_wait3A_303] : memref<8x!tpu.dma_semaphore, #tpu.memory_space<semaphore_mem>> -> memref<1x!tpu.dma_semaphore, #tpu.memory_space<semaphore_mem>>
      %dma_wait3A_312 = tpu.memref_squeeze %dma_wait3A_311 : memref<1x!tpu.dma_semaphore, #tpu.memory_space<semaphore_mem>> -> memref<!tpu.dma_semaphore, #tpu.memory_space<semaphore_mem>>
      %dma_wait3A_313 = arith.constant 0 : i32
      %dma_wait3A_314 = arith.constant 0 : i32
      %dma_wait3A_315 = tpu.memref_slice %arg9[%dma_wait3A_302, %dma_wait3A_313, %dma_wait3A_314] : memref<8x128x16xf32, #tpu.memory_space<vmem>> -> memref<1x128x16xf32, #tpu.memory_space<vmem>>
      %dma_wait3A_316 = tpu.memref_squeeze %dma_wait3A_315 : memref<1x128x16xf32, #tpu.memory_space<vmem>> -> memref<128x16xf32, #tpu.memory_space<vmem>>
      %dma_wait3A_317 = arith.constant 0 : i32
      %dma_wait3A_318 = arith.constant 0 : i32
      %dma_wait3A_319 = tpu.memref_slice %arg2[%dma_wait3A_317, %dma_wait3A_318] : memref<10112x16xf32, #tpu.memory_space<hbm>> -> memref<128x16xf32, #tpu.memory_space<hbm>>
      tpu.wait_dma2 semaphore(%dma_wait3A_312 : memref<!tpu.dma_semaphore, #tpu.memory_space<semaphore_mem>>) src(%dma_wait3A_319 : memref<128x16xf32, #tpu.memory_space<hbm>>) dst(%dma_wait3A_316 : memref<128x16xf32, #tpu.memory_space<vmem>>)
      %add3A_320 = arith.constant 1 : i32
      %add3A_321 = arith.addi %add3A_142, %add3A_320 : i32
      %lt3A_322 = arith.constant 80 : i32
      %lt3A_323 = arith.cmpi slt, %add3A_321, %lt3A_322 : i32
      %convert_element_type3A_324 = arith.extui %lt3A_323 : i1 to i32
      %cond3A_325 = arith.constant 0 : i32
      %cond3A_326 = arith.cmpi ne, %convert_element_type3A_324, %cond3A_325 : i32
      scf.if %cond3A_326 {
        %add3A_613 = arith.constant 1 : i32
        %add3A_614 = arith.addi %add3A_142, %add3A_613 : i32
        %dma_start3A_615 = arith.constant 1 : i32
        %dma_start3A_616 = arith.constant 1 : i32
        %dma_start3A_617 = arith.constant 0 : i32
        %dma_start3A_618 = arith.constant 0 : i32
        %dma_start3A_619 = tpu.memref_slice %arg9[%dma_start3A_615, %dma_start3A_617, %dma_start3A_618] : memref<8x128x16xf32, #tpu.memory_space<vmem>> -> memref<1x128x16xf32, #tpu.memory_space<vmem>>
        %dma_start3A_620 = tpu.memref_squeeze %dma_start3A_619 : memref<1x128x16xf32, #tpu.memory_space<vmem>> -> memref<128x16xf32, #tpu.memory_space<vmem>>
        %dma_start3A_621 = arith.constant 0 : i32
        %dma_start3A_622 = tpu.memref_slice %arg7[%add3A_614, %dma_start3A_621] : memref<80x128xi32, #tpu.memory_space<vmem>> -> memref<1x128xi32, #tpu.memory_space<vmem>>
        %dma_start3A_623 = tpu.memref_squeeze %dma_start3A_622 : memref<1x128xi32, #tpu.memory_space<vmem>> -> memref<128xi32, #tpu.memory_space<vmem>>
        %dma_start3A_624 = arith.constant 0 : i32
        %dma_start3A_625 = arith.constant 0 : i32
        %dma_start3A_626 = tpu.memref_slice %arg2[%dma_start3A_624, %dma_start3A_625] : memref<10112x16xf32, #tpu.memory_space<hbm>> -> memref<10112x16xf32, #tpu.memory_space<hbm>>
        %dma_start3A_627 = tpu.memref_slice %arg11[%dma_start3A_616] : memref<8x!tpu.dma_semaphore, #tpu.memory_space<semaphore_mem>> -> memref<1x!tpu.dma_semaphore, #tpu.memory_space<semaphore_mem>>
        %dma_start3A_628 = tpu.memref_squeeze %dma_start3A_627 : memref<1x!tpu.dma_semaphore, #tpu.memory_space<semaphore_mem>> -> memref<!tpu.dma_semaphore, #tpu.memory_space<semaphore_mem>>
        tpu.enqueue_indirect_dma source(%dma_start3A_626 : memref<10112x16xf32, #tpu.memory_space<hbm>>) target(%dma_start3A_620 : memref<128x16xf32, #tpu.memory_space<vmem>>) offsets(%dma_start3A_623 : memref<128xi32, #tpu.memory_space<vmem>>) semaphore(%dma_start3A_628 : memref<!tpu.dma_semaphore, #tpu.memory_space<semaphore_mem>>)
      } else {
      }
      %dma_wait3A_327 = arith.constant 2 : i32
      %dma_wait3A_328 = arith.constant 2 : i32
      %dma_wait3A_329 = arith.constant 0 : i32
      %dma_wait3A_330 = arith.constant 0 : i32
      %dma_wait3A_331 = tpu.memref_slice %arg9[%dma_wait3A_327, %dma_wait3A_329, %dma_wait3A_330] : memref<8x128x16xf32, #tpu.memory_space<vmem>> -> memref<1x128x16xf32, #tpu.memory_space<vmem>>
      %dma_wait3A_332 = tpu.memref_squeeze %dma_wait3A_331 : memref<1x128x16xf32, #tpu.memory_space<vmem>> -> memref<128x16xf32, #tpu.memory_space<vmem>>
      %dma_wait3A_333 = arith.constant 0 : i32
      %dma_wait3A_334 = arith.constant 0 : i32
      %dma_wait3A_335 = tpu.memref_slice %arg2[%dma_wait3A_333, %dma_wait3A_334] : memref<10112x16xf32, #tpu.memory_space<hbm>> -> memref<128x16xf32, #tpu.memory_space<hbm>>
      %dma_wait3A_336 = tpu.memref_slice %arg12[%dma_wait3A_328] : memref<8x!tpu.dma_semaphore, #tpu.memory_space<semaphore_mem>> -> memref<1x!tpu.dma_semaphore, #tpu.memory_space<semaphore_mem>>
      %dma_wait3A_337 = tpu.memref_squeeze %dma_wait3A_336 : memref<1x!tpu.dma_semaphore, #tpu.memory_space<semaphore_mem>> -> memref<!tpu.dma_semaphore, #tpu.memory_space<semaphore_mem>>
      %dma_wait3A_338 = arith.constant 0 : i32
      %dma_wait3A_339 = arith.constant 0 : i32
      %dma_wait3A_340 = tpu.memref_slice %arg9[%dma_wait3A_327, %dma_wait3A_338, %dma_wait3A_339] : memref<8x128x16xf32, #tpu.memory_space<vmem>> -> memref<1x128x16xf32, #tpu.memory_space<vmem>>
      %dma_wait3A_341 = tpu.memref_squeeze %dma_wait3A_340 : memref<1x128x16xf32, #tpu.memory_space<vmem>> -> memref<128x16xf32, #tpu.memory_space<vmem>>
      %dma_wait3A_342 = arith.constant 0 : i32
      %dma_wait3A_343 = arith.constant 0 : i32
      %dma_wait3A_344 = tpu.memref_slice %arg2[%dma_wait3A_342, %dma_wait3A_343] : memref<10112x16xf32, #tpu.memory_space<hbm>> -> memref<128x16xf32, #tpu.memory_space<hbm>>
      tpu.wait_dma2 semaphore(%dma_wait3A_337 : memref<!tpu.dma_semaphore, #tpu.memory_space<semaphore_mem>>) src(%dma_wait3A_344 : memref<128x16xf32, #tpu.memory_space<hbm>>) dst(%dma_wait3A_341 : memref<128x16xf32, #tpu.memory_space<vmem>>)
      %add3A_345 = arith.constant 2 : i32
      %add3A_346 = arith.addi %add3A_142, %add3A_345 : i32
      %lt3A_347 = arith.constant 80 : i32
      %lt3A_348 = arith.cmpi slt, %add3A_346, %lt3A_347 : i32
      %convert_element_type3A_349 = arith.extui %lt3A_348 : i1 to i32
      %cond3A_350 = arith.constant 0 : i32
      %cond3A_351 = arith.cmpi ne, %convert_element_type3A_349, %cond3A_350 : i32
      scf.if %cond3A_351 {
        %add3A_613 = arith.constant 2 : i32
        %add3A_614 = arith.addi %add3A_142, %add3A_613 : i32
        %dma_start3A_615 = arith.constant 2 : i32
        %dma_start3A_616 = arith.constant 2 : i32
        %dma_start3A_617 = arith.constant 0 : i32
        %dma_start3A_618 = arith.constant 0 : i32
        %dma_start3A_619 = tpu.memref_slice %arg9[%dma_start3A_615, %dma_start3A_617, %dma_start3A_618] : memref<8x128x16xf32, #tpu.memory_space<vmem>> -> memref<1x128x16xf32, #tpu.memory_space<vmem>>
        %dma_start3A_620 = tpu.memref_squeeze %dma_start3A_619 : memref<1x128x16xf32, #tpu.memory_space<vmem>> -> memref<128x16xf32, #tpu.memory_space<vmem>>
        %dma_start3A_621 = arith.constant 0 : i32
        %dma_start3A_622 = tpu.memref_slice %arg7[%add3A_614, %dma_start3A_621] : memref<80x128xi32, #tpu.memory_space<vmem>> -> memref<1x128xi32, #tpu.memory_space<vmem>>
        %dma_start3A_623 = tpu.memref_squeeze %dma_start3A_622 : memref<1x128xi32, #tpu.memory_space<vmem>> -> memref<128xi32, #tpu.memory_space<vmem>>
        %dma_start3A_624 = arith.constant 0 : i32
        %dma_start3A_625 = arith.constant 0 : i32
        %dma_start3A_626 = tpu.memref_slice %arg2[%dma_start3A_624, %dma_start3A_625] : memref<10112x16xf32, #tpu.memory_space<hbm>> -> memref<10112x16xf32, #tpu.memory_space<hbm>>
        %dma_start3A_627 = tpu.memref_slice %arg11[%dma_start3A_616] : memref<8x!tpu.dma_semaphore, #tpu.memory_space<semaphore_mem>> -> memref<1x!tpu.dma_semaphore, #tpu.memory_space<semaphore_mem>>
        %dma_start3A_628 = tpu.memref_squeeze %dma_start3A_627 : memref<1x!tpu.dma_semaphore, #tpu.memory_space<semaphore_mem>> -> memref<!tpu.dma_semaphore, #tpu.memory_space<semaphore_mem>>
        tpu.enqueue_indirect_dma source(%dma_start3A_626 : memref<10112x16xf32, #tpu.memory_space<hbm>>) target(%dma_start3A_620 : memref<128x16xf32, #tpu.memory_space<vmem>>) offsets(%dma_start3A_623 : memref<128xi32, #tpu.memory_space<vmem>>) semaphore(%dma_start3A_628 : memref<!tpu.dma_semaphore, #tpu.memory_space<semaphore_mem>>)
      } else {
      }
      %dma_wait3A_352 = arith.constant 3 : i32
      %dma_wait3A_353 = arith.constant 3 : i32
      %dma_wait3A_354 = arith.constant 0 : i32
      %dma_wait3A_355 = arith.constant 0 : i32
      %dma_wait3A_356 = tpu.memref_slice %arg9[%dma_wait3A_352, %dma_wait3A_354, %dma_wait3A_355] : memref<8x128x16xf32, #tpu.memory_space<vmem>> -> memref<1x128x16xf32, #tpu.memory_space<vmem>>
      %dma_wait3A_357 = tpu.memref_squeeze %dma_wait3A_356 : memref<1x128x16xf32, #tpu.memory_space<vmem>> -> memref<128x16xf32, #tpu.memory_space<vmem>>
      %dma_wait3A_358 = arith.constant 0 : i32
      %dma_wait3A_359 = arith.constant 0 : i32
      %dma_wait3A_360 = tpu.memref_slice %arg2[%dma_wait3A_358, %dma_wait3A_359] : memref<10112x16xf32, #tpu.memory_space<hbm>> -> memref<128x16xf32, #tpu.memory_space<hbm>>
      %dma_wait3A_361 = tpu.memref_slice %arg12[%dma_wait3A_353] : memref<8x!tpu.dma_semaphore, #tpu.memory_space<semaphore_mem>> -> memref<1x!tpu.dma_semaphore, #tpu.memory_space<semaphore_mem>>
      %dma_wait3A_362 = tpu.memref_squeeze %dma_wait3A_361 : memref<1x!tpu.dma_semaphore, #tpu.memory_space<semaphore_mem>> -> memref<!tpu.dma_semaphore, #tpu.memory_space<semaphore_mem>>
      %dma_wait3A_363 = arith.constant 0 : i32
      %dma_wait3A_364 = arith.constant 0 : i32
      %dma_wait3A_365 = tpu.memref_slice %arg9[%dma_wait3A_352, %dma_wait3A_363, %dma_wait3A_364] : memref<8x128x16xf32, #tpu.memory_space<vmem>> -> memref<1x128x16xf32, #tpu.memory_space<vmem>>
      %dma_wait3A_366 = tpu.memref_squeeze %dma_wait3A_365 : memref<1x128x16xf32, #tpu.memory_space<vmem>> -> memref<128x16xf32, #tpu.memory_space<vmem>>
      %dma_wait3A_367 = arith.constant 0 : i32
      %dma_wait3A_368 = arith.constant 0 : i32
      %dma_wait3A_369 = tpu.memref_slice %arg2[%dma_wait3A_367, %dma_wait3A_368] : memref<10112x16xf32, #tpu.memory_space<hbm>> -> memref<128x16xf32, #tpu.memory_space<hbm>>
      tpu.wait_dma2 semaphore(%dma_wait3A_362 : memref<!tpu.dma_semaphore, #tpu.memory_space<semaphore_mem>>) src(%dma_wait3A_369 : memref<128x16xf32, #tpu.memory_space<hbm>>) dst(%dma_wait3A_366 : memref<128x16xf32, #tpu.memory_space<vmem>>)
      %add3A_370 = arith.constant 3 : i32
      %add3A_371 = arith.addi %add3A_142, %add3A_370 : i32
      %lt3A_372 = arith.constant 80 : i32
      %lt3A_373 = arith.cmpi slt, %add3A_371, %lt3A_372 : i32
      %convert_element_type3A_374 = arith.extui %lt3A_373 : i1 to i32
      %cond3A_375 = arith.constant 0 : i32
      %cond3A_376 = arith.cmpi ne, %convert_element_type3A_374, %cond3A_375 : i32
      scf.if %cond3A_376 {
        %add3A_613 = arith.constant 3 : i32
        %add3A_614 = arith.addi %add3A_142, %add3A_613 : i32
        %dma_start3A_615 = arith.constant 3 : i32
        %dma_start3A_616 = arith.constant 3 : i32
        %dma_start3A_617 = arith.constant 0 : i32
        %dma_start3A_618 = arith.constant 0 : i32
        %dma_start3A_619 = tpu.memref_slice %arg9[%dma_start3A_615, %dma_start3A_617, %dma_start3A_618] : memref<8x128x16xf32, #tpu.memory_space<vmem>> -> memref<1x128x16xf32, #tpu.memory_space<vmem>>
        %dma_start3A_620 = tpu.memref_squeeze %dma_start3A_619 : memref<1x128x16xf32, #tpu.memory_space<vmem>> -> memref<128x16xf32, #tpu.memory_space<vmem>>
        %dma_start3A_621 = arith.constant 0 : i32
        %dma_start3A_622 = tpu.memref_slice %arg7[%add3A_614, %dma_start3A_621] : memref<80x128xi32, #tpu.memory_space<vmem>> -> memref<1x128xi32, #tpu.memory_space<vmem>>
        %dma_start3A_623 = tpu.memref_squeeze %dma_start3A_622 : memref<1x128xi32, #tpu.memory_space<vmem>> -> memref<128xi32, #tpu.memory_space<vmem>>
        %dma_start3A_624 = arith.constant 0 : i32
        %dma_start3A_625 = arith.constant 0 : i32
        %dma_start3A_626 = tpu.memref_slice %arg2[%dma_start3A_624, %dma_start3A_625] : memref<10112x16xf32, #tpu.memory_space<hbm>> -> memref<10112x16xf32, #tpu.memory_space<hbm>>
        %dma_start3A_627 = tpu.memref_slice %arg11[%dma_start3A_616] : memref<8x!tpu.dma_semaphore, #tpu.memory_space<semaphore_mem>> -> memref<1x!tpu.dma_semaphore, #tpu.memory_space<semaphore_mem>>
        %dma_start3A_628 = tpu.memref_squeeze %dma_start3A_627 : memref<1x!tpu.dma_semaphore, #tpu.memory_space<semaphore_mem>> -> memref<!tpu.dma_semaphore, #tpu.memory_space<semaphore_mem>>
        tpu.enqueue_indirect_dma source(%dma_start3A_626 : memref<10112x16xf32, #tpu.memory_space<hbm>>) target(%dma_start3A_620 : memref<128x16xf32, #tpu.memory_space<vmem>>) offsets(%dma_start3A_623 : memref<128xi32, #tpu.memory_space<vmem>>) semaphore(%dma_start3A_628 : memref<!tpu.dma_semaphore, #tpu.memory_space<semaphore_mem>>)
      } else {
      }
      %dma_wait3A_377 = arith.constant 4 : i32
      %dma_wait3A_378 = arith.constant 4 : i32
      %dma_wait3A_379 = arith.constant 0 : i32
      %dma_wait3A_380 = arith.constant 0 : i32
      %dma_wait3A_381 = tpu.memref_slice %arg9[%dma_wait3A_377, %dma_wait3A_379, %dma_wait3A_380] : memref<8x128x16xf32, #tpu.memory_space<vmem>> -> memref<1x128x16xf32, #tpu.memory_space<vmem>>
      %dma_wait3A_382 = tpu.memref_squeeze %dma_wait3A_381 : memref<1x128x16xf32, #tpu.memory_space<vmem>> -> memref<128x16xf32, #tpu.memory_space<vmem>>
      %dma_wait3A_383 = arith.constant 0 : i32
      %dma_wait3A_384 = arith.constant 0 : i32
      %dma_wait3A_385 = tpu.memref_slice %arg2[%dma_wait3A_383, %dma_wait3A_384] : memref<10112x16xf32, #tpu.memory_space<hbm>> -> memref<128x16xf32, #tpu.memory_space<hbm>>
      %dma_wait3A_386 = tpu.memref_slice %arg11[%dma_wait3A_378] : memref<8x!tpu.dma_semaphore, #tpu.memory_space<semaphore_mem>> -> memref<1x!tpu.dma_semaphore, #tpu.memory_space<semaphore_mem>>
      %dma_wait3A_387 = tpu.memref_squeeze %dma_wait3A_386 : memref<1x!tpu.dma_semaphore, #tpu.memory_space<semaphore_mem>> -> memref<!tpu.dma_semaphore, #tpu.memory_space<semaphore_mem>>
      %dma_wait3A_388 = arith.constant 0 : i32
      %dma_wait3A_389 = arith.constant 0 : i32
      %dma_wait3A_390 = tpu.memref_slice %arg9[%dma_wait3A_377, %dma_wait3A_388, %dma_wait3A_389] : memref<8x128x16xf32, #tpu.memory_space<vmem>> -> memref<1x128x16xf32, #tpu.memory_space<vmem>>
      %dma_wait3A_391 = tpu.memref_squeeze %dma_wait3A_390 : memref<1x128x16xf32, #tpu.memory_space<vmem>> -> memref<128x16xf32, #tpu.memory_space<vmem>>
      %dma_wait3A_392 = arith.constant 0 : i32
      %dma_wait3A_393 = arith.constant 0 : i32
      %dma_wait3A_394 = tpu.memref_slice %arg2[%dma_wait3A_392, %dma_wait3A_393] : memref<10112x16xf32, #tpu.memory_space<hbm>> -> memref<128x16xf32, #tpu.memory_space<hbm>>
      tpu.wait_dma2 semaphore(%dma_wait3A_387 : memref<!tpu.dma_semaphore, #tpu.memory_space<semaphore_mem>>) src(%dma_wait3A_394 : memref<128x16xf32, #tpu.memory_space<hbm>>) dst(%dma_wait3A_391 : memref<128x16xf32, #tpu.memory_space<vmem>>)
      %add3A_395 = arith.constant 0 : i32
      %add3A_396 = arith.addi %add3A_140, %add3A_395 : i32
      %dma_start3A_397 = arith.constant 4 : i32
      %dma_start3A_398 = arith.constant 4 : i32
      %dma_start3A_399 = arith.constant 0 : i32
      %dma_start3A_400 = arith.constant 0 : i32
      %dma_start3A_401 = tpu.memref_slice %arg9[%dma_start3A_397, %dma_start3A_399, %dma_start3A_400] : memref<8x128x16xf32, #tpu.memory_space<vmem>> -> memref<1x128x16xf32, #tpu.memory_space<vmem>>
      %dma_start3A_402 = tpu.memref_squeeze %dma_start3A_401 : memref<1x128x16xf32, #tpu.memory_space<vmem>> -> memref<128x16xf32, #tpu.memory_space<vmem>>
      %dma_start3A_403 = arith.constant 0 : i32
      %dma_start3A_404 = tpu.memref_slice %arg8[%add3A_396, %dma_start3A_403] : memref<80x128xi32, #tpu.memory_space<vmem>> -> memref<1x128xi32, #tpu.memory_space<vmem>>
      %dma_start3A_405 = tpu.memref_squeeze %dma_start3A_404 : memref<1x128xi32, #tpu.memory_space<vmem>> -> memref<128xi32, #tpu.memory_space<vmem>>
      %dma_start3A_406 = arith.constant 0 : i32
      %dma_start3A_407 = arith.constant 0 : i32
      %dma_start3A_408 = tpu.memref_slice %arg10[%dma_start3A_406, %dma_start3A_407] : memref<10112x16xf32, #tpu.memory_space<vmem_shared>> -> memref<10112x16xf32, #tpu.memory_space<vmem_shared>>
      %dma_start3A_409 = tpu.memref_slice %arg12[%dma_start3A_398] : memref<8x!tpu.dma_semaphore, #tpu.memory_space<semaphore_mem>> -> memref<1x!tpu.dma_semaphore, #tpu.memory_space<semaphore_mem>>
      %dma_start3A_410 = tpu.memref_squeeze %dma_start3A_409 : memref<1x!tpu.dma_semaphore, #tpu.memory_space<semaphore_mem>> -> memref<!tpu.dma_semaphore, #tpu.memory_space<semaphore_mem>>
      tpu.enqueue_indirect_dma source(%dma_start3A_402 : memref<128x16xf32, #tpu.memory_space<vmem>>) target(%dma_start3A_408 : memref<10112x16xf32, #tpu.memory_space<vmem_shared>>) offsets(%dma_start3A_405 : memref<128xi32, #tpu.memory_space<vmem>>) semaphore(%dma_start3A_410 : memref<!tpu.dma_semaphore, #tpu.memory_space<semaphore_mem>>) {add = true}
      %dma_wait3A_411 = arith.constant 5 : i32
      %dma_wait3A_412 = arith.constant 5 : i32
      %dma_wait3A_413 = arith.constant 0 : i32
      %dma_wait3A_414 = arith.constant 0 : i32
      %dma_wait3A_415 = tpu.memref_slice %arg9[%dma_wait3A_411, %dma_wait3A_413, %dma_wait3A_414] : memref<8x128x16xf32, #tpu.memory_space<vmem>> -> memref<1x128x16xf32, #tpu.memory_space<vmem>>
      %dma_wait3A_416 = tpu.memref_squeeze %dma_wait3A_415 : memref<1x128x16xf32, #tpu.memory_space<vmem>> -> memref<128x16xf32, #tpu.memory_space<vmem>>
      %dma_wait3A_417 = arith.constant 0 : i32
      %dma_wait3A_418 = arith.constant 0 : i32
      %dma_wait3A_419 = tpu.memref_slice %arg2[%dma_wait3A_417, %dma_wait3A_418] : memref<10112x16xf32, #tpu.memory_space<hbm>> -> memref<128x16xf32, #tpu.memory_space<hbm>>
      %dma_wait3A_420 = tpu.memref_slice %arg11[%dma_wait3A_412] : memref<8x!tpu.dma_semaphore, #tpu.memory_space<semaphore_mem>> -> memref<1x!tpu.dma_semaphore, #tpu.memory_space<semaphore_mem>>
      %dma_wait3A_421 = tpu.memref_squeeze %dma_wait3A_420 : memref<1x!tpu.dma_semaphore, #tpu.memory_space<semaphore_mem>> -> memref<!tpu.dma_semaphore, #tpu.memory_space<semaphore_mem>>
      %dma_wait3A_422 = arith.constant 0 : i32
      %dma_wait3A_423 = arith.constant 0 : i32
      %dma_wait3A_424 = tpu.memref_slice %arg9[%dma_wait3A_411, %dma_wait3A_422, %dma_wait3A_423] : memref<8x128x16xf32, #tpu.memory_space<vmem>> -> memref<1x128x16xf32, #tpu.memory_space<vmem>>
      %dma_wait3A_425 = tpu.memref_squeeze %dma_wait3A_424 : memref<1x128x16xf32, #tpu.memory_space<vmem>> -> memref<128x16xf32, #tpu.memory_space<vmem>>
      %dma_wait3A_426 = arith.constant 0 : i32
      %dma_wait3A_427 = arith.constant 0 : i32
      %dma_wait3A_428 = tpu.memref_slice %arg2[%dma_wait3A_426, %dma_wait3A_427] : memref<10112x16xf32, #tpu.memory_space<hbm>> -> memref<128x16xf32, #tpu.memory_space<hbm>>
      tpu.wait_dma2 semaphore(%dma_wait3A_421 : memref<!tpu.dma_semaphore, #tpu.memory_space<semaphore_mem>>) src(%dma_wait3A_428 : memref<128x16xf32, #tpu.memory_space<hbm>>) dst(%dma_wait3A_425 : memref<128x16xf32, #tpu.memory_space<vmem>>)
      %add3A_429 = arith.constant 1 : i32
      %add3A_430 = arith.addi %add3A_140, %add3A_429 : i32
      %dma_start3A_431 = arith.constant 5 : i32
      %dma_start3A_432 = arith.constant 5 : i32
      %dma_start3A_433 = arith.constant 0 : i32
      %dma_start3A_434 = arith.constant 0 : i32
      %dma_start3A_435 = tpu.memref_slice %arg9[%dma_start3A_431, %dma_start3A_433, %dma_start3A_434] : memref<8x128x16xf32, #tpu.memory_space<vmem>> -> memref<1x128x16xf32, #tpu.memory_space<vmem>>
      %dma_start3A_436 = tpu.memref_squeeze %dma_start3A_435 : memref<1x128x16xf32, #tpu.memory_space<vmem>> -> memref<128x16xf32, #tpu.memory_space<vmem>>
      %dma_start3A_437 = arith.constant 0 : i32
      %dma_start3A_438 = tpu.memref_slice %arg8[%add3A_430, %dma_start3A_437] : memref<80x128xi32, #tpu.memory_space<vmem>> -> memref<1x128xi32, #tpu.memory_space<vmem>>
      %dma_start3A_439 = tpu.memref_squeeze %dma_start3A_438 : memref<1x128xi32, #tpu.memory_space<vmem>> -> memref<128xi32, #tpu.memory_space<vmem>>
      %dma_start3A_440 = arith.constant 0 : i32
      %dma_start3A_441 = arith.constant 0 : i32
      %dma_start3A_442 = tpu.memref_slice %arg10[%dma_start3A_440, %dma_start3A_441] : memref<10112x16xf32, #tpu.memory_space<vmem_shared>> -> memref<10112x16xf32, #tpu.memory_space<vmem_shared>>
      %dma_start3A_443 = tpu.memref_slice %arg12[%dma_start3A_432] : memref<8x!tpu.dma_semaphore, #tpu.memory_space<semaphore_mem>> -> memref<1x!tpu.dma_semaphore, #tpu.memory_space<semaphore_mem>>
      %dma_start3A_444 = tpu.memref_squeeze %dma_start3A_443 : memref<1x!tpu.dma_semaphore, #tpu.memory_space<semaphore_mem>> -> memref<!tpu.dma_semaphore, #tpu.memory_space<semaphore_mem>>
      tpu.enqueue_indirect_dma source(%dma_start3A_436 : memref<128x16xf32, #tpu.memory_space<vmem>>) target(%dma_start3A_442 : memref<10112x16xf32, #tpu.memory_space<vmem_shared>>) offsets(%dma_start3A_439 : memref<128xi32, #tpu.memory_space<vmem>>) semaphore(%dma_start3A_444 : memref<!tpu.dma_semaphore, #tpu.memory_space<semaphore_mem>>) {add = true}
      %dma_wait3A_445 = arith.constant 6 : i32
      %dma_wait3A_446 = arith.constant 6 : i32
      %dma_wait3A_447 = arith.constant 0 : i32
      %dma_wait3A_448 = arith.constant 0 : i32
      %dma_wait3A_449 = tpu.memref_slice %arg9[%dma_wait3A_445, %dma_wait3A_447, %dma_wait3A_448] : memref<8x128x16xf32, #tpu.memory_space<vmem>> -> memref<1x128x16xf32, #tpu.memory_space<vmem>>
      %dma_wait3A_450 = tpu.memref_squeeze %dma_wait3A_449 : memref<1x128x16xf32, #tpu.memory_space<vmem>> -> memref<128x16xf32, #tpu.memory_space<vmem>>
      %dma_wait3A_451 = arith.constant 0 : i32
      %dma_wait3A_452 = arith.constant 0 : i32
      %dma_wait3A_453 = tpu.memref_slice %arg2[%dma_wait3A_451, %dma_wait3A_452] : memref<10112x16xf32, #tpu.memory_space<hbm>> -> memref<128x16xf32, #tpu.memory_space<hbm>>
      %dma_wait3A_454 = tpu.memref_slice %arg11[%dma_wait3A_446] : memref<8x!tpu.dma_semaphore, #tpu.memory_space<semaphore_mem>> -> memref<1x!tpu.dma_semaphore, #tpu.memory_space<semaphore_mem>>
      %dma_wait3A_455 = tpu.memref_squeeze %dma_wait3A_454 : memref<1x!tpu.dma_semaphore, #tpu.memory_space<semaphore_mem>> -> memref<!tpu.dma_semaphore, #tpu.memory_space<semaphore_mem>>
      %dma_wait3A_456 = arith.constant 0 : i32
      %dma_wait3A_457 = arith.constant 0 : i32
      %dma_wait3A_458 = tpu.memref_slice %arg9[%dma_wait3A_445, %dma_wait3A_456, %dma_wait3A_457] : memref<8x128x16xf32, #tpu.memory_space<vmem>> -> memref<1x128x16xf32, #tpu.memory_space<vmem>>
      %dma_wait3A_459 = tpu.memref_squeeze %dma_wait3A_458 : memref<1x128x16xf32, #tpu.memory_space<vmem>> -> memref<128x16xf32, #tpu.memory_space<vmem>>
      %dma_wait3A_460 = arith.constant 0 : i32
      %dma_wait3A_461 = arith.constant 0 : i32
      %dma_wait3A_462 = tpu.memref_slice %arg2[%dma_wait3A_460, %dma_wait3A_461] : memref<10112x16xf32, #tpu.memory_space<hbm>> -> memref<128x16xf32, #tpu.memory_space<hbm>>
      tpu.wait_dma2 semaphore(%dma_wait3A_455 : memref<!tpu.dma_semaphore, #tpu.memory_space<semaphore_mem>>) src(%dma_wait3A_462 : memref<128x16xf32, #tpu.memory_space<hbm>>) dst(%dma_wait3A_459 : memref<128x16xf32, #tpu.memory_space<vmem>>)
      %add3A_463 = arith.constant 2 : i32
      %add3A_464 = arith.addi %add3A_140, %add3A_463 : i32
      %dma_start3A_465 = arith.constant 6 : i32
      %dma_start3A_466 = arith.constant 6 : i32
      %dma_start3A_467 = arith.constant 0 : i32
      %dma_start3A_468 = arith.constant 0 : i32
      %dma_start3A_469 = tpu.memref_slice %arg9[%dma_start3A_465, %dma_start3A_467, %dma_start3A_468] : memref<8x128x16xf32, #tpu.memory_space<vmem>> -> memref<1x128x16xf32, #tpu.memory_space<vmem>>
      %dma_start3A_470 = tpu.memref_squeeze %dma_start3A_469 : memref<1x128x16xf32, #tpu.memory_space<vmem>> -> memref<128x16xf32, #tpu.memory_space<vmem>>
      %dma_start3A_471 = arith.constant 0 : i32
      %dma_start3A_472 = tpu.memref_slice %arg8[%add3A_464, %dma_start3A_471] : memref<80x128xi32, #tpu.memory_space<vmem>> -> memref<1x128xi32, #tpu.memory_space<vmem>>
      %dma_start3A_473 = tpu.memref_squeeze %dma_start3A_472 : memref<1x128xi32, #tpu.memory_space<vmem>> -> memref<128xi32, #tpu.memory_space<vmem>>
      %dma_start3A_474 = arith.constant 0 : i32
      %dma_start3A_475 = arith.constant 0 : i32
      %dma_start3A_476 = tpu.memref_slice %arg10[%dma_start3A_474, %dma_start3A_475] : memref<10112x16xf32, #tpu.memory_space<vmem_shared>> -> memref<10112x16xf32, #tpu.memory_space<vmem_shared>>
      %dma_start3A_477 = tpu.memref_slice %arg12[%dma_start3A_466] : memref<8x!tpu.dma_semaphore, #tpu.memory_space<semaphore_mem>> -> memref<1x!tpu.dma_semaphore, #tpu.memory_space<semaphore_mem>>
      %dma_start3A_478 = tpu.memref_squeeze %dma_start3A_477 : memref<1x!tpu.dma_semaphore, #tpu.memory_space<semaphore_mem>> -> memref<!tpu.dma_semaphore, #tpu.memory_space<semaphore_mem>>
      tpu.enqueue_indirect_dma source(%dma_start3A_470 : memref<128x16xf32, #tpu.memory_space<vmem>>) target(%dma_start3A_476 : memref<10112x16xf32, #tpu.memory_space<vmem_shared>>) offsets(%dma_start3A_473 : memref<128xi32, #tpu.memory_space<vmem>>) semaphore(%dma_start3A_478 : memref<!tpu.dma_semaphore, #tpu.memory_space<semaphore_mem>>) {add = true}
      %dma_wait3A_479 = arith.constant 7 : i32
      %dma_wait3A_480 = arith.constant 7 : i32
      %dma_wait3A_481 = arith.constant 0 : i32
      %dma_wait3A_482 = arith.constant 0 : i32
      %dma_wait3A_483 = tpu.memref_slice %arg9[%dma_wait3A_479, %dma_wait3A_481, %dma_wait3A_482] : memref<8x128x16xf32, #tpu.memory_space<vmem>> -> memref<1x128x16xf32, #tpu.memory_space<vmem>>
      %dma_wait3A_484 = tpu.memref_squeeze %dma_wait3A_483 : memref<1x128x16xf32, #tpu.memory_space<vmem>> -> memref<128x16xf32, #tpu.memory_space<vmem>>
      %dma_wait3A_485 = arith.constant 0 : i32
      %dma_wait3A_486 = arith.constant 0 : i32
      %dma_wait3A_487 = tpu.memref_slice %arg2[%dma_wait3A_485, %dma_wait3A_486] : memref<10112x16xf32, #tpu.memory_space<hbm>> -> memref<128x16xf32, #tpu.memory_space<hbm>>
      %dma_wait3A_488 = tpu.memref_slice %arg11[%dma_wait3A_480] : memref<8x!tpu.dma_semaphore, #tpu.memory_space<semaphore_mem>> -> memref<1x!tpu.dma_semaphore, #tpu.memory_space<semaphore_mem>>
      %dma_wait3A_489 = tpu.memref_squeeze %dma_wait3A_488 : memref<1x!tpu.dma_semaphore, #tpu.memory_space<semaphore_mem>> -> memref<!tpu.dma_semaphore, #tpu.memory_space<semaphore_mem>>
      %dma_wait3A_490 = arith.constant 0 : i32
      %dma_wait3A_491 = arith.constant 0 : i32
      %dma_wait3A_492 = tpu.memref_slice %arg9[%dma_wait3A_479, %dma_wait3A_490, %dma_wait3A_491] : memref<8x128x16xf32, #tpu.memory_space<vmem>> -> memref<1x128x16xf32, #tpu.memory_space<vmem>>
      %dma_wait3A_493 = tpu.memref_squeeze %dma_wait3A_492 : memref<1x128x16xf32, #tpu.memory_space<vmem>> -> memref<128x16xf32, #tpu.memory_space<vmem>>
      %dma_wait3A_494 = arith.constant 0 : i32
      %dma_wait3A_495 = arith.constant 0 : i32
      %dma_wait3A_496 = tpu.memref_slice %arg2[%dma_wait3A_494, %dma_wait3A_495] : memref<10112x16xf32, #tpu.memory_space<hbm>> -> memref<128x16xf32, #tpu.memory_space<hbm>>
      tpu.wait_dma2 semaphore(%dma_wait3A_489 : memref<!tpu.dma_semaphore, #tpu.memory_space<semaphore_mem>>) src(%dma_wait3A_496 : memref<128x16xf32, #tpu.memory_space<hbm>>) dst(%dma_wait3A_493 : memref<128x16xf32, #tpu.memory_space<vmem>>)
      %add3A_497 = arith.constant 3 : i32
      %add3A_498 = arith.addi %add3A_140, %add3A_497 : i32
      %dma_start3A_499 = arith.constant 7 : i32
      %dma_start3A_500 = arith.constant 7 : i32
      %dma_start3A_501 = arith.constant 0 : i32
      %dma_start3A_502 = arith.constant 0 : i32
      %dma_start3A_503 = tpu.memref_slice %arg9[%dma_start3A_499, %dma_start3A_501, %dma_start3A_502] : memref<8x128x16xf32, #tpu.memory_space<vmem>> -> memref<1x128x16xf32, #tpu.memory_space<vmem>>
      %dma_start3A_504 = tpu.memref_squeeze %dma_start3A_503 : memref<1x128x16xf32, #tpu.memory_space<vmem>> -> memref<128x16xf32, #tpu.memory_space<vmem>>
      %dma_start3A_505 = arith.constant 0 : i32
      %dma_start3A_506 = tpu.memref_slice %arg8[%add3A_498, %dma_start3A_505] : memref<80x128xi32, #tpu.memory_space<vmem>> -> memref<1x128xi32, #tpu.memory_space<vmem>>
      %dma_start3A_507 = tpu.memref_squeeze %dma_start3A_506 : memref<1x128xi32, #tpu.memory_space<vmem>> -> memref<128xi32, #tpu.memory_space<vmem>>
      %dma_start3A_508 = arith.constant 0 : i32
      %dma_start3A_509 = arith.constant 0 : i32
      %dma_start3A_510 = tpu.memref_slice %arg10[%dma_start3A_508, %dma_start3A_509] : memref<10112x16xf32, #tpu.memory_space<vmem_shared>> -> memref<10112x16xf32, #tpu.memory_space<vmem_shared>>
      %dma_start3A_511 = tpu.memref_slice %arg12[%dma_start3A_500] : memref<8x!tpu.dma_semaphore, #tpu.memory_space<semaphore_mem>> -> memref<1x!tpu.dma_semaphore, #tpu.memory_space<semaphore_mem>>
      %dma_start3A_512 = tpu.memref_squeeze %dma_start3A_511 : memref<1x!tpu.dma_semaphore, #tpu.memory_space<semaphore_mem>> -> memref<!tpu.dma_semaphore, #tpu.memory_space<semaphore_mem>>
      tpu.enqueue_indirect_dma source(%dma_start3A_504 : memref<128x16xf32, #tpu.memory_space<vmem>>) target(%dma_start3A_510 : memref<10112x16xf32, #tpu.memory_space<vmem_shared>>) offsets(%dma_start3A_507 : memref<128xi32, #tpu.memory_space<vmem>>) semaphore(%dma_start3A_512 : memref<!tpu.dma_semaphore, #tpu.memory_space<semaphore_mem>>) {add = true}
      %dma_wait3A_513 = arith.constant 4 : i32
      %dma_wait3A_514 = arith.constant 4 : i32
      %dma_wait3A_515 = arith.constant 0 : i32
      %dma_wait3A_516 = arith.constant 0 : i32
      %dma_wait3A_517 = tpu.memref_slice %arg9[%dma_wait3A_513, %dma_wait3A_515, %dma_wait3A_516] : memref<8x128x16xf32, #tpu.memory_space<vmem>> -> memref<1x128x16xf32, #tpu.memory_space<vmem>>
      %dma_wait3A_518 = tpu.memref_squeeze %dma_wait3A_517 : memref<1x128x16xf32, #tpu.memory_space<vmem>> -> memref<128x16xf32, #tpu.memory_space<vmem>>
      %dma_wait3A_519 = arith.constant 0 : i32
      %dma_wait3A_520 = arith.constant 0 : i32
      %dma_wait3A_521 = tpu.memref_slice %arg2[%dma_wait3A_519, %dma_wait3A_520] : memref<10112x16xf32, #tpu.memory_space<hbm>> -> memref<128x16xf32, #tpu.memory_space<hbm>>
      %dma_wait3A_522 = tpu.memref_slice %arg12[%dma_wait3A_514] : memref<8x!tpu.dma_semaphore, #tpu.memory_space<semaphore_mem>> -> memref<1x!tpu.dma_semaphore, #tpu.memory_space<semaphore_mem>>
      %dma_wait3A_523 = tpu.memref_squeeze %dma_wait3A_522 : memref<1x!tpu.dma_semaphore, #tpu.memory_space<semaphore_mem>> -> memref<!tpu.dma_semaphore, #tpu.memory_space<semaphore_mem>>
      %dma_wait3A_524 = arith.constant 0 : i32
      %dma_wait3A_525 = arith.constant 0 : i32
      %dma_wait3A_526 = tpu.memref_slice %arg9[%dma_wait3A_513, %dma_wait3A_524, %dma_wait3A_525] : memref<8x128x16xf32, #tpu.memory_space<vmem>> -> memref<1x128x16xf32, #tpu.memory_space<vmem>>
      %dma_wait3A_527 = tpu.memref_squeeze %dma_wait3A_526 : memref<1x128x16xf32, #tpu.memory_space<vmem>> -> memref<128x16xf32, #tpu.memory_space<vmem>>
      %dma_wait3A_528 = arith.constant 0 : i32
      %dma_wait3A_529 = arith.constant 0 : i32
      %dma_wait3A_530 = tpu.memref_slice %arg2[%dma_wait3A_528, %dma_wait3A_529] : memref<10112x16xf32, #tpu.memory_space<hbm>> -> memref<128x16xf32, #tpu.memory_space<hbm>>
      tpu.wait_dma2 semaphore(%dma_wait3A_523 : memref<!tpu.dma_semaphore, #tpu.memory_space<semaphore_mem>>) src(%dma_wait3A_530 : memref<128x16xf32, #tpu.memory_space<hbm>>) dst(%dma_wait3A_527 : memref<128x16xf32, #tpu.memory_space<vmem>>)
      %add3A_531 = arith.constant 0 : i32
      %add3A_532 = arith.addi %add3A_144, %add3A_531 : i32
      %lt3A_533 = arith.constant 80 : i32
      %lt3A_534 = arith.cmpi slt, %add3A_532, %lt3A_533 : i32
      %convert_element_type3A_535 = arith.extui %lt3A_534 : i1 to i32
      %cond3A_536 = arith.constant 0 : i32
      %cond3A_537 = arith.cmpi ne, %convert_element_type3A_535, %cond3A_536 : i32
      scf.if %cond3A_537 {
        %add3A_613 = arith.constant 0 : i32
        %add3A_614 = arith.addi %add3A_144, %add3A_613 : i32
        %dma_start3A_615 = arith.constant 4 : i32
        %dma_start3A_616 = arith.constant 4 : i32
        %dma_start3A_617 = arith.constant 0 : i32
        %dma_start3A_618 = arith.constant 0 : i32
        %dma_start3A_619 = tpu.memref_slice %arg9[%dma_start3A_615, %dma_start3A_617, %dma_start3A_618] : memref<8x128x16xf32, #tpu.memory_space<vmem>> -> memref<1x128x16xf32, #tpu.memory_space<vmem>>
        %dma_start3A_620 = tpu.memref_squeeze %dma_start3A_619 : memref<1x128x16xf32, #tpu.memory_space<vmem>> -> memref<128x16xf32, #tpu.memory_space<vmem>>
        %dma_start3A_621 = arith.constant 0 : i32
        %dma_start3A_622 = tpu.memref_slice %arg7[%add3A_614, %dma_start3A_621] : memref<80x128xi32, #tpu.memory_space<vmem>> -> memref<1x128xi32, #tpu.memory_space<vmem>>
        %dma_start3A_623 = tpu.memref_squeeze %dma_start3A_622 : memref<1x128xi32, #tpu.memory_space<vmem>> -> memref<128xi32, #tpu.memory_space<vmem>>
        %dma_start3A_624 = arith.constant 0 : i32
        %dma_start3A_625 = arith.constant 0 : i32
        %dma_start3A_626 = tpu.memref_slice %arg2[%dma_start3A_624, %dma_start3A_625] : memref<10112x16xf32, #tpu.memory_space<hbm>> -> memref<10112x16xf32, #tpu.memory_space<hbm>>
        %dma_start3A_627 = tpu.memref_slice %arg11[%dma_start3A_616] : memref<8x!tpu.dma_semaphore, #tpu.memory_space<semaphore_mem>> -> memref<1x!tpu.dma_semaphore, #tpu.memory_space<semaphore_mem>>
        %dma_start3A_628 = tpu.memref_squeeze %dma_start3A_627 : memref<1x!tpu.dma_semaphore, #tpu.memory_space<semaphore_mem>> -> memref<!tpu.dma_semaphore, #tpu.memory_space<semaphore_mem>>
        tpu.enqueue_indirect_dma source(%dma_start3A_626 : memref<10112x16xf32, #tpu.memory_space<hbm>>) target(%dma_start3A_620 : memref<128x16xf32, #tpu.memory_space<vmem>>) offsets(%dma_start3A_623 : memref<128xi32, #tpu.memory_space<vmem>>) semaphore(%dma_start3A_628 : memref<!tpu.dma_semaphore, #tpu.memory_space<semaphore_mem>>)
      } else {
      }
      %dma_wait3A_538 = arith.constant 5 : i32
      %dma_wait3A_539 = arith.constant 5 : i32
      %dma_wait3A_540 = arith.constant 0 : i32
      %dma_wait3A_541 = arith.constant 0 : i32
      %dma_wait3A_542 = tpu.memref_slice %arg9[%dma_wait3A_538, %dma_wait3A_540, %dma_wait3A_541] : memref<8x128x16xf32, #tpu.memory_space<vmem>> -> memref<1x128x16xf32, #tpu.memory_space<vmem>>
      %dma_wait3A_543 = tpu.memref_squeeze %dma_wait3A_542 : memref<1x128x16xf32, #tpu.memory_space<vmem>> -> memref<128x16xf32, #tpu.memory_space<vmem>>
      %dma_wait3A_544 = arith.constant 0 : i32
      %dma_wait3A_545 = arith.constant 0 : i32
      %dma_wait3A_546 = tpu.memref_slice %arg2[%dma_wait3A_544, %dma_wait3A_545] : memref<10112x16xf32, #tpu.memory_space<hbm>> -> memref<128x16xf32, #tpu.memory_space<hbm>>
      %dma_wait3A_547 = tpu.memref_slice %arg12[%dma_wait3A_539] : memref<8x!tpu.dma_semaphore, #tpu.memory_space<semaphore_mem>> -> memref<1x!tpu.dma_semaphore, #tpu.memory_space<semaphore_mem>>
      %dma_wait3A_548 = tpu.memref_squeeze %dma_wait3A_547 : memref<1x!tpu.dma_semaphore, #tpu.memory_space<semaphore_mem>> -> memref<!tpu.dma_semaphore, #tpu.memory_space<semaphore_mem>>
      %dma_wait3A_549 = arith.constant 0 : i32
      %dma_wait3A_550 = arith.constant 0 : i32
      %dma_wait3A_551 = tpu.memref_slice %arg9[%dma_wait3A_538, %dma_wait3A_549, %dma_wait3A_550] : memref<8x128x16xf32, #tpu.memory_space<vmem>> -> memref<1x128x16xf32, #tpu.memory_space<vmem>>
      %dma_wait3A_552 = tpu.memref_squeeze %dma_wait3A_551 : memref<1x128x16xf32, #tpu.memory_space<vmem>> -> memref<128x16xf32, #tpu.memory_space<vmem>>
      %dma_wait3A_553 = arith.constant 0 : i32
      %dma_wait3A_554 = arith.constant 0 : i32
      %dma_wait3A_555 = tpu.memref_slice %arg2[%dma_wait3A_553, %dma_wait3A_554] : memref<10112x16xf32, #tpu.memory_space<hbm>> -> memref<128x16xf32, #tpu.memory_space<hbm>>
      tpu.wait_dma2 semaphore(%dma_wait3A_548 : memref<!tpu.dma_semaphore, #tpu.memory_space<semaphore_mem>>) src(%dma_wait3A_555 : memref<128x16xf32, #tpu.memory_space<hbm>>) dst(%dma_wait3A_552 : memref<128x16xf32, #tpu.memory_space<vmem>>)
      %add3A_556 = arith.constant 1 : i32
      %add3A_557 = arith.addi %add3A_144, %add3A_556 : i32
      %lt3A_558 = arith.constant 80 : i32
      %lt3A_559 = arith.cmpi slt, %add3A_557, %lt3A_558 : i32
      %convert_element_type3A_560 = arith.extui %lt3A_559 : i1 to i32
      %cond3A_561 = arith.constant 0 : i32
      %cond3A_562 = arith.cmpi ne, %convert_element_type3A_560, %cond3A_561 : i32
      scf.if %cond3A_562 {
        %add3A_613 = arith.constant 1 : i32
        %add3A_614 = arith.addi %add3A_144, %add3A_613 : i32
        %dma_start3A_615 = arith.constant 5 : i32
        %dma_start3A_616 = arith.constant 5 : i32
        %dma_start3A_617 = arith.constant 0 : i32
        %dma_start3A_618 = arith.constant 0 : i32
        %dma_start3A_619 = tpu.memref_slice %arg9[%dma_start3A_615, %dma_start3A_617, %dma_start3A_618] : memref<8x128x16xf32, #tpu.memory_space<vmem>> -> memref<1x128x16xf32, #tpu.memory_space<vmem>>
        %dma_start3A_620 = tpu.memref_squeeze %dma_start3A_619 : memref<1x128x16xf32, #tpu.memory_space<vmem>> -> memref<128x16xf32, #tpu.memory_space<vmem>>
        %dma_start3A_621 = arith.constant 0 : i32
        %dma_start3A_622 = tpu.memref_slice %arg7[%add3A_614, %dma_start3A_621] : memref<80x128xi32, #tpu.memory_space<vmem>> -> memref<1x128xi32, #tpu.memory_space<vmem>>
        %dma_start3A_623 = tpu.memref_squeeze %dma_start3A_622 : memref<1x128xi32, #tpu.memory_space<vmem>> -> memref<128xi32, #tpu.memory_space<vmem>>
        %dma_start3A_624 = arith.constant 0 : i32
        %dma_start3A_625 = arith.constant 0 : i32
        %dma_start3A_626 = tpu.memref_slice %arg2[%dma_start3A_624, %dma_start3A_625] : memref<10112x16xf32, #tpu.memory_space<hbm>> -> memref<10112x16xf32, #tpu.memory_space<hbm>>
        %dma_start3A_627 = tpu.memref_slice %arg11[%dma_start3A_616] : memref<8x!tpu.dma_semaphore, #tpu.memory_space<semaphore_mem>> -> memref<1x!tpu.dma_semaphore, #tpu.memory_space<semaphore_mem>>
        %dma_start3A_628 = tpu.memref_squeeze %dma_start3A_627 : memref<1x!tpu.dma_semaphore, #tpu.memory_space<semaphore_mem>> -> memref<!tpu.dma_semaphore, #tpu.memory_space<semaphore_mem>>
        tpu.enqueue_indirect_dma source(%dma_start3A_626 : memref<10112x16xf32, #tpu.memory_space<hbm>>) target(%dma_start3A_620 : memref<128x16xf32, #tpu.memory_space<vmem>>) offsets(%dma_start3A_623 : memref<128xi32, #tpu.memory_space<vmem>>) semaphore(%dma_start3A_628 : memref<!tpu.dma_semaphore, #tpu.memory_space<semaphore_mem>>)
      } else {
      }
      %dma_wait3A_563 = arith.constant 6 : i32
      %dma_wait3A_564 = arith.constant 6 : i32
      %dma_wait3A_565 = arith.constant 0 : i32
      %dma_wait3A_566 = arith.constant 0 : i32
      %dma_wait3A_567 = tpu.memref_slice %arg9[%dma_wait3A_563, %dma_wait3A_565, %dma_wait3A_566] : memref<8x128x16xf32, #tpu.memory_space<vmem>> -> memref<1x128x16xf32, #tpu.memory_space<vmem>>
      %dma_wait3A_568 = tpu.memref_squeeze %dma_wait3A_567 : memref<1x128x16xf32, #tpu.memory_space<vmem>> -> memref<128x16xf32, #tpu.memory_space<vmem>>
      %dma_wait3A_569 = arith.constant 0 : i32
      %dma_wait3A_570 = arith.constant 0 : i32
      %dma_wait3A_571 = tpu.memref_slice %arg2[%dma_wait3A_569, %dma_wait3A_570] : memref<10112x16xf32, #tpu.memory_space<hbm>> -> memref<128x16xf32, #tpu.memory_space<hbm>>
      %dma_wait3A_572 = tpu.memref_slice %arg12[%dma_wait3A_564] : memref<8x!tpu.dma_semaphore, #tpu.memory_space<semaphore_mem>> -> memref<1x!tpu.dma_semaphore, #tpu.memory_space<semaphore_mem>>
      %dma_wait3A_573 = tpu.memref_squeeze %dma_wait3A_572 : memref<1x!tpu.dma_semaphore, #tpu.memory_space<semaphore_mem>> -> memref<!tpu.dma_semaphore, #tpu.memory_space<semaphore_mem>>
      %dma_wait3A_574 = arith.constant 0 : i32
      %dma_wait3A_575 = arith.constant 0 : i32
      %dma_wait3A_576 = tpu.memref_slice %arg9[%dma_wait3A_563, %dma_wait3A_574, %dma_wait3A_575] : memref<8x128x16xf32, #tpu.memory_space<vmem>> -> memref<1x128x16xf32, #tpu.memory_space<vmem>>
      %dma_wait3A_577 = tpu.memref_squeeze %dma_wait3A_576 : memref<1x128x16xf32, #tpu.memory_space<vmem>> -> memref<128x16xf32, #tpu.memory_space<vmem>>
      %dma_wait3A_578 = arith.constant 0 : i32
      %dma_wait3A_579 = arith.constant 0 : i32
      %dma_wait3A_580 = tpu.memref_slice %arg2[%dma_wait3A_578, %dma_wait3A_579] : memref<10112x16xf32, #tpu.memory_space<hbm>> -> memref<128x16xf32, #tpu.memory_space<hbm>>
      tpu.wait_dma2 semaphore(%dma_wait3A_573 : memref<!tpu.dma_semaphore, #tpu.memory_space<semaphore_mem>>) src(%dma_wait3A_580 : memref<128x16xf32, #tpu.memory_space<hbm>>) dst(%dma_wait3A_577 : memref<128x16xf32, #tpu.memory_space<vmem>>)
      %add3A_581 = arith.constant 2 : i32
      %add3A_582 = arith.addi %add3A_144, %add3A_581 : i32
      %lt3A_583 = arith.constant 80 : i32
      %lt3A_584 = arith.cmpi slt, %add3A_582, %lt3A_583 : i32
      %convert_element_type3A_585 = arith.extui %lt3A_584 : i1 to i32
      %cond3A_586 = arith.constant 0 : i32
      %cond3A_587 = arith.cmpi ne, %convert_element_type3A_585, %cond3A_586 : i32
      scf.if %cond3A_587 {
        %add3A_613 = arith.constant 2 : i32
        %add3A_614 = arith.addi %add3A_144, %add3A_613 : i32
        %dma_start3A_615 = arith.constant 6 : i32
        %dma_start3A_616 = arith.constant 6 : i32
        %dma_start3A_617 = arith.constant 0 : i32
        %dma_start3A_618 = arith.constant 0 : i32
        %dma_start3A_619 = tpu.memref_slice %arg9[%dma_start3A_615, %dma_start3A_617, %dma_start3A_618] : memref<8x128x16xf32, #tpu.memory_space<vmem>> -> memref<1x128x16xf32, #tpu.memory_space<vmem>>
        %dma_start3A_620 = tpu.memref_squeeze %dma_start3A_619 : memref<1x128x16xf32, #tpu.memory_space<vmem>> -> memref<128x16xf32, #tpu.memory_space<vmem>>
        %dma_start3A_621 = arith.constant 0 : i32
        %dma_start3A_622 = tpu.memref_slice %arg7[%add3A_614, %dma_start3A_621] : memref<80x128xi32, #tpu.memory_space<vmem>> -> memref<1x128xi32, #tpu.memory_space<vmem>>
        %dma_start3A_623 = tpu.memref_squeeze %dma_start3A_622 : memref<1x128xi32, #tpu.memory_space<vmem>> -> memref<128xi32, #tpu.memory_space<vmem>>
        %dma_start3A_624 = arith.constant 0 : i32
        %dma_start3A_625 = arith.constant 0 : i32
        %dma_start3A_626 = tpu.memref_slice %arg2[%dma_start3A_624, %dma_start3A_625] : memref<10112x16xf32, #tpu.memory_space<hbm>> -> memref<10112x16xf32, #tpu.memory_space<hbm>>
        %dma_start3A_627 = tpu.memref_slice %arg11[%dma_start3A_616] : memref<8x!tpu.dma_semaphore, #tpu.memory_space<semaphore_mem>> -> memref<1x!tpu.dma_semaphore, #tpu.memory_space<semaphore_mem>>
        %dma_start3A_628 = tpu.memref_squeeze %dma_start3A_627 : memref<1x!tpu.dma_semaphore, #tpu.memory_space<semaphore_mem>> -> memref<!tpu.dma_semaphore, #tpu.memory_space<semaphore_mem>>
        tpu.enqueue_indirect_dma source(%dma_start3A_626 : memref<10112x16xf32, #tpu.memory_space<hbm>>) target(%dma_start3A_620 : memref<128x16xf32, #tpu.memory_space<vmem>>) offsets(%dma_start3A_623 : memref<128xi32, #tpu.memory_space<vmem>>) semaphore(%dma_start3A_628 : memref<!tpu.dma_semaphore, #tpu.memory_space<semaphore_mem>>)
      } else {
      }
      %dma_wait3A_588 = arith.constant 7 : i32
      %dma_wait3A_589 = arith.constant 7 : i32
      %dma_wait3A_590 = arith.constant 0 : i32
      %dma_wait3A_591 = arith.constant 0 : i32
      %dma_wait3A_592 = tpu.memref_slice %arg9[%dma_wait3A_588, %dma_wait3A_590, %dma_wait3A_591] : memref<8x128x16xf32, #tpu.memory_space<vmem>> -> memref<1x128x16xf32, #tpu.memory_space<vmem>>
      %dma_wait3A_593 = tpu.memref_squeeze %dma_wait3A_592 : memref<1x128x16xf32, #tpu.memory_space<vmem>> -> memref<128x16xf32, #tpu.memory_space<vmem>>
      %dma_wait3A_594 = arith.constant 0 : i32
      %dma_wait3A_595 = arith.constant 0 : i32
      %dma_wait3A_596 = tpu.memref_slice %arg2[%dma_wait3A_594, %dma_wait3A_595] : memref<10112x16xf32, #tpu.memory_space<hbm>> -> memref<128x16xf32, #tpu.memory_space<hbm>>
      %dma_wait3A_597 = tpu.memref_slice %arg12[%dma_wait3A_589] : memref<8x!tpu.dma_semaphore, #tpu.memory_space<semaphore_mem>> -> memref<1x!tpu.dma_semaphore, #tpu.memory_space<semaphore_mem>>
      %dma_wait3A_598 = tpu.memref_squeeze %dma_wait3A_597 : memref<1x!tpu.dma_semaphore, #tpu.memory_space<semaphore_mem>> -> memref<!tpu.dma_semaphore, #tpu.memory_space<semaphore_mem>>
      %dma_wait3A_599 = arith.constant 0 : i32
      %dma_wait3A_600 = arith.constant 0 : i32
      %dma_wait3A_601 = tpu.memref_slice %arg9[%dma_wait3A_588, %dma_wait3A_599, %dma_wait3A_600] : memref<8x128x16xf32, #tpu.memory_space<vmem>> -> memref<1x128x16xf32, #tpu.memory_space<vmem>>
      %dma_wait3A_602 = tpu.memref_squeeze %dma_wait3A_601 : memref<1x128x16xf32, #tpu.memory_space<vmem>> -> memref<128x16xf32, #tpu.memory_space<vmem>>
      %dma_wait3A_603 = arith.constant 0 : i32
      %dma_wait3A_604 = arith.constant 0 : i32
      %dma_wait3A_605 = tpu.memref_slice %arg2[%dma_wait3A_603, %dma_wait3A_604] : memref<10112x16xf32, #tpu.memory_space<hbm>> -> memref<128x16xf32, #tpu.memory_space<hbm>>
      tpu.wait_dma2 semaphore(%dma_wait3A_598 : memref<!tpu.dma_semaphore, #tpu.memory_space<semaphore_mem>>) src(%dma_wait3A_605 : memref<128x16xf32, #tpu.memory_space<hbm>>) dst(%dma_wait3A_602 : memref<128x16xf32, #tpu.memory_space<vmem>>)
      %add3A_606 = arith.constant 3 : i32
      %add3A_607 = arith.addi %add3A_144, %add3A_606 : i32
      %lt3A_608 = arith.constant 80 : i32
      %lt3A_609 = arith.cmpi slt, %add3A_607, %lt3A_608 : i32
      %convert_element_type3A_610 = arith.extui %lt3A_609 : i1 to i32
      %cond3A_611 = arith.constant 0 : i32
      %cond3A_612 = arith.cmpi ne, %convert_element_type3A_610, %cond3A_611 : i32
      scf.if %cond3A_612 {
        %add3A_613 = arith.constant 3 : i32
        %add3A_614 = arith.addi %add3A_144, %add3A_613 : i32
        %dma_start3A_615 = arith.constant 7 : i32
        %dma_start3A_616 = arith.constant 7 : i32
        %dma_start3A_617 = arith.constant 0 : i32
        %dma_start3A_618 = arith.constant 0 : i32
        %dma_start3A_619 = tpu.memref_slice %arg9[%dma_start3A_615, %dma_start3A_617, %dma_start3A_618] : memref<8x128x16xf32, #tpu.memory_space<vmem>> -> memref<1x128x16xf32, #tpu.memory_space<vmem>>
        %dma_start3A_620 = tpu.memref_squeeze %dma_start3A_619 : memref<1x128x16xf32, #tpu.memory_space<vmem>> -> memref<128x16xf32, #tpu.memory_space<vmem>>
        %dma_start3A_621 = arith.constant 0 : i32
        %dma_start3A_622 = tpu.memref_slice %arg7[%add3A_614, %dma_start3A_621] : memref<80x128xi32, #tpu.memory_space<vmem>> -> memref<1x128xi32, #tpu.memory_space<vmem>>
        %dma_start3A_623 = tpu.memref_squeeze %dma_start3A_622 : memref<1x128xi32, #tpu.memory_space<vmem>> -> memref<128xi32, #tpu.memory_space<vmem>>
        %dma_start3A_624 = arith.constant 0 : i32
        %dma_start3A_625 = arith.constant 0 : i32
        %dma_start3A_626 = tpu.memref_slice %arg2[%dma_start3A_624, %dma_start3A_625] : memref<10112x16xf32, #tpu.memory_space<hbm>> -> memref<10112x16xf32, #tpu.memory_space<hbm>>
        %dma_start3A_627 = tpu.memref_slice %arg11[%dma_start3A_616] : memref<8x!tpu.dma_semaphore, #tpu.memory_space<semaphore_mem>> -> memref<1x!tpu.dma_semaphore, #tpu.memory_space<semaphore_mem>>
        %dma_start3A_628 = tpu.memref_squeeze %dma_start3A_627 : memref<1x!tpu.dma_semaphore, #tpu.memory_space<semaphore_mem>> -> memref<!tpu.dma_semaphore, #tpu.memory_space<semaphore_mem>>
        tpu.enqueue_indirect_dma source(%dma_start3A_626 : memref<10112x16xf32, #tpu.memory_space<hbm>>) target(%dma_start3A_620 : memref<128x16xf32, #tpu.memory_space<vmem>>) offsets(%dma_start3A_623 : memref<128xi32, #tpu.memory_space<vmem>>) semaphore(%dma_start3A_628 : memref<!tpu.dma_semaphore, #tpu.memory_space<semaphore_mem>>)
      } else {
      }
    }
    %scan3A_128 = arith.constant 10 : i32
    %barrier3A_129 = arith.constant 0 : index
    tpu.barrier barrier_id(%barrier3A_129)
    %mul3A_130 = arith.constant 632 : i32
    %mul3A_131 = arith.muli %arg1, %mul3A_130 : i32
    %mul3A_132 = arith.constant 632 : i32
    %mul3A_133 = arith.muli %arg1, %mul3A_132 : i32
    "tpu.region"() ({
      %run_scoped3A = tpu.sem_alloc : memref<!tpu.dma_semaphore, #tpu.memory_space<semaphore_mem>>
      %dma_start3A_134 = arith.constant 0 : i32
      %dma_start3A_135 = arith.constant 0 : i32
      %dma_start3A_136 = tpu.memref_slice %arg6[%arg0, %dma_start3A_134, %dma_start3A_135] : memref<2x10112x16xf32, #tpu.memory_space<hbm>> -> memref<1x10112x16xf32, #tpu.memory_space<hbm>>
      %dma_start3A_137 = tpu.memref_squeeze %dma_start3A_136 : memref<1x10112x16xf32, #tpu.memory_space<hbm>> -> memref<10112x16xf32, #tpu.memory_space<hbm>>
      %dma_start3A_138 = arith.constant 0 : i32
      %dma_start3A_139 = tpu.memref_slice %dma_start3A_137[%mul3A_133, %dma_start3A_138] : memref<10112x16xf32, #tpu.memory_space<hbm>> -> memref<632x16xf32, #tpu.memory_space<hbm>>
      %dma_start3A_140 = arith.constant 0 : i32
      %dma_start3A_141 = tpu.memref_slice %arg10[%mul3A_131, %dma_start3A_140] : memref<10112x16xf32, #tpu.memory_space<vmem_shared>> -> memref<632x16xf32, #tpu.memory_space<vmem_shared>>
      tpu.enqueue_dma source(%dma_start3A_141 : memref<632x16xf32, #tpu.memory_space<vmem_shared>>) target(%dma_start3A_139 : memref<632x16xf32, #tpu.memory_space<hbm>>) target_semaphore(%run_scoped3A : memref<!tpu.dma_semaphore, #tpu.memory_space<semaphore_mem>>)
      %dma_wait3A = arith.constant 0 : i32
      %dma_wait3A_142 = arith.constant 0 : i32
      %dma_wait3A_143 = tpu.memref_slice %arg6[%arg0, %dma_wait3A, %dma_wait3A_142] : memref<2x10112x16xf32, #tpu.memory_space<hbm>> -> memref<1x10112x16xf32, #tpu.memory_space<hbm>>
      %dma_wait3A_144 = tpu.memref_squeeze %dma_wait3A_143 : memref<1x10112x16xf32, #tpu.memory_space<hbm>> -> memref<10112x16xf32, #tpu.memory_space<hbm>>
      %dma_wait3A_145 = arith.constant 0 : i32
      %dma_wait3A_146 = tpu.memref_slice %dma_wait3A_144[%mul3A_133, %dma_wait3A_145] : memref<10112x16xf32, #tpu.memory_space<hbm>> -> memref<632x16xf32, #tpu.memory_space<hbm>>
      %dma_wait3A_147 = arith.constant 0 : i32
      %dma_wait3A_148 = tpu.memref_slice %arg10[%mul3A_131, %dma_wait3A_147] : memref<10112x16xf32, #tpu.memory_space<vmem_shared>> -> memref<632x16xf32, #tpu.memory_space<vmem_shared>>
      tpu.wait_dma2 semaphore(%run_scoped3A : memref<!tpu.dma_semaphore, #tpu.memory_space<semaphore_mem>>) src(%dma_wait3A_148 : memref<632x16xf32, #tpu.memory_space<vmem_shared>>) dst(%dma_wait3A_146 : memref<632x16xf32, #tpu.memory_space<hbm>>)
      tpu.yield
    }) : () -> ()
    return
  }
}

module attributes {stable_mosaic.version = 14 : i64} {
  func.func @body(%arg0: memref<2x10112x16xf32, #tpu.memory_space<vmem>>, %arg1: memref<10000x128xf32, #tpu.memory_space<vmem>>, %arg2: memref<128x16xf32, #tpu.memory_space<vmem>>, %arg3: memref<10112x16xf32, #tpu.memory_space<vmem>>, %arg4: memref<10112x16xf32, #tpu.memory_space<vmem>>) attributes {dimension_semantics = [], scalar_prefetch = 0 : i64, scratch_operands = 0 : i64, tpu.core_type = #tpu.core_type<tc>} {
    %get3A = arith.constant 0 : index
    %get3A_0 = arith.constant 0 : index
    %get3A_1 = arith.constant 0 : index
    %get3A_2 = vector.load %arg0[%get3A, %get3A_0, %get3A_1] : memref<2x10112x16xf32, #tpu.memory_space<vmem>>, vector<1x10112x16xf32>
    %get3A_3 = vector.shape_cast %get3A_2 : vector<1x10112x16xf32> to vector<10112x16xf32>
    %get3A_4 = arith.constant 1 : index
    %get3A_5 = arith.constant 0 : index
    %get3A_6 = arith.constant 0 : index
    %get3A_7 = vector.load %arg0[%get3A_4, %get3A_5, %get3A_6] : memref<2x10112x16xf32, #tpu.memory_space<vmem>>, vector<1x10112x16xf32>
    %get3A_8 = vector.shape_cast %get3A_7 : vector<1x10112x16xf32> to vector<10112x16xf32>
    %add3A = arith.addf %get3A_3, %get3A_8 : vector<10112x16xf32>
    %add3A_9 = arith.constant 1.000000e+00 : f32
    %add3A_10 = vector.broadcast %add3A_9 : f32 to vector<10112x16xf32>
    %add3A_11 = arith.addf %add3A, %add3A_10 : vector<10112x16xf32>
    %rsqrt3A = math.rsqrt %add3A_11 : vector<10112x16xf32>
    %swap3A = arith.constant 0 : index
    %swap3A_12 = arith.constant 0 : index
    %swap3A_13 = vector.load %arg3[%swap3A, %swap3A_12] : memref<10112x16xf32, #tpu.memory_space<vmem>>, vector<10112x16xf32>
    tpu.vector_store %arg3[%swap3A, %swap3A_12], %rsqrt3A {strides = array<i32>} : memref<10112x16xf32, #tpu.memory_space<vmem>>, vector<10112x16xf32>,
    %get3A_14 = arith.constant 0 : index
    %get3A_15 = arith.constant 0 : index
    %get3A_16 = vector.load %arg1[%get3A_14, %get3A_15] : memref<10000x128xf32, #tpu.memory_space<vmem>>, vector<10000x128xf32>
    %get3A_17 = arith.constant 0 : index
    %get3A_18 = arith.constant 0 : index
    %get3A_19 = vector.load %arg2[%get3A_17, %get3A_18] : memref<128x16xf32, #tpu.memory_space<vmem>>, vector<128x16xf32>
    %dot_general3A = arith.constant dense<0.000000e+00> : vector<10000x16xf32>
    %dot_general3A_20 = tpu.matmul %get3A_16, %get3A_19, %dot_general3A {dimension_numbers = #tpu.dot_dimension_numbers<[1], [0], [0], [1], [0, 0, 1, 1], [], []>, transpose_lhs_hint = false} : vector<10000x128xf32>, vector<128x16xf32>, vector<10000x16xf32> -> vector<10000x16xf32>
    %slice3A = vector.extract_strided_slice %rsqrt3A {offsets = [0, 0], sizes = [10000, 16], strides = [1, 1]} : vector<10112x16xf32> to vector<10000x16xf32>
    %mul3A = arith.mulf %dot_general3A_20, %slice3A : vector<10000x16xf32>
    %swap3A_21 = arith.constant 0 : index
    %swap3A_22 = arith.constant 0 : index
    %swap3A_23 = vector.load %arg4[%swap3A_21, %swap3A_22] : memref<10112x16xf32, #tpu.memory_space<vmem>>, vector<10000x16xf32>
    tpu.vector_store %arg4[%swap3A_21, %swap3A_22], %mul3A {strides = array<i32>} : memref<10112x16xf32, #tpu.memory_space<vmem>>, vector<10000x16xf32>,
    %broadcast_in_dim3A = arith.constant 0.000000e+00 : f32
    %broadcast_in_dim3A_24 = vector.broadcast %broadcast_in_dim3A : f32 to vector<112x16xf32>
    %swap3A_25 = arith.constant 10000 : index
    %swap3A_26 = arith.constant 0 : index
    %swap3A_27 = vector.load %arg4[%swap3A_25, %swap3A_26] : memref<10112x16xf32, #tpu.memory_space<vmem>>, vector<112x16xf32>
    tpu.vector_store %arg4[%swap3A_25, %swap3A_26], %broadcast_in_dim3A_24 {strides = array<i32>} : memref<10112x16xf32, #tpu.memory_space<vmem>>, vector<112x16xf32>,
    return
  }
}

module attributes {stable_mosaic.version = 14 : i64} {
  func.func @body(%arg0: memref<2x10112x16xf32, #tpu.memory_space<vmem>>, %arg1: memref<10112x16xf32, #tpu.memory_space<vmem>>, %arg2: memref<10112x16xf32, #tpu.memory_space<vmem>>, %arg3: memref<1x16xf32, #tpu.memory_space<vmem>>, %arg4: memref<16x16xf32, #tpu.memory_space<vmem>>, %arg5: memref<10112x16xf32, #tpu.memory_space<vmem>>) attributes {dimension_semantics = [], scalar_prefetch = 0 : i64, scratch_operands = 0 : i64, tpu.core_type = #tpu.core_type<tc>} {
    %get3A = arith.constant 0 : index
    %get3A_0 = arith.constant 0 : index
    %get3A_1 = arith.constant 0 : index
    %get3A_2 = vector.load %arg0[%get3A, %get3A_0, %get3A_1] : memref<2x10112x16xf32, #tpu.memory_space<vmem>>, vector<1x10112x16xf32>
    %get3A_3 = vector.shape_cast %get3A_2 : vector<1x10112x16xf32> to vector<10112x16xf32>
    %get3A_4 = arith.constant 1 : index
    %get3A_5 = arith.constant 0 : index
    %get3A_6 = arith.constant 0 : index
    %get3A_7 = vector.load %arg0[%get3A_4, %get3A_5, %get3A_6] : memref<2x10112x16xf32, #tpu.memory_space<vmem>>, vector<1x10112x16xf32>
    %get3A_8 = vector.shape_cast %get3A_7 : vector<1x10112x16xf32> to vector<10112x16xf32>
    %add3A = arith.addf %get3A_3, %get3A_8 : vector<10112x16xf32>
    %get3A_9 = arith.constant 0 : index
    %get3A_10 = arith.constant 0 : index
    %get3A_11 = vector.load %arg1[%get3A_9, %get3A_10] : memref<10112x16xf32, #tpu.memory_space<vmem>>, vector<10112x16xf32>
    %sub3A = arith.subf %add3A, %get3A_11 : vector<10112x16xf32>
    %get3A_12 = arith.constant 0 : index
    %get3A_13 = arith.constant 0 : index
    %get3A_14 = vector.load %arg2[%get3A_12, %get3A_13] : memref<10112x16xf32, #tpu.memory_space<vmem>>, vector<10112x16xf32>
    %mul3A = arith.mulf %get3A_14, %sub3A : vector<10112x16xf32>
    %get3A_15 = arith.constant 0 : index
    %get3A_16 = arith.constant 0 : index
    %get3A_17 = vector.load %arg3[%get3A_15, %get3A_16] : memref<1x16xf32, #tpu.memory_space<vmem>>, vector<1x16xf32>
    %add3A_18 = vector.broadcast %get3A_17 : vector<1x16xf32> to vector<10112x16xf32>
    %add3A_19 = arith.addf %mul3A, %add3A_18 : vector<10112x16xf32>
    %tanh3A = math.tanh %add3A_19 : vector<10112x16xf32>
    %get3A_20 = arith.constant 0 : index
    %get3A_21 = arith.constant 0 : index
    %get3A_22 = vector.load %arg4[%get3A_20, %get3A_21] : memref<16x16xf32, #tpu.memory_space<vmem>>, vector<16x16xf32>
    %dot_general3A = arith.constant dense<0.000000e+00> : vector<10112x16xf32>
    %dot_general3A_23 = tpu.matmul %tanh3A, %get3A_22, %dot_general3A {dimension_numbers = #tpu.dot_dimension_numbers<[1], [0], [0], [1], [0, 0, 1, 1], [], []>, transpose_lhs_hint = false} : vector<10112x16xf32>, vector<16x16xf32>, vector<10112x16xf32> -> vector<10112x16xf32>
    %slice3A = vector.extract_strided_slice %dot_general3A_23 {offsets = [0, 0], sizes = [10000, 16], strides = [1, 1]} : vector<10112x16xf32> to vector<10000x16xf32>
    %get3A_24 = arith.constant 0 : index
    %get3A_25 = arith.constant 0 : index
    %get3A_26 = vector.load %arg2[%get3A_24, %get3A_25] : memref<10112x16xf32, #tpu.memory_space<vmem>>, vector<10000x16xf32>
    %mul3A_27 = arith.mulf %slice3A, %get3A_26 : vector<10000x16xf32>
    %swap3A = arith.constant 0 : index
    %swap3A_28 = arith.constant 0 : index
    %swap3A_29 = vector.load %arg5[%swap3A, %swap3A_28] : memref<10112x16xf32, #tpu.memory_space<vmem>>, vector<10000x16xf32>
    tpu.vector_store %arg5[%swap3A, %swap3A_28], %mul3A_27 {strides = array<i32>} : memref<10112x16xf32, #tpu.memory_space<vmem>>, vector<10000x16xf32>,
    %broadcast_in_dim3A = arith.constant 0.000000e+00 : f32
    %broadcast_in_dim3A_30 = vector.broadcast %broadcast_in_dim3A : f32 to vector<112x16xf32>
    %swap3A_31 = arith.constant 10000 : index
    %swap3A_32 = arith.constant 0 : index
    %swap3A_33 = vector.load %arg5[%swap3A_31, %swap3A_32] : memref<10112x16xf32, #tpu.memory_space<vmem>>, vector<112x16xf32>
    tpu.vector_store %arg5[%swap3A_31, %swap3A_32], %broadcast_in_dim3A_30 {strides = array<i32>} : memref<10112x16xf32, #tpu.memory_space<vmem>>, vector<112x16xf32>,
    return
  }
}

module attributes {stable_mosaic.version = 14 : i64} {
  func.func @body(%arg0: memref<2x10112x16xf32, #tpu.memory_space<vmem>>, %arg1: memref<10112x16xf32, #tpu.memory_space<vmem>>, %arg2: memref<10112x16xf32, #tpu.memory_space<vmem>>, %arg3: memref<1x16xf32, #tpu.memory_space<vmem>>, %arg4: memref<16x32xf32, #tpu.memory_space<vmem>>, %arg5: memref<1x32xf32, #tpu.memory_space<vmem>>, %arg6: memref<32x64xf32, #tpu.memory_space<vmem>>, %arg7: memref<1x64xf32, #tpu.memory_space<vmem>>, %arg8: memref<64x128xf32, #tpu.memory_space<vmem>>, %arg9: memref<1x128xf32, #tpu.memory_space<vmem>>, %arg10: memref<10000x128xf32, #tpu.memory_space<vmem>>) attributes {dimension_semantics = [], scalar_prefetch = 0 : i64, scratch_operands = 0 : i64, tpu.core_type = #tpu.core_type<tc>} {
    %get3A = arith.constant 0 : index
    %get3A_0 = arith.constant 0 : index
    %get3A_1 = arith.constant 0 : index
    %get3A_2 = vector.load %arg0[%get3A, %get3A_0, %get3A_1] : memref<2x10112x16xf32, #tpu.memory_space<vmem>>, vector<1x10112x16xf32>
    %get3A_3 = vector.shape_cast %get3A_2 : vector<1x10112x16xf32> to vector<10112x16xf32>
    %get3A_4 = arith.constant 1 : index
    %get3A_5 = arith.constant 0 : index
    %get3A_6 = arith.constant 0 : index
    %get3A_7 = vector.load %arg0[%get3A_4, %get3A_5, %get3A_6] : memref<2x10112x16xf32, #tpu.memory_space<vmem>>, vector<1x10112x16xf32>
    %get3A_8 = vector.shape_cast %get3A_7 : vector<1x10112x16xf32> to vector<10112x16xf32>
    %add3A = arith.addf %get3A_3, %get3A_8 : vector<10112x16xf32>
    %get3A_9 = arith.constant 0 : index
    %get3A_10 = arith.constant 0 : index
    %get3A_11 = vector.load %arg1[%get3A_9, %get3A_10] : memref<10112x16xf32, #tpu.memory_space<vmem>>, vector<10112x16xf32>
    %sub3A = arith.subf %add3A, %get3A_11 : vector<10112x16xf32>
    %get3A_12 = arith.constant 0 : index
    %get3A_13 = arith.constant 0 : index
    %get3A_14 = vector.load %arg2[%get3A_12, %get3A_13] : memref<10112x16xf32, #tpu.memory_space<vmem>>, vector<10112x16xf32>
    %mul3A = arith.mulf %get3A_14, %sub3A : vector<10112x16xf32>
    %get3A_15 = arith.constant 0 : index
    %get3A_16 = arith.constant 0 : index
    %get3A_17 = vector.load %arg3[%get3A_15, %get3A_16] : memref<1x16xf32, #tpu.memory_space<vmem>>, vector<1x16xf32>
    %add3A_18 = vector.broadcast %get3A_17 : vector<1x16xf32> to vector<10112x16xf32>
    %add3A_19 = arith.addf %mul3A, %add3A_18 : vector<10112x16xf32>
    %tanh3A = math.tanh %add3A_19 : vector<10112x16xf32>
    %slice3A = vector.extract_strided_slice %tanh3A {offsets = [0, 0], sizes = [10000, 16], strides = [1, 1]} : vector<10112x16xf32> to vector<10000x16xf32>
    %get3A_20 = arith.constant 0 : index
    %get3A_21 = arith.constant 0 : index
    %get3A_22 = vector.load %arg4[%get3A_20, %get3A_21] : memref<16x32xf32, #tpu.memory_space<vmem>>, vector<16x32xf32>
    %dot_general3A = arith.constant dense<0.000000e+00> : vector<10000x32xf32>
    %dot_general3A_23 = tpu.matmul %slice3A, %get3A_22, %dot_general3A {dimension_numbers = #tpu.dot_dimension_numbers<[1], [0], [0], [1], [0, 0, 1, 1], [], []>, transpose_lhs_hint = false} : vector<10000x16xf32>, vector<16x32xf32>, vector<10000x32xf32> -> vector<10000x32xf32>
    %get3A_24 = arith.constant 0 : index
    %get3A_25 = arith.constant 0 : index
    %get3A_26 = vector.load %arg5[%get3A_24, %get3A_25] : memref<1x32xf32, #tpu.memory_space<vmem>>, vector<1x32xf32>
    %add3A_27 = vector.broadcast %get3A_26 : vector<1x32xf32> to vector<10000x32xf32>
    %add3A_28 = arith.addf %dot_general3A_23, %add3A_27 : vector<10000x32xf32>
    %max3A = arith.constant 0.000000e+00 : f32
    %max3A_29 = vector.broadcast %max3A : f32 to vector<10000x32xf32>
    %max3A_30 = arith.maximumf %add3A_28, %max3A_29 : vector<10000x32xf32>
    %get3A_31 = arith.constant 0 : index
    %get3A_32 = arith.constant 0 : index
    %get3A_33 = vector.load %arg6[%get3A_31, %get3A_32] : memref<32x64xf32, #tpu.memory_space<vmem>>, vector<32x64xf32>
    %dot_general3A_34 = arith.constant dense<0.000000e+00> : vector<10000x64xf32>
    %dot_general3A_35 = tpu.matmul %max3A_30, %get3A_33, %dot_general3A_34 {dimension_numbers = #tpu.dot_dimension_numbers<[1], [0], [0], [1], [0, 0, 1, 1], [], []>, transpose_lhs_hint = false} : vector<10000x32xf32>, vector<32x64xf32>, vector<10000x64xf32> -> vector<10000x64xf32>
    %get3A_36 = arith.constant 0 : index
    %get3A_37 = arith.constant 0 : index
    %get3A_38 = vector.load %arg7[%get3A_36, %get3A_37] : memref<1x64xf32, #tpu.memory_space<vmem>>, vector<1x64xf32>
    %add3A_39 = vector.broadcast %get3A_38 : vector<1x64xf32> to vector<10000x64xf32>
    %add3A_40 = arith.addf %dot_general3A_35, %add3A_39 : vector<10000x64xf32>
    %max3A_41 = arith.constant 0.000000e+00 : f32
    %max3A_42 = vector.broadcast %max3A_41 : f32 to vector<10000x64xf32>
    %max3A_43 = arith.maximumf %add3A_40, %max3A_42 : vector<10000x64xf32>
    %get3A_44 = arith.constant 0 : index
    %get3A_45 = arith.constant 0 : index
    %get3A_46 = vector.load %arg8[%get3A_44, %get3A_45] : memref<64x128xf32, #tpu.memory_space<vmem>>, vector<64x128xf32>
    %dot_general3A_47 = arith.constant dense<0.000000e+00> : vector<10000x128xf32>
    %dot_general3A_48 = tpu.matmul %max3A_43, %get3A_46, %dot_general3A_47 {dimension_numbers = #tpu.dot_dimension_numbers<[1], [0], [0], [1], [0, 0, 1, 1], [], []>, transpose_lhs_hint = false} : vector<10000x64xf32>, vector<64x128xf32>, vector<10000x128xf32> -> vector<10000x128xf32>
    %get3A_49 = arith.constant 0 : index
    %get3A_50 = arith.constant 0 : index
    %get3A_51 = vector.load %arg9[%get3A_49, %get3A_50] : memref<1x128xf32, #tpu.memory_space<vmem>>, vector<1x128xf32>
    %add3A_52 = vector.broadcast %get3A_51 : vector<1x128xf32> to vector<10000x128xf32>
    %add3A_53 = arith.addf %dot_general3A_48, %add3A_52 : vector<10000x128xf32>
    %swap3A = arith.constant 0 : index
    %swap3A_54 = arith.constant 0 : index
    %swap3A_55 = vector.load %arg10[%swap3A, %swap3A_54] : memref<10000x128xf32, #tpu.memory_space<vmem>>, vector<10000x128xf32>
    tpu.vector_store %arg10[%swap3A, %swap3A_54], %add3A_53 {strides = array<i32>} : memref<10000x128xf32, #tpu.memory_space<vmem>>, vector<10000x128xf32>,
    return
  }
}

</mosaic_0001>

<sc_bundles>
// kernel: kernel.10.cloned.1.call-start
scs
__scs_entry_jumppad:
0x0: {  	(pc) =	sbr.rel $0x88, $3  }
0x1: {  	(tag) =	ssettag $0x0;
	lr =	simm.s32 $0x1  }
0x2: {  	[smem:$0x3F93] =	sst lr;
	_ =	strace $0xD0000000  }
0x3: {  	_ = 	snop  }
0x4: {  	_ = 	snop  }
0x5: {  	_ = 	snop  }
0x6: {  	_ = 	snop  }
0x7: {  	_ = 	snop  }
__scs_overlays_trampoline_lowered:
0x8: {  	[smem:$0x3FA2] =	sst s0  }
0x9: {  	[smem:$0x3FA3] =	sst s1  }
0xa: {  	[smem:$0x3FA4] =	sst s2  }
0xb: {  	[smem:$0x3FA5] =	sst s3  }
0xc: {  	[smem:$0x3FA6] =	sst s4  }
0xd: {  	[smem:$0x3FA7] =	sst s5  }
0xe: {  	[smem:$0x3FA8] =	sst s6  }
0xf: {  	[smem:$0x3FA9] =	sst s7  }
0x10: {  	[smem:$0x3FAA] =	sst s8  }
0x11: {  	[smem:$0x3FAB] =	sst s9;
	s0 =	simm.s32 @!p0 $0x0  }
0x12: {  	s1 =	sld [smem:$0x3F91];
	s0 =	simm.s32 @p0 $0x1  }
0x13: {  	[smem:$0x3FAC] =	sst s0;
	s0 =	simm.s32 @!p1 $0x0  }
0x14: {  	s2 =	sld [smem:$0x3F90];
	s0 =	simm.s32 @p1 $0x1  }
0x15: {  	[smem:$0x3FAD] =	sst s0;
	s0 =	simm.s32 @!p2 $0x0  }
0x16: {  	s3 =	sld [smem:$0x3FDB];
	s0 =	simm.s32 @p2 $0x1  }
0x17: {  	s4 =	simm.s32 $0x1BF5;
	[smem:$0x3FAF] =	sst s0  }
0x18: {  	s0 =	sld [smem:$0x3F92];
	_ =	swait.ge [sflag:s4], $0x0  }
0x19: {  	s7 =	sld [smem:$0x3F93]  }
0x1a: {  	s8 =	sadd.s32 $0xFFFFE003, lr  }
0x1b: {  	s9 =	sadd.s32 $0xFFFFFEF7, lr;
	s5 =	simm.s32 $0xFFFFFFFF;
	p2 =	slt.u32 s8, $0xFFFFF086  }
0x1c: {  	p1 =	slt.u32 s9, $0xF7A;
	s5 =	simm.s32 @!p2 $0x0  }
0x1d: {  	s5 =	simm.s32 @p1 $0x1;
	p0 =	seq.s32 s7, s2  }
0x1e: {  	s7 =	smul.u32 @!p0 $0xF7A, s2;
	p2 =	seq.s32 @!p0 s5, $0x0  }
0x1f: {  	s9 =	smul.u32 $0xF7A, s1;
	s8 =	simm.s32 @!p0 $0x1BF5;
	p2 =	por !p2, p0  }
0x20: {  	[sflag:s8] =	ssyncset.s32 @!p0 $0xFFFFF086;
	s6 =	sadd.s32 @!p0 s3, s7;
	s7 =	simm.s32 @!p0 $0x108  }
0x21: {  	s3 =	sadd.s32 s3, s9;
	s6 =	sadd.s32 @!p0 $0x88, s6;
	s7 =	simm.s32 @p2 $0x1082  }
0x22: {  	[simem:s7], [sflag:s8] =	dma.local @!p0 [hbm:s6], $0xF7A  }
0x23: {  	s9 =	sor.u32 $0xD0000000, s2;
	s6 =	simm.s32 $0x108;
	_ =	swait.ge @!p0 [sflag:s8], $0x0  }
0x24: {  	s3 =	sadd.s32 $0x88, s3;
	s6 =	simm.s32 @!p1 $0x1082;
	[sflag:s4] =	ssyncset.s32 $0xFFFFF086  }
0x25: {  	[simem:s6], [sflag:s4] =	dma.local [hbm:s3], $0xF7A  }
0x26: {  	[smem:$0x3F93] =	sst s1;
	(tag) =	ssettag s2;
	_ =	strace s9  }
0x27: {  	s1 =	sld [smem:$0x3FA3]  }
0x28: {  	s2 =	sld [smem:$0x3FA4]  }
0x29: {  	s4 =	sld [smem:$0x3FA6]  }
0x2a: {  	p0 =	seq.s32 s5, $0x0;
	s5 =	sld [smem:$0x3FA7]  }
0x2b: {  	s6 =	sld [smem:$0x3FA8]  }
0x2c: {  	s7 =	sld [smem:$0x3FA9]  }
0x2d: {  	s3 =	simm.s32 $0x108;
	s8 =	sld [smem:$0x3FAA]  }
0x2e: {  	s3 =	simm.s32 @!p0 $0x1082;
	s9 =	sld [smem:$0x3FAB]  }
0x2f: {  	lr =	sadd.s32 s0, s3;
	s0 =	sld [smem:$0x3FA2]  }
0x30: {  	s3 =	sld [smem:$0x3FA5]  }
0x31: {  	[smem:$0x3FAE] =	sst s10  }
0x32: {  	s10 =	sld [smem:$0x3FAC];
	_ =	sdelay $0x3  }
0x33: {  	p0 =	seq.s32 s10, $0x1;
	s10 =	sld [smem:$0x3FAE];
	_ =	sdelay $0x3  }
0x34: {  	[smem:$0x3FAE] =	sst s10  }
0x35: {  	s10 =	sld [smem:$0x3FAD];
	_ =	sdelay $0x3  }
0x36: {  	p1 =	seq.s32 s10, $0x1;
	s10 =	sld [smem:$0x3FAE];
	_ =	sdelay $0x3  }
0x37: {  	[smem:$0x3FAE] =	sst s10  }
0x38: {  	s10 =	sld [smem:$0x3FAF]  }
0x39: {  	_ = 	snop;
	(pc) =	sbr.ind lr, $3  }
0x3a: {  	_ = 	snop  }
0x3b: {  	_ = 	snop  }
0x3c: {  	p2 =	seq.s32 s10, $0x1;
	s10 =	sld [smem:$0x3FAE]  }
0x3d: {  	_ =	shalt  }
0x3e: {  	_ =	shalt  }
0x3f: {  	_ =	shalt  }
0x40: {  	_ =	shalt  }
0x41: {  	_ =	shalt  }
0x42: {  	_ =	shalt  }
0x43: {  	_ =	shalt  }
0x44: {  	_ =	shalt  }
0x45: {  	_ =	shalt  }
0x46: {  	_ =	shalt  }
0x47: {  	_ =	shalt  }
0x48: {  	_ =	shalt  }
0x49: {  	_ =	shalt  }
0x4a: {  	_ =	shalt  }
0x4b: {  	_ =	shalt  }
0x4c: {  	_ =	shalt  }
0x4d: {  	_ =	shalt  }
0x4e: {  	_ =	shalt  }
0x4f: {  	_ =	shalt  }
0x50: {  	_ =	shalt  }
0x51: {  	_ =	shalt  }
0x52: {  	_ =	shalt  }
0x53: {  	_ =	shalt  }
0x54: {  	_ =	shalt  }
0x55: {  	_ =	shalt  }
0x56: {  	_ =	shalt  }
0x57: {  	_ =	shalt  }
0x58: {  	_ =	shalt  }
0x59: {  	_ =	shalt  }
0x5a: {  	_ =	shalt  }
0x5b: {  	_ =	shalt  }
0x5c: {  	_ =	shalt  }
0x5d: {  	_ =	shalt  }
0x5e: {  	_ =	shalt  }
0x5f: {  	_ =	shalt  }
0x60: {  	_ =	shalt  }
0x61: {  	_ =	shalt  }
0x62: {  	_ =	shalt  }
0x63: {  	_ =	shalt  }
0x64: {  	_ =	shalt  }
0x65: {  	_ =	shalt  }
0x66: {  	_ =	shalt  }
0x67: {  	_ =	shalt  }
0x68: {  	_ =	shalt  }
0x69: {  	_ =	shalt  }
0x6a: {  	_ =	shalt  }
0x6b: {  	_ =	shalt  }
0x6c: {  	_ =	shalt  }
0x6d: {  	_ =	shalt  }
0x6e: {  	_ =	shalt  }
0x6f: {  	_ =	shalt  }
0x70: {  	_ =	shalt  }
0x71: {  	_ =	shalt  }
0x72: {  	_ =	shalt  }
0x73: {  	_ =	shalt  }
0x74: {  	_ =	shalt  }
0x75: {  	_ =	shalt  }
0x76: {  	_ =	shalt  }
0x77: {  	_ =	shalt  }
0x78: {  	_ =	shalt  }
0x79: {  	_ =	shalt  }
0x7a: {  	_ =	shalt  }
0x7b: {  	_ =	shalt  }
0x7c: {  	_ =	shalt  }
0x7d: {  	_ =	shalt  }
0x7e: {  	_ =	shalt  }
0x7f: {  	_ =	shalt  }
0x80: {  	_ =	shalt  }
0x81: {  	_ =	shalt  }
0x82: {  	_ =	shalt  }
0x83: {  	_ =	shalt  }
0x84: {  	_ =	shalt  }
0x85: {  	_ =	shalt  }
0x86: {  	_ =	shalt  }
0x87: {  	_ =	shalt  }
.Lfunc_end0:
.L_simem_size_0:
called_computation_lowered:
.L_overlay_start_0:
0x88: {  	s2 =	sld [smem:$0x3FD9]  }
0x89: {  	s3 =	sld [smem:$0x3FFE];
	_ =	sdelay $0x1  }
0x8a: {  	s1 =	srdreg.scid  }
0x8b: {  	s0 =	sand.u32 $0x1, s1  }
0x8c: {  	s17 =	sshll.u32 s0, $0xA;
	s2 =	sadd.s32 s3, s2  }
0x8d: {  	s2 =	sadd.s32 s2, s17  }
0x8e: {  	[smem:$0x3FBA] =	sst s2  }
0x8f: {  	_ = 	snop  }
0x90: {  	s2 =	sld [smem:$0x3FD0];
	(tm) =	ssettm $0x1  }
0x91: {  	s18 =	sld [smem:$0x3FFB];
	_ =	sdelay $0x3  }
0x92: {  	_ =	strace s18  }
0x93: {  	s3 =	sld [smem:$0x3FFC];
	_ =	sdelay $0x3  }
0x94: {  	_ =	strace s3  }
0x95: {  	s3 =	sld [smem:$0x3FFD];
	_ =	sdelay $0x3  }
0x96: {  	_ =	strace s3  }
0x97: {  	_ =	strace $0x8FFFFFFF  }
0x98: {  	s19 =	sld [smem:$0x3FDB];
	_ =	sdelay $0x1  }
0x99: {  	s4 =	simm.s32 $_scs_section_size  }
0x9a: {  	s5 =	simm.s32 $_size__tile_overlayer_lowered;
	s6 =	simm.s32 $_tile_overlayer_lowered  }
0x9b: {  	s22 =	simm.s32 $0x1BFF;
	s21 =	sshll.u32 s6, $0x1;
	s3 =	sadd.s32 s4, s19  }
0x9c: {  	s7 =	simm.s32 $0x0;
	s20 =	sshll.u32 s5, $0x1;
	s5 =	sadd.s32 s21, s3  }
0x9d: {  	[timem:s7], [sflag:s22] =	dma.local [hbm:s5], s20  }
0x9e: {  	_ =	swait.ge [sflag:s22], s20  }
0x9f: {  	s4 =	ssub.s32 $0x0, s20;
	[sflag:s22] =	ssyncset.done $0x0  }
0xa0: {  	[sflag:s22] =	ssyncadd.s32 s4;
	_ =	sdelay $0x1  }
0xa1: {  	s23 =	simm.s32 $0x1B8B  }
0xa2: {  	_ =	swait.ge [sflag:s23], $0x1  }
0xa3: {  	[sflag:s23] =	ssyncset.done $0x0  }
0xa4: {  	s25 =	simm.s32 $0x1B8E;
	s24 =	sld [smem:$0x3FFE];
	[sflag:s23] =	ssyncadd.s32 $0xFFFFFFFF  }
0xa5: {  	s26 =	simm.s32 $execute0_lowered;
	[smem:$0x3FD2] =	sst s25  }
0xa6: {  	s5 =	sshll.u32 s26, $0x1;
	_ =	strace $0x80000046;
	[dreg:$0x1] =	wrdreg $0xFFFFFFFF  }
0xa7: {  	s28 =	simm.s32 $_size_execute0_lowered;
	s3 =	sadd.s32 s3, s5;
	[dreg:$0x0] =	wrdreg $0x0  }
0xa8: {  	s5 =	sshll.u32 s28, $0x1;
	[dreg:$0x2] =	wrdreg s3  }
0xa9: {  	[dreg:$0x3] =	wrdreg s5  }
0xaa: {  	[dreg:$0x4] =	wrdreg $0xC0  }
0xab: {  	_ =	task [dreg:s7], $0x5FFFF  }
0xac: {  	[dreg:$0x1] =	wrdreg $0xFFFFFFFF  }
0xad: {  	[dreg:$0x0] =	wrdreg $0x60  }
0xae: {  	[dreg:$0x2] =	wrdreg s24  }
0xaf: {  	[dreg:$0x3] =	wrdreg s2  }
0xb0: {  	[dreg:$0x4] =	wrdreg $0x30000  }
0xb1: {  	[dreg:$0x5] =	wrdreg $0x9  }
0xb2: {  	_ =	task.clear_ibuf [dreg:s7], $0x6FFFF;
	_ =	strace $0x90000046  }
0xb3: {  	s29 =	simm.s32 $0x9;
	_ =	strace $0x80000048  }
0xb4: {  	_ =	swait.ge [sflag:s29], $0x1  }
0xb5: {  	[sflag:s29] =	ssyncadd.s32 $0xFFFFFFFF  }
0xb6: {  	_ =	strace $0x90000048  }
0xb7: {  	_ =	sfence  }
0xb8: {  	s30 =	sld [smem:$0x0];
	_ =	sdelay $0x2  }
0xb9: {  	s31 =	sshll.u32 s1, $0xD;
	s1 =	sshrl.u32 s1, $0x2  }
0xba: {  	s3 =	sand.u32 $0x4000, s31;
	s1 =	sadd.s32 s1, s30  }
0xbb: {  	s0 =	sor.u32 s3, s0;
	s1 =	sshll.u32 s1, $0x11  }
0xbc: {  	s0 =	sor.u32 s1, s0  }
0xbd: {  	s0 =	sadd.s32 $0x8F2B, s0  }
0xbe: {  	[sflag:s0] =	ssyncadd.remote.s32 $0x1  }
0xbf: {  	_ =	sfence.sel $0xFFFF  }
0xc0: {  	[dreg:$0x0] =	wrdreg $0xFFFFFFFF;
	(pc) =	sbr.abs _section_cstart, $3  }
0xc1: {  	[dreg:$0x1] =	wrdreg $0xFFFFFFFF  }
0xc2: {  	_ =	task.clear_ibuf [dreg:s7], $0x2FFFF;
	_ =	strace $0x9FFFFFFF  }
0xc3: {  	(tm) =	ssettm $0x7FFFFFFF  }
tec
execute0_lowered:
.L_overlay_start_1:
0x0: {  	(tag) =	ssettag $0x1  }
0x1: {  	s5 =	rddreg [dreg:$0x0]  }
0x2: {  	s7 =	rddreg [dreg:$0x1]  }
0x3: {  	s0 =	stileid.u32;
	s2 =	rddreg [dreg:$0x2]  }
0x4: {  	s1 =	rddreg [dreg:$0x3];
	s3 =	simm.s32 $0x0;
	s4 =	srdreg.scid  }
0x5: {  	s14 =	simm.s32 $0x2;
	s15 =	simm.s32 $0x3;
	s16 =	simm.s32 $0x4  }
0x6: {  	s17 =	simm.s32 $0x5;
	s18 =	simm.s32 $0x6;
	s19 =	simm.s32 $0x7  }
0x7: {  	s20 =	simm.s32 $0x8;
	s6 =	smul.u32 $0x2780, s0;
	[smem:$0x7FF] =	sst s3  }
0x8: {  	s9 =	sand.u32 $0x1, s4;
	s12 =	sshll.u32 s0, $0x1;
	s4 =	sadd.s32 $0xCC00, s5  }
0x9: {  	s31 =	sshll.u32 s0, $0x6;
	_ =	strace $0x80000047;
	s10 =	smul.u32 $0x4F00, s9  }
0xa: {  	s11 =	ssub.s32 $0x2, s9;
	s9 =	sor.u32 s9, s12;
	s12 =	simm.s32 $0x80  }
0xb: {  	s21 =	sshrl.u32 s6, $0x3;
	s13 =	sshrl.u32 s11, $0x1;
	s9 =	smul.u32 $0x500, s9  }
0xc: {  	s30 =	sadd.s32 s6, s2;
	s6 =	sor.u32 $0x1C09, s31;
	s8 =	sadd.s32 s21, s5  }
0xd: {  	s10 =	sadd.s32 s10, s5;
	s11 =	ssub.s32 s11, s13;
	s13 =	simm.s32 $0x1  }
0xe: {  	s5 =	sadd.s32 $0xCE00, s8;
	s7 =	sadd.s32 s7, s9;
	s22 =	sadd.s32 $0x11E00, s10  }
0xf: {  	s8 =	smax.u32 s11, $0x1;
	s9 =	sshrl.u32 s30, $0x3;
	s10 =	simm.s32 $0x9  }
0x10: {  	s11 =	simm.s32 $0x2800;
	s21 =	sadd.s32 s21, s22;
	s22 =	simm.s32 $0x0  }
.LBB2_1:
0x11: {  	[spmem:s9], [sflag:s6] =	dma.local [hbm:s5], $0x4F0  }
0x12: {  	_ =	swait.ge [sflag:s10], $0x4F0  }
0x13: {  	[sflag:s10] =	ssyncset.done $0x0  }
0x14: {  	[sflag:s10] =	ssyncadd.s32 $0xFFFFFB10  }
0x15: {  	[tilespmem:s11], [sflag:$0x9] =	stream.linear.gather [hbm4b:s4+s3], $0x800, $0x38;
	[tilespmem:$0x5780] =	vst v63  }
0x16: {  	_ =	swait.ge [sflag:s10], $0x800  }
0x17: {  	[sflag:s10] =	ssyncset.done $0x0  }
0x18: {  	[sflag:s10] =	ssyncadd.s32 $0xFFFFF800  }
0x19: {  	[tilespmem:s3], [sflag:$0x9] =	stream.linear.gather [hbm4b:s7+s3], $0x2800, $0x38;
	[tilespmem:$0x5780] =	vst v63  }
0x1a: {  	_ =	swait.ge [sflag:s10], $0x2800  }
0x1b: {  	[sflag:s10] =	ssyncset.done $0x0  }
0x1c: {  	[sflag:s10] =	ssyncadd.s32 $0xFFFFD800  }
0x1d: {  	s23 =	simm.s32 $0x0;
	[bflag:$0x0] =	sbarrier.arrive $0xFFFF  }
0x1e: {  	[spmem:s2] =	stream.indirect.scatter.add.f32 [tilespmem:s11], [sflag:$0x1], $0x10, s23, s12, $0xb8;
	[tilespmem:$0x5780] =	vst v63  }
0x1f: {  	s24 =	simm.s32 $0x80  }
0x20: {  	[spmem:s2] =	stream.indirect.scatter.add.f32 [tilespmem:s11], [sflag:$0x2], $0x10, s24, s12, $0xb8;
	[tilespmem:$0x5780] =	vst v63  }
0x21: {  	s25 =	simm.s32 $0x100  }
0x22: {  	[spmem:s2] =	stream.indirect.scatter.add.f32 [tilespmem:s11], [sflag:$0x3], $0x10, s25, s12, $0xb8;
	[tilespmem:$0x5780] =	vst v63  }
0x23: {  	s26 =	simm.s32 $0x180  }
0x24: {  	[spmem:s2] =	stream.indirect.scatter.add.f32 [tilespmem:s11], [sflag:$0x4], $0x10, s26, s12, $0xb8;
	[tilespmem:$0x5780] =	vst v63  }
0x25: {  	s28 =	simm.s32 $0x200  }
0x26: {  	[spmem:s2] =	stream.indirect.scatter.add.f32 [tilespmem:s11], [sflag:$0x5], $0x10, s28, s12, $0xb8;
	[tilespmem:$0x5780] =	vst v63  }
0x27: {  	s29 =	simm.s32 $0x280  }
0x28: {  	[spmem:s2] =	stream.indirect.scatter.add.f32 [tilespmem:s11], [sflag:$0x6], $0x10, s29, s12, $0xb8;
	[tilespmem:$0x5780] =	vst v63  }
0x29: {  	s30 =	simm.s32 $0x300  }
0x2a: {  	[spmem:s2] =	stream.indirect.scatter.add.f32 [tilespmem:s11], [sflag:$0x7], $0x10, s30, s12, $0xb8;
	[tilespmem:$0x5780] =	vst v63  }
0x2b: {  	s31 =	simm.s32 $0x380  }
0x2c: {  	[spmem:s2] =	stream.indirect.scatter.add.f32 [tilespmem:s11], [sflag:$0x8], $0x10, s31, s12, $0xb8;
	[tilespmem:$0x5780] =	vst v63  }
0x2d: {  	_ =	swait.ge [sflag:s13], $0x800  }
0x2e: {  	[sflag:s13] =	ssyncset.done $0x0  }
0x2f: {  	[sflag:s13] =	ssyncadd.s32 $0xFFFFF800  }
0x30: {  	_ =	swait.ge [sflag:s14], $0x800  }
0x31: {  	[sflag:s14] =	ssyncset.done $0x0  }
0x32: {  	[sflag:s14] =	ssyncadd.s32 $0xFFFFF800  }
0x33: {  	_ =	swait.ge [sflag:s15], $0x800  }
0x34: {  	[sflag:s15] =	ssyncset.done $0x0  }
0x35: {  	[sflag:s15] =	ssyncadd.s32 $0xFFFFF800  }
0x36: {  	_ =	swait.ge [sflag:s16], $0x800  }
0x37: {  	[sflag:s16] =	ssyncset.done $0x0  }
0x38: {  	[sflag:s16] =	ssyncadd.s32 $0xFFFFF800  }
0x39: {  	_ =	swait.ge [sflag:s17], $0x800  }
0x3a: {  	[sflag:s17] =	ssyncset.done $0x0  }
0x3b: {  	[sflag:s17] =	ssyncadd.s32 $0xFFFFF800  }
0x3c: {  	_ =	swait.ge [sflag:s18], $0x800  }
0x3d: {  	[sflag:s18] =	ssyncset.done $0x0  }
0x3e: {  	[sflag:s18] =	ssyncadd.s32 $0xFFFFF800  }
0x3f: {  	_ =	swait.ge [sflag:s19], $0x800  }
0x40: {  	[sflag:s19] =	ssyncset.done $0x0  }
0x41: {  	[sflag:s19] =	ssyncadd.s32 $0xFFFFF800  }
0x42: {  	_ =	swait.ge [sflag:s20], $0x800  }
0x43: {  	s23 =	simm.s32 $0x1000;
	s25 =	simm.s32 $0x2000;
	[sflag:s20] =	ssyncset.done $0x0  }
.LBB2_2:
0x44: {  	s26 =	sshra.s32 s23, $0x2  }
0x45: {  	[sflag:s20] =	ssyncadd.s32 $0xFFFFF800;
	s23 =	smov.u32 s25;
	s24 =	sadd.s32 $0x1000, s25  }
0x46: {  	[spmem:s2] =	stream.indirect.scatter.add.f32 [tilespmem:s11], [sflag:$0x1], $0x10, s26, s12, $0xb8;
	[tilespmem:$0x5780] =	vst v63  }
0x47: {  	p0 =	sne.s32 s25, $0x9000;
	s25 =	sadd.s32 $0x80, s26  }
0x48: {  	[spmem:s2] =	stream.indirect.scatter.add.f32 [tilespmem:s11], [sflag:$0x2], $0x10, s25, s12, $0xb8;
	[tilespmem:$0x5780] =	vst v63  }
0x49: {  	s25 =	sadd.s32 $0x100, s26  }
0x4a: {  	[spmem:s2] =	stream.indirect.scatter.add.f32 [tilespmem:s11], [sflag:$0x3], $0x10, s25, s12, $0xb8;
	[tilespmem:$0x5780] =	vst v63  }
0x4b: {  	s25 =	sadd.s32 $0x180, s26  }
0x4c: {  	[spmem:s2] =	stream.indirect.scatter.add.f32 [tilespmem:s11], [sflag:$0x4], $0x10, s25, s12, $0xb8;
	[tilespmem:$0x5780] =	vst v63  }
0x4d: {  	s25 =	sadd.s32 $0x200, s26  }
0x4e: {  	[spmem:s2] =	stream.indirect.scatter.add.f32 [tilespmem:s11], [sflag:$0x5], $0x10, s25, s12, $0xb8;
	[tilespmem:$0x5780] =	vst v63  }
0x4f: {  	s25 =	sadd.s32 $0x280, s26  }
0x50: {  	[spmem:s2] =	stream.indirect.scatter.add.f32 [tilespmem:s11], [sflag:$0x6], $0x10, s25, s12, $0xb8;
	[tilespmem:$0x5780] =	vst v63  }
0x51: {  	s25 =	sadd.s32 $0x300, s26  }
0x52: {  	[spmem:s2] =	stream.indirect.scatter.add.f32 [tilespmem:s11], [sflag:$0x7], $0x10, s25, s12, $0xb8;
	[tilespmem:$0x5780] =	vst v63  }
0x53: {  	s25 =	sadd.s32 $0x380, s26  }
0x54: {  	[spmem:s2] =	stream.indirect.scatter.add.f32 [tilespmem:s11], [sflag:$0x8], $0x10, s25, s12, $0xb8;
	[tilespmem:$0x5780] =	vst v63  }
0x55: {  	_ =	swait.ge [sflag:s13], $0x800  }
0x56: {  	[sflag:s13] =	ssyncset.done $0x0  }
0x57: {  	[sflag:s13] =	ssyncadd.s32 $0xFFFFF800  }
0x58: {  	_ =	swait.ge [sflag:s14], $0x800  }
0x59: {  	[sflag:s14] =	ssyncset.done $0x0  }
0x5a: {  	[sflag:s14] =	ssyncadd.s32 $0xFFFFF800  }
0x5b: {  	_ =	swait.ge [sflag:s15], $0x800  }
0x5c: {  	[sflag:s15] =	ssyncset.done $0x0  }
0x5d: {  	[sflag:s15] =	ssyncadd.s32 $0xFFFFF800  }
0x5e: {  	_ =	swait.ge [sflag:s16], $0x800  }
0x5f: {  	[sflag:s16] =	ssyncset.done $0x0  }
0x60: {  	[sflag:s16] =	ssyncadd.s32 $0xFFFFF800  }
0x61: {  	_ =	swait.ge [sflag:s17], $0x800  }
0x62: {  	[sflag:s17] =	ssyncset.done $0x0  }
0x63: {  	[sflag:s17] =	ssyncadd.s32 $0xFFFFF800  }
0x64: {  	_ =	swait.ge [sflag:s18], $0x800  }
0x65: {  	[sflag:s18] =	ssyncset.done $0x0  }
0x66: {  	[sflag:s18] =	ssyncadd.s32 $0xFFFFF800  }
.Ltmp0:
0x67: {  	_ =	swait.ge [sflag:s19], $0x800;
	(pc) =	sbr.rel @p0 .LBB2_2-.Ltmp0, $4  }
0x68: {  	[sflag:s19] =	ssyncset.done $0x0  }
0x69: {  	[sflag:s19] =	ssyncadd.s32 $0xFFFFF800  }
0x6a: {  	_ =	swait.ge [sflag:s20], $0x800  }
0x6b: {  	s25 =	smov.u32 s24;
	[sflag:s20] =	ssyncset.done $0x0  }
0x6c: {  	s23 =	sshra.s32 s23, $0x2;
	[sflag:s20] =	ssyncadd.s32 $0xFFFFF800  }
0x6d: {  	[spmem:s2] =	stream.indirect.scatter.add.f32 [tilespmem:s11], [sflag:$0x1], $0x10, s23, s12, $0xb8;
	[tilespmem:$0x5780] =	vst v63  }
0x6e: {  	s24 =	sadd.s32 $0x80, s23  }
0x6f: {  	[spmem:s2] =	stream.indirect.scatter.add.f32 [tilespmem:s11], [sflag:$0x2], $0x10, s24, s12, $0xb8;
	[tilespmem:$0x5780] =	vst v63  }
0x70: {  	s26 =	sadd.s32 $0x100, s23  }
0x71: {  	[spmem:s2] =	stream.indirect.scatter.add.f32 [tilespmem:s11], [sflag:$0x3], $0x10, s26, s12, $0xb8;
	[tilespmem:$0x5780] =	vst v63  }
0x72: {  	s28 =	sadd.s32 $0x180, s23  }
0x73: {  	[spmem:s2] =	stream.indirect.scatter.add.f32 [tilespmem:s11], [sflag:$0x4], $0x10, s28, s12, $0xb8;
	[tilespmem:$0x5780] =	vst v63  }
0x74: {  	s29 =	sadd.s32 $0x200, s23  }
0x75: {  	[spmem:s2] =	stream.indirect.scatter.add.f32 [tilespmem:s11], [sflag:$0x5], $0x10, s29, s12, $0xb8;
	[tilespmem:$0x5780] =	vst v63  }
0x76: {  	s30 =	sadd.s32 $0x280, s23  }
0x77: {  	[spmem:s2] =	stream.indirect.scatter.add.f32 [tilespmem:s11], [sflag:$0x6], $0x10, s30, s12, $0xb8;
	[tilespmem:$0x5780] =	vst v63  }
0x78: {  	s31 =	sadd.s32 $0x300, s23  }
0x79: {  	[spmem:s2] =	stream.indirect.scatter.add.f32 [tilespmem:s11], [sflag:$0x7], $0x10, s31, s12, $0xb8;
	[tilespmem:$0x5780] =	vst v63  }
0x7a: {  	s23 =	sadd.s32 $0x380, s23  }
0x7b: {  	[spmem:s2] =	stream.indirect.scatter.add.f32 [tilespmem:s11], [sflag:$0x8], $0x10, s23, s12, $0xb8;
	[tilespmem:$0x5780] =	vst v63  }
0x7c: {  	_ =	swait.ge [sflag:s13], $0x800  }
0x7d: {  	[sflag:s13] =	ssyncset.done $0x0  }
0x7e: {  	[sflag:s13] =	ssyncadd.s32 $0xFFFFF800  }
0x7f: {  	_ =	swait.ge [sflag:s14], $0x800  }
0x80: {  	[sflag:s14] =	ssyncset.done $0x0  }
0x81: {  	[sflag:s14] =	ssyncadd.s32 $0xFFFFF800  }
0x82: {  	_ =	swait.ge [sflag:s15], $0x800  }
0x83: {  	[sflag:s15] =	ssyncset.done $0x0  }
0x84: {  	[sflag:s15] =	ssyncadd.s32 $0xFFFFF800  }
0x85: {  	_ =	swait.ge [sflag:s16], $0x800  }
0x86: {  	[sflag:s16] =	ssyncset.done $0x0  }
0x87: {  	[sflag:s16] =	ssyncadd.s32 $0xFFFFF800  }
0x88: {  	_ =	swait.ge [sflag:s17], $0x800  }
0x89: {  	[sflag:s17] =	ssyncset.done $0x0  }
0x8a: {  	[sflag:s17] =	ssyncadd.s32 $0xFFFFF800  }
0x8b: {  	_ =	swait.ge [sflag:s18], $0x800  }
0x8c: {  	[sflag:s18] =	ssyncset.done $0x0  }
0x8d: {  	[sflag:s18] =	ssyncadd.s32 $0xFFFFF800  }
0x8e: {  	_ =	swait.ge [sflag:s19], $0x800  }
0x8f: {  	[sflag:s19] =	ssyncset.done $0x0  }
0x90: {  	[sflag:s19] =	ssyncadd.s32 $0xFFFFF800  }
0x91: {  	_ =	swait.ge [sflag:s20], $0x800  }
0x92: {  	s22 =	sadd.s32 $0x1, s22;
	[sflag:s20] =	ssyncset.done $0x0  }
0x93: {  	p0 =	sne.s32 s22, s8;
	[sflag:s20] =	ssyncadd.s32 $0xFFFFF800  }
.Ltmp1:
0x94: {  	[bflag:$0x0] =	sbarrier.arrive $0xFFFF;
	(pc) =	sbr.rel @p0 .LBB2_1-.Ltmp1, $4  }
0x95: {  	[hbm:s21], [sflag:s6] =	dma.local [spmem:s9], $0x4F0  }
0x96: {  	_ =	swait.ge [sflag:s10], $0x4F0  }
0x97: {  	[sflag:s10] =	ssyncset.done $0x0  }
0x98: {  	[sflag:s10] =	ssyncadd.s32 $0xFFFFFB10  }
0x99: {  	_ =	sfence.sel $0x180000  }
0x9a: {  	[bflag:$0x0] =	sbarrier.arrive $0xFFFF  }
0x9b: {  	p0 =	sne.s32 s0, $0x0;
	_ =	strace $0x90000047  }
0x9c: {  	s0 =	sadd.s32 @!p0 $0x100000, s1;
	[bflag:$0x2] =	sbarrier.arrive $0xFFFF  }
0x9d: {  	[sflag:s0] =	ssyncadd.tile.s32 @!p0 $0x1;
	_ =	shalt  }
.Lfunc_end2:
_tile_overlayer_lowered:
.L_overlay_start_2:
0x9e: {  	(tag) =	ssettag $0x2  }
0x9f: {  	s0 =	rddreg [dreg:$0x0];
	s2 =	stileid.u32  }
0xa0: {  	s1 =	rddreg [dreg:$0x1];
	p0 =	sne.s32 s2, $0x0  }
0xa1: {  	s3 =	rddreg [dreg:$0x2];
	[bflag:$0x3] =	sbarrier.arrive $0xFFFF;
	s2 =	simm.s32 @!p0 $0x1C09  }
0xa2: {  	[timem:s3], [sflag:s2] =	dma.local @!p0 [hbm:s0], s1  }
0xa3: {  	s0 =	simm.s32 @!p0 $0x9  }
0xa4: {  	_ =	swait.ge @!p0 [sflag:s0], s1  }
0xa5: {  	s1 =	ssub.s32 @!p0 $0x0, s1;
	[sflag:s0] =	ssyncset.done @!p0 $0x0  }
0xa6: {  	[sflag:s0] =	ssyncadd.s32 @!p0 s1  }
0xa7: {  	[bflag:$0x3] =	sbarrier.arrive $0xFFFF  }
0xa8: {  	_ =	shalt  }

// kernel: kernel.13.cloned.1.call-start
scs
__scs_entry_jumppad:
0x0: {  	(pc) =	sbr.rel $0x88, $3  }
0x1: {  	(tag) =	ssettag $0x0;
	lr =	simm.s32 $0x1  }
0x2: {  	[smem:$0x3F93] =	sst lr;
	_ =	strace $0xD0000000  }
0x3: {  	_ = 	snop  }
0x4: {  	_ = 	snop  }
0x5: {  	_ = 	snop  }
0x6: {  	_ = 	snop  }
0x7: {  	_ = 	snop  }
__scs_overlays_trampoline_lowered:
0x8: {  	[smem:$0x3FA2] =	sst s0  }
0x9: {  	[smem:$0x3FA3] =	sst s1  }
0xa: {  	[smem:$0x3FA4] =	sst s2  }
0xb: {  	[smem:$0x3FA5] =	sst s3  }
0xc: {  	[smem:$0x3FA6] =	sst s4  }
0xd: {  	[smem:$0x3FA7] =	sst s5  }
0xe: {  	[smem:$0x3FA8] =	sst s6  }
0xf: {  	[smem:$0x3FA9] =	sst s7  }
0x10: {  	[smem:$0x3FAA] =	sst s8  }
0x11: {  	[smem:$0x3FAB] =	sst s9;
	s0 =	simm.s32 @!p0 $0x0  }
0x12: {  	s1 =	sld [smem:$0x3F91];
	s0 =	simm.s32 @p0 $0x1  }
0x13: {  	[smem:$0x3FAC] =	sst s0;
	s0 =	simm.s32 @!p1 $0x0  }
0x14: {  	s2 =	sld [smem:$0x3F90];
	s0 =	simm.s32 @p1 $0x1  }
0x15: {  	[smem:$0x3FAD] =	sst s0;
	s0 =	simm.s32 @!p2 $0x0  }
0x16: {  	s3 =	sld [smem:$0x3FDB];
	s0 =	simm.s32 @p2 $0x1  }
0x17: {  	s4 =	simm.s32 $0x1BF5;
	[smem:$0x3FAF] =	sst s0  }
0x18: {  	s0 =	sld [smem:$0x3F92];
	_ =	swait.ge [sflag:s4], $0x0  }
0x19: {  	s7 =	sld [smem:$0x3F93]  }
0x1a: {  	s8 =	sadd.s32 $0xFFFFE003, lr  }
0x1b: {  	s9 =	sadd.s32 $0xFFFFFEF7, lr;
	s5 =	simm.s32 $0xFFFFFFFF;
	p2 =	slt.u32 s8, $0xFFFFF086  }
0x1c: {  	p1 =	slt.u32 s9, $0xF7A;
	s5 =	simm.s32 @!p2 $0x0  }
0x1d: {  	s5 =	simm.s32 @p1 $0x1;
	p0 =	seq.s32 s7, s2  }
0x1e: {  	s7 =	smul.u32 @!p0 $0xF7A, s2;
	p2 =	seq.s32 @!p0 s5, $0x0  }
0x1f: {  	s9 =	smul.u32 $0xF7A, s1;
	s8 =	simm.s32 @!p0 $0x1BF5;
	p2 =	por !p2, p0  }
0x20: {  	[sflag:s8] =	ssyncset.s32 @!p0 $0xFFFFF086;
	s6 =	sadd.s32 @!p0 s3, s7;
	s7 =	simm.s32 @!p0 $0x108  }
0x21: {  	s3 =	sadd.s32 s3, s9;
	s6 =	sadd.s32 @!p0 $0x88, s6;
	s7 =	simm.s32 @p2 $0x1082  }
0x22: {  	[simem:s7], [sflag:s8] =	dma.local @!p0 [hbm:s6], $0xF7A  }
0x23: {  	s9 =	sor.u32 $0xD0000000, s2;
	s6 =	simm.s32 $0x108;
	_ =	swait.ge @!p0 [sflag:s8], $0x0  }
0x24: {  	s3 =	sadd.s32 $0x88, s3;
	s6 =	simm.s32 @!p1 $0x1082;
	[sflag:s4] =	ssyncset.s32 $0xFFFFF086  }
0x25: {  	[simem:s6], [sflag:s4] =	dma.local [hbm:s3], $0xF7A  }
0x26: {  	[smem:$0x3F93] =	sst s1;
	(tag) =	ssettag s2;
	_ =	strace s9  }
0x27: {  	s1 =	sld [smem:$0x3FA3]  }
0x28: {  	s2 =	sld [smem:$0x3FA4]  }
0x29: {  	s4 =	sld [smem:$0x3FA6]  }
0x2a: {  	p0 =	seq.s32 s5, $0x0;
	s5 =	sld [smem:$0x3FA7]  }
0x2b: {  	s6 =	sld [smem:$0x3FA8]  }
0x2c: {  	s7 =	sld [smem:$0x3FA9]  }
0x2d: {  	s3 =	simm.s32 $0x108;
	s8 =	sld [smem:$0x3FAA]  }
0x2e: {  	s3 =	simm.s32 @!p0 $0x1082;
	s9 =	sld [smem:$0x3FAB]  }
0x2f: {  	lr =	sadd.s32 s0, s3;
	s0 =	sld [smem:$0x3FA2]  }
0x30: {  	s3 =	sld [smem:$0x3FA5]  }
0x31: {  	[smem:$0x3FAE] =	sst s10  }
0x32: {  	s10 =	sld [smem:$0x3FAC];
	_ =	sdelay $0x3  }
0x33: {  	p0 =	seq.s32 s10, $0x1;
	s10 =	sld [smem:$0x3FAE];
	_ =	sdelay $0x3  }
0x34: {  	[smem:$0x3FAE] =	sst s10  }
0x35: {  	s10 =	sld [smem:$0x3FAD];
	_ =	sdelay $0x3  }
0x36: {  	p1 =	seq.s32 s10, $0x1;
	s10 =	sld [smem:$0x3FAE];
	_ =	sdelay $0x3  }
0x37: {  	[smem:$0x3FAE] =	sst s10  }
0x38: {  	s10 =	sld [smem:$0x3FAF]  }
0x39: {  	_ = 	snop;
	(pc) =	sbr.ind lr, $3  }
0x3a: {  	_ = 	snop  }
0x3b: {  	_ = 	snop  }
0x3c: {  	p2 =	seq.s32 s10, $0x1;
	s10 =	sld [smem:$0x3FAE]  }
0x3d: {  	_ =	shalt  }
0x3e: {  	_ =	shalt  }
0x3f: {  	_ =	shalt  }
0x40: {  	_ =	shalt  }
0x41: {  	_ =	shalt  }
0x42: {  	_ =	shalt  }
0x43: {  	_ =	shalt  }
0x44: {  	_ =	shalt  }
0x45: {  	_ =	shalt  }
0x46: {  	_ =	shalt  }
0x47: {  	_ =	shalt  }
0x48: {  	_ =	shalt  }
0x49: {  	_ =	shalt  }
0x4a: {  	_ =	shalt  }
0x4b: {  	_ =	shalt  }
0x4c: {  	_ =	shalt  }
0x4d: {  	_ =	shalt  }
0x4e: {  	_ =	shalt  }
0x4f: {  	_ =	shalt  }
0x50: {  	_ =	shalt  }
0x51: {  	_ =	shalt  }
0x52: {  	_ =	shalt  }
0x53: {  	_ =	shalt  }
0x54: {  	_ =	shalt  }
0x55: {  	_ =	shalt  }
0x56: {  	_ =	shalt  }
0x57: {  	_ =	shalt  }
0x58: {  	_ =	shalt  }
0x59: {  	_ =	shalt  }
0x5a: {  	_ =	shalt  }
0x5b: {  	_ =	shalt  }
0x5c: {  	_ =	shalt  }
0x5d: {  	_ =	shalt  }
0x5e: {  	_ =	shalt  }
0x5f: {  	_ =	shalt  }
0x60: {  	_ =	shalt  }
0x61: {  	_ =	shalt  }
0x62: {  	_ =	shalt  }
0x63: {  	_ =	shalt  }
0x64: {  	_ =	shalt  }
0x65: {  	_ =	shalt  }
0x66: {  	_ =	shalt  }
0x67: {  	_ =	shalt  }
0x68: {  	_ =	shalt  }
0x69: {  	_ =	shalt  }
0x6a: {  	_ =	shalt  }
0x6b: {  	_ =	shalt  }
0x6c: {  	_ =	shalt  }
0x6d: {  	_ =	shalt  }
0x6e: {  	_ =	shalt  }
0x6f: {  	_ =	shalt  }
0x70: {  	_ =	shalt  }
0x71: {  	_ =	shalt  }
0x72: {  	_ =	shalt  }
0x73: {  	_ =	shalt  }
0x74: {  	_ =	shalt  }
0x75: {  	_ =	shalt  }
0x76: {  	_ =	shalt  }
0x77: {  	_ =	shalt  }
0x78: {  	_ =	shalt  }
0x79: {  	_ =	shalt  }
0x7a: {  	_ =	shalt  }
0x7b: {  	_ =	shalt  }
0x7c: {  	_ =	shalt  }
0x7d: {  	_ =	shalt  }
0x7e: {  	_ =	shalt  }
0x7f: {  	_ =	shalt  }
0x80: {  	_ =	shalt  }
0x81: {  	_ =	shalt  }
0x82: {  	_ =	shalt  }
0x83: {  	_ =	shalt  }
0x84: {  	_ =	shalt  }
0x85: {  	_ =	shalt  }
0x86: {  	_ =	shalt  }
0x87: {  	_ =	shalt  }
.Lfunc_end0:
.L_simem_size_0:
called_computation.1_lowered:
.L_overlay_start_0:
0x88: {  	s2 =	sld [smem:$0x3FD9]  }
0x89: {  	s3 =	sld [smem:$0x3FFE];
	_ =	sdelay $0x1  }
0x8a: {  	s1 =	srdreg.scid  }
0x8b: {  	s0 =	sand.u32 $0x1, s1  }
0x8c: {  	s17 =	sshll.u32 s0, $0xA;
	s2 =	sadd.s32 s3, s2  }
0x8d: {  	s2 =	sadd.s32 s2, s17  }
0x8e: {  	[smem:$0x3FBA] =	sst s2  }
0x8f: {  	_ = 	snop  }
0x90: {  	s2 =	sld [smem:$0x3FD0];
	(tm) =	ssettm $0x1  }
0x91: {  	s18 =	sld [smem:$0x3FFB];
	_ =	sdelay $0x3  }
0x92: {  	_ =	strace s18  }
0x93: {  	s3 =	sld [smem:$0x3FFC];
	_ =	sdelay $0x3  }
0x94: {  	_ =	strace s3  }
0x95: {  	s3 =	sld [smem:$0x3FFD];
	_ =	sdelay $0x3  }
0x96: {  	_ =	strace s3  }
0x97: {  	_ =	strace $0x8FFFFFFF  }
0x98: {  	s19 =	sld [smem:$0x3FDB];
	_ =	sdelay $0x1  }
0x99: {  	s4 =	simm.s32 $_scs_section_size  }
0x9a: {  	s5 =	simm.s32 $_size__tile_overlayer_lowered;
	s6 =	simm.s32 $_tile_overlayer_lowered  }
0x9b: {  	s22 =	simm.s32 $0x1BFF;
	s21 =	sshll.u32 s6, $0x1;
	s3 =	sadd.s32 s4, s19  }
0x9c: {  	s7 =	simm.s32 $0x0;
	s20 =	sshll.u32 s5, $0x1;
	s5 =	sadd.s32 s21, s3  }
0x9d: {  	[timem:s7], [sflag:s22] =	dma.local [hbm:s5], s20  }
0x9e: {  	_ =	swait.ge [sflag:s22], s20  }
0x9f: {  	s4 =	ssub.s32 $0x0, s20;
	[sflag:s22] =	ssyncset.done $0x0  }
0xa0: {  	[sflag:s22] =	ssyncadd.s32 s4;
	_ =	sdelay $0x1  }
0xa1: {  	s23 =	simm.s32 $0x1B8B  }
0xa2: {  	_ =	swait.ge [sflag:s23], $0x1  }
0xa3: {  	[sflag:s23] =	ssyncset.done $0x0  }
0xa4: {  	s25 =	simm.s32 $0x1B8E;
	s24 =	sld [smem:$0x3FFE];
	[sflag:s23] =	ssyncadd.s32 $0xFFFFFFFF  }
0xa5: {  	s26 =	simm.s32 $execute0_lowered;
	[smem:$0x3FD2] =	sst s25  }
0xa6: {  	s5 =	sshll.u32 s26, $0x1;
	_ =	strace $0x80000049;
	[dreg:$0x1] =	wrdreg $0xFFFFFFFF  }
0xa7: {  	s28 =	simm.s32 $_size_execute0_lowered;
	s3 =	sadd.s32 s3, s5;
	[dreg:$0x0] =	wrdreg $0x0  }
0xa8: {  	s5 =	sshll.u32 s28, $0x1;
	[dreg:$0x2] =	wrdreg s3  }
0xa9: {  	[dreg:$0x3] =	wrdreg s5  }
0xaa: {  	[dreg:$0x4] =	wrdreg $0xC0  }
0xab: {  	_ =	task [dreg:s7], $0x5FFFF  }
0xac: {  	[dreg:$0x1] =	wrdreg $0xFFFFFFFF  }
0xad: {  	[dreg:$0x0] =	wrdreg $0x60  }
0xae: {  	[dreg:$0x2] =	wrdreg s24  }
0xaf: {  	[dreg:$0x3] =	wrdreg s2  }
0xb0: {  	[dreg:$0x4] =	wrdreg $0x90000  }
0xb1: {  	[dreg:$0x5] =	wrdreg $0x9  }
0xb2: {  	_ =	task.clear_ibuf [dreg:s7], $0x6FFFF;
	_ =	strace $0x90000049  }
0xb3: {  	s29 =	simm.s32 $0x9;
	_ =	strace $0x8000004B  }
0xb4: {  	_ =	swait.ge [sflag:s29], $0x1  }
0xb5: {  	[sflag:s29] =	ssyncadd.s32 $0xFFFFFFFF  }
0xb6: {  	_ =	strace $0x9000004B  }
0xb7: {  	_ =	sfence  }
0xb8: {  	s30 =	sld [smem:$0x0];
	_ =	sdelay $0x2  }
0xb9: {  	s31 =	sshll.u32 s1, $0xD;
	s1 =	sshrl.u32 s1, $0x2  }
0xba: {  	s3 =	sand.u32 $0x4000, s31;
	s1 =	sadd.s32 s1, s30  }
0xbb: {  	s0 =	sor.u32 s3, s0;
	s1 =	sshll.u32 s1, $0x11  }
0xbc: {  	s0 =	sor.u32 s1, s0  }
0xbd: {  	s0 =	sadd.s32 $0x8F2B, s0  }
0xbe: {  	[sflag:s0] =	ssyncadd.remote.s32 $0x1  }
0xbf: {  	_ =	sfence.sel $0xFFFF  }
0xc0: {  	[dreg:$0x0] =	wrdreg $0xFFFFFFFF;
	(pc) =	sbr.abs _section_cstart, $3  }
0xc1: {  	[dreg:$0x1] =	wrdreg $0xFFFFFFFF  }
0xc2: {  	_ =	task.clear_ibuf [dreg:s7], $0x2FFFF;
	_ =	strace $0x9FFFFFFF  }
0xc3: {  	(tm) =	ssettm $0x7FFFFFFF  }
tec
execute0_lowered:
.L_overlay_start_1:
0x0: {  	(tag) =	ssettag $0x1  }
0x1: {  	s0 =	rddreg [dreg:$0x0]  }
0x2: {  	s1 =	rddreg [dreg:$0x1];
	s3 =	srdreg.scid  }
0x3: {  	s11 =	stileid.u32;
	s2 =	rddreg [dreg:$0x2];
	s21 =	simm.s32 $0x0  }
0x4: {  	s13 =	simm.s32 $0x80;
	s14 =	simm.s32 $0x5000;
	s15 =	simm.s32 $0x5800  }
0x5: {  	s17 =	simm.s32 $0x6000;
	s19 =	simm.s32 $0x6800;
	s29 =	simm.s32 $0x8800  }
0x6: {  	s30 =	simm.s32 $0x1;
	s31 =	simm.s32 $0x2;
	s12 =	simm.s32 $0x9  }
0x7: {  	s16 =	simm.s32 $0x5;
	s18 =	simm.s32 $0x6;
	s20 =	simm.s32 $0x7  }
0x8: {  	s28 =	simm.s32 $0xE;
	s4 =	sand.u32 $0x1, s3;
	s5 =	sshll.u32 s11, $0x1  }
0x9: {  	[smem:$0x7FF] =	sst s21;
	s9 =	smul.u32 $0x2780, s11;
	s23 =	sshll.u32 s11, $0x6  }
0xa: {  	s11 =	simm.s32 $0x11;
	s21 =	simm.s32 $0x7000;
	s5 =	sor.u32 s4, s5  }
0xb: {  	_ =	strace $0x8000004A;
	s6 =	smul.u32 $0x4F00, s4;
	s7 =	ssub.s32 $0x2, s4  }
0xc: {  	s4 =	sadd.s32 $0xCC00, s0;
	s5 =	smul.u32 $0x500, s5;
	s8 =	sshrl.u32 s7, $0x1  }
0xd: {  	s22 =	sadd.s32 s9, s2;
	s9 =	sshrl.u32 s9, $0x3;
	s7 =	ssub.s32 s7, s8  }
0xe: {  	s24 =	sadd.s32 s4, s9;
	s8 =	simm.s32 $0x0;
	s10 =	sadd.s32 s5, s0  }
0xf: {  	s0 =	sadd.s32 s6, s0;
	[dreg:$0x4] =	wrdreg s24;
	s6 =	sor.u32 $0x1C11, s23  }
0x10: {  	s1 =	sadd.s32 s1, s5;
	s26 =	smax.u32 s7, $0x1;
	s23 =	simm.s32 $0x7800  }
0x11: {  	s5 =	simm.s32 $0xF;
	s7 =	simm.s32 $0x10;
	[dreg:$0x7] =	wrdreg s1  }
.Ltmp0:
0x12: {  	s25 =	sadd.s32 $0x2C00, s10;
	[dreg:$0x8] =	wrdreg s26;
	(pc) =	sbr.rel .LBB2_1-.Ltmp0, $4  }
0x13: {  	s0 =	sadd.s32 $0x11C00, s0;
	s10 =	sshrl.u32 s22, $0x3;
	[dreg:$0x5] =	wrdreg s6  }
0x14: {  	s26 =	simm.s32 $0x8000;
	s1 =	simm.s32 $0x3;
	[dreg:$0x6] =	wrdreg s25  }
0x15: {  	s22 =	simm.s32 $0x8;
	s0 =	sadd.s32 s9, s0;
	[dreg:$0x9] =	wrdreg s10  }
0x16: {  	s25 =	simm.s32 $0xD;
	[dreg:$0xa] =	wrdreg s0;
	s0 =	simm.s32 $0x4  }
.LBB2_4:
0x17: {  	_ =	swait.ge [sflag:s28], $0x800  }
0x18: {  	[sflag:s28] =	ssyncset.done $0x0  }
0x19: {  	[sflag:s28] =	ssyncadd.s32 $0xFFFFF800  }
0x1a: {  	_ =	swait.ge [sflag:s5], $0x800  }
0x1b: {  	[sflag:s5] =	ssyncset.done $0x0  }
0x1c: {  	[sflag:s5] =	ssyncadd.s32 $0xFFFFF800  }
0x1d: {  	_ =	swait.ge [sflag:s7], $0x800  }
0x1e: {  	[sflag:s7] =	ssyncset.done $0x0  }
0x1f: {  	[sflag:s7] =	ssyncadd.s32 $0xFFFFF800  }
0x20: {  	[bflag:$0x0] =	sbarrier.arrive $0xFFFF  }
0x21: {  	s6 =	rddreg [dreg:$0x5]  }
0x22: {  	s10 =	rddreg [dreg:$0x9]  }
0x23: {  	s11 =	simm.s32 $0x11;
	s3 =	rddreg [dreg:$0xa]  }
0x24: {  	[hbm:s3], [sflag:s6] =	dma.local [spmem:s10], $0x4F0  }
0x25: {  	_ =	swait.ge [sflag:s11], $0x4F0  }
0x26: {  	s8 =	sadd.s32 $0x1, s8;
	s24 =	rddreg [dreg:$0x8]  }
0x27: {  	p0 =	sne.s32 s8, s24  }
.Ltmp1:
0x28: {  	_ = 	snop;
	(pc) =	sbr.rel @!p0 .LBB2_5-.Ltmp1, $3  }
0x29: {  	_ =	sdelay $0x1  }
0x2a: {  	[sflag:s11] =	ssyncset.done $0x0  }
0x2b: {  	[sflag:s11] =	ssyncadd.s32 $0xFFFFFB10  }
.LBB2_1:
0x2c: {  	s3 =	rddreg [dreg:$0x4]  }
0x2d: {  	[spmem:s10], [sflag:s6] =	dma.local [hbm:s3], $0x4F0  }
0x2e: {  	_ =	swait.ge [sflag:s11], $0x4F0  }
0x2f: {  	[sflag:s11] =	ssyncset.done $0x0  }
0x30: {  	s24 =	simm.s32 $0x0;
	s9 =	rddreg [dreg:$0x6];
	[sflag:s11] =	ssyncadd.s32 $0xFFFFFB10  }
0x31: {  	[tilespmem:s24], [sflag:$0x11] =	stream.linear.gather [hbm4b:s9+s24], $0x2800, $0x38;
	[tilespmem:$0xB780] =	vst v63  }
0x32: {  	_ =	swait.ge [sflag:s11], $0x2800  }
0x33: {  	[sflag:s11] =	ssyncset.done $0x0  }
0x34: {  	s9 =	simm.s32 $0x2800;
	s10 =	rddreg [dreg:$0x7];
	[sflag:s11] =	ssyncadd.s32 $0xFFFFD800  }
0x35: {  	[tilespmem:s9], [sflag:$0x11] =	stream.linear.gather [hbm4b:s10+s24], $0x2800, $0x38;
	[tilespmem:$0xB780] =	vst v63  }
0x36: {  	_ =	swait.ge [sflag:s11], $0x2800  }
0x37: {  	[sflag:s11] =	ssyncset.done $0x0  }
0x38: {  	[sflag:s11] =	ssyncadd.s32 $0xFFFFD800  }
0x39: {  	[bflag:$0x0] =	sbarrier.arrive $0xFFFF  }
0x3a: {  	[tilespmem:s14], [sflag:$0x1] =	stream.indirect.gather [hbm4b:s4+s13], $0x10, s24, s13, $0xb8;
	[tilespmem:$0xB780] =	vst v63  }
0x3b: {  	_ = 	snop  }
0x3c: {  	[tilespmem:s15], [sflag:$0x2] =	stream.indirect.gather [hbm4b:s4+s13], $0x10, s13, s13, $0xb8;
	[tilespmem:$0xB780] =	vst v63  }
0x3d: {  	s24 =	simm.s32 $0x100  }
0x3e: {  	[tilespmem:s17], [sflag:$0x3] =	stream.indirect.gather [hbm4b:s4+s13], $0x10, s24, s13, $0xb8;
	[tilespmem:$0xB780] =	vst v63  }
0x3f: {  	s6 =	simm.s32 $0x180  }
0x40: {  	[tilespmem:s19], [sflag:$0x4] =	stream.indirect.gather [hbm4b:s4+s13], $0x10, s6, s13, $0xb8;
	[tilespmem:$0xB780] =	vst v63  }
0x41: {  	s9 =	simm.s32 $0x200  }
0x42: {  	[tilespmem:s21], [sflag:$0x5] =	stream.indirect.gather [hbm4b:s4+s13], $0x10, s9, s13, $0xb8;
	[tilespmem:$0xB780] =	vst v63  }
0x43: {  	s10 =	simm.s32 $0x280  }
0x44: {  	[tilespmem:s23], [sflag:$0x6] =	stream.indirect.gather [hbm4b:s4+s13], $0x10, s10, s13, $0xb8;
	[tilespmem:$0xB780] =	vst v63  }
0x45: {  	s11 =	simm.s32 $0x300  }
0x46: {  	[tilespmem:s26], [sflag:$0x7] =	stream.indirect.gather [hbm4b:s4+s13], $0x10, s11, s13, $0xb8;
	[tilespmem:$0xB780] =	vst v63  }
0x47: {  	s24 =	simm.s32 $0x380;
	s9 =	simm.s32 $0x0  }
0x48: {  	[tilespmem:s29], [sflag:$0x8] =	stream.indirect.gather [hbm4b:s4+s13], $0x10, s24, s13, $0xb8;
	[tilespmem:$0xB780] =	vst v63  }
.LBB2_2:
0x49: {  	_ =	swait.ge [sflag:s30], $0x800  }
0x4a: {  	s24 =	sshra.s32 s9, $0x2;
	[sflag:s30] =	ssyncset.done $0x0  }
0x4b: {  	s3 =	sadd.s32 $0x2800, s24;
	[sflag:s30] =	ssyncadd.s32 $0xFFFFF800  }
0x4c: {  	[spmem:s2] =	stream.indirect.scatter.add.f32 [tilespmem:s14], [sflag:$0x9], $0x10, s3, s13, $0xb8;
	[tilespmem:$0xB780] =	vst v63  }
0x4d: {  	_ =	swait.ge [sflag:s31], $0x800  }
0x4e: {  	[sflag:s31] =	ssyncset.done $0x0  }
0x4f: {  	s11 =	sadd.s32 $0x2880, s24;
	[sflag:s31] =	ssyncadd.s32 $0xFFFFF800  }
0x50: {  	[spmem:s2] =	stream.indirect.scatter.add.f32 [tilespmem:s15], [sflag:$0xA], $0x10, s11, s13, $0xb8;
	[tilespmem:$0xB780] =	vst v63  }
0x51: {  	_ =	swait.ge [sflag:s1], $0x800  }
0x52: {  	[sflag:s1] =	ssyncset.done $0x0  }
0x53: {  	s6 =	sadd.s32 $0x2900, s24;
	[sflag:s1] =	ssyncadd.s32 $0xFFFFF800  }
0x54: {  	[spmem:s2] =	stream.indirect.scatter.add.f32 [tilespmem:s17], [sflag:$0xB], $0x10, s6, s13, $0xb8;
	[tilespmem:$0xB780] =	vst v63  }
0x55: {  	_ =	swait.ge [sflag:s0], $0x800  }
0x56: {  	[sflag:s0] =	ssyncset.done $0x0  }
0x57: {  	s10 =	sadd.s32 $0x2980, s24;
	[sflag:s0] =	ssyncadd.s32 $0xFFFFF800  }
0x58: {  	[spmem:s2] =	stream.indirect.scatter.add.f32 [tilespmem:s19], [sflag:$0xC], $0x10, s10, s13, $0xb8;
	[tilespmem:$0xB780] =	vst v63  }
0x59: {  	p0 =	sne.s32 s9, $0x9000;
	_ =	swait.ge [sflag:s12], $0x800  }
0x5a: {  	s3 =	sshra.s32 @p0 s9, $0x2;
	s11 =	simm.s32 @p0 $0x5000;
	[sflag:s12] =	ssyncset.done $0x0  }
0x5b: {  	s6 =	sadd.s32 @p0 $0x400, s3;
	s10 =	simm.s32 @p0 $0x80;
	[sflag:s12] =	ssyncadd.s32 $0xFFFFF800  }
0x5c: {  	[tilespmem:s11], [sflag:$0x1] =	stream.indirect.gather @p0 [hbm4b:s4+s10], $0x10, s6, s10, $0xb8;
	[tilespmem:$0xB780] =	vst v63  }
0x5d: {  	s6 =	simm.s32 @p0 $0xA  }
0x5e: {  	_ =	swait.ge @p0 [sflag:s6], $0x800  }
0x5f: {  	[sflag:s6] =	ssyncset.done @p0 $0x0  }
0x60: {  	s11 =	simm.s32 @p0 $0x5800;
	[sflag:s6] =	ssyncadd.s32 @p0 $0xFFFFF800;
	s6 =	sadd.s32 @p0 $0x480, s3  }
0x61: {  	[tilespmem:s11], [sflag:$0x2] =	stream.indirect.gather @p0 [hbm4b:s4+s10], $0x10, s6, s10, $0xb8;
	[tilespmem:$0xB780] =	vst v63  }
0x62: {  	s6 =	simm.s32 @p0 $0xB  }
0x63: {  	_ =	swait.ge @p0 [sflag:s6], $0x800  }
0x64: {  	[sflag:s6] =	ssyncset.done @p0 $0x0  }
0x65: {  	s11 =	simm.s32 @p0 $0x6000;
	[sflag:s6] =	ssyncadd.s32 @p0 $0xFFFFF800;
	s6 =	sadd.s32 @p0 $0x500, s3  }
0x66: {  	[tilespmem:s11], [sflag:$0x3] =	stream.indirect.gather @p0 [hbm4b:s4+s10], $0x10, s6, s10, $0xb8;
	[tilespmem:$0xB780] =	vst v63  }
0x67: {  	s6 =	simm.s32 @p0 $0xC  }
0x68: {  	_ =	swait.ge @p0 [sflag:s6], $0x800  }
0x69: {  	[sflag:s6] =	ssyncset.done @p0 $0x0  }
0x6a: {  	s3 =	sadd.s32 @p0 $0x580, s3;
	[sflag:s6] =	ssyncadd.s32 @p0 $0xFFFFF800;
	s6 =	simm.s32 @p0 $0x6800  }
0x6b: {  	[tilespmem:s6], [sflag:$0x4] =	stream.indirect.gather @p0 [hbm4b:s4+s10], $0x10, s3, s10, $0xb8;
	[tilespmem:$0xB780] =	vst v63  }
0x6c: {  	s3 =	simm.s32 @!p0 $0xA  }
0x6d: {  	_ =	swait.ge @!p0 [sflag:s3], $0x800  }
0x6e: {  	[sflag:s3] =	ssyncset.done @!p0 $0x0  }
0x6f: {  	[sflag:s3] =	ssyncadd.s32 @!p0 $0xFFFFF800;
	s3 =	simm.s32 @!p0 $0xB  }
0x70: {  	_ =	swait.ge @!p0 [sflag:s3], $0x800  }
0x71: {  	[sflag:s3] =	ssyncset.done @!p0 $0x0  }
0x72: {  	[sflag:s3] =	ssyncadd.s32 @!p0 $0xFFFFF800;
	s3 =	simm.s32 @!p0 $0xC  }
0x73: {  	_ =	swait.ge @!p0 [sflag:s3], $0x800  }
0x74: {  	[sflag:s3] =	ssyncset.done @!p0 $0x0  }
0x75: {  	[sflag:s3] =	ssyncadd.s32 @!p0 $0xFFFFF800  }
0x76: {  	_ =	swait.ge [sflag:s16], $0x800  }
0x77: {  	[sflag:s16] =	ssyncset.done $0x0  }
0x78: {  	s11 =	sadd.s32 $0x2A00, s24;
	[sflag:s16] =	ssyncadd.s32 $0xFFFFF800  }
0x79: {  	[spmem:s2] =	stream.indirect.scatter.add.f32 [tilespmem:s21], [sflag:$0xD], $0x10, s11, s13, $0xb8;
	[tilespmem:$0xB780] =	vst v63  }
0x7a: {  	_ =	swait.ge [sflag:s18], $0x800  }
0x7b: {  	[sflag:s18] =	ssyncset.done $0x0  }
0x7c: {  	s6 =	sadd.s32 $0x2A80, s24;
	[sflag:s18] =	ssyncadd.s32 $0xFFFFF800  }
0x7d: {  	[spmem:s2] =	stream.indirect.scatter.add.f32 [tilespmem:s23], [sflag:$0xE], $0x10, s6, s13, $0xb8;
	[tilespmem:$0xB780] =	vst v63  }
0x7e: {  	_ =	swait.ge [sflag:s20], $0x800  }
0x7f: {  	[sflag:s20] =	ssyncset.done $0x0  }
0x80: {  	s10 =	sadd.s32 $0x2B00, s24;
	[sflag:s20] =	ssyncadd.s32 $0xFFFFF800  }
0x81: {  	[spmem:s2] =	stream.indirect.scatter.add.f32 [tilespmem:s26], [sflag:$0xF], $0x10, s10, s13, $0xb8;
	[tilespmem:$0xB780] =	vst v63  }
0x82: {  	_ =	swait.ge [sflag:s22], $0x800  }
0x83: {  	p0 =	seq.s32 s9, $0x9000;
	[sflag:s22] =	ssyncset.done $0x0  }
.Ltmp2:
0x84: {  	s11 =	sadd.s32 $0x2B80, s24;
	[sflag:s22] =	ssyncadd.s32 $0xFFFFF800;
	(pc) =	sbr.rel @p0 .LBB2_4-.Ltmp2, $4  }
0x85: {  	[spmem:s2] =	stream.indirect.scatter.add.f32 [tilespmem:s29], [sflag:$0x10], $0x10, s11, s13, $0xb8;
	[tilespmem:$0xB780] =	vst v63  }
0x86: {  	_ =	swait.ge [sflag:s25], $0x800  }
0x87: {  	[sflag:s25] =	ssyncset.done $0x0  }
0x88: {  	[sflag:s25] =	ssyncadd.s32 $0xFFFFF800  }
0x89: {  	s3 =	sadd.s32 $0x600, s24  }
0x8a: {  	[tilespmem:s21], [sflag:$0x5] =	stream.indirect.gather [hbm4b:s4+s13], $0x10, s3, s13, $0xb8;
	[tilespmem:$0xB780] =	vst v63  }
0x8b: {  	_ =	swait.ge [sflag:s28], $0x800  }
0x8c: {  	[sflag:s28] =	ssyncset.done $0x0  }
0x8d: {  	s10 =	sadd.s32 $0x680, s24;
	[sflag:s28] =	ssyncadd.s32 $0xFFFFF800  }
0x8e: {  	[tilespmem:s23], [sflag:$0x6] =	stream.indirect.gather [hbm4b:s4+s13], $0x10, s10, s13, $0xb8;
	[tilespmem:$0xB780] =	vst v63  }
0x8f: {  	_ =	swait.ge [sflag:s5], $0x800  }
0x90: {  	[sflag:s5] =	ssyncset.done $0x0  }
0x91: {  	s11 =	sadd.s32 $0x700, s24;
	[sflag:s5] =	ssyncadd.s32 $0xFFFFF800  }
0x92: {  	[tilespmem:s26], [sflag:$0x7] =	stream.indirect.gather [hbm4b:s4+s13], $0x10, s11, s13, $0xb8;
	[tilespmem:$0xB780] =	vst v63  }
.Ltmp3:
0x93: {  	_ = 	snop;
	(pc) =	sbr.rel .LBB2_2-.Ltmp3, $4  }
0x94: {  	_ =	swait.ge [sflag:s7], $0x800  }
0x95: {  	[sflag:s7] =	ssyncset.done $0x0  }
0x96: {  	s24 =	sadd.s32 $0x780, s24;
	s9 =	sadd.s32 $0x1000, s9;
	[sflag:s7] =	ssyncadd.s32 $0xFFFFF800  }
0x97: {  	[tilespmem:s29], [sflag:$0x8] =	stream.indirect.gather [hbm4b:s4+s13], $0x10, s24, s13, $0xb8;
	[tilespmem:$0xB780] =	vst v63  }
.LBB2_5:
0x98: {  	_ =	sfence.sel $0x180000  }
0x99: {  	[bflag:$0x0] =	sbarrier.arrive $0xFFFF  }
0x9a: {  	_ =	strace $0x9000004A  }
0x9b: {  	s0 =	stileid.u32;
	[bflag:$0x2] =	sbarrier.arrive $0xFFFF  }
0x9c: {  	p0 =	sne.s32 s0, $0x0;
	s0 =	rddreg [dreg:$0x3]  }
0x9d: {  	s0 =	sadd.s32 @!p0 $0x100000, s0  }
0x9e: {  	[sflag:s0] =	ssyncadd.tile.s32 @!p0 $0x1;
	_ =	shalt  }
.Lfunc_end2:
_tile_overlayer_lowered:
.L_overlay_start_2:
0x9f: {  	(tag) =	ssettag $0x2  }
0xa0: {  	s0 =	rddreg [dreg:$0x0];
	s2 =	stileid.u32  }
0xa1: {  	s1 =	rddreg [dreg:$0x1];
	p0 =	sne.s32 s2, $0x0  }
0xa2: {  	s3 =	rddreg [dreg:$0x2];
	[bflag:$0x3] =	sbarrier.arrive $0xFFFF;
	s2 =	simm.s32 @!p0 $0x1C11  }
0xa3: {  	[timem:s3], [sflag:s2] =	dma.local @!p0 [hbm:s0], s1  }
0xa4: {  	s0 =	simm.s32 @!p0 $0x11  }
0xa5: {  	_ =	swait.ge @!p0 [sflag:s0], s1  }
0xa6: {  	s1 =	ssub.s32 @!p0 $0x0, s1;
	[sflag:s0] =	ssyncset.done @!p0 $0x0  }
0xa7: {  	[sflag:s0] =	ssyncadd.s32 @!p0 s1  }
0xa8: {  	[bflag:$0x3] =	sbarrier.arrive $0xFFFF  }
0xa9: {  	_ =	shalt  }

// kernel: kernel.16.cloned.1.call-start
scs
__scs_entry_jumppad:
0x0: {  	(pc) =	sbr.rel $0x88, $3  }
0x1: {  	(tag) =	ssettag $0x0;
	lr =	simm.s32 $0x1  }
0x2: {  	[smem:$0x3F93] =	sst lr;
	_ =	strace $0xD0000000  }
0x3: {  	_ = 	snop  }
0x4: {  	_ = 	snop  }
0x5: {  	_ = 	snop  }
0x6: {  	_ = 	snop  }
0x7: {  	_ = 	snop  }
__scs_overlays_trampoline_lowered:
0x8: {  	[smem:$0x3FA2] =	sst s0  }
0x9: {  	[smem:$0x3FA3] =	sst s1  }
0xa: {  	[smem:$0x3FA4] =	sst s2  }
0xb: {  	[smem:$0x3FA5] =	sst s3  }
0xc: {  	[smem:$0x3FA6] =	sst s4  }
0xd: {  	[smem:$0x3FA7] =	sst s5  }
0xe: {  	[smem:$0x3FA8] =	sst s6  }
0xf: {  	[smem:$0x3FA9] =	sst s7  }
0x10: {  	[smem:$0x3FAA] =	sst s8  }
0x11: {  	[smem:$0x3FAB] =	sst s9;
	s0 =	simm.s32 @!p0 $0x0  }
0x12: {  	s1 =	sld [smem:$0x3F91];
	s0 =	simm.s32 @p0 $0x1  }
0x13: {  	[smem:$0x3FAC] =	sst s0;
	s0 =	simm.s32 @!p1 $0x0  }
0x14: {  	s2 =	sld [smem:$0x3F90];
	s0 =	simm.s32 @p1 $0x1  }
0x15: {  	[smem:$0x3FAD] =	sst s0;
	s0 =	simm.s32 @!p2 $0x0  }
0x16: {  	s3 =	sld [smem:$0x3FDB];
	s0 =	simm.s32 @p2 $0x1  }
0x17: {  	s4 =	simm.s32 $0x1BF5;
	[smem:$0x3FAF] =	sst s0  }
0x18: {  	s0 =	sld [smem:$0x3F92];
	_ =	swait.ge [sflag:s4], $0x0  }
0x19: {  	s7 =	sld [smem:$0x3F93]  }
0x1a: {  	s8 =	sadd.s32 $0xFFFFE003, lr  }
0x1b: {  	s9 =	sadd.s32 $0xFFFFFEF7, lr;
	s5 =	simm.s32 $0xFFFFFFFF;
	p2 =	slt.u32 s8, $0xFFFFF086  }
0x1c: {  	p1 =	slt.u32 s9, $0xF7A;
	s5 =	simm.s32 @!p2 $0x0  }
0x1d: {  	s5 =	simm.s32 @p1 $0x1;
	p0 =	seq.s32 s7, s2  }
0x1e: {  	s7 =	smul.u32 @!p0 $0xF7A, s2;
	p2 =	seq.s32 @!p0 s5, $0x0  }
0x1f: {  	s9 =	smul.u32 $0xF7A, s1;
	s8 =	simm.s32 @!p0 $0x1BF5;
	p2 =	por !p2, p0  }
0x20: {  	[sflag:s8] =	ssyncset.s32 @!p0 $0xFFFFF086;
	s6 =	sadd.s32 @!p0 s3, s7;
	s7 =	simm.s32 @!p0 $0x108  }
0x21: {  	s3 =	sadd.s32 s3, s9;
	s6 =	sadd.s32 @!p0 $0x88, s6;
	s7 =	simm.s32 @p2 $0x1082  }
0x22: {  	[simem:s7], [sflag:s8] =	dma.local @!p0 [hbm:s6], $0xF7A  }
0x23: {  	s9 =	sor.u32 $0xD0000000, s2;
	s6 =	simm.s32 $0x108;
	_ =	swait.ge @!p0 [sflag:s8], $0x0  }
0x24: {  	s3 =	sadd.s32 $0x88, s3;
	s6 =	simm.s32 @!p1 $0x1082;
	[sflag:s4] =	ssyncset.s32 $0xFFFFF086  }
0x25: {  	[simem:s6], [sflag:s4] =	dma.local [hbm:s3], $0xF7A  }
0x26: {  	[smem:$0x3F93] =	sst s1;
	(tag) =	ssettag s2;
	_ =	strace s9  }
0x27: {  	s1 =	sld [smem:$0x3FA3]  }
0x28: {  	s2 =	sld [smem:$0x3FA4]  }
0x29: {  	s4 =	sld [smem:$0x3FA6]  }
0x2a: {  	p0 =	seq.s32 s5, $0x0;
	s5 =	sld [smem:$0x3FA7]  }
0x2b: {  	s6 =	sld [smem:$0x3FA8]  }
0x2c: {  	s7 =	sld [smem:$0x3FA9]  }
0x2d: {  	s3 =	simm.s32 $0x108;
	s8 =	sld [smem:$0x3FAA]  }
0x2e: {  	s3 =	simm.s32 @!p0 $0x1082;
	s9 =	sld [smem:$0x3FAB]  }
0x2f: {  	lr =	sadd.s32 s0, s3;
	s0 =	sld [smem:$0x3FA2]  }
0x30: {  	s3 =	sld [smem:$0x3FA5]  }
0x31: {  	[smem:$0x3FAE] =	sst s10  }
0x32: {  	s10 =	sld [smem:$0x3FAC];
	_ =	sdelay $0x3  }
0x33: {  	p0 =	seq.s32 s10, $0x1;
	s10 =	sld [smem:$0x3FAE];
	_ =	sdelay $0x3  }
0x34: {  	[smem:$0x3FAE] =	sst s10  }
0x35: {  	s10 =	sld [smem:$0x3FAD];
	_ =	sdelay $0x3  }
0x36: {  	p1 =	seq.s32 s10, $0x1;
	s10 =	sld [smem:$0x3FAE];
	_ =	sdelay $0x3  }
0x37: {  	[smem:$0x3FAE] =	sst s10  }
0x38: {  	s10 =	sld [smem:$0x3FAF]  }
0x39: {  	_ = 	snop;
	(pc) =	sbr.ind lr, $3  }
0x3a: {  	_ = 	snop  }
0x3b: {  	_ = 	snop  }
0x3c: {  	p2 =	seq.s32 s10, $0x1;
	s10 =	sld [smem:$0x3FAE]  }
0x3d: {  	_ =	shalt  }
0x3e: {  	_ =	shalt  }
0x3f: {  	_ =	shalt  }
0x40: {  	_ =	shalt  }
0x41: {  	_ =	shalt  }
0x42: {  	_ =	shalt  }
0x43: {  	_ =	shalt  }
0x44: {  	_ =	shalt  }
0x45: {  	_ =	shalt  }
0x46: {  	_ =	shalt  }
0x47: {  	_ =	shalt  }
0x48: {  	_ =	shalt  }
0x49: {  	_ =	shalt  }
0x4a: {  	_ =	shalt  }
0x4b: {  	_ =	shalt  }
0x4c: {  	_ =	shalt  }
0x4d: {  	_ =	shalt  }
0x4e: {  	_ =	shalt  }
0x4f: {  	_ =	shalt  }
0x50: {  	_ =	shalt  }
0x51: {  	_ =	shalt  }
0x52: {  	_ =	shalt  }
0x53: {  	_ =	shalt  }
0x54: {  	_ =	shalt  }
0x55: {  	_ =	shalt  }
0x56: {  	_ =	shalt  }
0x57: {  	_ =	shalt  }
0x58: {  	_ =	shalt  }
0x59: {  	_ =	shalt  }
0x5a: {  	_ =	shalt  }
0x5b: {  	_ =	shalt  }
0x5c: {  	_ =	shalt  }
0x5d: {  	_ =	shalt  }
0x5e: {  	_ =	shalt  }
0x5f: {  	_ =	shalt  }
0x60: {  	_ =	shalt  }
0x61: {  	_ =	shalt  }
0x62: {  	_ =	shalt  }
0x63: {  	_ =	shalt  }
0x64: {  	_ =	shalt  }
0x65: {  	_ =	shalt  }
0x66: {  	_ =	shalt  }
0x67: {  	_ =	shalt  }
0x68: {  	_ =	shalt  }
0x69: {  	_ =	shalt  }
0x6a: {  	_ =	shalt  }
0x6b: {  	_ =	shalt  }
0x6c: {  	_ =	shalt  }
0x6d: {  	_ =	shalt  }
0x6e: {  	_ =	shalt  }
0x6f: {  	_ =	shalt  }
0x70: {  	_ =	shalt  }
0x71: {  	_ =	shalt  }
0x72: {  	_ =	shalt  }
0x73: {  	_ =	shalt  }
0x74: {  	_ =	shalt  }
0x75: {  	_ =	shalt  }
0x76: {  	_ =	shalt  }
0x77: {  	_ =	shalt  }
0x78: {  	_ =	shalt  }
0x79: {  	_ =	shalt  }
0x7a: {  	_ =	shalt  }
0x7b: {  	_ =	shalt  }
0x7c: {  	_ =	shalt  }
0x7d: {  	_ =	shalt  }
0x7e: {  	_ =	shalt  }
0x7f: {  	_ =	shalt  }
0x80: {  	_ =	shalt  }
0x81: {  	_ =	shalt  }
0x82: {  	_ =	shalt  }
0x83: {  	_ =	shalt  }
0x84: {  	_ =	shalt  }
0x85: {  	_ =	shalt  }
0x86: {  	_ =	shalt  }
0x87: {  	_ =	shalt  }
.Lfunc_end0:
.L_simem_size_0:
called_computation.2_lowered:
.L_overlay_start_0:
0x88: {  	s2 =	sld [smem:$0x3FD9]  }
0x89: {  	s3 =	sld [smem:$0x3FFE];
	_ =	sdelay $0x1  }
0x8a: {  	s1 =	srdreg.scid  }
0x8b: {  	s0 =	sand.u32 $0x1, s1  }
0x8c: {  	s17 =	sshll.u32 s0, $0xA;
	s2 =	sadd.s32 s3, s2  }
0x8d: {  	s2 =	sadd.s32 s2, s17  }
0x8e: {  	[smem:$0x3FBA] =	sst s2  }
0x8f: {  	_ = 	snop  }
0x90: {  	s2 =	sld [smem:$0x3FD0];
	(tm) =	ssettm $0x1  }
0x91: {  	s18 =	sld [smem:$0x3FFB];
	_ =	sdelay $0x3  }
0x92: {  	_ =	strace s18  }
0x93: {  	s3 =	sld [smem:$0x3FFC];
	_ =	sdelay $0x3  }
0x94: {  	_ =	strace s3  }
0x95: {  	s3 =	sld [smem:$0x3FFD];
	_ =	sdelay $0x3  }
0x96: {  	_ =	strace s3  }
0x97: {  	_ =	strace $0x8FFFFFFF  }
0x98: {  	s19 =	sld [smem:$0x3FDB];
	_ =	sdelay $0x1  }
0x99: {  	s4 =	simm.s32 $_scs_section_size  }
0x9a: {  	s5 =	simm.s32 $_size__tile_overlayer_lowered;
	s6 =	simm.s32 $_tile_overlayer_lowered  }
0x9b: {  	s22 =	simm.s32 $0x1BFF;
	s21 =	sshll.u32 s6, $0x1;
	s3 =	sadd.s32 s4, s19  }
0x9c: {  	s7 =	simm.s32 $0x0;
	s20 =	sshll.u32 s5, $0x1;
	s5 =	sadd.s32 s21, s3  }
0x9d: {  	[timem:s7], [sflag:s22] =	dma.local [hbm:s5], s20  }
0x9e: {  	_ =	swait.ge [sflag:s22], s20  }
0x9f: {  	s4 =	ssub.s32 $0x0, s20;
	[sflag:s22] =	ssyncset.done $0x0  }
0xa0: {  	[sflag:s22] =	ssyncadd.s32 s4;
	_ =	sdelay $0x1  }
0xa1: {  	s23 =	simm.s32 $0x1B8B  }
0xa2: {  	_ =	swait.ge [sflag:s23], $0x1  }
0xa3: {  	[sflag:s23] =	ssyncset.done $0x0  }
0xa4: {  	s25 =	simm.s32 $0x1B8E;
	s24 =	sld [smem:$0x3FFE];
	[sflag:s23] =	ssyncadd.s32 $0xFFFFFFFF  }
0xa5: {  	s26 =	simm.s32 $execute0_lowered;
	[smem:$0x3FD2] =	sst s25  }
0xa6: {  	s5 =	sshll.u32 s26, $0x1;
	_ =	strace $0x8000004C;
	[dreg:$0x1] =	wrdreg $0xFFFFFFFF  }
0xa7: {  	s28 =	simm.s32 $_size_execute0_lowered;
	s3 =	sadd.s32 s3, s5;
	[dreg:$0x0] =	wrdreg $0x0  }
0xa8: {  	s5 =	sshll.u32 s28, $0x1;
	[dreg:$0x2] =	wrdreg s3  }
0xa9: {  	[dreg:$0x3] =	wrdreg s5  }
0xaa: {  	[dreg:$0x4] =	wrdreg $0xC0  }
0xab: {  	_ =	task [dreg:s7], $0x5FFFF  }
0xac: {  	[dreg:$0x1] =	wrdreg $0xFFFFFFFF  }
0xad: {  	[dreg:$0x0] =	wrdreg $0x60  }
0xae: {  	[dreg:$0x2] =	wrdreg s24  }
0xaf: {  	[dreg:$0x3] =	wrdreg s2  }
0xb0: {  	[dreg:$0x4] =	wrdreg $0x90000  }
0xb1: {  	[dreg:$0x5] =	wrdreg $0x9  }
0xb2: {  	_ =	task.clear_ibuf [dreg:s7], $0x6FFFF;
	_ =	strace $0x9000004C  }
0xb3: {  	s29 =	simm.s32 $0x9;
	_ =	strace $0x8000004E  }
0xb4: {  	_ =	swait.ge [sflag:s29], $0x1  }
0xb5: {  	[sflag:s29] =	ssyncadd.s32 $0xFFFFFFFF  }
0xb6: {  	_ =	strace $0x9000004E  }
0xb7: {  	_ =	sfence  }
0xb8: {  	s30 =	sld [smem:$0x0];
	_ =	sdelay $0x2  }
0xb9: {  	s31 =	sshll.u32 s1, $0xD;
	s1 =	sshrl.u32 s1, $0x2  }
0xba: {  	s3 =	sand.u32 $0x4000, s31;
	s1 =	sadd.s32 s1, s30  }
0xbb: {  	s0 =	sor.u32 s3, s0;
	s1 =	sshll.u32 s1, $0x11  }
0xbc: {  	s0 =	sor.u32 s1, s0  }
0xbd: {  	s0 =	sadd.s32 $0x8F2B, s0  }
0xbe: {  	[sflag:s0] =	ssyncadd.remote.s32 $0x1  }
0xbf: {  	_ =	sfence.sel $0xFFFF  }
0xc0: {  	[dreg:$0x0] =	wrdreg $0xFFFFFFFF;
	(pc) =	sbr.abs _section_cstart, $3  }
0xc1: {  	[dreg:$0x1] =	wrdreg $0xFFFFFFFF  }
0xc2: {  	_ =	task.clear_ibuf [dreg:s7], $0x2FFFF;
	_ =	strace $0x9FFFFFFF  }
0xc3: {  	(tm) =	ssettm $0x7FFFFFFF  }
tec
execute0_lowered:
.L_overlay_start_1:
0x0: {  	(tag) =	ssettag $0x1  }
0x1: {  	s0 =	rddreg [dreg:$0x0]  }
0x2: {  	s1 =	rddreg [dreg:$0x1];
	s3 =	srdreg.scid  }
0x3: {  	s11 =	stileid.u32;
	s2 =	rddreg [dreg:$0x2];
	s21 =	simm.s32 $0x0  }
0x4: {  	s13 =	simm.s32 $0x80;
	s14 =	simm.s32 $0x5000;
	s15 =	simm.s32 $0x5800  }
0x5: {  	s17 =	simm.s32 $0x6000;
	s19 =	simm.s32 $0x6800;
	s29 =	simm.s32 $0x8800  }
0x6: {  	s30 =	simm.s32 $0x1;
	s31 =	simm.s32 $0x2;
	s12 =	simm.s32 $0x9  }
0x7: {  	s16 =	simm.s32 $0x5;
	s18 =	simm.s32 $0x6;
	s20 =	simm.s32 $0x7  }
0x8: {  	s28 =	simm.s32 $0xE;
	s4 =	sand.u32 $0x1, s3;
	s5 =	sshll.u32 s11, $0x1  }
0x9: {  	[smem:$0x7FF] =	sst s21;
	s9 =	smul.u32 $0x2780, s11;
	s23 =	sshll.u32 s11, $0x6  }
0xa: {  	s11 =	simm.s32 $0x11;
	s21 =	simm.s32 $0x7000;
	s5 =	sor.u32 s4, s5  }
0xb: {  	_ =	strace $0x8000004D;
	s6 =	smul.u32 $0x4F00, s4;
	s7 =	ssub.s32 $0x2, s4  }
0xc: {  	s4 =	sadd.s32 $0xCC00, s0;
	s5 =	smul.u32 $0x500, s5;
	s8 =	sshrl.u32 s7, $0x1  }
0xd: {  	s22 =	sadd.s32 s9, s2;
	s9 =	sshrl.u32 s9, $0x3;
	s7 =	ssub.s32 s7, s8  }
0xe: {  	s24 =	sadd.s32 s4, s9;
	s8 =	simm.s32 $0x0;
	s10 =	sadd.s32 s5, s0  }
0xf: {  	s0 =	sadd.s32 s6, s0;
	[dreg:$0x4] =	wrdreg s24;
	s6 =	sor.u32 $0x1C11, s23  }
0x10: {  	s1 =	sadd.s32 s1, s5;
	s26 =	smax.u32 s7, $0x1;
	s23 =	simm.s32 $0x7800  }
0x11: {  	s5 =	simm.s32 $0xF;
	s7 =	simm.s32 $0x10;
	[dreg:$0x7] =	wrdreg s1  }
.Ltmp0:
0x12: {  	s25 =	sadd.s32 $0x2C00, s10;
	[dreg:$0x8] =	wrdreg s26;
	(pc) =	sbr.rel .LBB2_1-.Ltmp0, $4  }
0x13: {  	s0 =	sadd.s32 $0x11C00, s0;
	s10 =	sshrl.u32 s22, $0x3;
	[dreg:$0x5] =	wrdreg s6  }
0x14: {  	s26 =	simm.s32 $0x8000;
	s1 =	simm.s32 $0x3;
	[dreg:$0x6] =	wrdreg s25  }
0x15: {  	s22 =	simm.s32 $0x8;
	s0 =	sadd.s32 s9, s0;
	[dreg:$0x9] =	wrdreg s10  }
0x16: {  	s25 =	simm.s32 $0xD;
	[dreg:$0xa] =	wrdreg s0;
	s0 =	simm.s32 $0x4  }
.LBB2_4:
0x17: {  	_ =	swait.ge [sflag:s28], $0x800  }
0x18: {  	[sflag:s28] =	ssyncset.done $0x0  }
0x19: {  	[sflag:s28] =	ssyncadd.s32 $0xFFFFF800  }
0x1a: {  	_ =	swait.ge [sflag:s5], $0x800  }
0x1b: {  	[sflag:s5] =	ssyncset.done $0x0  }
0x1c: {  	[sflag:s5] =	ssyncadd.s32 $0xFFFFF800  }
0x1d: {  	_ =	swait.ge [sflag:s7], $0x800  }
0x1e: {  	[sflag:s7] =	ssyncset.done $0x0  }
0x1f: {  	[sflag:s7] =	ssyncadd.s32 $0xFFFFF800  }
0x20: {  	[bflag:$0x0] =	sbarrier.arrive $0xFFFF  }
0x21: {  	s6 =	rddreg [dreg:$0x5]  }
0x22: {  	s10 =	rddreg [dreg:$0x9]  }
0x23: {  	s11 =	simm.s32 $0x11;
	s3 =	rddreg [dreg:$0xa]  }
0x24: {  	[hbm:s3], [sflag:s6] =	dma.local [spmem:s10], $0x4F0  }
0x25: {  	_ =	swait.ge [sflag:s11], $0x4F0  }
0x26: {  	s8 =	sadd.s32 $0x1, s8;
	s24 =	rddreg [dreg:$0x8]  }
0x27: {  	p0 =	sne.s32 s8, s24  }
.Ltmp1:
0x28: {  	_ = 	snop;
	(pc) =	sbr.rel @!p0 .LBB2_5-.Ltmp1, $3  }
0x29: {  	_ =	sdelay $0x1  }
0x2a: {  	[sflag:s11] =	ssyncset.done $0x0  }
0x2b: {  	[sflag:s11] =	ssyncadd.s32 $0xFFFFFB10  }
.LBB2_1:
0x2c: {  	s3 =	rddreg [dreg:$0x4]  }
0x2d: {  	[spmem:s10], [sflag:s6] =	dma.local [hbm:s3], $0x4F0  }
0x2e: {  	_ =	swait.ge [sflag:s11], $0x4F0  }
0x2f: {  	[sflag:s11] =	ssyncset.done $0x0  }
0x30: {  	s24 =	simm.s32 $0x0;
	s9 =	rddreg [dreg:$0x6];
	[sflag:s11] =	ssyncadd.s32 $0xFFFFFB10  }
0x31: {  	[tilespmem:s24], [sflag:$0x11] =	stream.linear.gather [hbm4b:s9+s24], $0x2800, $0x38;
	[tilespmem:$0xB780] =	vst v63  }
0x32: {  	_ =	swait.ge [sflag:s11], $0x2800  }
0x33: {  	[sflag:s11] =	ssyncset.done $0x0  }
0x34: {  	s9 =	simm.s32 $0x2800;
	s10 =	rddreg [dreg:$0x7];
	[sflag:s11] =	ssyncadd.s32 $0xFFFFD800  }
0x35: {  	[tilespmem:s9], [sflag:$0x11] =	stream.linear.gather [hbm4b:s10+s24], $0x2800, $0x38;
	[tilespmem:$0xB780] =	vst v63  }
0x36: {  	_ =	swait.ge [sflag:s11], $0x2800  }
0x37: {  	[sflag:s11] =	ssyncset.done $0x0  }
0x38: {  	[sflag:s11] =	ssyncadd.s32 $0xFFFFD800  }
0x39: {  	[bflag:$0x0] =	sbarrier.arrive $0xFFFF  }
0x3a: {  	[tilespmem:s14], [sflag:$0x1] =	stream.indirect.gather [hbm4b:s4+s13], $0x10, s24, s13, $0xb8;
	[tilespmem:$0xB780] =	vst v63  }
0x3b: {  	_ = 	snop  }
0x3c: {  	[tilespmem:s15], [sflag:$0x2] =	stream.indirect.gather [hbm4b:s4+s13], $0x10, s13, s13, $0xb8;
	[tilespmem:$0xB780] =	vst v63  }
0x3d: {  	s24 =	simm.s32 $0x100  }
0x3e: {  	[tilespmem:s17], [sflag:$0x3] =	stream.indirect.gather [hbm4b:s4+s13], $0x10, s24, s13, $0xb8;
	[tilespmem:$0xB780] =	vst v63  }
0x3f: {  	s6 =	simm.s32 $0x180  }
0x40: {  	[tilespmem:s19], [sflag:$0x4] =	stream.indirect.gather [hbm4b:s4+s13], $0x10, s6, s13, $0xb8;
	[tilespmem:$0xB780] =	vst v63  }
0x41: {  	s9 =	simm.s32 $0x200  }
0x42: {  	[tilespmem:s21], [sflag:$0x5] =	stream.indirect.gather [hbm4b:s4+s13], $0x10, s9, s13, $0xb8;
	[tilespmem:$0xB780] =	vst v63  }
0x43: {  	s10 =	simm.s32 $0x280  }
0x44: {  	[tilespmem:s23], [sflag:$0x6] =	stream.indirect.gather [hbm4b:s4+s13], $0x10, s10, s13, $0xb8;
	[tilespmem:$0xB780] =	vst v63  }
0x45: {  	s11 =	simm.s32 $0x300  }
0x46: {  	[tilespmem:s26], [sflag:$0x7] =	stream.indirect.gather [hbm4b:s4+s13], $0x10, s11, s13, $0xb8;
	[tilespmem:$0xB780] =	vst v63  }
0x47: {  	s24 =	simm.s32 $0x380;
	s9 =	simm.s32 $0x0  }
0x48: {  	[tilespmem:s29], [sflag:$0x8] =	stream.indirect.gather [hbm4b:s4+s13], $0x10, s24, s13, $0xb8;
	[tilespmem:$0xB780] =	vst v63  }
.LBB2_2:
0x49: {  	_ =	swait.ge [sflag:s30], $0x800  }
0x4a: {  	s24 =	sshra.s32 s9, $0x2;
	[sflag:s30] =	ssyncset.done $0x0  }
0x4b: {  	s3 =	sadd.s32 $0x2800, s24;
	[sflag:s30] =	ssyncadd.s32 $0xFFFFF800  }
0x4c: {  	[spmem:s2] =	stream.indirect.scatter.add.f32 [tilespmem:s14], [sflag:$0x9], $0x10, s3, s13, $0xb8;
	[tilespmem:$0xB780] =	vst v63  }
0x4d: {  	_ =	swait.ge [sflag:s31], $0x800  }
0x4e: {  	[sflag:s31] =	ssyncset.done $0x0  }
0x4f: {  	s11 =	sadd.s32 $0x2880, s24;
	[sflag:s31] =	ssyncadd.s32 $0xFFFFF800  }
0x50: {  	[spmem:s2] =	stream.indirect.scatter.add.f32 [tilespmem:s15], [sflag:$0xA], $0x10, s11, s13, $0xb8;
	[tilespmem:$0xB780] =	vst v63  }
0x51: {  	_ =	swait.ge [sflag:s1], $0x800  }
0x52: {  	[sflag:s1] =	ssyncset.done $0x0  }
0x53: {  	s6 =	sadd.s32 $0x2900, s24;
	[sflag:s1] =	ssyncadd.s32 $0xFFFFF800  }
0x54: {  	[spmem:s2] =	stream.indirect.scatter.add.f32 [tilespmem:s17], [sflag:$0xB], $0x10, s6, s13, $0xb8;
	[tilespmem:$0xB780] =	vst v63  }
0x55: {  	_ =	swait.ge [sflag:s0], $0x800  }
0x56: {  	[sflag:s0] =	ssyncset.done $0x0  }
0x57: {  	s10 =	sadd.s32 $0x2980, s24;
	[sflag:s0] =	ssyncadd.s32 $0xFFFFF800  }
0x58: {  	[spmem:s2] =	stream.indirect.scatter.add.f32 [tilespmem:s19], [sflag:$0xC], $0x10, s10, s13, $0xb8;
	[tilespmem:$0xB780] =	vst v63  }
0x59: {  	p0 =	sne.s32 s9, $0x9000;
	_ =	swait.ge [sflag:s12], $0x800  }
0x5a: {  	s3 =	sshra.s32 @p0 s9, $0x2;
	s11 =	simm.s32 @p0 $0x5000;
	[sflag:s12] =	ssyncset.done $0x0  }
0x5b: {  	s6 =	sadd.s32 @p0 $0x400, s3;
	s10 =	simm.s32 @p0 $0x80;
	[sflag:s12] =	ssyncadd.s32 $0xFFFFF800  }
0x5c: {  	[tilespmem:s11], [sflag:$0x1] =	stream.indirect.gather @p0 [hbm4b:s4+s10], $0x10, s6, s10, $0xb8;
	[tilespmem:$0xB780] =	vst v63  }
0x5d: {  	s6 =	simm.s32 @p0 $0xA  }
0x5e: {  	_ =	swait.ge @p0 [sflag:s6], $0x800  }
0x5f: {  	[sflag:s6] =	ssyncset.done @p0 $0x0  }
0x60: {  	s11 =	simm.s32 @p0 $0x5800;
	[sflag:s6] =	ssyncadd.s32 @p0 $0xFFFFF800;
	s6 =	sadd.s32 @p0 $0x480, s3  }
0x61: {  	[tilespmem:s11], [sflag:$0x2] =	stream.indirect.gather @p0 [hbm4b:s4+s10], $0x10, s6, s10, $0xb8;
	[tilespmem:$0xB780] =	vst v63  }
0x62: {  	s6 =	simm.s32 @p0 $0xB  }
0x63: {  	_ =	swait.ge @p0 [sflag:s6], $0x800  }
0x64: {  	[sflag:s6] =	ssyncset.done @p0 $0x0  }
0x65: {  	s11 =	simm.s32 @p0 $0x6000;
	[sflag:s6] =	ssyncadd.s32 @p0 $0xFFFFF800;
	s6 =	sadd.s32 @p0 $0x500, s3  }
0x66: {  	[tilespmem:s11], [sflag:$0x3] =	stream.indirect.gather @p0 [hbm4b:s4+s10], $0x10, s6, s10, $0xb8;
	[tilespmem:$0xB780] =	vst v63  }
0x67: {  	s6 =	simm.s32 @p0 $0xC  }
0x68: {  	_ =	swait.ge @p0 [sflag:s6], $0x800  }
0x69: {  	[sflag:s6] =	ssyncset.done @p0 $0x0  }
0x6a: {  	s3 =	sadd.s32 @p0 $0x580, s3;
	[sflag:s6] =	ssyncadd.s32 @p0 $0xFFFFF800;
	s6 =	simm.s32 @p0 $0x6800  }
0x6b: {  	[tilespmem:s6], [sflag:$0x4] =	stream.indirect.gather @p0 [hbm4b:s4+s10], $0x10, s3, s10, $0xb8;
	[tilespmem:$0xB780] =	vst v63  }
0x6c: {  	s3 =	simm.s32 @!p0 $0xA  }
0x6d: {  	_ =	swait.ge @!p0 [sflag:s3], $0x800  }
0x6e: {  	[sflag:s3] =	ssyncset.done @!p0 $0x0  }
0x6f: {  	[sflag:s3] =	ssyncadd.s32 @!p0 $0xFFFFF800;
	s3 =	simm.s32 @!p0 $0xB  }
0x70: {  	_ =	swait.ge @!p0 [sflag:s3], $0x800  }
0x71: {  	[sflag:s3] =	ssyncset.done @!p0 $0x0  }
0x72: {  	[sflag:s3] =	ssyncadd.s32 @!p0 $0xFFFFF800;
	s3 =	simm.s32 @!p0 $0xC  }
0x73: {  	_ =	swait.ge @!p0 [sflag:s3], $0x800  }
0x74: {  	[sflag:s3] =	ssyncset.done @!p0 $0x0  }
0x75: {  	[sflag:s3] =	ssyncadd.s32 @!p0 $0xFFFFF800  }
0x76: {  	_ =	swait.ge [sflag:s16], $0x800  }
0x77: {  	[sflag:s16] =	ssyncset.done $0x0  }
0x78: {  	s11 =	sadd.s32 $0x2A00, s24;
	[sflag:s16] =	ssyncadd.s32 $0xFFFFF800  }
0x79: {  	[spmem:s2] =	stream.indirect.scatter.add.f32 [tilespmem:s21], [sflag:$0xD], $0x10, s11, s13, $0xb8;
	[tilespmem:$0xB780] =	vst v63  }
0x7a: {  	_ =	swait.ge [sflag:s18], $0x800  }
0x7b: {  	[sflag:s18] =	ssyncset.done $0x0  }
0x7c: {  	s6 =	sadd.s32 $0x2A80, s24;
	[sflag:s18] =	ssyncadd.s32 $0xFFFFF800  }
0x7d: {  	[spmem:s2] =	stream.indirect.scatter.add.f32 [tilespmem:s23], [sflag:$0xE], $0x10, s6, s13, $0xb8;
	[tilespmem:$0xB780] =	vst v63  }
0x7e: {  	_ =	swait.ge [sflag:s20], $0x800  }
0x7f: {  	[sflag:s20] =	ssyncset.done $0x0  }
0x80: {  	s10 =	sadd.s32 $0x2B00, s24;
	[sflag:s20] =	ssyncadd.s32 $0xFFFFF800  }
0x81: {  	[spmem:s2] =	stream.indirect.scatter.add.f32 [tilespmem:s26], [sflag:$0xF], $0x10, s10, s13, $0xb8;
	[tilespmem:$0xB780] =	vst v63  }
0x82: {  	_ =	swait.ge [sflag:s22], $0x800  }
0x83: {  	p0 =	seq.s32 s9, $0x9000;
	[sflag:s22] =	ssyncset.done $0x0  }
.Ltmp2:
0x84: {  	s11 =	sadd.s32 $0x2B80, s24;
	[sflag:s22] =	ssyncadd.s32 $0xFFFFF800;
	(pc) =	sbr.rel @p0 .LBB2_4-.Ltmp2, $4  }
0x85: {  	[spmem:s2] =	stream.indirect.scatter.add.f32 [tilespmem:s29], [sflag:$0x10], $0x10, s11, s13, $0xb8;
	[tilespmem:$0xB780] =	vst v63  }
0x86: {  	_ =	swait.ge [sflag:s25], $0x800  }
0x87: {  	[sflag:s25] =	ssyncset.done $0x0  }
0x88: {  	[sflag:s25] =	ssyncadd.s32 $0xFFFFF800  }
0x89: {  	s3 =	sadd.s32 $0x600, s24  }
0x8a: {  	[tilespmem:s21], [sflag:$0x5] =	stream.indirect.gather [hbm4b:s4+s13], $0x10, s3, s13, $0xb8;
	[tilespmem:$0xB780] =	vst v63  }
0x8b: {  	_ =	swait.ge [sflag:s28], $0x800  }
0x8c: {  	[sflag:s28] =	ssyncset.done $0x0  }
0x8d: {  	s10 =	sadd.s32 $0x680, s24;
	[sflag:s28] =	ssyncadd.s32 $0xFFFFF800  }
0x8e: {  	[tilespmem:s23], [sflag:$0x6] =	stream.indirect.gather [hbm4b:s4+s13], $0x10, s10, s13, $0xb8;
	[tilespmem:$0xB780] =	vst v63  }
0x8f: {  	_ =	swait.ge [sflag:s5], $0x800  }
0x90: {  	[sflag:s5] =	ssyncset.done $0x0  }
0x91: {  	s11 =	sadd.s32 $0x700, s24;
	[sflag:s5] =	ssyncadd.s32 $0xFFFFF800  }
0x92: {  	[tilespmem:s26], [sflag:$0x7] =	stream.indirect.gather [hbm4b:s4+s13], $0x10, s11, s13, $0xb8;
	[tilespmem:$0xB780] =	vst v63  }
.Ltmp3:
0x93: {  	_ = 	snop;
	(pc) =	sbr.rel .LBB2_2-.Ltmp3, $4  }
0x94: {  	_ =	swait.ge [sflag:s7], $0x800  }
0x95: {  	[sflag:s7] =	ssyncset.done $0x0  }
0x96: {  	s24 =	sadd.s32 $0x780, s24;
	s9 =	sadd.s32 $0x1000, s9;
	[sflag:s7] =	ssyncadd.s32 $0xFFFFF800  }
0x97: {  	[tilespmem:s29], [sflag:$0x8] =	stream.indirect.gather [hbm4b:s4+s13], $0x10, s24, s13, $0xb8;
	[tilespmem:$0xB780] =	vst v63  }
.LBB2_5:
0x98: {  	_ =	sfence.sel $0x180000  }
0x99: {  	[bflag:$0x0] =	sbarrier.arrive $0xFFFF  }
0x9a: {  	_ =	strace $0x9000004D  }
0x9b: {  	s0 =	stileid.u32;
	[bflag:$0x2] =	sbarrier.arrive $0xFFFF  }
0x9c: {  	p0 =	sne.s32 s0, $0x0;
	s0 =	rddreg [dreg:$0x3]  }
0x9d: {  	s0 =	sadd.s32 @!p0 $0x100000, s0  }
0x9e: {  	[sflag:s0] =	ssyncadd.tile.s32 @!p0 $0x1;
	_ =	shalt  }
.Lfunc_end2:
_tile_overlayer_lowered:
.L_overlay_start_2:
0x9f: {  	(tag) =	ssettag $0x2  }
0xa0: {  	s0 =	rddreg [dreg:$0x0];
	s2 =	stileid.u32  }
0xa1: {  	s1 =	rddreg [dreg:$0x1];
	p0 =	sne.s32 s2, $0x0  }
0xa2: {  	s3 =	rddreg [dreg:$0x2];
	[bflag:$0x3] =	sbarrier.arrive $0xFFFF;
	s2 =	simm.s32 @!p0 $0x1C11  }
0xa3: {  	[timem:s3], [sflag:s2] =	dma.local @!p0 [hbm:s0], s1  }
0xa4: {  	s0 =	simm.s32 @!p0 $0x11  }
0xa5: {  	_ =	swait.ge @!p0 [sflag:s0], s1  }
0xa6: {  	s1 =	ssub.s32 @!p0 $0x0, s1;
	[sflag:s0] =	ssyncset.done @!p0 $0x0  }
0xa7: {  	[sflag:s0] =	ssyncadd.s32 @!p0 s1  }
0xa8: {  	[bflag:$0x3] =	sbarrier.arrive $0xFFFF  }
0xa9: {  	_ =	shalt  }

// kernel: kernel.19.cloned.1.call-start
scs
__scs_entry_jumppad:
0x0: {  	(pc) =	sbr.rel $0x88, $3  }
0x1: {  	(tag) =	ssettag $0x0;
	lr =	simm.s32 $0x1  }
0x2: {  	[smem:$0x3F93] =	sst lr;
	_ =	strace $0xD0000000  }
0x3: {  	_ = 	snop  }
0x4: {  	_ = 	snop  }
0x5: {  	_ = 	snop  }
0x6: {  	_ = 	snop  }
0x7: {  	_ = 	snop  }
__scs_overlays_trampoline_lowered:
0x8: {  	[smem:$0x3FA2] =	sst s0  }
0x9: {  	[smem:$0x3FA3] =	sst s1  }
0xa: {  	[smem:$0x3FA4] =	sst s2  }
0xb: {  	[smem:$0x3FA5] =	sst s3  }
0xc: {  	[smem:$0x3FA6] =	sst s4  }
0xd: {  	[smem:$0x3FA7] =	sst s5  }
0xe: {  	[smem:$0x3FA8] =	sst s6  }
0xf: {  	[smem:$0x3FA9] =	sst s7  }
0x10: {  	[smem:$0x3FAA] =	sst s8  }
0x11: {  	[smem:$0x3FAB] =	sst s9;
	s0 =	simm.s32 @!p0 $0x0  }
0x12: {  	s1 =	sld [smem:$0x3F91];
	s0 =	simm.s32 @p0 $0x1  }
0x13: {  	[smem:$0x3FAC] =	sst s0;
	s0 =	simm.s32 @!p1 $0x0  }
0x14: {  	s2 =	sld [smem:$0x3F90];
	s0 =	simm.s32 @p1 $0x1  }
0x15: {  	[smem:$0x3FAD] =	sst s0;
	s0 =	simm.s32 @!p2 $0x0  }
0x16: {  	s3 =	sld [smem:$0x3FDB];
	s0 =	simm.s32 @p2 $0x1  }
0x17: {  	s4 =	simm.s32 $0x1BF5;
	[smem:$0x3FAF] =	sst s0  }
0x18: {  	s0 =	sld [smem:$0x3F92];
	_ =	swait.ge [sflag:s4], $0x0  }
0x19: {  	s7 =	sld [smem:$0x3F93]  }
0x1a: {  	s8 =	sadd.s32 $0xFFFFE003, lr  }
0x1b: {  	s9 =	sadd.s32 $0xFFFFFEF7, lr;
	s5 =	simm.s32 $0xFFFFFFFF;
	p2 =	slt.u32 s8, $0xFFFFF086  }
0x1c: {  	p1 =	slt.u32 s9, $0xF7A;
	s5 =	simm.s32 @!p2 $0x0  }
0x1d: {  	s5 =	simm.s32 @p1 $0x1;
	p0 =	seq.s32 s7, s2  }
0x1e: {  	s7 =	smul.u32 @!p0 $0xF7A, s2;
	p2 =	seq.s32 @!p0 s5, $0x0  }
0x1f: {  	s9 =	smul.u32 $0xF7A, s1;
	s8 =	simm.s32 @!p0 $0x1BF5;
	p2 =	por !p2, p0  }
0x20: {  	[sflag:s8] =	ssyncset.s32 @!p0 $0xFFFFF086;
	s6 =	sadd.s32 @!p0 s3, s7;
	s7 =	simm.s32 @!p0 $0x108  }
0x21: {  	s3 =	sadd.s32 s3, s9;
	s6 =	sadd.s32 @!p0 $0x88, s6;
	s7 =	simm.s32 @p2 $0x1082  }
0x22: {  	[simem:s7], [sflag:s8] =	dma.local @!p0 [hbm:s6], $0xF7A  }
0x23: {  	s9 =	sor.u32 $0xD0000000, s2;
	s6 =	simm.s32 $0x108;
	_ =	swait.ge @!p0 [sflag:s8], $0x0  }
0x24: {  	s3 =	sadd.s32 $0x88, s3;
	s6 =	simm.s32 @!p1 $0x1082;
	[sflag:s4] =	ssyncset.s32 $0xFFFFF086  }
0x25: {  	[simem:s6], [sflag:s4] =	dma.local [hbm:s3], $0xF7A  }
0x26: {  	[smem:$0x3F93] =	sst s1;
	(tag) =	ssettag s2;
	_ =	strace s9  }
0x27: {  	s1 =	sld [smem:$0x3FA3]  }
0x28: {  	s2 =	sld [smem:$0x3FA4]  }
0x29: {  	s4 =	sld [smem:$0x3FA6]  }
0x2a: {  	p0 =	seq.s32 s5, $0x0;
	s5 =	sld [smem:$0x3FA7]  }
0x2b: {  	s6 =	sld [smem:$0x3FA8]  }
0x2c: {  	s7 =	sld [smem:$0x3FA9]  }
0x2d: {  	s3 =	simm.s32 $0x108;
	s8 =	sld [smem:$0x3FAA]  }
0x2e: {  	s3 =	simm.s32 @!p0 $0x1082;
	s9 =	sld [smem:$0x3FAB]  }
0x2f: {  	lr =	sadd.s32 s0, s3;
	s0 =	sld [smem:$0x3FA2]  }
0x30: {  	s3 =	sld [smem:$0x3FA5]  }
0x31: {  	[smem:$0x3FAE] =	sst s10  }
0x32: {  	s10 =	sld [smem:$0x3FAC];
	_ =	sdelay $0x3  }
0x33: {  	p0 =	seq.s32 s10, $0x1;
	s10 =	sld [smem:$0x3FAE];
	_ =	sdelay $0x3  }
0x34: {  	[smem:$0x3FAE] =	sst s10  }
0x35: {  	s10 =	sld [smem:$0x3FAD];
	_ =	sdelay $0x3  }
0x36: {  	p1 =	seq.s32 s10, $0x1;
	s10 =	sld [smem:$0x3FAE];
	_ =	sdelay $0x3  }
0x37: {  	[smem:$0x3FAE] =	sst s10  }
0x38: {  	s10 =	sld [smem:$0x3FAF]  }
0x39: {  	_ = 	snop;
	(pc) =	sbr.ind lr, $3  }
0x3a: {  	_ = 	snop  }
0x3b: {  	_ = 	snop  }
0x3c: {  	p2 =	seq.s32 s10, $0x1;
	s10 =	sld [smem:$0x3FAE]  }
0x3d: {  	_ =	shalt  }
0x3e: {  	_ =	shalt  }
0x3f: {  	_ =	shalt  }
0x40: {  	_ =	shalt  }
0x41: {  	_ =	shalt  }
0x42: {  	_ =	shalt  }
0x43: {  	_ =	shalt  }
0x44: {  	_ =	shalt  }
0x45: {  	_ =	shalt  }
0x46: {  	_ =	shalt  }
0x47: {  	_ =	shalt  }
0x48: {  	_ =	shalt  }
0x49: {  	_ =	shalt  }
0x4a: {  	_ =	shalt  }
0x4b: {  	_ =	shalt  }
0x4c: {  	_ =	shalt  }
0x4d: {  	_ =	shalt  }
0x4e: {  	_ =	shalt  }
0x4f: {  	_ =	shalt  }
0x50: {  	_ =	shalt  }
0x51: {  	_ =	shalt  }
0x52: {  	_ =	shalt  }
0x53: {  	_ =	shalt  }
0x54: {  	_ =	shalt  }
0x55: {  	_ =	shalt  }
0x56: {  	_ =	shalt  }
0x57: {  	_ =	shalt  }
0x58: {  	_ =	shalt  }
0x59: {  	_ =	shalt  }
0x5a: {  	_ =	shalt  }
0x5b: {  	_ =	shalt  }
0x5c: {  	_ =	shalt  }
0x5d: {  	_ =	shalt  }
0x5e: {  	_ =	shalt  }
0x5f: {  	_ =	shalt  }
0x60: {  	_ =	shalt  }
0x61: {  	_ =	shalt  }
0x62: {  	_ =	shalt  }
0x63: {  	_ =	shalt  }
0x64: {  	_ =	shalt  }
0x65: {  	_ =	shalt  }
0x66: {  	_ =	shalt  }
0x67: {  	_ =	shalt  }
0x68: {  	_ =	shalt  }
0x69: {  	_ =	shalt  }
0x6a: {  	_ =	shalt  }
0x6b: {  	_ =	shalt  }
0x6c: {  	_ =	shalt  }
0x6d: {  	_ =	shalt  }
0x6e: {  	_ =	shalt  }
0x6f: {  	_ =	shalt  }
0x70: {  	_ =	shalt  }
0x71: {  	_ =	shalt  }
0x72: {  	_ =	shalt  }
0x73: {  	_ =	shalt  }
0x74: {  	_ =	shalt  }
0x75: {  	_ =	shalt  }
0x76: {  	_ =	shalt  }
0x77: {  	_ =	shalt  }
0x78: {  	_ =	shalt  }
0x79: {  	_ =	shalt  }
0x7a: {  	_ =	shalt  }
0x7b: {  	_ =	shalt  }
0x7c: {  	_ =	shalt  }
0x7d: {  	_ =	shalt  }
0x7e: {  	_ =	shalt  }
0x7f: {  	_ =	shalt  }
0x80: {  	_ =	shalt  }
0x81: {  	_ =	shalt  }
0x82: {  	_ =	shalt  }
0x83: {  	_ =	shalt  }
0x84: {  	_ =	shalt  }
0x85: {  	_ =	shalt  }
0x86: {  	_ =	shalt  }
0x87: {  	_ =	shalt  }
.Lfunc_end0:
.L_simem_size_0:
called_computation.3_lowered:
.L_overlay_start_0:
0x88: {  	s2 =	sld [smem:$0x3FD9]  }
0x89: {  	s3 =	sld [smem:$0x3FFE];
	_ =	sdelay $0x1  }
0x8a: {  	s1 =	srdreg.scid  }
0x8b: {  	s0 =	sand.u32 $0x1, s1  }
0x8c: {  	s17 =	sshll.u32 s0, $0xA;
	s2 =	sadd.s32 s3, s2  }
0x8d: {  	s2 =	sadd.s32 s2, s17  }
0x8e: {  	[smem:$0x3FBA] =	sst s2  }
0x8f: {  	_ = 	snop  }
0x90: {  	s2 =	sld [smem:$0x3FD0];
	(tm) =	ssettm $0x1  }
0x91: {  	s18 =	sld [smem:$0x3FFB];
	_ =	sdelay $0x3  }
0x92: {  	_ =	strace s18  }
0x93: {  	s3 =	sld [smem:$0x3FFC];
	_ =	sdelay $0x3  }
0x94: {  	_ =	strace s3  }
0x95: {  	s3 =	sld [smem:$0x3FFD];
	_ =	sdelay $0x3  }
0x96: {  	_ =	strace s3  }
0x97: {  	_ =	strace $0x8FFFFFFF  }
0x98: {  	s19 =	sld [smem:$0x3FDB];
	_ =	sdelay $0x1  }
0x99: {  	s4 =	simm.s32 $_scs_section_size  }
0x9a: {  	s5 =	simm.s32 $_size__tile_overlayer_lowered;
	s6 =	simm.s32 $_tile_overlayer_lowered  }
0x9b: {  	s22 =	simm.s32 $0x1BFF;
	s21 =	sshll.u32 s6, $0x1;
	s3 =	sadd.s32 s4, s19  }
0x9c: {  	s7 =	simm.s32 $0x0;
	s20 =	sshll.u32 s5, $0x1;
	s5 =	sadd.s32 s21, s3  }
0x9d: {  	[timem:s7], [sflag:s22] =	dma.local [hbm:s5], s20  }
0x9e: {  	_ =	swait.ge [sflag:s22], s20  }
0x9f: {  	s4 =	ssub.s32 $0x0, s20;
	[sflag:s22] =	ssyncset.done $0x0  }
0xa0: {  	[sflag:s22] =	ssyncadd.s32 s4;
	_ =	sdelay $0x1  }
0xa1: {  	s23 =	simm.s32 $0x1B8B  }
0xa2: {  	_ =	swait.ge [sflag:s23], $0x1  }
0xa3: {  	[sflag:s23] =	ssyncset.done $0x0  }
0xa4: {  	s25 =	simm.s32 $0x1B8E;
	s24 =	sld [smem:$0x3FFE];
	[sflag:s23] =	ssyncadd.s32 $0xFFFFFFFF  }
0xa5: {  	s26 =	simm.s32 $execute0_lowered;
	[smem:$0x3FD2] =	sst s25  }
0xa6: {  	s5 =	sshll.u32 s26, $0x1;
	_ =	strace $0x8000004F;
	[dreg:$0x1] =	wrdreg $0xFFFFFFFF  }
0xa7: {  	s28 =	simm.s32 $_size_execute0_lowered;
	s3 =	sadd.s32 s3, s5;
	[dreg:$0x0] =	wrdreg $0x0  }
0xa8: {  	s5 =	sshll.u32 s28, $0x1;
	[dreg:$0x2] =	wrdreg s3  }
0xa9: {  	[dreg:$0x3] =	wrdreg s5  }
0xaa: {  	[dreg:$0x4] =	wrdreg $0xC0  }
0xab: {  	_ =	task [dreg:s7], $0x5FFFF  }
0xac: {  	[dreg:$0x1] =	wrdreg $0xFFFFFFFF  }
0xad: {  	[dreg:$0x0] =	wrdreg $0x60  }
0xae: {  	[dreg:$0x2] =	wrdreg s24  }
0xaf: {  	[dreg:$0x3] =	wrdreg s2  }
0xb0: {  	[dreg:$0x4] =	wrdreg $0x90000  }
0xb1: {  	[dreg:$0x5] =	wrdreg $0x9  }
0xb2: {  	_ =	task.clear_ibuf [dreg:s7], $0x6FFFF;
	_ =	strace $0x9000004F  }
0xb3: {  	s29 =	simm.s32 $0x9;
	_ =	strace $0x80000051  }
0xb4: {  	_ =	swait.ge [sflag:s29], $0x1  }
0xb5: {  	[sflag:s29] =	ssyncadd.s32 $0xFFFFFFFF  }
0xb6: {  	_ =	strace $0x90000051  }
0xb7: {  	_ =	sfence  }
0xb8: {  	s30 =	sld [smem:$0x0];
	_ =	sdelay $0x2  }
0xb9: {  	s31 =	sshll.u32 s1, $0xD;
	s1 =	sshrl.u32 s1, $0x2  }
0xba: {  	s3 =	sand.u32 $0x4000, s31;
	s1 =	sadd.s32 s1, s30  }
0xbb: {  	s0 =	sor.u32 s3, s0;
	s1 =	sshll.u32 s1, $0x11  }
0xbc: {  	s0 =	sor.u32 s1, s0  }
0xbd: {  	s0 =	sadd.s32 $0x8F2B, s0  }
0xbe: {  	[sflag:s0] =	ssyncadd.remote.s32 $0x1  }
0xbf: {  	_ =	sfence.sel $0xFFFF  }
0xc0: {  	[dreg:$0x0] =	wrdreg $0xFFFFFFFF;
	(pc) =	sbr.abs _section_cstart, $3  }
0xc1: {  	[dreg:$0x1] =	wrdreg $0xFFFFFFFF  }
0xc2: {  	_ =	task.clear_ibuf [dreg:s7], $0x2FFFF;
	_ =	strace $0x9FFFFFFF  }
0xc3: {  	(tm) =	ssettm $0x7FFFFFFF  }
tec
execute0_lowered:
.L_overlay_start_1:
0x0: {  	(tag) =	ssettag $0x1  }
0x1: {  	s0 =	rddreg [dreg:$0x0]  }
0x2: {  	s1 =	rddreg [dreg:$0x1];
	s3 =	srdreg.scid  }
0x3: {  	s11 =	stileid.u32;
	s2 =	rddreg [dreg:$0x2];
	s21 =	simm.s32 $0x0  }
0x4: {  	s13 =	simm.s32 $0x80;
	s14 =	simm.s32 $0x5000;
	s15 =	simm.s32 $0x5800  }
0x5: {  	s17 =	simm.s32 $0x6000;
	s19 =	simm.s32 $0x6800;
	s29 =	simm.s32 $0x8800  }
0x6: {  	s30 =	simm.s32 $0x1;
	s31 =	simm.s32 $0x2;
	s12 =	simm.s32 $0x9  }
0x7: {  	s16 =	simm.s32 $0x5;
	s18 =	simm.s32 $0x6;
	s20 =	simm.s32 $0x7  }
0x8: {  	s28 =	simm.s32 $0xE;
	s4 =	sand.u32 $0x1, s3;
	s5 =	sshll.u32 s11, $0x1  }
0x9: {  	[smem:$0x7FF] =	sst s21;
	s9 =	smul.u32 $0x2780, s11;
	s23 =	sshll.u32 s11, $0x6  }
0xa: {  	s11 =	simm.s32 $0x11;
	s21 =	simm.s32 $0x7000;
	s5 =	sor.u32 s4, s5  }
0xb: {  	_ =	strace $0x80000050;
	s6 =	smul.u32 $0x4F00, s4;
	s7 =	ssub.s32 $0x2, s4  }
0xc: {  	s4 =	sadd.s32 $0xCC00, s0;
	s5 =	smul.u32 $0x500, s5;
	s8 =	sshrl.u32 s7, $0x1  }
0xd: {  	s22 =	sadd.s32 s9, s2;
	s9 =	sshrl.u32 s9, $0x3;
	s7 =	ssub.s32 s7, s8  }
0xe: {  	s24 =	sadd.s32 s4, s9;
	s8 =	simm.s32 $0x0;
	s10 =	sadd.s32 s5, s0  }
0xf: {  	s0 =	sadd.s32 s6, s0;
	[dreg:$0x4] =	wrdreg s24;
	s6 =	sor.u32 $0x1C11, s23  }
0x10: {  	s1 =	sadd.s32 s1, s5;
	s26 =	smax.u32 s7, $0x1;
	s23 =	simm.s32 $0x7800  }
0x11: {  	s5 =	simm.s32 $0xF;
	s7 =	simm.s32 $0x10;
	[dreg:$0x7] =	wrdreg s1  }
.Ltmp0:
0x12: {  	s25 =	sadd.s32 $0x2C00, s10;
	[dreg:$0x8] =	wrdreg s26;
	(pc) =	sbr.rel .LBB2_1-.Ltmp0, $4  }
0x13: {  	s0 =	sadd.s32 $0x11C00, s0;
	s10 =	sshrl.u32 s22, $0x3;
	[dreg:$0x5] =	wrdreg s6  }
0x14: {  	s26 =	simm.s32 $0x8000;
	s1 =	simm.s32 $0x3;
	[dreg:$0x6] =	wrdreg s25  }
0x15: {  	s22 =	simm.s32 $0x8;
	s0 =	sadd.s32 s9, s0;
	[dreg:$0x9] =	wrdreg s10  }
0x16: {  	s25 =	simm.s32 $0xD;
	[dreg:$0xa] =	wrdreg s0;
	s0 =	simm.s32 $0x4  }
.LBB2_4:
0x17: {  	_ =	swait.ge [sflag:s28], $0x800  }
0x18: {  	[sflag:s28] =	ssyncset.done $0x0  }
0x19: {  	[sflag:s28] =	ssyncadd.s32 $0xFFFFF800  }
0x1a: {  	_ =	swait.ge [sflag:s5], $0x800  }
0x1b: {  	[sflag:s5] =	ssyncset.done $0x0  }
0x1c: {  	[sflag:s5] =	ssyncadd.s32 $0xFFFFF800  }
0x1d: {  	_ =	swait.ge [sflag:s7], $0x800  }
0x1e: {  	[sflag:s7] =	ssyncset.done $0x0  }
0x1f: {  	[sflag:s7] =	ssyncadd.s32 $0xFFFFF800  }
0x20: {  	[bflag:$0x0] =	sbarrier.arrive $0xFFFF  }
0x21: {  	s6 =	rddreg [dreg:$0x5]  }
0x22: {  	s10 =	rddreg [dreg:$0x9]  }
0x23: {  	s11 =	simm.s32 $0x11;
	s3 =	rddreg [dreg:$0xa]  }
0x24: {  	[hbm:s3], [sflag:s6] =	dma.local [spmem:s10], $0x4F0  }
0x25: {  	_ =	swait.ge [sflag:s11], $0x4F0  }
0x26: {  	s8 =	sadd.s32 $0x1, s8;
	s24 =	rddreg [dreg:$0x8]  }
0x27: {  	p0 =	sne.s32 s8, s24  }
.Ltmp1:
0x28: {  	_ = 	snop;
	(pc) =	sbr.rel @!p0 .LBB2_5-.Ltmp1, $3  }
0x29: {  	_ =	sdelay $0x1  }
0x2a: {  	[sflag:s11] =	ssyncset.done $0x0  }
0x2b: {  	[sflag:s11] =	ssyncadd.s32 $0xFFFFFB10  }
.LBB2_1:
0x2c: {  	s3 =	rddreg [dreg:$0x4]  }
0x2d: {  	[spmem:s10], [sflag:s6] =	dma.local [hbm:s3], $0x4F0  }
0x2e: {  	_ =	swait.ge [sflag:s11], $0x4F0  }
0x2f: {  	[sflag:s11] =	ssyncset.done $0x0  }
0x30: {  	s24 =	simm.s32 $0x0;
	s9 =	rddreg [dreg:$0x6];
	[sflag:s11] =	ssyncadd.s32 $0xFFFFFB10  }
0x31: {  	[tilespmem:s24], [sflag:$0x11] =	stream.linear.gather [hbm4b:s9+s24], $0x2800, $0x38;
	[tilespmem:$0xB780] =	vst v63  }
0x32: {  	_ =	swait.ge [sflag:s11], $0x2800  }
0x33: {  	[sflag:s11] =	ssyncset.done $0x0  }
0x34: {  	s9 =	simm.s32 $0x2800;
	s10 =	rddreg [dreg:$0x7];
	[sflag:s11] =	ssyncadd.s32 $0xFFFFD800  }
0x35: {  	[tilespmem:s9], [sflag:$0x11] =	stream.linear.gather [hbm4b:s10+s24], $0x2800, $0x38;
	[tilespmem:$0xB780] =	vst v63  }
0x36: {  	_ =	swait.ge [sflag:s11], $0x2800  }
0x37: {  	[sflag:s11] =	ssyncset.done $0x0  }
0x38: {  	[sflag:s11] =	ssyncadd.s32 $0xFFFFD800  }
0x39: {  	[bflag:$0x0] =	sbarrier.arrive $0xFFFF  }
0x3a: {  	[tilespmem:s14], [sflag:$0x1] =	stream.indirect.gather [hbm4b:s4+s13], $0x10, s24, s13, $0xb8;
	[tilespmem:$0xB780] =	vst v63  }
0x3b: {  	_ = 	snop  }
0x3c: {  	[tilespmem:s15], [sflag:$0x2] =	stream.indirect.gather [hbm4b:s4+s13], $0x10, s13, s13, $0xb8;
	[tilespmem:$0xB780] =	vst v63  }
0x3d: {  	s24 =	simm.s32 $0x100  }
0x3e: {  	[tilespmem:s17], [sflag:$0x3] =	stream.indirect.gather [hbm4b:s4+s13], $0x10, s24, s13, $0xb8;
	[tilespmem:$0xB780] =	vst v63  }
0x3f: {  	s6 =	simm.s32 $0x180  }
0x40: {  	[tilespmem:s19], [sflag:$0x4] =	stream.indirect.gather [hbm4b:s4+s13], $0x10, s6, s13, $0xb8;
	[tilespmem:$0xB780] =	vst v63  }
0x41: {  	s9 =	simm.s32 $0x200  }
0x42: {  	[tilespmem:s21], [sflag:$0x5] =	stream.indirect.gather [hbm4b:s4+s13], $0x10, s9, s13, $0xb8;
	[tilespmem:$0xB780] =	vst v63  }
0x43: {  	s10 =	simm.s32 $0x280  }
0x44: {  	[tilespmem:s23], [sflag:$0x6] =	stream.indirect.gather [hbm4b:s4+s13], $0x10, s10, s13, $0xb8;
	[tilespmem:$0xB780] =	vst v63  }
0x45: {  	s11 =	simm.s32 $0x300  }
0x46: {  	[tilespmem:s26], [sflag:$0x7] =	stream.indirect.gather [hbm4b:s4+s13], $0x10, s11, s13, $0xb8;
	[tilespmem:$0xB780] =	vst v63  }
0x47: {  	s24 =	simm.s32 $0x380;
	s9 =	simm.s32 $0x0  }
0x48: {  	[tilespmem:s29], [sflag:$0x8] =	stream.indirect.gather [hbm4b:s4+s13], $0x10, s24, s13, $0xb8;
	[tilespmem:$0xB780] =	vst v63  }
.LBB2_2:
0x49: {  	_ =	swait.ge [sflag:s30], $0x800  }
0x4a: {  	s24 =	sshra.s32 s9, $0x2;
	[sflag:s30] =	ssyncset.done $0x0  }
0x4b: {  	s3 =	sadd.s32 $0x2800, s24;
	[sflag:s30] =	ssyncadd.s32 $0xFFFFF800  }
0x4c: {  	[spmem:s2] =	stream.indirect.scatter.add.f32 [tilespmem:s14], [sflag:$0x9], $0x10, s3, s13, $0xb8;
	[tilespmem:$0xB780] =	vst v63  }
0x4d: {  	_ =	swait.ge [sflag:s31], $0x800  }
0x4e: {  	[sflag:s31] =	ssyncset.done $0x0  }
0x4f: {  	s11 =	sadd.s32 $0x2880, s24;
	[sflag:s31] =	ssyncadd.s32 $0xFFFFF800  }
0x50: {  	[spmem:s2] =	stream.indirect.scatter.add.f32 [tilespmem:s15], [sflag:$0xA], $0x10, s11, s13, $0xb8;
	[tilespmem:$0xB780] =	vst v63  }
0x51: {  	_ =	swait.ge [sflag:s1], $0x800  }
0x52: {  	[sflag:s1] =	ssyncset.done $0x0  }
0x53: {  	s6 =	sadd.s32 $0x2900, s24;
	[sflag:s1] =	ssyncadd.s32 $0xFFFFF800  }
0x54: {  	[spmem:s2] =	stream.indirect.scatter.add.f32 [tilespmem:s17], [sflag:$0xB], $0x10, s6, s13, $0xb8;
	[tilespmem:$0xB780] =	vst v63  }
0x55: {  	_ =	swait.ge [sflag:s0], $0x800  }
0x56: {  	[sflag:s0] =	ssyncset.done $0x0  }
0x57: {  	s10 =	sadd.s32 $0x2980, s24;
	[sflag:s0] =	ssyncadd.s32 $0xFFFFF800  }
0x58: {  	[spmem:s2] =	stream.indirect.scatter.add.f32 [tilespmem:s19], [sflag:$0xC], $0x10, s10, s13, $0xb8;
	[tilespmem:$0xB780] =	vst v63  }
0x59: {  	p0 =	sne.s32 s9, $0x9000;
	_ =	swait.ge [sflag:s12], $0x800  }
0x5a: {  	s3 =	sshra.s32 @p0 s9, $0x2;
	s11 =	simm.s32 @p0 $0x5000;
	[sflag:s12] =	ssyncset.done $0x0  }
0x5b: {  	s6 =	sadd.s32 @p0 $0x400, s3;
	s10 =	simm.s32 @p0 $0x80;
	[sflag:s12] =	ssyncadd.s32 $0xFFFFF800  }
0x5c: {  	[tilespmem:s11], [sflag:$0x1] =	stream.indirect.gather @p0 [hbm4b:s4+s10], $0x10, s6, s10, $0xb8;
	[tilespmem:$0xB780] =	vst v63  }
0x5d: {  	s6 =	simm.s32 @p0 $0xA  }
0x5e: {  	_ =	swait.ge @p0 [sflag:s6], $0x800  }
0x5f: {  	[sflag:s6] =	ssyncset.done @p0 $0x0  }
0x60: {  	s11 =	simm.s32 @p0 $0x5800;
	[sflag:s6] =	ssyncadd.s32 @p0 $0xFFFFF800;
	s6 =	sadd.s32 @p0 $0x480, s3  }
0x61: {  	[tilespmem:s11], [sflag:$0x2] =	stream.indirect.gather @p0 [hbm4b:s4+s10], $0x10, s6, s10, $0xb8;
	[tilespmem:$0xB780] =	vst v63  }
0x62: {  	s6 =	simm.s32 @p0 $0xB  }
0x63: {  	_ =	swait.ge @p0 [sflag:s6], $0x800  }
0x64: {  	[sflag:s6] =	ssyncset.done @p0 $0x0  }
0x65: {  	s11 =	simm.s32 @p0 $0x6000;
	[sflag:s6] =	ssyncadd.s32 @p0 $0xFFFFF800;
	s6 =	sadd.s32 @p0 $0x500, s3  }
0x66: {  	[tilespmem:s11], [sflag:$0x3] =	stream.indirect.gather @p0 [hbm4b:s4+s10], $0x10, s6, s10, $0xb8;
	[tilespmem:$0xB780] =	vst v63  }
0x67: {  	s6 =	simm.s32 @p0 $0xC  }
0x68: {  	_ =	swait.ge @p0 [sflag:s6], $0x800  }
0x69: {  	[sflag:s6] =	ssyncset.done @p0 $0x0  }
0x6a: {  	s3 =	sadd.s32 @p0 $0x580, s3;
	[sflag:s6] =	ssyncadd.s32 @p0 $0xFFFFF800;
	s6 =	simm.s32 @p0 $0x6800  }
0x6b: {  	[tilespmem:s6], [sflag:$0x4] =	stream.indirect.gather @p0 [hbm4b:s4+s10], $0x10, s3, s10, $0xb8;
	[tilespmem:$0xB780] =	vst v63  }
0x6c: {  	s3 =	simm.s32 @!p0 $0xA  }
0x6d: {  	_ =	swait.ge @!p0 [sflag:s3], $0x800  }
0x6e: {  	[sflag:s3] =	ssyncset.done @!p0 $0x0  }
0x6f: {  	[sflag:s3] =	ssyncadd.s32 @!p0 $0xFFFFF800;
	s3 =	simm.s32 @!p0 $0xB  }
0x70: {  	_ =	swait.ge @!p0 [sflag:s3], $0x800  }
0x71: {  	[sflag:s3] =	ssyncset.done @!p0 $0x0  }
0x72: {  	[sflag:s3] =	ssyncadd.s32 @!p0 $0xFFFFF800;
	s3 =	simm.s32 @!p0 $0xC  }
0x73: {  	_ =	swait.ge @!p0 [sflag:s3], $0x800  }
0x74: {  	[sflag:s3] =	ssyncset.done @!p0 $0x0  }
0x75: {  	[sflag:s3] =	ssyncadd.s32 @!p0 $0xFFFFF800  }
0x76: {  	_ =	swait.ge [sflag:s16], $0x800  }
0x77: {  	[sflag:s16] =	ssyncset.done $0x0  }
0x78: {  	s11 =	sadd.s32 $0x2A00, s24;
	[sflag:s16] =	ssyncadd.s32 $0xFFFFF800  }
0x79: {  	[spmem:s2] =	stream.indirect.scatter.add.f32 [tilespmem:s21], [sflag:$0xD], $0x10, s11, s13, $0xb8;
	[tilespmem:$0xB780] =	vst v63  }
0x7a: {  	_ =	swait.ge [sflag:s18], $0x800  }
0x7b: {  	[sflag:s18] =	ssyncset.done $0x0  }
0x7c: {  	s6 =	sadd.s32 $0x2A80, s24;
	[sflag:s18] =	ssyncadd.s32 $0xFFFFF800  }
0x7d: {  	[spmem:s2] =	stream.indirect.scatter.add.f32 [tilespmem:s23], [sflag:$0xE], $0x10, s6, s13, $0xb8;
	[tilespmem:$0xB780] =	vst v63  }
0x7e: {  	_ =	swait.ge [sflag:s20], $0x800  }
0x7f: {  	[sflag:s20] =	ssyncset.done $0x0  }
0x80: {  	s10 =	sadd.s32 $0x2B00, s24;
	[sflag:s20] =	ssyncadd.s32 $0xFFFFF800  }
0x81: {  	[spmem:s2] =	stream.indirect.scatter.add.f32 [tilespmem:s26], [sflag:$0xF], $0x10, s10, s13, $0xb8;
	[tilespmem:$0xB780] =	vst v63  }
0x82: {  	_ =	swait.ge [sflag:s22], $0x800  }
0x83: {  	p0 =	seq.s32 s9, $0x9000;
	[sflag:s22] =	ssyncset.done $0x0  }
.Ltmp2:
0x84: {  	s11 =	sadd.s32 $0x2B80, s24;
	[sflag:s22] =	ssyncadd.s32 $0xFFFFF800;
	(pc) =	sbr.rel @p0 .LBB2_4-.Ltmp2, $4  }
0x85: {  	[spmem:s2] =	stream.indirect.scatter.add.f32 [tilespmem:s29], [sflag:$0x10], $0x10, s11, s13, $0xb8;
	[tilespmem:$0xB780] =	vst v63  }
0x86: {  	_ =	swait.ge [sflag:s25], $0x800  }
0x87: {  	[sflag:s25] =	ssyncset.done $0x0  }
0x88: {  	[sflag:s25] =	ssyncadd.s32 $0xFFFFF800  }
0x89: {  	s3 =	sadd.s32 $0x600, s24  }
0x8a: {  	[tilespmem:s21], [sflag:$0x5] =	stream.indirect.gather [hbm4b:s4+s13], $0x10, s3, s13, $0xb8;
	[tilespmem:$0xB780] =	vst v63  }
0x8b: {  	_ =	swait.ge [sflag:s28], $0x800  }
0x8c: {  	[sflag:s28] =	ssyncset.done $0x0  }
0x8d: {  	s10 =	sadd.s32 $0x680, s24;
	[sflag:s28] =	ssyncadd.s32 $0xFFFFF800  }
0x8e: {  	[tilespmem:s23], [sflag:$0x6] =	stream.indirect.gather [hbm4b:s4+s13], $0x10, s10, s13, $0xb8;
	[tilespmem:$0xB780] =	vst v63  }
0x8f: {  	_ =	swait.ge [sflag:s5], $0x800  }
0x90: {  	[sflag:s5] =	ssyncset.done $0x0  }
0x91: {  	s11 =	sadd.s32 $0x700, s24;
	[sflag:s5] =	ssyncadd.s32 $0xFFFFF800  }
0x92: {  	[tilespmem:s26], [sflag:$0x7] =	stream.indirect.gather [hbm4b:s4+s13], $0x10, s11, s13, $0xb8;
	[tilespmem:$0xB780] =	vst v63  }
.Ltmp3:
0x93: {  	_ = 	snop;
	(pc) =	sbr.rel .LBB2_2-.Ltmp3, $4  }
0x94: {  	_ =	swait.ge [sflag:s7], $0x800  }
0x95: {  	[sflag:s7] =	ssyncset.done $0x0  }
0x96: {  	s24 =	sadd.s32 $0x780, s24;
	s9 =	sadd.s32 $0x1000, s9;
	[sflag:s7] =	ssyncadd.s32 $0xFFFFF800  }
0x97: {  	[tilespmem:s29], [sflag:$0x8] =	stream.indirect.gather [hbm4b:s4+s13], $0x10, s24, s13, $0xb8;
	[tilespmem:$0xB780] =	vst v63  }
.LBB2_5:
0x98: {  	_ =	sfence.sel $0x180000  }
0x99: {  	[bflag:$0x0] =	sbarrier.arrive $0xFFFF  }
0x9a: {  	_ =	strace $0x90000050  }
0x9b: {  	s0 =	stileid.u32;
	[bflag:$0x2] =	sbarrier.arrive $0xFFFF  }
0x9c: {  	p0 =	sne.s32 s0, $0x0;
	s0 =	rddreg [dreg:$0x3]  }
0x9d: {  	s0 =	sadd.s32 @!p0 $0x100000, s0  }
0x9e: {  	[sflag:s0] =	ssyncadd.tile.s32 @!p0 $0x1;
	_ =	shalt  }
.Lfunc_end2:
_tile_overlayer_lowered:
.L_overlay_start_2:
0x9f: {  	(tag) =	ssettag $0x2  }
0xa0: {  	s0 =	rddreg [dreg:$0x0];
	s2 =	stileid.u32  }
0xa1: {  	s1 =	rddreg [dreg:$0x1];
	p0 =	sne.s32 s2, $0x0  }
0xa2: {  	s3 =	rddreg [dreg:$0x2];
	[bflag:$0x3] =	sbarrier.arrive $0xFFFF;
	s2 =	simm.s32 @!p0 $0x1C11  }
0xa3: {  	[timem:s3], [sflag:s2] =	dma.local @!p0 [hbm:s0], s1  }
0xa4: {  	s0 =	simm.s32 @!p0 $0x11  }
0xa5: {  	_ =	swait.ge @!p0 [sflag:s0], s1  }
0xa6: {  	s1 =	ssub.s32 @!p0 $0x0, s1;
	[sflag:s0] =	ssyncset.done @!p0 $0x0  }
0xa7: {  	[sflag:s0] =	ssyncadd.s32 @!p0 s1  }
0xa8: {  	[bflag:$0x3] =	sbarrier.arrive $0xFFFF  }
0xa9: {  	_ =	shalt  }

</sc_bundles>
